<compile_context>
chip_gen: v7x
topology: tpu7x:2x2x1
jax: 0.10.2.dev20260603
libtpu: 0.0.44.dev20260713+nightly
codegen_flags: <defaults>
</compile_context>

<pallas_src>
import functools

import jax
import jax.numpy as jnp
from jax import lax
from jax.experimental import pallas as pl
from jax.experimental.pallas import tpu as pltpu
from jax.experimental.pallas import tpu_sc as plsc

_N = 10000
_E = 320000
_D = 128
_T = 4
_DT = 32
_AVG_D_LOG = 3.4965075614664802
_EPS = 1e-5


_C = 2000
_U = 5
_NPAIR = _E // (2 * _C)
_GPC = _C // 16
_FNEG = -3.0e38
_FPOS = 3.0e38


def _retry_scatter(acc, idx, val, is_max):
    def cond(act):
        return plsc.all_reduce_population_count(act)[0] > 0

    def body(act):
        old = plsc.load_gather(acc, [idx])
        new = jnp.maximum(old, val) if is_max else jnp.minimum(old, val)
        plsc.store_scatter(acc, [idx], new, mask=act)
        chk = plsc.load_gather(acc, [idx])
        lost = (chk < val) if is_max else (chk > val)
        return act & lost

    lax.while_loop(cond, body, jnp.full((16,), True, jnp.bool_))


def _edge_phase(aT, src, dst):
    mesh = plsc.VectorSubcoreMesh(core_axis_name="c", subcore_axis_name="s")
    fvec = lambda v: jnp.full((16,), v, jnp.float32)

    @functools.partial(
        pl.kernel,
        out_type=(
            jax.ShapeDtypeStruct((4 * _D, _N), jnp.float32),
            jax.ShapeDtypeStruct((_N,), jnp.float32),
        ),
        mesh=mesh,
        scratch_types=(
            [pltpu.VMEM((_N,), jnp.float32) for _ in range(11)]
            + [pltpu.VMEM((_C,), jnp.int32) for _ in range(4)]
            + [pltpu.SemaphoreType.DMA for _ in range(4)]
        ),
        compiler_params=pltpu.CompilerParams(needs_layout_passes=False),
    )
    def body(aT_hbm, src_hbm, dst_hbm, agg_out, deg_out,
             sum0, sum1, sq0, sq1, mx0, mx1, mn0, mn1, arow0, arow1, degacc,
             srcA, dstA, srcB, dstB, semAs, semAd, semBs, semBd):
        wid = lax.axis_index("s") * 2 + lax.axis_index("c")

        def process(sbuf, dbuf, deg_on):
            def g_body(i, carry):
                base = i * (16 * _U)
                sds = []
                for u in range(_U):
                    sl = pl.ds(base + u * 16, 16)
                    sds.append((sbuf[sl], dbuf[sl]))
                vs = []
                for u in range(_U):
                    s16, _d = sds[u]
                    vs.append((plsc.load_gather(arow0, [s16]),
                               plsc.load_gather(arow1, [s16])))
                gs = []
                for u in range(_U):
                    _s, d16 = sds[u]
                    v0, v1 = vs[u]
                    _, lastm = plsc.scan_count(d16)
                    omx0 = plsc.load_gather(mx0, [d16])
                    omn0 = plsc.load_gather(mn0, [d16])
                    omx1 = plsc.load_gather(mx1, [d16])
                    omn1 = plsc.load_gather(mn1, [d16])
                    plsc.addupdate_scatter(sum0, [d16], v0)
                    plsc.addupdate_scatter(sq0, [d16], v0 * v0)
                    plsc.addupdate_scatter(sum1, [d16], v1)
                    plsc.addupdate_scatter(sq1, [d16], v1 * v1)
                    plsc.store_scatter(mx0, [d16], v0, mask=v0 > omx0)
                    plsc.store_scatter(mn0, [d16], v0, mask=v0 < omn0)
                    plsc.store_scatter(mx1, [d16], v1, mask=v1 > omx1)
                    plsc.store_scatter(mn1, [d16], v1, mask=v1 < omn1)
                    ndist = plsc.all_reduce_population_count(lastm)[0]
                    gs.append((d16, v0, v1, ndist))

                anydup = gs[0][3] < 16
                for u in range(1, _U):
                    anydup = anydup | (gs[u][3] < 16)

                @pl.when(anydup)
                def _():
                    for d16, v0, v1, _n in gs:
                        _retry_scatter(mx0, d16, v0, True)
                        _retry_scatter(mn0, d16, v0, False)
                        _retry_scatter(mx1, d16, v1, True)
                        _retry_scatter(mn1, d16, v1, False)

                return carry

            lax.fori_loop(0, _GPC // _U, g_body, 0)

            if deg_on:
                @pl.when(wid == 0)
                def _():
                    def deg_body(i, carry):
                        base = i * (16 * _U)
                        ds16 = [dbuf[pl.ds(base + u * 16, 16)]
                                for u in range(_U)]
                        for d16 in ds16:
                            plsc.addupdate_scatter(degacc, [d16], fvec(1.0))
                        return carry

                    lax.fori_loop(0, _GPC // _U, deg_body, 0)

        for p in range(2):
            f0 = p * 64 + 2 * wid
            pltpu.sync_copy(aT_hbm.at[f0], arow0)
            pltpu.sync_copy(aT_hbm.at[f0 + 1], arow1)

            def init_body(i, carry):
                sl = pl.ds(i * 16, 16)
                z = fvec(0.0)
                sum0[sl] = z
                sum1[sl] = z
                sq0[sl] = z
                sq1[sl] = z
                mx0[sl] = fvec(_FNEG)
                mx1[sl] = fvec(_FNEG)
                mn0[sl] = fvec(_FPOS)
                mn1[sl] = fvec(_FPOS)
                if p == 0:
                    degacc[sl] = z
                return carry

            lax.fori_loop(0, _N // 16, init_body, 0)

            def dma(ch, buf_s, buf_d, sem_s, sem_d):
                esl = pl.ds(ch * _C, _C)
                a = pltpu.make_async_copy(src_hbm.at[esl], buf_s, sem_s)
                b = pltpu.make_async_copy(dst_hbm.at[esl], buf_d, sem_d)
                return a, b

            def start(ch, buf_s, buf_d, sem_s, sem_d):
                a, b = dma(ch, buf_s, buf_d, sem_s, sem_d)
                a.start()
                b.start()

            def wait(ch, buf_s, buf_d, sem_s, sem_d):
                a, b = dma(ch, buf_s, buf_d, sem_s, sem_d)
                a.wait()
                b.wait()

            start(0, srcA, dstA, semAs, semAd)

            def pair_body(i, carry):
                start(2 * i + 1, srcB, dstB, semBs, semBd)
                wait(2 * i, srcA, dstA, semAs, semAd)
                process(srcA, dstA, p == 0)

                @pl.when(i < _NPAIR - 1)
                def _():
                    start(2 * i + 2, srcA, dstA, semAs, semAd)

                wait(2 * i + 1, srcB, dstB, semBs, semBd)
                process(srcB, dstB, p == 0)
                return carry

            lax.fori_loop(0, _NPAIR, pair_body, 0)

            pltpu.sync_copy(sum0, agg_out.at[f0])
            pltpu.sync_copy(sum1, agg_out.at[f0 + 1])
            pltpu.sync_copy(sq0, agg_out.at[_D + f0])
            pltpu.sync_copy(sq1, agg_out.at[_D + f0 + 1])
            pltpu.sync_copy(mx0, agg_out.at[2 * _D + f0])
            pltpu.sync_copy(mx1, agg_out.at[2 * _D + f0 + 1])
            pltpu.sync_copy(mn0, agg_out.at[3 * _D + f0])
            pltpu.sync_copy(mn1, agg_out.at[3 * _D + f0 + 1])
            if p == 0:
                @pl.when(wid == 0)
                def _():
                    pltpu.sync_copy(degacc, deg_out)

    return body(aT, src, dst)


def _phase1_body(h_ref, wa_ref, ba_ref, wb_ref, a_ref, b_ref):
    h = h_ref[...]
    a_ref[...] = jnp.dot(h, wa_ref[...], preferred_element_type=jnp.float32) + ba_ref[...]
    b_ref[...] = jnp.dot(h, wb_ref[...], preferred_element_type=jnp.float32)


def _phase1(h, wa, ba, wb):
    return pl.pallas_call(
        _phase1_body,
        grid=(_NB,),
        in_specs=[
            pl.BlockSpec((_R, _D), lambda i: (i, 0)),
            pl.BlockSpec((_D, _D), lambda i: (0, 0)),
            pl.BlockSpec((_D,), lambda i: (0,)),
            pl.BlockSpec((_D, _D), lambda i: (0, 0)),
        ],
        out_specs=(
            pl.BlockSpec((_R, _D), lambda i: (i, 0)),
            pl.BlockSpec((_R, _D), lambda i: (i, 0)),
        ),
        out_shape=(
            jax.ShapeDtypeStruct((_N, _D), jnp.float32),
            jax.ShapeDtypeStruct((_N, _D), jnp.float32),
        ),
    )(h, wa, ba, wb)


_NB = 5
_R = _N // _NB


def _tower_body(h_ref, b_ref, ssum_ref, ssq_ref, smax_ref, smin_ref,
                deg_ref, snorm_ref, w0_ref, w1_ref, w2_ref, w3_ref,
                bpost_ref, ppre_ref, sums_ref):
    nb = pl.program_id(0)
    deg = deg_ref[...]
    deg_c = jnp.maximum(deg, 1.0)
    has = deg > 0.0
    log_deg = jnp.log(deg_c + 1.0)
    amp_s = log_deg * (1.0 / _AVG_D_LOG)
    att_s = _AVG_D_LOG / log_deg
    snorm = snorm_ref[...]

    @pl.when(nb == 0)
    def _():
        sums_ref[...] = jnp.zeros_like(sums_ref)

    posts = []
    for t in range(_T):
        sl = slice(t * _DT, (t + 1) * _DT)
        bt = b_ref[:, sl]
        s1 = ssum_ref[:, sl]
        s2 = ssq_ref[:, sl]
        mean = (s1 + deg * bt) / deg_c
        sq = (s2 + 2.0 * bt * s1 + deg * bt * bt) / deg_c
        std = jnp.sqrt(jax.nn.relu(sq - mean * mean) + _EPS)
        mx = jnp.where(has, smax_ref[:, sl] + bt, 0.0)
        mn = jnp.where(has, smin_ref[:, sl] + bt, 0.0)
        agg = jnp.concatenate([mean, mx, mn, std], axis=1)
        post = jnp.dot(h_ref[:, sl], w0_ref[t], preferred_element_type=jnp.float32)
        post += jnp.dot(agg, w1_ref[t], preferred_element_type=jnp.float32)
        post += jnp.dot(agg * amp_s, w2_ref[t], preferred_element_type=jnp.float32)
        post += jnp.dot(agg * att_s, w3_ref[t], preferred_element_type=jnp.float32)
        posts.append((post + bpost_ref[:, sl]) * snorm)
    ppre = jnp.concatenate(posts, axis=1)
    ppre_ref[...] = ppre
    sums_ref[0:1, :] += jnp.sum(ppre, axis=0, keepdims=True)
    sums_ref[1:2, :] += jnp.sum(ppre * ppre, axis=0, keepdims=True)


def _phase2(h, b, ssum, ssq, smax, smin, deg, snorm, w0, w1, w2, w3, bpost):
    col = pl.BlockSpec((_R, _D), lambda i: (i, 0))
    vec = pl.BlockSpec((_R, 1), lambda i: (i, 0))
    fixed3 = pl.BlockSpec((_T, _DT, _DT), lambda i: (0, 0, 0))
    fixedw = pl.BlockSpec((_T, _D, _DT), lambda i: (0, 0, 0))
    return pl.pallas_call(
        _tower_body,
        grid=(_NB,),
        in_specs=[
            col, col, col, col, col, col, vec, vec,
            fixed3, fixedw, fixedw, fixedw,
            pl.BlockSpec((1, _D), lambda i: (0, 0)),
        ],
        out_specs=(
            col,
            pl.BlockSpec((8, _D), lambda i: (0, 0)),
        ),
        out_shape=(
            jax.ShapeDtypeStruct((_N, _D), jnp.float32),
            jax.ShapeDtypeStruct((8, _D), jnp.float32),
        ),
    )(h, b, ssum, ssq, smax, smin, deg, snorm, w0, w1, w2, w3, bpost)


def _phase3_body(h_ref, ppre_ref, sums_ref, gamma_ref, beta_ref, wmix_ref,
                 bmix_ref, out_ref):
    inv_n = 1.0 / _N
    mu = sums_ref[0:1, :] * inv_n
    var = sums_ref[1:2, :] * inv_n - mu * mu
    x = (ppre_ref[...] - mu) * lax.rsqrt(var + _EPS) * gamma_ref[...] \
        + beta_ref[...]
    h_out = jnp.dot(x, wmix_ref[...],
                    preferred_element_type=jnp.float32) + bmix_ref[...]
    h_out = jnp.where(h_out >= 0.0, h_out, 0.01 * h_out)
    out_ref[...] = h_ref[...] + h_out


def _phase3(h, ppre, sums, gamma, beta, wmix, bmix):
    return pl.pallas_call(
        _phase3_body,
        grid=(_NB,),
        in_specs=[
            pl.BlockSpec((_R, _D), lambda i: (i, 0)),
            pl.BlockSpec((_R, _D), lambda i: (i, 0)),
            pl.BlockSpec((8, _D), lambda i: (0, 0)),
            pl.BlockSpec((1, _D), lambda i: (0, 0)),
            pl.BlockSpec((1, _D), lambda i: (0, 0)),
            pl.BlockSpec((_D, _D), lambda i: (0, 0)),
            pl.BlockSpec((_D,), lambda i: (0,)),
        ],
        out_specs=pl.BlockSpec((_R, _D), lambda i: (i, 0)),
        out_shape=jax.ShapeDtypeStruct((_N, _D), jnp.float32),
    )(h, ppre, sums, gamma, beta, wmix, bmix)


def kernel(h, e, snorm_n, W_pre, b_pre, W_post, b_post, gamma, beta, W_mix,
           b_mix, edge_index):
    del e
    wa = jnp.zeros((_D, _D), jnp.float32)
    wb = jnp.zeros((_D, _D), jnp.float32)
    for t in range(_T):
        sl = slice(t * _DT, (t + 1) * _DT)
        wa = wa.at[sl, sl].set(W_pre[t, :_DT])
        wb = wb.at[sl, sl].set(W_pre[t, _DT:])
    ba = b_pre.reshape(_D)

    a, b = _phase1(h, wa, ba, wb)

    src = edge_index[0]
    dst = edge_index[1]
    aggT, deg = _edge_phase(a.T, src, dst)
    ssum = aggT[:_D].T
    ssq = aggT[_D:2 * _D].T
    smax = aggT[2 * _D:3 * _D].T
    smin = aggT[3 * _D:].T

    w0 = W_post[:, :_DT]
    w1 = W_post[:, _DT:_DT + _D]
    w2 = W_post[:, _DT + _D:_DT + 2 * _D]
    w3 = W_post[:, _DT + 2 * _D:]
    ppre, sums = _phase2(h, b, ssum, ssq, smax, smin, deg[:, None], snorm_n,
                         w0, w1, w2, w3, b_post.reshape(1, _D))
    return _phase3(h, ppre, sums, gamma.reshape(1, _D), beta.reshape(1, _D),
                   W_mix, b_mix)

# --- scband reference (transcript-rebuilt; emitter-appended) ---
"""Pipeline reference for scband-pnalayer-13365938226036 (READ-ONLY COPY).

The authoritative reference and input builder live on the scoring server;
editing this copy changes nothing except your own understanding.
"""

import jax, jax.numpy as jnp
import numpy as np

N = 10000
E = 320000
D_IN = 128
TOWERS = 4
DT = D_IN // TOWERS
AVG_D_LOG = float(np.log(33.0))
EPS = 1e-5


def setup_inputs(seed: int = 0):
    key = jax.random.key(seed)
    ks = jax.random.split(key, 8)
    h = jax.random.normal(ks[0], (N, D_IN), dtype=jnp.float32)
    edge_index = jax.random.randint(ks[1], (2, E), 0, N, dtype=jnp.int32)
    e = jnp.zeros((E, 1), dtype=jnp.float32)
    snorm_n = jax.random.uniform(ks[2], (N, 1), dtype=jnp.float32)
    W_pre = jax.random.normal(ks[3], (TOWERS, 2 * DT, DT), dtype=jnp.float32) / np.sqrt(2 * DT)
    b_pre = jnp.zeros((TOWERS, DT), dtype=jnp.float32)
    POST_IN = 13 * DT
    W_post = jax.random.normal(ks[4], (TOWERS, POST_IN, DT), dtype=jnp.float32) / np.sqrt(POST_IN)
    b_post = jnp.zeros((TOWERS, DT), dtype=jnp.float32)
    gamma = jnp.ones((TOWERS, DT), dtype=jnp.float32)
    beta = jnp.zeros((TOWERS, DT), dtype=jnp.float32)
    W_mix = jax.random.normal(ks[5], (D_IN, D_IN), dtype=jnp.float32) / np.sqrt(D_IN)
    b_mix = jnp.zeros((D_IN,), dtype=jnp.float32)
    return {"h": h, "e": e, "snorm_n": snorm_n, "W_pre": W_pre, "b_pre": b_pre,
            "W_post": W_post, "b_post": b_post, "gamma": gamma, "beta": beta,
            "W_mix": W_mix, "b_mix": b_mix, "edge_index": edge_index}


def _forward(h, e, snorm_n, W_pre, b_pre, W_post, b_post, gamma, beta, W_mix, b_mix, edge_index):
    src = edge_index[0]
    dst = edge_index[1]
    ones = jnp.ones((E,), dtype=jnp.float32)
    deg = jax.ops.segment_sum(ones, dst, num_segments=N)
    deg_c = jnp.maximum(deg, 1.0)
    log_deg = jnp.log(deg_c + 1.0)
    has = (deg > 0.0)[:, None]
    outs = []
    for t in range(TOWERS):
        ht = h[:, t * DT:(t + 1) * DT]
        # pretrans MLP (1 layer, no mid activation): edges use src/dst node features
        z2 = jnp.concatenate([ht[src], ht[dst]], axis=1)
        et = z2 @ W_pre[t] + b_pre[t]
        # PNA aggregators at dst: mean, max, min, std
        ssum = jax.ops.segment_sum(et, dst, num_segments=N)
        mean = ssum / deg_c[:, None]
        sqmean = jax.ops.segment_sum(et * et, dst, num_segments=N) / deg_c[:, None]
        std = jnp.sqrt(jax.nn.relu(sqmean - mean * mean) + EPS)
        mx = jnp.where(has, jax.ops.segment_max(et, dst, num_segments=N), 0.0)
        mn = jnp.where(has, -jax.ops.segment_max(-et, dst, num_segments=N), 0.0)
        agg = jnp.concatenate([mean, mx, mn, std], axis=1)
        # scalers: identity, amplification, attenuation
        amp = agg * (log_deg / AVG_D_LOG)[:, None]
        att = agg * (AVG_D_LOG / log_deg)[:, None]
        scaled = jnp.concatenate([agg, amp, att], axis=1)
        hcat = jnp.concatenate([ht, scaled], axis=1)
        post = hcat @ W_post[t] + b_post[t]
        post = post * snorm_n
        mu = jnp.mean(post, axis=0)
        var = jnp.var(post, axis=0)
        post = (post - mu) / jnp.sqrt(var + EPS) * gamma[t] + beta[t]
        outs.append(post)
    h_cat = jnp.concatenate(outs, axis=1)
    h_out = h_cat @ W_mix + b_mix
    h_out = jnp.where(h_out >= 0.0, h_out, 0.01 * h_out)
    return h + h_out


def reference(h, e, snorm_n, W_pre, b_pre, W_post, b_post, gamma, beta, W_mix, b_mix, edge_index):
    return _forward(h, e, snorm_n, W_pre, b_pre, W_post, b_post, gamma, beta, W_mix, b_mix, edge_index)

if __name__ == "__main__":
    import jax
    _d = setup_inputs()
    print(jax.jit(kernel)(*tuple(_d.values())))

</pallas_src>

<mosaic_0001>
#map = affine_map<(d0, d1) -> (0, 0)>
#map1 = affine_map<(d0, d1) -> (0)>
module attributes {stable_mosaic.version = 14 : i64} {
  func.func @body(%arg0: i32, %arg1: i32, %arg2: memref<128x10000xf32, #tpu.memory_space<hbm>>, %arg3: memref<320000xi32, #tpu.memory_space<hbm>>, %arg4: memref<320000xi32, #tpu.memory_space<hbm>>, %arg5: memref<512x10000xf32, #tpu.memory_space<hbm>>, %arg6: memref<10000xf32, #tpu.memory_space<hbm>>, %arg7: memref<10000xf32, #tpu.memory_space<vmem>>, %arg8: memref<10000xf32, #tpu.memory_space<vmem>>, %arg9: memref<10000xf32, #tpu.memory_space<vmem>>, %arg10: memref<10000xf32, #tpu.memory_space<vmem>>, %arg11: memref<10000xf32, #tpu.memory_space<vmem>>, %arg12: memref<10000xf32, #tpu.memory_space<vmem>>, %arg13: memref<10000xf32, #tpu.memory_space<vmem>>, %arg14: memref<10000xf32, #tpu.memory_space<vmem>>, %arg15: memref<10000xf32, #tpu.memory_space<vmem>>, %arg16: memref<10000xf32, #tpu.memory_space<vmem>>, %arg17: memref<10000xf32, #tpu.memory_space<vmem>>, %arg18: memref<2000xi32, #tpu.memory_space<vmem>>, %arg19: memref<2000xi32, #tpu.memory_space<vmem>>, %arg20: memref<2000xi32, #tpu.memory_space<vmem>>, %arg21: memref<2000xi32, #tpu.memory_space<vmem>>, %arg22: memref<!tpu.dma_semaphore, #tpu.memory_space<semaphore_mem>>, %arg23: memref<!tpu.dma_semaphore, #tpu.memory_space<semaphore_mem>>, %arg24: memref<!tpu.dma_semaphore, #tpu.memory_space<semaphore_mem>>, %arg25: memref<!tpu.dma_semaphore, #tpu.memory_space<semaphore_mem>>) attributes {dimension_semantics = [#tpu.dimension_semantics<core_parallel>, #tpu.dimension_semantics<subcore_parallel>], iteration_bounds = array<i64: 2, 16>, scalar_prefetch = 0 : i64, scratch_operands = 19 : i64, tpu.core_type = #tpu.core_type<sc_vector_subcore>, window_params = [{transform_indices = #map}, {transform_indices = #map1}, {transform_indices = #map1}, {transform_indices = #map}, {transform_indices = #map1}]} {
    %mul3A = arith.constant 2 : i32
    %mul3A_0 = arith.muli %arg1, %mul3A : i32
    %add3A = arith.addi %mul3A_0, %arg0 : i32
    %mul3A_1 = arith.constant 2 : i32
    %mul3A_2 = arith.muli %mul3A_1, %add3A : i32
    %add3A_3 = arith.constant 0 : i32
    %add3A_4 = arith.addi %add3A_3, %mul3A_2 : i32
    "tpu.region"() ({
      %run_scoped3A = tpu.sem_alloc : memref<!tpu.dma_semaphore, #tpu.memory_space<semaphore_mem>>
      %dma_start3A_93 = arith.constant 0 : i32
      %dma_start3A_94 = tpu.memref_slice %arg2[%add3A_4, %dma_start3A_93] : memref<128x10000xf32, #tpu.memory_space<hbm>> -> memref<1x10000xf32, #tpu.memory_space<hbm>>
      %dma_start3A_95 = tpu.memref_squeeze %dma_start3A_94 : memref<1x10000xf32, #tpu.memory_space<hbm>> -> memref<10000xf32, #tpu.memory_space<hbm>>
      %dma_start3A_96 = arith.constant 0 : i32
      %dma_start3A_97 = tpu.memref_slice %arg2[%add3A_4, %dma_start3A_96] : memref<128x10000xf32, #tpu.memory_space<hbm>> -> memref<1x10000xf32, #tpu.memory_space<hbm>>
      %dma_start3A_98 = tpu.memref_squeeze %dma_start3A_97 : memref<1x10000xf32, #tpu.memory_space<hbm>> -> memref<10000xf32, #tpu.memory_space<hbm>>
      tpu.enqueue_dma source(%dma_start3A_98 : memref<10000xf32, #tpu.memory_space<hbm>>) target(%arg15 : memref<10000xf32, #tpu.memory_space<vmem>>) target_semaphore(%run_scoped3A : memref<!tpu.dma_semaphore, #tpu.memory_space<semaphore_mem>>)
      %dma_wait3A = arith.constant 0 : i32
      %dma_wait3A_99 = tpu.memref_slice %arg2[%add3A_4, %dma_wait3A] : memref<128x10000xf32, #tpu.memory_space<hbm>> -> memref<1x10000xf32, #tpu.memory_space<hbm>>
      %dma_wait3A_100 = tpu.memref_squeeze %dma_wait3A_99 : memref<1x10000xf32, #tpu.memory_space<hbm>> -> memref<10000xf32, #tpu.memory_space<hbm>>
      %dma_wait3A_101 = arith.constant 0 : i32
      %dma_wait3A_102 = tpu.memref_slice %arg2[%add3A_4, %dma_wait3A_101] : memref<128x10000xf32, #tpu.memory_space<hbm>> -> memref<1x10000xf32, #tpu.memory_space<hbm>>
      %dma_wait3A_103 = tpu.memref_squeeze %dma_wait3A_102 : memref<1x10000xf32, #tpu.memory_space<hbm>> -> memref<10000xf32, #tpu.memory_space<hbm>>
      tpu.wait_dma2 semaphore(%run_scoped3A : memref<!tpu.dma_semaphore, #tpu.memory_space<semaphore_mem>>) src(%dma_wait3A_103 : memref<10000xf32, #tpu.memory_space<hbm>>) dst(%arg15 : memref<10000xf32, #tpu.memory_space<vmem>>)
      tpu.yield
    }) : () -> ()
    %add3A_5 = arith.constant 1 : i32
    %add3A_6 = arith.addi %add3A_4, %add3A_5 : i32
    "tpu.region"() ({
      %run_scoped3A = tpu.sem_alloc : memref<!tpu.dma_semaphore, #tpu.memory_space<semaphore_mem>>
      %dma_start3A_93 = arith.constant 0 : i32
      %dma_start3A_94 = tpu.memref_slice %arg2[%add3A_6, %dma_start3A_93] : memref<128x10000xf32, #tpu.memory_space<hbm>> -> memref<1x10000xf32, #tpu.memory_space<hbm>>
      %dma_start3A_95 = tpu.memref_squeeze %dma_start3A_94 : memref<1x10000xf32, #tpu.memory_space<hbm>> -> memref<10000xf32, #tpu.memory_space<hbm>>
      %dma_start3A_96 = arith.constant 0 : i32
      %dma_start3A_97 = tpu.memref_slice %arg2[%add3A_6, %dma_start3A_96] : memref<128x10000xf32, #tpu.memory_space<hbm>> -> memref<1x10000xf32, #tpu.memory_space<hbm>>
      %dma_start3A_98 = tpu.memref_squeeze %dma_start3A_97 : memref<1x10000xf32, #tpu.memory_space<hbm>> -> memref<10000xf32, #tpu.memory_space<hbm>>
      tpu.enqueue_dma source(%dma_start3A_98 : memref<10000xf32, #tpu.memory_space<hbm>>) target(%arg16 : memref<10000xf32, #tpu.memory_space<vmem>>) target_semaphore(%run_scoped3A : memref<!tpu.dma_semaphore, #tpu.memory_space<semaphore_mem>>)
      %dma_wait3A = arith.constant 0 : i32
      %dma_wait3A_99 = tpu.memref_slice %arg2[%add3A_6, %dma_wait3A] : memref<128x10000xf32, #tpu.memory_space<hbm>> -> memref<1x10000xf32, #tpu.memory_space<hbm>>
      %dma_wait3A_100 = tpu.memref_squeeze %dma_wait3A_99 : memref<1x10000xf32, #tpu.memory_space<hbm>> -> memref<10000xf32, #tpu.memory_space<hbm>>
      %dma_wait3A_101 = arith.constant 0 : i32
      %dma_wait3A_102 = tpu.memref_slice %arg2[%add3A_6, %dma_wait3A_101] : memref<128x10000xf32, #tpu.memory_space<hbm>> -> memref<1x10000xf32, #tpu.memory_space<hbm>>
      %dma_wait3A_103 = tpu.memref_squeeze %dma_wait3A_102 : memref<1x10000xf32, #tpu.memory_space<hbm>> -> memref<10000xf32, #tpu.memory_space<hbm>>
      tpu.wait_dma2 semaphore(%run_scoped3A : memref<!tpu.dma_semaphore, #tpu.memory_space<semaphore_mem>>) src(%dma_wait3A_103 : memref<10000xf32, #tpu.memory_space<hbm>>) dst(%arg16 : memref<10000xf32, #tpu.memory_space<vmem>>)
      tpu.yield
    }) : () -> ()
    %scan3A = arith.constant 0 : i32
    %scan3A_7 = arith.constant 0 : i32
    %scan3A_8 = arith.constant 625 : i32
    %scan3A_9 = arith.addi %scan3A_7, %scan3A_8 : i32
    %scan3A_10 = arith.constant 1 : i32
    scf.for %scan3A_93 = %scan3A_7 to %scan3A_9 step %scan3A_10  : i32 {
      %mul3A_94 = arith.constant 16 : i32
      %mul3A_95 = arith.muli %scan3A_93, %mul3A_94 : i32
      %broadcast_in_dim3A = arith.constant 0.000000e+00 : f32
      %broadcast_in_dim3A_96 = vector.broadcast %broadcast_in_dim3A : f32 to vector<16xf32>
      %swap3A = arith.index_cast %mul3A_95 : i32 to index
      %swap3A_97 = tpu.vector_load %arg7[%swap3A] {strides = array<i32>} : memref<10000xf32, #tpu.memory_space<vmem>>, vector<16xf32>,
      tpu.vector_store %arg7[%swap3A], %broadcast_in_dim3A_96 {strides = array<i32>} : memref<10000xf32, #tpu.memory_space<vmem>>, vector<16xf32>,
      %swap3A_98 = arith.index_cast %mul3A_95 : i32 to index
      %swap3A_99 = tpu.vector_load %arg8[%swap3A_98] {strides = array<i32>} : memref<10000xf32, #tpu.memory_space<vmem>>, vector<16xf32>,
      tpu.vector_store %arg8[%swap3A_98], %broadcast_in_dim3A_96 {strides = array<i32>} : memref<10000xf32, #tpu.memory_space<vmem>>, vector<16xf32>,
      %swap3A_100 = arith.index_cast %mul3A_95 : i32 to index
      %swap3A_101 = tpu.vector_load %arg9[%swap3A_100] {strides = array<i32>} : memref<10000xf32, #tpu.memory_space<vmem>>, vector<16xf32>,
      tpu.vector_store %arg9[%swap3A_100], %broadcast_in_dim3A_96 {strides = array<i32>} : memref<10000xf32, #tpu.memory_space<vmem>>, vector<16xf32>,
      %swap3A_102 = arith.index_cast %mul3A_95 : i32 to index
      %swap3A_103 = tpu.vector_load %arg10[%swap3A_102] {strides = array<i32>} : memref<10000xf32, #tpu.memory_space<vmem>>, vector<16xf32>,
      tpu.vector_store %arg10[%swap3A_102], %broadcast_in_dim3A_96 {strides = array<i32>} : memref<10000xf32, #tpu.memory_space<vmem>>, vector<16xf32>,
      %broadcast_in_dim3A_104 = arith.constant -3.000000e+38 : f32
      %broadcast_in_dim3A_105 = vector.broadcast %broadcast_in_dim3A_104 : f32 to vector<16xf32>
      %swap3A_106 = arith.index_cast %mul3A_95 : i32 to index
      %swap3A_107 = tpu.vector_load %arg11[%swap3A_106] {strides = array<i32>} : memref<10000xf32, #tpu.memory_space<vmem>>, vector<16xf32>,
      tpu.vector_store %arg11[%swap3A_106], %broadcast_in_dim3A_105 {strides = array<i32>} : memref<10000xf32, #tpu.memory_space<vmem>>, vector<16xf32>,
      %broadcast_in_dim3A_108 = arith.constant -3.000000e+38 : f32
      %broadcast_in_dim3A_109 = vector.broadcast %broadcast_in_dim3A_108 : f32 to vector<16xf32>
      %swap3A_110 = arith.index_cast %mul3A_95 : i32 to index
      %swap3A_111 = tpu.vector_load %arg12[%swap3A_110] {strides = array<i32>} : memref<10000xf32, #tpu.memory_space<vmem>>, vector<16xf32>,
      tpu.vector_store %arg12[%swap3A_110], %broadcast_in_dim3A_109 {strides = array<i32>} : memref<10000xf32, #tpu.memory_space<vmem>>, vector<16xf32>,
      %broadcast_in_dim3A_112 = arith.constant 3.000000e+38 : f32
      %broadcast_in_dim3A_113 = vector.broadcast %broadcast_in_dim3A_112 : f32 to vector<16xf32>
      %swap3A_114 = arith.index_cast %mul3A_95 : i32 to index
      %swap3A_115 = tpu.vector_load %arg13[%swap3A_114] {strides = array<i32>} : memref<10000xf32, #tpu.memory_space<vmem>>, vector<16xf32>,
      tpu.vector_store %arg13[%swap3A_114], %broadcast_in_dim3A_113 {strides = array<i32>} : memref<10000xf32, #tpu.memory_space<vmem>>, vector<16xf32>,
      %broadcast_in_dim3A_116 = arith.constant 3.000000e+38 : f32
      %broadcast_in_dim3A_117 = vector.broadcast %broadcast_in_dim3A_116 : f32 to vector<16xf32>
      %swap3A_118 = arith.index_cast %mul3A_95 : i32 to index
      %swap3A_119 = tpu.vector_load %arg14[%swap3A_118] {strides = array<i32>} : memref<10000xf32, #tpu.memory_space<vmem>>, vector<16xf32>,
      tpu.vector_store %arg14[%swap3A_118], %broadcast_in_dim3A_117 {strides = array<i32>} : memref<10000xf32, #tpu.memory_space<vmem>>, vector<16xf32>,
      %swap3A_120 = arith.index_cast %mul3A_95 : i32 to index
      %swap3A_121 = tpu.vector_load %arg17[%swap3A_120] {strides = array<i32>} : memref<10000xf32, #tpu.memory_space<vmem>>, vector<16xf32>,
      tpu.vector_store %arg17[%swap3A_120], %broadcast_in_dim3A_96 {strides = array<i32>} : memref<10000xf32, #tpu.memory_space<vmem>>, vector<16xf32>,
    }
    %scan3A_11 = arith.constant 625 : i32
    %dma_start3A = arith.constant 0 : i32
    %dma_start3A_12 = tpu.memref_slice %arg3[%dma_start3A] : memref<320000xi32, #tpu.memory_space<hbm>> -> memref<2000xi32, #tpu.memory_space<hbm>>
    %dma_start3A_13 = arith.constant 0 : i32
    %dma_start3A_14 = tpu.memref_slice %arg3[%dma_start3A_13] : memref<320000xi32, #tpu.memory_space<hbm>> -> memref<2000xi32, #tpu.memory_space<hbm>>
    tpu.enqueue_dma source(%dma_start3A_14 : memref<2000xi32, #tpu.memory_space<hbm>>) target(%arg18 : memref<2000xi32, #tpu.memory_space<vmem>>) target_semaphore(%arg22 : memref<!tpu.dma_semaphore, #tpu.memory_space<semaphore_mem>>)
    %dma_start3A_15 = arith.constant 0 : i32
    %dma_start3A_16 = tpu.memref_slice %arg4[%dma_start3A_15] : memref<320000xi32, #tpu.memory_space<hbm>> -> memref<2000xi32, #tpu.memory_space<hbm>>
    %dma_start3A_17 = arith.constant 0 : i32
    %dma_start3A_18 = tpu.memref_slice %arg4[%dma_start3A_17] : memref<320000xi32, #tpu.memory_space<hbm>> -> memref<2000xi32, #tpu.memory_space<hbm>>
    tpu.enqueue_dma source(%dma_start3A_18 : memref<2000xi32, #tpu.memory_space<hbm>>) target(%arg19 : memref<2000xi32, #tpu.memory_space<vmem>>) target_semaphore(%arg23 : memref<!tpu.dma_semaphore, #tpu.memory_space<semaphore_mem>>)
    %scan3A_19 = arith.constant 0 : i32
    %scan3A_20 = arith.constant 0 : i32
    %scan3A_21 = arith.constant 80 : i32
    %scan3A_22 = arith.addi %scan3A_20, %scan3A_21 : i32
    %scan3A_23 = arith.constant 1 : i32
    scf.for %scan3A_93 = %scan3A_20 to %scan3A_22 step %scan3A_23  : i32 {
      %mul3A_94 = arith.constant 2 : i32
      %mul3A_95 = arith.muli %mul3A_94, %scan3A_93 : i32
      %add3A_96 = arith.constant 1 : i32
      %add3A_97 = arith.addi %mul3A_95, %add3A_96 : i32
      %mul3A_98 = arith.constant 2000 : i32
      %mul3A_99 = arith.muli %add3A_97, %mul3A_98 : i32
      %dma_start3A_100 = tpu.memref_slice %arg3[%mul3A_99] : memref<320000xi32, #tpu.memory_space<hbm>> -> memref<2000xi32, #tpu.memory_space<hbm>>
      %dma_start3A_101 = tpu.memref_slice %arg3[%mul3A_99] : memref<320000xi32, #tpu.memory_space<hbm>> -> memref<2000xi32, #tpu.memory_space<hbm>>
      tpu.enqueue_dma source(%dma_start3A_101 : memref<2000xi32, #tpu.memory_space<hbm>>) target(%arg20 : memref<2000xi32, #tpu.memory_space<vmem>>) target_semaphore(%arg24 : memref<!tpu.dma_semaphore, #tpu.memory_space<semaphore_mem>>)
      %dma_start3A_102 = tpu.memref_slice %arg4[%mul3A_99] : memref<320000xi32, #tpu.memory_space<hbm>> -> memref<2000xi32, #tpu.memory_space<hbm>>
      %dma_start3A_103 = tpu.memref_slice %arg4[%mul3A_99] : memref<320000xi32, #tpu.memory_space<hbm>> -> memref<2000xi32, #tpu.memory_space<hbm>>
      tpu.enqueue_dma source(%dma_start3A_103 : memref<2000xi32, #tpu.memory_space<hbm>>) target(%arg21 : memref<2000xi32, #tpu.memory_space<vmem>>) target_semaphore(%arg25 : memref<!tpu.dma_semaphore, #tpu.memory_space<semaphore_mem>>)
      %mul3A_104 = arith.constant 2 : i32
      %mul3A_105 = arith.muli %mul3A_104, %scan3A_93 : i32
      %mul3A_106 = arith.constant 2000 : i32
      %mul3A_107 = arith.muli %mul3A_105, %mul3A_106 : i32
      %dma_wait3A = tpu.memref_slice %arg3[%mul3A_107] : memref<320000xi32, #tpu.memory_space<hbm>> -> memref<2000xi32, #tpu.memory_space<hbm>>
      %dma_wait3A_108 = tpu.memref_slice %arg3[%mul3A_107] : memref<320000xi32, #tpu.memory_space<hbm>> -> memref<2000xi32, #tpu.memory_space<hbm>>
      tpu.wait_dma2 semaphore(%arg22 : memref<!tpu.dma_semaphore, #tpu.memory_space<semaphore_mem>>) src(%dma_wait3A_108 : memref<2000xi32, #tpu.memory_space<hbm>>) dst(%arg18 : memref<2000xi32, #tpu.memory_space<vmem>>)
      %dma_wait3A_109 = tpu.memref_slice %arg4[%mul3A_107] : memref<320000xi32, #tpu.memory_space<hbm>> -> memref<2000xi32, #tpu.memory_space<hbm>>
      %dma_wait3A_110 = tpu.memref_slice %arg4[%mul3A_107] : memref<320000xi32, #tpu.memory_space<hbm>> -> memref<2000xi32, #tpu.memory_space<hbm>>
      tpu.wait_dma2 semaphore(%arg23 : memref<!tpu.dma_semaphore, #tpu.memory_space<semaphore_mem>>) src(%dma_wait3A_110 : memref<2000xi32, #tpu.memory_space<hbm>>) dst(%arg19 : memref<2000xi32, #tpu.memory_space<vmem>>)
      %scan3A_111 = arith.constant 0 : i32
      %scan3A_112 = arith.constant 0 : i32
      %scan3A_113 = arith.constant 25 : i32
      %scan3A_114 = arith.addi %scan3A_112, %scan3A_113 : i32
      %scan3A_115 = arith.constant 1 : i32
      scf.for %scan3A_147 = %scan3A_112 to %scan3A_114 step %scan3A_115  : i32 {
        %mul3A_148 = arith.constant 80 : i32
        %mul3A_149 = arith.muli %scan3A_147, %mul3A_148 : i32
        %add3A_150 = arith.constant 0 : i32
        %add3A_151 = arith.addi %mul3A_149, %add3A_150 : i32
        %get3A = arith.index_cast %add3A_151 : i32 to index
        %get3A_152 = tpu.vector_load %arg18[%get3A] {strides = array<i32>} : memref<2000xi32, #tpu.memory_space<vmem>>, vector<16xi32>,
        %get3A_153 = arith.index_cast %add3A_151 : i32 to index
        %get3A_154 = tpu.vector_load %arg19[%get3A_153] {strides = array<i32>} : memref<2000xi32, #tpu.memory_space<vmem>>, vector<16xi32>,
        %add3A_155 = arith.constant 16 : i32
        %add3A_156 = arith.addi %mul3A_149, %add3A_155 : i32
        %get3A_157 = arith.index_cast %add3A_156 : i32 to index
        %get3A_158 = tpu.vector_load %arg18[%get3A_157] {strides = array<i32>} : memref<2000xi32, #tpu.memory_space<vmem>>, vector<16xi32>,
        %get3A_159 = arith.index_cast %add3A_156 : i32 to index
        %get3A_160 = tpu.vector_load %arg19[%get3A_159] {strides = array<i32>} : memref<2000xi32, #tpu.memory_space<vmem>>, vector<16xi32>,
        %add3A_161 = arith.constant 32 : i32
        %add3A_162 = arith.addi %mul3A_149, %add3A_161 : i32
        %get3A_163 = arith.index_cast %add3A_162 : i32 to index
        %get3A_164 = tpu.vector_load %arg18[%get3A_163] {strides = array<i32>} : memref<2000xi32, #tpu.memory_space<vmem>>, vector<16xi32>,
        %get3A_165 = arith.index_cast %add3A_162 : i32 to index
        %get3A_166 = tpu.vector_load %arg19[%get3A_165] {strides = array<i32>} : memref<2000xi32, #tpu.memory_space<vmem>>, vector<16xi32>,
        %add3A_167 = arith.constant 48 : i32
        %add3A_168 = arith.addi %mul3A_149, %add3A_167 : i32
        %get3A_169 = arith.index_cast %add3A_168 : i32 to index
        %get3A_170 = tpu.vector_load %arg18[%get3A_169] {strides = array<i32>} : memref<2000xi32, #tpu.memory_space<vmem>>, vector<16xi32>,
        %get3A_171 = arith.index_cast %add3A_168 : i32 to index
        %get3A_172 = tpu.vector_load %arg19[%get3A_171] {strides = array<i32>} : memref<2000xi32, #tpu.memory_space<vmem>>, vector<16xi32>,
        %add3A_173 = arith.constant 64 : i32
        %add3A_174 = arith.addi %mul3A_149, %add3A_173 : i32
        %get3A_175 = arith.index_cast %add3A_174 : i32 to index
        %get3A_176 = tpu.vector_load %arg18[%get3A_175] {strides = array<i32>} : memref<2000xi32, #tpu.memory_space<vmem>>, vector<16xi32>,
        %get3A_177 = arith.index_cast %add3A_174 : i32 to index
        %get3A_178 = tpu.vector_load %arg19[%get3A_177] {strides = array<i32>} : memref<2000xi32, #tpu.memory_space<vmem>>, vector<16xi32>,
        %gather3A = tpu.vector_load_idx %arg15[%get3A_152] : memref<10000xf32, #tpu.memory_space<vmem>>[vector<16xi32>], vector<16xf32>,
        %gather3A_179 = tpu.vector_load_idx %arg16[%get3A_152] : memref<10000xf32, #tpu.memory_space<vmem>>[vector<16xi32>], vector<16xf32>,
        %gather3A_180 = tpu.vector_load_idx %arg15[%get3A_158] : memref<10000xf32, #tpu.memory_space<vmem>>[vector<16xi32>], vector<16xf32>,
        %gather3A_181 = tpu.vector_load_idx %arg16[%get3A_158] : memref<10000xf32, #tpu.memory_space<vmem>>[vector<16xi32>], vector<16xf32>,
        %gather3A_182 = tpu.vector_load_idx %arg15[%get3A_164] : memref<10000xf32, #tpu.memory_space<vmem>>[vector<16xi32>], vector<16xf32>,
        %gather3A_183 = tpu.vector_load_idx %arg16[%get3A_164] : memref<10000xf32, #tpu.memory_space<vmem>>[vector<16xi32>], vector<16xf32>,
        %gather3A_184 = tpu.vector_load_idx %arg15[%get3A_170] : memref<10000xf32, #tpu.memory_space<vmem>>[vector<16xi32>], vector<16xf32>,
        %gather3A_185 = tpu.vector_load_idx %arg16[%get3A_170] : memref<10000xf32, #tpu.memory_space<vmem>>[vector<16xi32>], vector<16xf32>,
        %gather3A_186 = tpu.vector_load_idx %arg15[%get3A_176] : memref<10000xf32, #tpu.memory_space<vmem>>[vector<16xi32>], vector<16xf32>,
        %gather3A_187 = tpu.vector_load_idx %arg16[%get3A_176] : memref<10000xf32, #tpu.memory_space<vmem>>[vector<16xi32>], vector<16xf32>,
        %broadcast_in_dim3A = arith.constant true
        %broadcast_in_dim3A_188 = vector.broadcast %broadcast_in_dim3A : i1 to vector<16xi1>
        %unique3A, %unique3A_189 = tpu.scan_count mask(%broadcast_in_dim3A_188 : vector<16xi1>) value(%get3A_154 : vector<16xi32>) : vector<16xi1>, vector<16xi32>
        %gather3A_190 = tpu.vector_load_idx %arg11[%get3A_154] : memref<10000xf32, #tpu.memory_space<vmem>>[vector<16xi32>], vector<16xf32>,
        %gather3A_191 = tpu.vector_load_idx %arg13[%get3A_154] : memref<10000xf32, #tpu.memory_space<vmem>>[vector<16xi32>], vector<16xf32>,
        %gather3A_192 = tpu.vector_load_idx %arg12[%get3A_154] : memref<10000xf32, #tpu.memory_space<vmem>>[vector<16xi32>], vector<16xf32>,
        %gather3A_193 = tpu.vector_load_idx %arg14[%get3A_154] : memref<10000xf32, #tpu.memory_space<vmem>>[vector<16xi32>], vector<16xf32>,
        tpu.vector_store_idx %arg7[%get3A_154], %gather3A {add = true} : memref<10000xf32, #tpu.memory_space<vmem>>[vector<16xi32>], vector<16xf32>,
        %mul3A_194 = arith.mulf %gather3A, %gather3A : vector<16xf32>
        tpu.vector_store_idx %arg9[%get3A_154], %mul3A_194 {add = true} : memref<10000xf32, #tpu.memory_space<vmem>>[vector<16xi32>], vector<16xf32>,
        tpu.vector_store_idx %arg8[%get3A_154], %gather3A_179 {add = true} : memref<10000xf32, #tpu.memory_space<vmem>>[vector<16xi32>], vector<16xf32>,
        %mul3A_195 = arith.mulf %gather3A_179, %gather3A_179 : vector<16xf32>
        tpu.vector_store_idx %arg10[%get3A_154], %mul3A_195 {add = true} : memref<10000xf32, #tpu.memory_space<vmem>>[vector<16xi32>], vector<16xf32>,
        %gt3A = arith.cmpf ogt, %gather3A, %gather3A_190 : vector<16xf32>
        tpu.vector_store_idx %arg11[%get3A_154], %gather3A masked %gt3A : memref<10000xf32, #tpu.memory_space<vmem>>[vector<16xi32>], vector<16xf32>, vector<16xi1>
        %lt3A_196 = arith.cmpf olt, %gather3A, %gather3A_191 : vector<16xf32>
        tpu.vector_store_idx %arg13[%get3A_154], %gather3A masked %lt3A_196 : memref<10000xf32, #tpu.memory_space<vmem>>[vector<16xi32>], vector<16xf32>, vector<16xi1>
        %gt3A_197 = arith.cmpf ogt, %gather3A_179, %gather3A_192 : vector<16xf32>
        tpu.vector_store_idx %arg12[%get3A_154], %gather3A_179 masked %gt3A_197 : memref<10000xf32, #tpu.memory_space<vmem>>[vector<16xi32>], vector<16xf32>, vector<16xi1>
        %lt3A_198 = arith.cmpf olt, %gather3A_179, %gather3A_193 : vector<16xf32>
        tpu.vector_store_idx %arg14[%get3A_154], %gather3A_179 masked %lt3A_198 : memref<10000xf32, #tpu.memory_space<vmem>>[vector<16xi32>], vector<16xf32>, vector<16xi1>
        %all_reduce_population_count3A = tpu.all_reduce %unique3A {dim = 0 : i64, kind = #tpu.reduction_kind<sum>} : vector<16xi1> -> vector<16xi32>
        %slice3A = vector.extract_strided_slice %all_reduce_population_count3A {offsets = [0], sizes = [1], strides = [1]} : vector<16xi32> to vector<1xi32>
        %squeeze3A = vector.extract %slice3A[0] : i32 from vector<1xi32>
        %broadcast_in_dim3A_199 = arith.constant true
        %broadcast_in_dim3A_200 = vector.broadcast %broadcast_in_dim3A_199 : i1 to vector<16xi1>
        %unique3A_201, %unique3A_202 = tpu.scan_count mask(%broadcast_in_dim3A_200 : vector<16xi1>) value(%get3A_160 : vector<16xi32>) : vector<16xi1>, vector<16xi32>
        %gather3A_203 = tpu.vector_load_idx %arg11[%get3A_160] : memref<10000xf32, #tpu.memory_space<vmem>>[vector<16xi32>], vector<16xf32>,
        %gather3A_204 = tpu.vector_load_idx %arg13[%get3A_160] : memref<10000xf32, #tpu.memory_space<vmem>>[vector<16xi32>], vector<16xf32>,
        %gather3A_205 = tpu.vector_load_idx %arg12[%get3A_160] : memref<10000xf32, #tpu.memory_space<vmem>>[vector<16xi32>], vector<16xf32>,
        %gather3A_206 = tpu.vector_load_idx %arg14[%get3A_160] : memref<10000xf32, #tpu.memory_space<vmem>>[vector<16xi32>], vector<16xf32>,
        tpu.vector_store_idx %arg7[%get3A_160], %gather3A_180 {add = true} : memref<10000xf32, #tpu.memory_space<vmem>>[vector<16xi32>], vector<16xf32>,
        %mul3A_207 = arith.mulf %gather3A_180, %gather3A_180 : vector<16xf32>
        tpu.vector_store_idx %arg9[%get3A_160], %mul3A_207 {add = true} : memref<10000xf32, #tpu.memory_space<vmem>>[vector<16xi32>], vector<16xf32>,
        tpu.vector_store_idx %arg8[%get3A_160], %gather3A_181 {add = true} : memref<10000xf32, #tpu.memory_space<vmem>>[vector<16xi32>], vector<16xf32>,
        %mul3A_208 = arith.mulf %gather3A_181, %gather3A_181 : vector<16xf32>
        tpu.vector_store_idx %arg10[%get3A_160], %mul3A_208 {add = true} : memref<10000xf32, #tpu.memory_space<vmem>>[vector<16xi32>], vector<16xf32>,
        %gt3A_209 = arith.cmpf ogt, %gather3A_180, %gather3A_203 : vector<16xf32>
        tpu.vector_store_idx %arg11[%get3A_160], %gather3A_180 masked %gt3A_209 : memref<10000xf32, #tpu.memory_space<vmem>>[vector<16xi32>], vector<16xf32>, vector<16xi1>
        %lt3A_210 = arith.cmpf olt, %gather3A_180, %gather3A_204 : vector<16xf32>
        tpu.vector_store_idx %arg13[%get3A_160], %gather3A_180 masked %lt3A_210 : memref<10000xf32, #tpu.memory_space<vmem>>[vector<16xi32>], vector<16xf32>, vector<16xi1>
        %gt3A_211 = arith.cmpf ogt, %gather3A_181, %gather3A_205 : vector<16xf32>
        tpu.vector_store_idx %arg12[%get3A_160], %gather3A_181 masked %gt3A_211 : memref<10000xf32, #tpu.memory_space<vmem>>[vector<16xi32>], vector<16xf32>, vector<16xi1>
        %lt3A_212 = arith.cmpf olt, %gather3A_181, %gather3A_206 : vector<16xf32>
        tpu.vector_store_idx %arg14[%get3A_160], %gather3A_181 masked %lt3A_212 : memref<10000xf32, #tpu.memory_space<vmem>>[vector<16xi32>], vector<16xf32>, vector<16xi1>
        %all_reduce_population_count3A_213 = tpu.all_reduce %unique3A_201 {dim = 0 : i64, kind = #tpu.reduction_kind<sum>} : vector<16xi1> -> vector<16xi32>
        %slice3A_214 = vector.extract_strided_slice %all_reduce_population_count3A_213 {offsets = [0], sizes = [1], strides = [1]} : vector<16xi32> to vector<1xi32>
        %squeeze3A_215 = vector.extract %slice3A_214[0] : i32 from vector<1xi32>
        %broadcast_in_dim3A_216 = arith.constant true
        %broadcast_in_dim3A_217 = vector.broadcast %broadcast_in_dim3A_216 : i1 to vector<16xi1>
        %unique3A_218, %unique3A_219 = tpu.scan_count mask(%broadcast_in_dim3A_217 : vector<16xi1>) value(%get3A_166 : vector<16xi32>) : vector<16xi1>, vector<16xi32>
        %gather3A_220 = tpu.vector_load_idx %arg11[%get3A_166] : memref<10000xf32, #tpu.memory_space<vmem>>[vector<16xi32>], vector<16xf32>,
        %gather3A_221 = tpu.vector_load_idx %arg13[%get3A_166] : memref<10000xf32, #tpu.memory_space<vmem>>[vector<16xi32>], vector<16xf32>,
        %gather3A_222 = tpu.vector_load_idx %arg12[%get3A_166] : memref<10000xf32, #tpu.memory_space<vmem>>[vector<16xi32>], vector<16xf32>,
        %gather3A_223 = tpu.vector_load_idx %arg14[%get3A_166] : memref<10000xf32, #tpu.memory_space<vmem>>[vector<16xi32>], vector<16xf32>,
        tpu.vector_store_idx %arg7[%get3A_166], %gather3A_182 {add = true} : memref<10000xf32, #tpu.memory_space<vmem>>[vector<16xi32>], vector<16xf32>,
        %mul3A_224 = arith.mulf %gather3A_182, %gather3A_182 : vector<16xf32>
        tpu.vector_store_idx %arg9[%get3A_166], %mul3A_224 {add = true} : memref<10000xf32, #tpu.memory_space<vmem>>[vector<16xi32>], vector<16xf32>,
        tpu.vector_store_idx %arg8[%get3A_166], %gather3A_183 {add = true} : memref<10000xf32, #tpu.memory_space<vmem>>[vector<16xi32>], vector<16xf32>,
        %mul3A_225 = arith.mulf %gather3A_183, %gather3A_183 : vector<16xf32>
        tpu.vector_store_idx %arg10[%get3A_166], %mul3A_225 {add = true} : memref<10000xf32, #tpu.memory_space<vmem>>[vector<16xi32>], vector<16xf32>,
        %gt3A_226 = arith.cmpf ogt, %gather3A_182, %gather3A_220 : vector<16xf32>
        tpu.vector_store_idx %arg11[%get3A_166], %gather3A_182 masked %gt3A_226 : memref<10000xf32, #tpu.memory_space<vmem>>[vector<16xi32>], vector<16xf32>, vector<16xi1>
        %lt3A_227 = arith.cmpf olt, %gather3A_182, %gather3A_221 : vector<16xf32>
        tpu.vector_store_idx %arg13[%get3A_166], %gather3A_182 masked %lt3A_227 : memref<10000xf32, #tpu.memory_space<vmem>>[vector<16xi32>], vector<16xf32>, vector<16xi1>
        %gt3A_228 = arith.cmpf ogt, %gather3A_183, %gather3A_222 : vector<16xf32>
        tpu.vector_store_idx %arg12[%get3A_166], %gather3A_183 masked %gt3A_228 : memref<10000xf32, #tpu.memory_space<vmem>>[vector<16xi32>], vector<16xf32>, vector<16xi1>
        %lt3A_229 = arith.cmpf olt, %gather3A_183, %gather3A_223 : vector<16xf32>
        tpu.vector_store_idx %arg14[%get3A_166], %gather3A_183 masked %lt3A_229 : memref<10000xf32, #tpu.memory_space<vmem>>[vector<16xi32>], vector<16xf32>, vector<16xi1>
        %all_reduce_population_count3A_230 = tpu.all_reduce %unique3A_218 {dim = 0 : i64, kind = #tpu.reduction_kind<sum>} : vector<16xi1> -> vector<16xi32>
        %slice3A_231 = vector.extract_strided_slice %all_reduce_population_count3A_230 {offsets = [0], sizes = [1], strides = [1]} : vector<16xi32> to vector<1xi32>
        %squeeze3A_232 = vector.extract %slice3A_231[0] : i32 from vector<1xi32>
        %broadcast_in_dim3A_233 = arith.constant true
        %broadcast_in_dim3A_234 = vector.broadcast %broadcast_in_dim3A_233 : i1 to vector<16xi1>
        %unique3A_235, %unique3A_236 = tpu.scan_count mask(%broadcast_in_dim3A_234 : vector<16xi1>) value(%get3A_172 : vector<16xi32>) : vector<16xi1>, vector<16xi32>
        %gather3A_237 = tpu.vector_load_idx %arg11[%get3A_172] : memref<10000xf32, #tpu.memory_space<vmem>>[vector<16xi32>], vector<16xf32>,
        %gather3A_238 = tpu.vector_load_idx %arg13[%get3A_172] : memref<10000xf32, #tpu.memory_space<vmem>>[vector<16xi32>], vector<16xf32>,
        %gather3A_239 = tpu.vector_load_idx %arg12[%get3A_172] : memref<10000xf32, #tpu.memory_space<vmem>>[vector<16xi32>], vector<16xf32>,
        %gather3A_240 = tpu.vector_load_idx %arg14[%get3A_172] : memref<10000xf32, #tpu.memory_space<vmem>>[vector<16xi32>], vector<16xf32>,
        tpu.vector_store_idx %arg7[%get3A_172], %gather3A_184 {add = true} : memref<10000xf32, #tpu.memory_space<vmem>>[vector<16xi32>], vector<16xf32>,
        %mul3A_241 = arith.mulf %gather3A_184, %gather3A_184 : vector<16xf32>
        tpu.vector_store_idx %arg9[%get3A_172], %mul3A_241 {add = true} : memref<10000xf32, #tpu.memory_space<vmem>>[vector<16xi32>], vector<16xf32>,
        tpu.vector_store_idx %arg8[%get3A_172], %gather3A_185 {add = true} : memref<10000xf32, #tpu.memory_space<vmem>>[vector<16xi32>], vector<16xf32>,
        %mul3A_242 = arith.mulf %gather3A_185, %gather3A_185 : vector<16xf32>
        tpu.vector_store_idx %arg10[%get3A_172], %mul3A_242 {add = true} : memref<10000xf32, #tpu.memory_space<vmem>>[vector<16xi32>], vector<16xf32>,
        %gt3A_243 = arith.cmpf ogt, %gather3A_184, %gather3A_237 : vector<16xf32>
        tpu.vector_store_idx %arg11[%get3A_172], %gather3A_184 masked %gt3A_243 : memref<10000xf32, #tpu.memory_space<vmem>>[vector<16xi32>], vector<16xf32>, vector<16xi1>
        %lt3A_244 = arith.cmpf olt, %gather3A_184, %gather3A_238 : vector<16xf32>
        tpu.vector_store_idx %arg13[%get3A_172], %gather3A_184 masked %lt3A_244 : memref<10000xf32, #tpu.memory_space<vmem>>[vector<16xi32>], vector<16xf32>, vector<16xi1>
        %gt3A_245 = arith.cmpf ogt, %gather3A_185, %gather3A_239 : vector<16xf32>
        tpu.vector_store_idx %arg12[%get3A_172], %gather3A_185 masked %gt3A_245 : memref<10000xf32, #tpu.memory_space<vmem>>[vector<16xi32>], vector<16xf32>, vector<16xi1>
        %lt3A_246 = arith.cmpf olt, %gather3A_185, %gather3A_240 : vector<16xf32>
        tpu.vector_store_idx %arg14[%get3A_172], %gather3A_185 masked %lt3A_246 : memref<10000xf32, #tpu.memory_space<vmem>>[vector<16xi32>], vector<16xf32>, vector<16xi1>
        %all_reduce_population_count3A_247 = tpu.all_reduce %unique3A_235 {dim = 0 : i64, kind = #tpu.reduction_kind<sum>} : vector<16xi1> -> vector<16xi32>
        %slice3A_248 = vector.extract_strided_slice %all_reduce_population_count3A_247 {offsets = [0], sizes = [1], strides = [1]} : vector<16xi32> to vector<1xi32>
        %squeeze3A_249 = vector.extract %slice3A_248[0] : i32 from vector<1xi32>
        %broadcast_in_dim3A_250 = arith.constant true
        %broadcast_in_dim3A_251 = vector.broadcast %broadcast_in_dim3A_250 : i1 to vector<16xi1>
        %unique3A_252, %unique3A_253 = tpu.scan_count mask(%broadcast_in_dim3A_251 : vector<16xi1>) value(%get3A_178 : vector<16xi32>) : vector<16xi1>, vector<16xi32>
        %gather3A_254 = tpu.vector_load_idx %arg11[%get3A_178] : memref<10000xf32, #tpu.memory_space<vmem>>[vector<16xi32>], vector<16xf32>,
        %gather3A_255 = tpu.vector_load_idx %arg13[%get3A_178] : memref<10000xf32, #tpu.memory_space<vmem>>[vector<16xi32>], vector<16xf32>,
        %gather3A_256 = tpu.vector_load_idx %arg12[%get3A_178] : memref<10000xf32, #tpu.memory_space<vmem>>[vector<16xi32>], vector<16xf32>,
        %gather3A_257 = tpu.vector_load_idx %arg14[%get3A_178] : memref<10000xf32, #tpu.memory_space<vmem>>[vector<16xi32>], vector<16xf32>,
        tpu.vector_store_idx %arg7[%get3A_178], %gather3A_186 {add = true} : memref<10000xf32, #tpu.memory_space<vmem>>[vector<16xi32>], vector<16xf32>,
        %mul3A_258 = arith.mulf %gather3A_186, %gather3A_186 : vector<16xf32>
        tpu.vector_store_idx %arg9[%get3A_178], %mul3A_258 {add = true} : memref<10000xf32, #tpu.memory_space<vmem>>[vector<16xi32>], vector<16xf32>,
        tpu.vector_store_idx %arg8[%get3A_178], %gather3A_187 {add = true} : memref<10000xf32, #tpu.memory_space<vmem>>[vector<16xi32>], vector<16xf32>,
        %mul3A_259 = arith.mulf %gather3A_187, %gather3A_187 : vector<16xf32>
        tpu.vector_store_idx %arg10[%get3A_178], %mul3A_259 {add = true} : memref<10000xf32, #tpu.memory_space<vmem>>[vector<16xi32>], vector<16xf32>,
        %gt3A_260 = arith.cmpf ogt, %gather3A_186, %gather3A_254 : vector<16xf32>
        tpu.vector_store_idx %arg11[%get3A_178], %gather3A_186 masked %gt3A_260 : memref<10000xf32, #tpu.memory_space<vmem>>[vector<16xi32>], vector<16xf32>, vector<16xi1>
        %lt3A_261 = arith.cmpf olt, %gather3A_186, %gather3A_255 : vector<16xf32>
        tpu.vector_store_idx %arg13[%get3A_178], %gather3A_186 masked %lt3A_261 : memref<10000xf32, #tpu.memory_space<vmem>>[vector<16xi32>], vector<16xf32>, vector<16xi1>
        %gt3A_262 = arith.cmpf ogt, %gather3A_187, %gather3A_256 : vector<16xf32>
        tpu.vector_store_idx %arg12[%get3A_178], %gather3A_187 masked %gt3A_262 : memref<10000xf32, #tpu.memory_space<vmem>>[vector<16xi32>], vector<16xf32>, vector<16xi1>
        %lt3A_263 = arith.cmpf olt, %gather3A_187, %gather3A_257 : vector<16xf32>
        tpu.vector_store_idx %arg14[%get3A_178], %gather3A_187 masked %lt3A_263 : memref<10000xf32, #tpu.memory_space<vmem>>[vector<16xi32>], vector<16xf32>, vector<16xi1>
        %all_reduce_population_count3A_264 = tpu.all_reduce %unique3A_252 {dim = 0 : i64, kind = #tpu.reduction_kind<sum>} : vector<16xi1> -> vector<16xi32>
        %slice3A_265 = vector.extract_strided_slice %all_reduce_population_count3A_264 {offsets = [0], sizes = [1], strides = [1]} : vector<16xi32> to vector<1xi32>
        %squeeze3A_266 = vector.extract %slice3A_265[0] : i32 from vector<1xi32>
        %lt3A_267 = arith.constant 16 : i32
        %lt3A_268 = arith.cmpi slt, %squeeze3A, %lt3A_267 : i32
        %lt3A_269 = arith.constant 16 : i32
        %lt3A_270 = arith.cmpi slt, %squeeze3A_215, %lt3A_269 : i32
        %or3A = arith.ori %lt3A_268, %lt3A_270 : i1
        %lt3A_271 = arith.constant 16 : i32
        %lt3A_272 = arith.cmpi slt, %squeeze3A_232, %lt3A_271 : i32
        %or3A_273 = arith.ori %or3A, %lt3A_272 : i1
        %lt3A_274 = arith.constant 16 : i32
        %lt3A_275 = arith.cmpi slt, %squeeze3A_249, %lt3A_274 : i32
        %or3A_276 = arith.ori %or3A_273, %lt3A_275 : i1
        %lt3A_277 = arith.constant 16 : i32
        %lt3A_278 = arith.cmpi slt, %squeeze3A_266, %lt3A_277 : i32
        %or3A_279 = arith.ori %or3A_276, %lt3A_278 : i1
        %convert_element_type3A_280 = arith.extui %or3A_279 : i1 to i32
        %cond3A_281 = arith.constant 0 : i32
        %cond3A_282 = arith.cmpi ne, %convert_element_type3A_280, %cond3A_281 : i32
        scf.if %cond3A_282 {
          %broadcast_in_dim3A_283 = arith.constant true
          %broadcast_in_dim3A_284 = vector.broadcast %broadcast_in_dim3A_283 : i1 to vector<16xi1>
          %while3A = scf.while (%while3A_342 = %broadcast_in_dim3A_284) : (vector<16xi1>) -> vector<16xi1> {
            %all_reduce_population_count3A_343 = tpu.all_reduce %while3A_342 {dim = 0 : i64, kind = #tpu.reduction_kind<sum>} : vector<16xi1> -> vector<16xi32>
            %slice3A_344 = vector.extract_strided_slice %all_reduce_population_count3A_343 {offsets = [0], sizes = [1], strides = [1]} : vector<16xi32> to vector<1xi32>
            %squeeze3A_345 = vector.extract %slice3A_344[0] : i32 from vector<1xi32>
            %gt3A_346 = arith.constant 0 : i32
            %gt3A_347 = arith.cmpi sgt, %squeeze3A_345, %gt3A_346 : i32
            scf.condition(%gt3A_347) %while3A_342 : vector<16xi1>
          } do {
          ^bb0(%while3A_342: vector<16xi1>):
            %gather3A_343 = tpu.vector_load_idx %arg11[%get3A_154] : memref<10000xf32, #tpu.memory_space<vmem>>[vector<16xi32>], vector<16xf32>,
            %max3A = arith.maximumf %gather3A_343, %gather3A : vector<16xf32>
            tpu.vector_store_idx %arg11[%get3A_154], %max3A masked %while3A_342 : memref<10000xf32, #tpu.memory_space<vmem>>[vector<16xi32>], vector<16xf32>, vector<16xi1>
            %gather3A_344 = tpu.vector_load_idx %arg11[%get3A_154] : memref<10000xf32, #tpu.memory_space<vmem>>[vector<16xi32>], vector<16xf32>,
            %lt3A_345 = arith.cmpf olt, %gather3A_344, %gather3A : vector<16xf32>
            %and3A = arith.andi %while3A_342, %lt3A_345 : vector<16xi1>
            scf.yield %and3A : vector<16xi1>
          }
          %broadcast_in_dim3A_285 = arith.constant true
          %broadcast_in_dim3A_286 = vector.broadcast %broadcast_in_dim3A_285 : i1 to vector<16xi1>
          %while3A_287 = scf.while (%while3A_342 = %broadcast_in_dim3A_286) : (vector<16xi1>) -> vector<16xi1> {
            %all_reduce_population_count3A_343 = tpu.all_reduce %while3A_342 {dim = 0 : i64, kind = #tpu.reduction_kind<sum>} : vector<16xi1> -> vector<16xi32>
            %slice3A_344 = vector.extract_strided_slice %all_reduce_population_count3A_343 {offsets = [0], sizes = [1], strides = [1]} : vector<16xi32> to vector<1xi32>
            %squeeze3A_345 = vector.extract %slice3A_344[0] : i32 from vector<1xi32>
            %gt3A_346 = arith.constant 0 : i32
            %gt3A_347 = arith.cmpi sgt, %squeeze3A_345, %gt3A_346 : i32
            scf.condition(%gt3A_347) %while3A_342 : vector<16xi1>
          } do {
          ^bb0(%while3A_342: vector<16xi1>):
            %gather3A_343 = tpu.vector_load_idx %arg13[%get3A_154] : memref<10000xf32, #tpu.memory_space<vmem>>[vector<16xi32>], vector<16xf32>,
            %min3A = arith.minimumf %gather3A_343, %gather3A : vector<16xf32>
            tpu.vector_store_idx %arg13[%get3A_154], %min3A masked %while3A_342 : memref<10000xf32, #tpu.memory_space<vmem>>[vector<16xi32>], vector<16xf32>, vector<16xi1>
            %gather3A_344 = tpu.vector_load_idx %arg13[%get3A_154] : memref<10000xf32, #tpu.memory_space<vmem>>[vector<16xi32>], vector<16xf32>,
            %gt3A_345 = arith.cmpf ogt, %gather3A_344, %gather3A : vector<16xf32>
            %and3A = arith.andi %while3A_342, %gt3A_345 : vector<16xi1>
            scf.yield %and3A : vector<16xi1>
          }
          %broadcast_in_dim3A_288 = arith.constant true
          %broadcast_in_dim3A_289 = vector.broadcast %broadcast_in_dim3A_288 : i1 to vector<16xi1>
          %while3A_290 = scf.while (%while3A_342 = %broadcast_in_dim3A_289) : (vector<16xi1>) -> vector<16xi1> {
            %all_reduce_population_count3A_343 = tpu.all_reduce %while3A_342 {dim = 0 : i64, kind = #tpu.reduction_kind<sum>} : vector<16xi1> -> vector<16xi32>
            %slice3A_344 = vector.extract_strided_slice %all_reduce_population_count3A_343 {offsets = [0], sizes = [1], strides = [1]} : vector<16xi32> to vector<1xi32>
            %squeeze3A_345 = vector.extract %slice3A_344[0] : i32 from vector<1xi32>
            %gt3A_346 = arith.constant 0 : i32
            %gt3A_347 = arith.cmpi sgt, %squeeze3A_345, %gt3A_346 : i32
            scf.condition(%gt3A_347) %while3A_342 : vector<16xi1>
          } do {
          ^bb0(%while3A_342: vector<16xi1>):
            %gather3A_343 = tpu.vector_load_idx %arg12[%get3A_154] : memref<10000xf32, #tpu.memory_space<vmem>>[vector<16xi32>], vector<16xf32>,
            %max3A = arith.maximumf %gather3A_343, %gather3A_179 : vector<16xf32>
            tpu.vector_store_idx %arg12[%get3A_154], %max3A masked %while3A_342 : memref<10000xf32, #tpu.memory_space<vmem>>[vector<16xi32>], vector<16xf32>, vector<16xi1>
            %gather3A_344 = tpu.vector_load_idx %arg12[%get3A_154] : memref<10000xf32, #tpu.memory_space<vmem>>[vector<16xi32>], vector<16xf32>,
            %lt3A_345 = arith.cmpf olt, %gather3A_344, %gather3A_179 : vector<16xf32>
            %and3A = arith.andi %while3A_342, %lt3A_345 : vector<16xi1>
            scf.yield %and3A : vector<16xi1>
          }
          %broadcast_in_dim3A_291 = arith.constant true
          %broadcast_in_dim3A_292 = vector.broadcast %broadcast_in_dim3A_291 : i1 to vector<16xi1>
          %while3A_293 = scf.while (%while3A_342 = %broadcast_in_dim3A_292) : (vector<16xi1>) -> vector<16xi1> {
            %all_reduce_population_count3A_343 = tpu.all_reduce %while3A_342 {dim = 0 : i64, kind = #tpu.reduction_kind<sum>} : vector<16xi1> -> vector<16xi32>
            %slice3A_344 = vector.extract_strided_slice %all_reduce_population_count3A_343 {offsets = [0], sizes = [1], strides = [1]} : vector<16xi32> to vector<1xi32>
            %squeeze3A_345 = vector.extract %slice3A_344[0] : i32 from vector<1xi32>
            %gt3A_346 = arith.constant 0 : i32
            %gt3A_347 = arith.cmpi sgt, %squeeze3A_345, %gt3A_346 : i32
            scf.condition(%gt3A_347) %while3A_342 : vector<16xi1>
          } do {
          ^bb0(%while3A_342: vector<16xi1>):
            %gather3A_343 = tpu.vector_load_idx %arg14[%get3A_154] : memref<10000xf32, #tpu.memory_space<vmem>>[vector<16xi32>], vector<16xf32>,
            %min3A = arith.minimumf %gather3A_343, %gather3A_179 : vector<16xf32>
            tpu.vector_store_idx %arg14[%get3A_154], %min3A masked %while3A_342 : memref<10000xf32, #tpu.memory_space<vmem>>[vector<16xi32>], vector<16xf32>, vector<16xi1>
            %gather3A_344 = tpu.vector_load_idx %arg14[%get3A_154] : memref<10000xf32, #tpu.memory_space<vmem>>[vector<16xi32>], vector<16xf32>,
            %gt3A_345 = arith.cmpf ogt, %gather3A_344, %gather3A_179 : vector<16xf32>
            %and3A = arith.andi %while3A_342, %gt3A_345 : vector<16xi1>
            scf.yield %and3A : vector<16xi1>
          }
          %broadcast_in_dim3A_294 = arith.constant true
          %broadcast_in_dim3A_295 = vector.broadcast %broadcast_in_dim3A_294 : i1 to vector<16xi1>
          %while3A_296 = scf.while (%while3A_342 = %broadcast_in_dim3A_295) : (vector<16xi1>) -> vector<16xi1> {
            %all_reduce_population_count3A_343 = tpu.all_reduce %while3A_342 {dim = 0 : i64, kind = #tpu.reduction_kind<sum>} : vector<16xi1> -> vector<16xi32>
            %slice3A_344 = vector.extract_strided_slice %all_reduce_population_count3A_343 {offsets = [0], sizes = [1], strides = [1]} : vector<16xi32> to vector<1xi32>
            %squeeze3A_345 = vector.extract %slice3A_344[0] : i32 from vector<1xi32>
            %gt3A_346 = arith.constant 0 : i32
            %gt3A_347 = arith.cmpi sgt, %squeeze3A_345, %gt3A_346 : i32
            scf.condition(%gt3A_347) %while3A_342 : vector<16xi1>
          } do {
          ^bb0(%while3A_342: vector<16xi1>):
            %gather3A_343 = tpu.vector_load_idx %arg11[%get3A_160] : memref<10000xf32, #tpu.memory_space<vmem>>[vector<16xi32>], vector<16xf32>,
            %max3A = arith.maximumf %gather3A_343, %gather3A_180 : vector<16xf32>
            tpu.vector_store_idx %arg11[%get3A_160], %max3A masked %while3A_342 : memref<10000xf32, #tpu.memory_space<vmem>>[vector<16xi32>], vector<16xf32>, vector<16xi1>
            %gather3A_344 = tpu.vector_load_idx %arg11[%get3A_160] : memref<10000xf32, #tpu.memory_space<vmem>>[vector<16xi32>], vector<16xf32>,
            %lt3A_345 = arith.cmpf olt, %gather3A_344, %gather3A_180 : vector<16xf32>
            %and3A = arith.andi %while3A_342, %lt3A_345 : vector<16xi1>
            scf.yield %and3A : vector<16xi1>
          }
          %broadcast_in_dim3A_297 = arith.constant true
          %broadcast_in_dim3A_298 = vector.broadcast %broadcast_in_dim3A_297 : i1 to vector<16xi1>
          %while3A_299 = scf.while (%while3A_342 = %broadcast_in_dim3A_298) : (vector<16xi1>) -> vector<16xi1> {
            %all_reduce_population_count3A_343 = tpu.all_reduce %while3A_342 {dim = 0 : i64, kind = #tpu.reduction_kind<sum>} : vector<16xi1> -> vector<16xi32>
            %slice3A_344 = vector.extract_strided_slice %all_reduce_population_count3A_343 {offsets = [0], sizes = [1], strides = [1]} : vector<16xi32> to vector<1xi32>
            %squeeze3A_345 = vector.extract %slice3A_344[0] : i32 from vector<1xi32>
            %gt3A_346 = arith.constant 0 : i32
            %gt3A_347 = arith.cmpi sgt, %squeeze3A_345, %gt3A_346 : i32
            scf.condition(%gt3A_347) %while3A_342 : vector<16xi1>
          } do {
          ^bb0(%while3A_342: vector<16xi1>):
            %gather3A_343 = tpu.vector_load_idx %arg13[%get3A_160] : memref<10000xf32, #tpu.memory_space<vmem>>[vector<16xi32>], vector<16xf32>,
            %min3A = arith.minimumf %gather3A_343, %gather3A_180 : vector<16xf32>
            tpu.vector_store_idx %arg13[%get3A_160], %min3A masked %while3A_342 : memref<10000xf32, #tpu.memory_space<vmem>>[vector<16xi32>], vector<16xf32>, vector<16xi1>
            %gather3A_344 = tpu.vector_load_idx %arg13[%get3A_160] : memref<10000xf32, #tpu.memory_space<vmem>>[vector<16xi32>], vector<16xf32>,
            %gt3A_345 = arith.cmpf ogt, %gather3A_344, %gather3A_180 : vector<16xf32>
            %and3A = arith.andi %while3A_342, %gt3A_345 : vector<16xi1>
            scf.yield %and3A : vector<16xi1>
          }
          %broadcast_in_dim3A_300 = arith.constant true
          %broadcast_in_dim3A_301 = vector.broadcast %broadcast_in_dim3A_300 : i1 to vector<16xi1>
          %while3A_302 = scf.while (%while3A_342 = %broadcast_in_dim3A_301) : (vector<16xi1>) -> vector<16xi1> {
            %all_reduce_population_count3A_343 = tpu.all_reduce %while3A_342 {dim = 0 : i64, kind = #tpu.reduction_kind<sum>} : vector<16xi1> -> vector<16xi32>
            %slice3A_344 = vector.extract_strided_slice %all_reduce_population_count3A_343 {offsets = [0], sizes = [1], strides = [1]} : vector<16xi32> to vector<1xi32>
            %squeeze3A_345 = vector.extract %slice3A_344[0] : i32 from vector<1xi32>
            %gt3A_346 = arith.constant 0 : i32
            %gt3A_347 = arith.cmpi sgt, %squeeze3A_345, %gt3A_346 : i32
            scf.condition(%gt3A_347) %while3A_342 : vector<16xi1>
          } do {
          ^bb0(%while3A_342: vector<16xi1>):
            %gather3A_343 = tpu.vector_load_idx %arg12[%get3A_160] : memref<10000xf32, #tpu.memory_space<vmem>>[vector<16xi32>], vector<16xf32>,
            %max3A = arith.maximumf %gather3A_343, %gather3A_181 : vector<16xf32>
            tpu.vector_store_idx %arg12[%get3A_160], %max3A masked %while3A_342 : memref<10000xf32, #tpu.memory_space<vmem>>[vector<16xi32>], vector<16xf32>, vector<16xi1>
            %gather3A_344 = tpu.vector_load_idx %arg12[%get3A_160] : memref<10000xf32, #tpu.memory_space<vmem>>[vector<16xi32>], vector<16xf32>,
            %lt3A_345 = arith.cmpf olt, %gather3A_344, %gather3A_181 : vector<16xf32>
            %and3A = arith.andi %while3A_342, %lt3A_345 : vector<16xi1>
            scf.yield %and3A : vector<16xi1>
          }
          %broadcast_in_dim3A_303 = arith.constant true
          %broadcast_in_dim3A_304 = vector.broadcast %broadcast_in_dim3A_303 : i1 to vector<16xi1>
          %while3A_305 = scf.while (%while3A_342 = %broadcast_in_dim3A_304) : (vector<16xi1>) -> vector<16xi1> {
            %all_reduce_population_count3A_343 = tpu.all_reduce %while3A_342 {dim = 0 : i64, kind = #tpu.reduction_kind<sum>} : vector<16xi1> -> vector<16xi32>
            %slice3A_344 = vector.extract_strided_slice %all_reduce_population_count3A_343 {offsets = [0], sizes = [1], strides = [1]} : vector<16xi32> to vector<1xi32>
            %squeeze3A_345 = vector.extract %slice3A_344[0] : i32 from vector<1xi32>
            %gt3A_346 = arith.constant 0 : i32
            %gt3A_347 = arith.cmpi sgt, %squeeze3A_345, %gt3A_346 : i32
            scf.condition(%gt3A_347) %while3A_342 : vector<16xi1>
          } do {
          ^bb0(%while3A_342: vector<16xi1>):
            %gather3A_343 = tpu.vector_load_idx %arg14[%get3A_160] : memref<10000xf32, #tpu.memory_space<vmem>>[vector<16xi32>], vector<16xf32>,
            %min3A = arith.minimumf %gather3A_343, %gather3A_181 : vector<16xf32>
            tpu.vector_store_idx %arg14[%get3A_160], %min3A masked %while3A_342 : memref<10000xf32, #tpu.memory_space<vmem>>[vector<16xi32>], vector<16xf32>, vector<16xi1>
            %gather3A_344 = tpu.vector_load_idx %arg14[%get3A_160] : memref<10000xf32, #tpu.memory_space<vmem>>[vector<16xi32>], vector<16xf32>,
            %gt3A_345 = arith.cmpf ogt, %gather3A_344, %gather3A_181 : vector<16xf32>
            %and3A = arith.andi %while3A_342, %gt3A_345 : vector<16xi1>
            scf.yield %and3A : vector<16xi1>
          }
          %broadcast_in_dim3A_306 = arith.constant true
          %broadcast_in_dim3A_307 = vector.broadcast %broadcast_in_dim3A_306 : i1 to vector<16xi1>
          %while3A_308 = scf.while (%while3A_342 = %broadcast_in_dim3A_307) : (vector<16xi1>) -> vector<16xi1> {
            %all_reduce_population_count3A_343 = tpu.all_reduce %while3A_342 {dim = 0 : i64, kind = #tpu.reduction_kind<sum>} : vector<16xi1> -> vector<16xi32>
            %slice3A_344 = vector.extract_strided_slice %all_reduce_population_count3A_343 {offsets = [0], sizes = [1], strides = [1]} : vector<16xi32> to vector<1xi32>
            %squeeze3A_345 = vector.extract %slice3A_344[0] : i32 from vector<1xi32>
            %gt3A_346 = arith.constant 0 : i32
            %gt3A_347 = arith.cmpi sgt, %squeeze3A_345, %gt3A_346 : i32
            scf.condition(%gt3A_347) %while3A_342 : vector<16xi1>
          } do {
          ^bb0(%while3A_342: vector<16xi1>):
            %gather3A_343 = tpu.vector_load_idx %arg11[%get3A_166] : memref<10000xf32, #tpu.memory_space<vmem>>[vector<16xi32>], vector<16xf32>,
            %max3A = arith.maximumf %gather3A_343, %gather3A_182 : vector<16xf32>
            tpu.vector_store_idx %arg11[%get3A_166], %max3A masked %while3A_342 : memref<10000xf32, #tpu.memory_space<vmem>>[vector<16xi32>], vector<16xf32>, vector<16xi1>
            %gather3A_344 = tpu.vector_load_idx %arg11[%get3A_166] : memref<10000xf32, #tpu.memory_space<vmem>>[vector<16xi32>], vector<16xf32>,
            %lt3A_345 = arith.cmpf olt, %gather3A_344, %gather3A_182 : vector<16xf32>
            %and3A = arith.andi %while3A_342, %lt3A_345 : vector<16xi1>
            scf.yield %and3A : vector<16xi1>
          }
          %broadcast_in_dim3A_309 = arith.constant true
          %broadcast_in_dim3A_310 = vector.broadcast %broadcast_in_dim3A_309 : i1 to vector<16xi1>
          %while3A_311 = scf.while (%while3A_342 = %broadcast_in_dim3A_310) : (vector<16xi1>) -> vector<16xi1> {
            %all_reduce_population_count3A_343 = tpu.all_reduce %while3A_342 {dim = 0 : i64, kind = #tpu.reduction_kind<sum>} : vector<16xi1> -> vector<16xi32>
            %slice3A_344 = vector.extract_strided_slice %all_reduce_population_count3A_343 {offsets = [0], sizes = [1], strides = [1]} : vector<16xi32> to vector<1xi32>
            %squeeze3A_345 = vector.extract %slice3A_344[0] : i32 from vector<1xi32>
            %gt3A_346 = arith.constant 0 : i32
            %gt3A_347 = arith.cmpi sgt, %squeeze3A_345, %gt3A_346 : i32
            scf.condition(%gt3A_347) %while3A_342 : vector<16xi1>
          } do {
          ^bb0(%while3A_342: vector<16xi1>):
            %gather3A_343 = tpu.vector_load_idx %arg13[%get3A_166] : memref<10000xf32, #tpu.memory_space<vmem>>[vector<16xi32>], vector<16xf32>,
            %min3A = arith.minimumf %gather3A_343, %gather3A_182 : vector<16xf32>
            tpu.vector_store_idx %arg13[%get3A_166], %min3A masked %while3A_342 : memref<10000xf32, #tpu.memory_space<vmem>>[vector<16xi32>], vector<16xf32>, vector<16xi1>
            %gather3A_344 = tpu.vector_load_idx %arg13[%get3A_166] : memref<10000xf32, #tpu.memory_space<vmem>>[vector<16xi32>], vector<16xf32>,
            %gt3A_345 = arith.cmpf ogt, %gather3A_344, %gather3A_182 : vector<16xf32>
            %and3A = arith.andi %while3A_342, %gt3A_345 : vector<16xi1>
            scf.yield %and3A : vector<16xi1>
          }
          %broadcast_in_dim3A_312 = arith.constant true
          %broadcast_in_dim3A_313 = vector.broadcast %broadcast_in_dim3A_312 : i1 to vector<16xi1>
          %while3A_314 = scf.while (%while3A_342 = %broadcast_in_dim3A_313) : (vector<16xi1>) -> vector<16xi1> {
            %all_reduce_population_count3A_343 = tpu.all_reduce %while3A_342 {dim = 0 : i64, kind = #tpu.reduction_kind<sum>} : vector<16xi1> -> vector<16xi32>
            %slice3A_344 = vector.extract_strided_slice %all_reduce_population_count3A_343 {offsets = [0], sizes = [1], strides = [1]} : vector<16xi32> to vector<1xi32>
            %squeeze3A_345 = vector.extract %slice3A_344[0] : i32 from vector<1xi32>
            %gt3A_346 = arith.constant 0 : i32
            %gt3A_347 = arith.cmpi sgt, %squeeze3A_345, %gt3A_346 : i32
            scf.condition(%gt3A_347) %while3A_342 : vector<16xi1>
          } do {
          ^bb0(%while3A_342: vector<16xi1>):
            %gather3A_343 = tpu.vector_load_idx %arg12[%get3A_166] : memref<10000xf32, #tpu.memory_space<vmem>>[vector<16xi32>], vector<16xf32>,
            %max3A = arith.maximumf %gather3A_343, %gather3A_183 : vector<16xf32>
            tpu.vector_store_idx %arg12[%get3A_166], %max3A masked %while3A_342 : memref<10000xf32, #tpu.memory_space<vmem>>[vector<16xi32>], vector<16xf32>, vector<16xi1>
            %gather3A_344 = tpu.vector_load_idx %arg12[%get3A_166] : memref<10000xf32, #tpu.memory_space<vmem>>[vector<16xi32>], vector<16xf32>,
            %lt3A_345 = arith.cmpf olt, %gather3A_344, %gather3A_183 : vector<16xf32>
            %and3A = arith.andi %while3A_342, %lt3A_345 : vector<16xi1>
            scf.yield %and3A : vector<16xi1>
          }
          %broadcast_in_dim3A_315 = arith.constant true
          %broadcast_in_dim3A_316 = vector.broadcast %broadcast_in_dim3A_315 : i1 to vector<16xi1>
          %while3A_317 = scf.while (%while3A_342 = %broadcast_in_dim3A_316) : (vector<16xi1>) -> vector<16xi1> {
            %all_reduce_population_count3A_343 = tpu.all_reduce %while3A_342 {dim = 0 : i64, kind = #tpu.reduction_kind<sum>} : vector<16xi1> -> vector<16xi32>
            %slice3A_344 = vector.extract_strided_slice %all_reduce_population_count3A_343 {offsets = [0], sizes = [1], strides = [1]} : vector<16xi32> to vector<1xi32>
            %squeeze3A_345 = vector.extract %slice3A_344[0] : i32 from vector<1xi32>
            %gt3A_346 = arith.constant 0 : i32
            %gt3A_347 = arith.cmpi sgt, %squeeze3A_345, %gt3A_346 : i32
            scf.condition(%gt3A_347) %while3A_342 : vector<16xi1>
          } do {
          ^bb0(%while3A_342: vector<16xi1>):
            %gather3A_343 = tpu.vector_load_idx %arg14[%get3A_166] : memref<10000xf32, #tpu.memory_space<vmem>>[vector<16xi32>], vector<16xf32>,
            %min3A = arith.minimumf %gather3A_343, %gather3A_183 : vector<16xf32>
            tpu.vector_store_idx %arg14[%get3A_166], %min3A masked %while3A_342 : memref<10000xf32, #tpu.memory_space<vmem>>[vector<16xi32>], vector<16xf32>, vector<16xi1>
            %gather3A_344 = tpu.vector_load_idx %arg14[%get3A_166] : memref<10000xf32, #tpu.memory_space<vmem>>[vector<16xi32>], vector<16xf32>,
            %gt3A_345 = arith.cmpf ogt, %gather3A_344, %gather3A_183 : vector<16xf32>
            %and3A = arith.andi %while3A_342, %gt3A_345 : vector<16xi1>
            scf.yield %and3A : vector<16xi1>
          }
          %broadcast_in_dim3A_318 = arith.constant true
          %broadcast_in_dim3A_319 = vector.broadcast %broadcast_in_dim3A_318 : i1 to vector<16xi1>
          %while3A_320 = scf.while (%while3A_342 = %broadcast_in_dim3A_319) : (vector<16xi1>) -> vector<16xi1> {
            %all_reduce_population_count3A_343 = tpu.all_reduce %while3A_342 {dim = 0 : i64, kind = #tpu.reduction_kind<sum>} : vector<16xi1> -> vector<16xi32>
            %slice3A_344 = vector.extract_strided_slice %all_reduce_population_count3A_343 {offsets = [0], sizes = [1], strides = [1]} : vector<16xi32> to vector<1xi32>
            %squeeze3A_345 = vector.extract %slice3A_344[0] : i32 from vector<1xi32>
            %gt3A_346 = arith.constant 0 : i32
            %gt3A_347 = arith.cmpi sgt, %squeeze3A_345, %gt3A_346 : i32
            scf.condition(%gt3A_347) %while3A_342 : vector<16xi1>
          } do {
          ^bb0(%while3A_342: vector<16xi1>):
            %gather3A_343 = tpu.vector_load_idx %arg11[%get3A_172] : memref<10000xf32, #tpu.memory_space<vmem>>[vector<16xi32>], vector<16xf32>,
            %max3A = arith.maximumf %gather3A_343, %gather3A_184 : vector<16xf32>
            tpu.vector_store_idx %arg11[%get3A_172], %max3A masked %while3A_342 : memref<10000xf32, #tpu.memory_space<vmem>>[vector<16xi32>], vector<16xf32>, vector<16xi1>
            %gather3A_344 = tpu.vector_load_idx %arg11[%get3A_172] : memref<10000xf32, #tpu.memory_space<vmem>>[vector<16xi32>], vector<16xf32>,
            %lt3A_345 = arith.cmpf olt, %gather3A_344, %gather3A_184 : vector<16xf32>
            %and3A = arith.andi %while3A_342, %lt3A_345 : vector<16xi1>
            scf.yield %and3A : vector<16xi1>
          }
          %broadcast_in_dim3A_321 = arith.constant true
          %broadcast_in_dim3A_322 = vector.broadcast %broadcast_in_dim3A_321 : i1 to vector<16xi1>
          %while3A_323 = scf.while (%while3A_342 = %broadcast_in_dim3A_322) : (vector<16xi1>) -> vector<16xi1> {
            %all_reduce_population_count3A_343 = tpu.all_reduce %while3A_342 {dim = 0 : i64, kind = #tpu.reduction_kind<sum>} : vector<16xi1> -> vector<16xi32>
            %slice3A_344 = vector.extract_strided_slice %all_reduce_population_count3A_343 {offsets = [0], sizes = [1], strides = [1]} : vector<16xi32> to vector<1xi32>
            %squeeze3A_345 = vector.extract %slice3A_344[0] : i32 from vector<1xi32>
            %gt3A_346 = arith.constant 0 : i32
            %gt3A_347 = arith.cmpi sgt, %squeeze3A_345, %gt3A_346 : i32
            scf.condition(%gt3A_347) %while3A_342 : vector<16xi1>
          } do {
          ^bb0(%while3A_342: vector<16xi1>):
            %gather3A_343 = tpu.vector_load_idx %arg13[%get3A_172] : memref<10000xf32, #tpu.memory_space<vmem>>[vector<16xi32>], vector<16xf32>,
            %min3A = arith.minimumf %gather3A_343, %gather3A_184 : vector<16xf32>
            tpu.vector_store_idx %arg13[%get3A_172], %min3A masked %while3A_342 : memref<10000xf32, #tpu.memory_space<vmem>>[vector<16xi32>], vector<16xf32>, vector<16xi1>
            %gather3A_344 = tpu.vector_load_idx %arg13[%get3A_172] : memref<10000xf32, #tpu.memory_space<vmem>>[vector<16xi32>], vector<16xf32>,
            %gt3A_345 = arith.cmpf ogt, %gather3A_344, %gather3A_184 : vector<16xf32>
            %and3A = arith.andi %while3A_342, %gt3A_345 : vector<16xi1>
            scf.yield %and3A : vector<16xi1>
          }
          %broadcast_in_dim3A_324 = arith.constant true
          %broadcast_in_dim3A_325 = vector.broadcast %broadcast_in_dim3A_324 : i1 to vector<16xi1>
          %while3A_326 = scf.while (%while3A_342 = %broadcast_in_dim3A_325) : (vector<16xi1>) -> vector<16xi1> {
            %all_reduce_population_count3A_343 = tpu.all_reduce %while3A_342 {dim = 0 : i64, kind = #tpu.reduction_kind<sum>} : vector<16xi1> -> vector<16xi32>
            %slice3A_344 = vector.extract_strided_slice %all_reduce_population_count3A_343 {offsets = [0], sizes = [1], strides = [1]} : vector<16xi32> to vector<1xi32>
            %squeeze3A_345 = vector.extract %slice3A_344[0] : i32 from vector<1xi32>
            %gt3A_346 = arith.constant 0 : i32
            %gt3A_347 = arith.cmpi sgt, %squeeze3A_345, %gt3A_346 : i32
            scf.condition(%gt3A_347) %while3A_342 : vector<16xi1>
          } do {
          ^bb0(%while3A_342: vector<16xi1>):
            %gather3A_343 = tpu.vector_load_idx %arg12[%get3A_172] : memref<10000xf32, #tpu.memory_space<vmem>>[vector<16xi32>], vector<16xf32>,
            %max3A = arith.maximumf %gather3A_343, %gather3A_185 : vector<16xf32>
            tpu.vector_store_idx %arg12[%get3A_172], %max3A masked %while3A_342 : memref<10000xf32, #tpu.memory_space<vmem>>[vector<16xi32>], vector<16xf32>, vector<16xi1>
            %gather3A_344 = tpu.vector_load_idx %arg12[%get3A_172] : memref<10000xf32, #tpu.memory_space<vmem>>[vector<16xi32>], vector<16xf32>,
            %lt3A_345 = arith.cmpf olt, %gather3A_344, %gather3A_185 : vector<16xf32>
            %and3A = arith.andi %while3A_342, %lt3A_345 : vector<16xi1>
            scf.yield %and3A : vector<16xi1>
          }
          %broadcast_in_dim3A_327 = arith.constant true
          %broadcast_in_dim3A_328 = vector.broadcast %broadcast_in_dim3A_327 : i1 to vector<16xi1>
          %while3A_329 = scf.while (%while3A_342 = %broadcast_in_dim3A_328) : (vector<16xi1>) -> vector<16xi1> {
            %all_reduce_population_count3A_343 = tpu.all_reduce %while3A_342 {dim = 0 : i64, kind = #tpu.reduction_kind<sum>} : vector<16xi1> -> vector<16xi32>
            %slice3A_344 = vector.extract_strided_slice %all_reduce_population_count3A_343 {offsets = [0], sizes = [1], strides = [1]} : vector<16xi32> to vector<1xi32>
            %squeeze3A_345 = vector.extract %slice3A_344[0] : i32 from vector<1xi32>
            %gt3A_346 = arith.constant 0 : i32
            %gt3A_347 = arith.cmpi sgt, %squeeze3A_345, %gt3A_346 : i32
            scf.condition(%gt3A_347) %while3A_342 : vector<16xi1>
          } do {
          ^bb0(%while3A_342: vector<16xi1>):
            %gather3A_343 = tpu.vector_load_idx %arg14[%get3A_172] : memref<10000xf32, #tpu.memory_space<vmem>>[vector<16xi32>], vector<16xf32>,
            %min3A = arith.minimumf %gather3A_343, %gather3A_185 : vector<16xf32>
            tpu.vector_store_idx %arg14[%get3A_172], %min3A masked %while3A_342 : memref<10000xf32, #tpu.memory_space<vmem>>[vector<16xi32>], vector<16xf32>, vector<16xi1>
            %gather3A_344 = tpu.vector_load_idx %arg14[%get3A_172] : memref<10000xf32, #tpu.memory_space<vmem>>[vector<16xi32>], vector<16xf32>,
            %gt3A_345 = arith.cmpf ogt, %gather3A_344, %gather3A_185 : vector<16xf32>
            %and3A = arith.andi %while3A_342, %gt3A_345 : vector<16xi1>
            scf.yield %and3A : vector<16xi1>
          }
          %broadcast_in_dim3A_330 = arith.constant true
          %broadcast_in_dim3A_331 = vector.broadcast %broadcast_in_dim3A_330 : i1 to vector<16xi1>
          %while3A_332 = scf.while (%while3A_342 = %broadcast_in_dim3A_331) : (vector<16xi1>) -> vector<16xi1> {
            %all_reduce_population_count3A_343 = tpu.all_reduce %while3A_342 {dim = 0 : i64, kind = #tpu.reduction_kind<sum>} : vector<16xi1> -> vector<16xi32>
            %slice3A_344 = vector.extract_strided_slice %all_reduce_population_count3A_343 {offsets = [0], sizes = [1], strides = [1]} : vector<16xi32> to vector<1xi32>
            %squeeze3A_345 = vector.extract %slice3A_344[0] : i32 from vector<1xi32>
            %gt3A_346 = arith.constant 0 : i32
            %gt3A_347 = arith.cmpi sgt, %squeeze3A_345, %gt3A_346 : i32
            scf.condition(%gt3A_347) %while3A_342 : vector<16xi1>
          } do {
          ^bb0(%while3A_342: vector<16xi1>):
            %gather3A_343 = tpu.vector_load_idx %arg11[%get3A_178] : memref<10000xf32, #tpu.memory_space<vmem>>[vector<16xi32>], vector<16xf32>,
            %max3A = arith.maximumf %gather3A_343, %gather3A_186 : vector<16xf32>
            tpu.vector_store_idx %arg11[%get3A_178], %max3A masked %while3A_342 : memref<10000xf32, #tpu.memory_space<vmem>>[vector<16xi32>], vector<16xf32>, vector<16xi1>
            %gather3A_344 = tpu.vector_load_idx %arg11[%get3A_178] : memref<10000xf32, #tpu.memory_space<vmem>>[vector<16xi32>], vector<16xf32>,
            %lt3A_345 = arith.cmpf olt, %gather3A_344, %gather3A_186 : vector<16xf32>
            %and3A = arith.andi %while3A_342, %lt3A_345 : vector<16xi1>
            scf.yield %and3A : vector<16xi1>
          }
          %broadcast_in_dim3A_333 = arith.constant true
          %broadcast_in_dim3A_334 = vector.broadcast %broadcast_in_dim3A_333 : i1 to vector<16xi1>
          %while3A_335 = scf.while (%while3A_342 = %broadcast_in_dim3A_334) : (vector<16xi1>) -> vector<16xi1> {
            %all_reduce_population_count3A_343 = tpu.all_reduce %while3A_342 {dim = 0 : i64, kind = #tpu.reduction_kind<sum>} : vector<16xi1> -> vector<16xi32>
            %slice3A_344 = vector.extract_strided_slice %all_reduce_population_count3A_343 {offsets = [0], sizes = [1], strides = [1]} : vector<16xi32> to vector<1xi32>
            %squeeze3A_345 = vector.extract %slice3A_344[0] : i32 from vector<1xi32>
            %gt3A_346 = arith.constant 0 : i32
            %gt3A_347 = arith.cmpi sgt, %squeeze3A_345, %gt3A_346 : i32
            scf.condition(%gt3A_347) %while3A_342 : vector<16xi1>
          } do {
          ^bb0(%while3A_342: vector<16xi1>):
            %gather3A_343 = tpu.vector_load_idx %arg13[%get3A_178] : memref<10000xf32, #tpu.memory_space<vmem>>[vector<16xi32>], vector<16xf32>,
            %min3A = arith.minimumf %gather3A_343, %gather3A_186 : vector<16xf32>
            tpu.vector_store_idx %arg13[%get3A_178], %min3A masked %while3A_342 : memref<10000xf32, #tpu.memory_space<vmem>>[vector<16xi32>], vector<16xf32>, vector<16xi1>
            %gather3A_344 = tpu.vector_load_idx %arg13[%get3A_178] : memref<10000xf32, #tpu.memory_space<vmem>>[vector<16xi32>], vector<16xf32>,
            %gt3A_345 = arith.cmpf ogt, %gather3A_344, %gather3A_186 : vector<16xf32>
            %and3A = arith.andi %while3A_342, %gt3A_345 : vector<16xi1>
            scf.yield %and3A : vector<16xi1>
          }
          %broadcast_in_dim3A_336 = arith.constant true
          %broadcast_in_dim3A_337 = vector.broadcast %broadcast_in_dim3A_336 : i1 to vector<16xi1>
          %while3A_338 = scf.while (%while3A_342 = %broadcast_in_dim3A_337) : (vector<16xi1>) -> vector<16xi1> {
            %all_reduce_population_count3A_343 = tpu.all_reduce %while3A_342 {dim = 0 : i64, kind = #tpu.reduction_kind<sum>} : vector<16xi1> -> vector<16xi32>
            %slice3A_344 = vector.extract_strided_slice %all_reduce_population_count3A_343 {offsets = [0], sizes = [1], strides = [1]} : vector<16xi32> to vector<1xi32>
            %squeeze3A_345 = vector.extract %slice3A_344[0] : i32 from vector<1xi32>
            %gt3A_346 = arith.constant 0 : i32
            %gt3A_347 = arith.cmpi sgt, %squeeze3A_345, %gt3A_346 : i32
            scf.condition(%gt3A_347) %while3A_342 : vector<16xi1>
          } do {
          ^bb0(%while3A_342: vector<16xi1>):
            %gather3A_343 = tpu.vector_load_idx %arg12[%get3A_178] : memref<10000xf32, #tpu.memory_space<vmem>>[vector<16xi32>], vector<16xf32>,
            %max3A = arith.maximumf %gather3A_343, %gather3A_187 : vector<16xf32>
            tpu.vector_store_idx %arg12[%get3A_178], %max3A masked %while3A_342 : memref<10000xf32, #tpu.memory_space<vmem>>[vector<16xi32>], vector<16xf32>, vector<16xi1>
            %gather3A_344 = tpu.vector_load_idx %arg12[%get3A_178] : memref<10000xf32, #tpu.memory_space<vmem>>[vector<16xi32>], vector<16xf32>,
            %lt3A_345 = arith.cmpf olt, %gather3A_344, %gather3A_187 : vector<16xf32>
            %and3A = arith.andi %while3A_342, %lt3A_345 : vector<16xi1>
            scf.yield %and3A : vector<16xi1>
          }
          %broadcast_in_dim3A_339 = arith.constant true
          %broadcast_in_dim3A_340 = vector.broadcast %broadcast_in_dim3A_339 : i1 to vector<16xi1>
          %while3A_341 = scf.while (%while3A_342 = %broadcast_in_dim3A_340) : (vector<16xi1>) -> vector<16xi1> {
            %all_reduce_population_count3A_343 = tpu.all_reduce %while3A_342 {dim = 0 : i64, kind = #tpu.reduction_kind<sum>} : vector<16xi1> -> vector<16xi32>
            %slice3A_344 = vector.extract_strided_slice %all_reduce_population_count3A_343 {offsets = [0], sizes = [1], strides = [1]} : vector<16xi32> to vector<1xi32>
            %squeeze3A_345 = vector.extract %slice3A_344[0] : i32 from vector<1xi32>
            %gt3A_346 = arith.constant 0 : i32
            %gt3A_347 = arith.cmpi sgt, %squeeze3A_345, %gt3A_346 : i32
            scf.condition(%gt3A_347) %while3A_342 : vector<16xi1>
          } do {
          ^bb0(%while3A_342: vector<16xi1>):
            %gather3A_343 = tpu.vector_load_idx %arg14[%get3A_178] : memref<10000xf32, #tpu.memory_space<vmem>>[vector<16xi32>], vector<16xf32>,
            %min3A = arith.minimumf %gather3A_343, %gather3A_187 : vector<16xf32>
            tpu.vector_store_idx %arg14[%get3A_178], %min3A masked %while3A_342 : memref<10000xf32, #tpu.memory_space<vmem>>[vector<16xi32>], vector<16xf32>, vector<16xi1>
            %gather3A_344 = tpu.vector_load_idx %arg14[%get3A_178] : memref<10000xf32, #tpu.memory_space<vmem>>[vector<16xi32>], vector<16xf32>,
            %gt3A_345 = arith.cmpf ogt, %gather3A_344, %gather3A_187 : vector<16xf32>
            %and3A = arith.andi %while3A_342, %gt3A_345 : vector<16xi1>
            scf.yield %and3A : vector<16xi1>
          }
        } else {
        }
      }
      %scan3A_116 = arith.constant 25 : i32
      %eq3A_117 = arith.constant 0 : i32
      %eq3A_118 = arith.cmpi eq, %add3A, %eq3A_117 : i32
      %convert_element_type3A_119 = arith.extui %eq3A_118 : i1 to i32
      %cond3A_120 = arith.constant 0 : i32
      %cond3A_121 = arith.cmpi ne, %convert_element_type3A_119, %cond3A_120 : i32
      scf.if %cond3A_121 {
        %scan3A_147 = arith.constant 0 : i32
        %scan3A_148 = arith.constant 0 : i32
        %scan3A_149 = arith.constant 25 : i32
        %scan3A_150 = arith.addi %scan3A_148, %scan3A_149 : i32
        %scan3A_151 = arith.constant 1 : i32
        scf.for %scan3A_153 = %scan3A_148 to %scan3A_150 step %scan3A_151  : i32 {
          %mul3A_154 = arith.constant 80 : i32
          %mul3A_155 = arith.muli %scan3A_153, %mul3A_154 : i32
          %add3A_156 = arith.constant 0 : i32
          %add3A_157 = arith.addi %mul3A_155, %add3A_156 : i32
          %get3A = arith.index_cast %add3A_157 : i32 to index
          %get3A_158 = tpu.vector_load %arg19[%get3A] {strides = array<i32>} : memref<2000xi32, #tpu.memory_space<vmem>>, vector<16xi32>,
          %add3A_159 = arith.constant 16 : i32
          %add3A_160 = arith.addi %mul3A_155, %add3A_159 : i32
          %get3A_161 = arith.index_cast %add3A_160 : i32 to index
          %get3A_162 = tpu.vector_load %arg19[%get3A_161] {strides = array<i32>} : memref<2000xi32, #tpu.memory_space<vmem>>, vector<16xi32>,
          %add3A_163 = arith.constant 32 : i32
          %add3A_164 = arith.addi %mul3A_155, %add3A_163 : i32
          %get3A_165 = arith.index_cast %add3A_164 : i32 to index
          %get3A_166 = tpu.vector_load %arg19[%get3A_165] {strides = array<i32>} : memref<2000xi32, #tpu.memory_space<vmem>>, vector<16xi32>,
          %add3A_167 = arith.constant 48 : i32
          %add3A_168 = arith.addi %mul3A_155, %add3A_167 : i32
          %get3A_169 = arith.index_cast %add3A_168 : i32 to index
          %get3A_170 = tpu.vector_load %arg19[%get3A_169] {strides = array<i32>} : memref<2000xi32, #tpu.memory_space<vmem>>, vector<16xi32>,
          %add3A_171 = arith.constant 64 : i32
          %add3A_172 = arith.addi %mul3A_155, %add3A_171 : i32
          %get3A_173 = arith.index_cast %add3A_172 : i32 to index
          %get3A_174 = tpu.vector_load %arg19[%get3A_173] {strides = array<i32>} : memref<2000xi32, #tpu.memory_space<vmem>>, vector<16xi32>,
          %broadcast_in_dim3A = arith.constant 1.000000e+00 : f32
          %broadcast_in_dim3A_175 = vector.broadcast %broadcast_in_dim3A : f32 to vector<16xf32>
          tpu.vector_store_idx %arg17[%get3A_158], %broadcast_in_dim3A_175 {add = true} : memref<10000xf32, #tpu.memory_space<vmem>>[vector<16xi32>], vector<16xf32>,
          %broadcast_in_dim3A_176 = arith.constant 1.000000e+00 : f32
          %broadcast_in_dim3A_177 = vector.broadcast %broadcast_in_dim3A_176 : f32 to vector<16xf32>
          tpu.vector_store_idx %arg17[%get3A_162], %broadcast_in_dim3A_177 {add = true} : memref<10000xf32, #tpu.memory_space<vmem>>[vector<16xi32>], vector<16xf32>,
          %broadcast_in_dim3A_178 = arith.constant 1.000000e+00 : f32
          %broadcast_in_dim3A_179 = vector.broadcast %broadcast_in_dim3A_178 : f32 to vector<16xf32>
          tpu.vector_store_idx %arg17[%get3A_166], %broadcast_in_dim3A_179 {add = true} : memref<10000xf32, #tpu.memory_space<vmem>>[vector<16xi32>], vector<16xf32>,
          %broadcast_in_dim3A_180 = arith.constant 1.000000e+00 : f32
          %broadcast_in_dim3A_181 = vector.broadcast %broadcast_in_dim3A_180 : f32 to vector<16xf32>
          tpu.vector_store_idx %arg17[%get3A_170], %broadcast_in_dim3A_181 {add = true} : memref<10000xf32, #tpu.memory_space<vmem>>[vector<16xi32>], vector<16xf32>,
          %broadcast_in_dim3A_182 = arith.constant 1.000000e+00 : f32
          %broadcast_in_dim3A_183 = vector.broadcast %broadcast_in_dim3A_182 : f32 to vector<16xf32>
          tpu.vector_store_idx %arg17[%get3A_174], %broadcast_in_dim3A_183 {add = true} : memref<10000xf32, #tpu.memory_space<vmem>>[vector<16xi32>], vector<16xf32>,
        }
        %scan3A_152 = arith.constant 25 : i32
      } else {
      }
      %lt3A = arith.constant 79 : i32
      %lt3A_122 = arith.cmpi slt, %scan3A_93, %lt3A : i32
      %convert_element_type3A_123 = arith.extui %lt3A_122 : i1 to i32
      %cond3A_124 = arith.constant 0 : i32
      %cond3A_125 = arith.cmpi ne, %convert_element_type3A_123, %cond3A_124 : i32
      scf.if %cond3A_125 {
        %mul3A_147 = arith.constant 2 : i32
        %mul3A_148 = arith.muli %mul3A_147, %scan3A_93 : i32
        %add3A_149 = arith.constant 2 : i32
        %add3A_150 = arith.addi %mul3A_148, %add3A_149 : i32
        %mul3A_151 = arith.constant 2000 : i32
        %mul3A_152 = arith.muli %add3A_150, %mul3A_151 : i32
        %dma_start3A_153 = tpu.memref_slice %arg3[%mul3A_152] : memref<320000xi32, #tpu.memory_space<hbm>> -> memref<2000xi32, #tpu.memory_space<hbm>>
        %dma_start3A_154 = tpu.memref_slice %arg3[%mul3A_152] : memref<320000xi32, #tpu.memory_space<hbm>> -> memref<2000xi32, #tpu.memory_space<hbm>>
        tpu.enqueue_dma source(%dma_start3A_154 : memref<2000xi32, #tpu.memory_space<hbm>>) target(%arg18 : memref<2000xi32, #tpu.memory_space<vmem>>) target_semaphore(%arg22 : memref<!tpu.dma_semaphore, #tpu.memory_space<semaphore_mem>>)
        %dma_start3A_155 = tpu.memref_slice %arg4[%mul3A_152] : memref<320000xi32, #tpu.memory_space<hbm>> -> memref<2000xi32, #tpu.memory_space<hbm>>
        %dma_start3A_156 = tpu.memref_slice %arg4[%mul3A_152] : memref<320000xi32, #tpu.memory_space<hbm>> -> memref<2000xi32, #tpu.memory_space<hbm>>
        tpu.enqueue_dma source(%dma_start3A_156 : memref<2000xi32, #tpu.memory_space<hbm>>) target(%arg19 : memref<2000xi32, #tpu.memory_space<vmem>>) target_semaphore(%arg23 : memref<!tpu.dma_semaphore, #tpu.memory_space<semaphore_mem>>)
      } else {
      }
      %mul3A_126 = arith.constant 2 : i32
      %mul3A_127 = arith.muli %mul3A_126, %scan3A_93 : i32
      %add3A_128 = arith.constant 1 : i32
      %add3A_129 = arith.addi %mul3A_127, %add3A_128 : i32
      %mul3A_130 = arith.constant 2000 : i32
      %mul3A_131 = arith.muli %add3A_129, %mul3A_130 : i32
      %dma_wait3A_132 = tpu.memref_slice %arg3[%mul3A_131] : memref<320000xi32, #tpu.memory_space<hbm>> -> memref<2000xi32, #tpu.memory_space<hbm>>
      %dma_wait3A_133 = tpu.memref_slice %arg3[%mul3A_131] : memref<320000xi32, #tpu.memory_space<hbm>> -> memref<2000xi32, #tpu.memory_space<hbm>>
      tpu.wait_dma2 semaphore(%arg24 : memref<!tpu.dma_semaphore, #tpu.memory_space<semaphore_mem>>) src(%dma_wait3A_133 : memref<2000xi32, #tpu.memory_space<hbm>>) dst(%arg20 : memref<2000xi32, #tpu.memory_space<vmem>>)
      %dma_wait3A_134 = tpu.memref_slice %arg4[%mul3A_131] : memref<320000xi32, #tpu.memory_space<hbm>> -> memref<2000xi32, #tpu.memory_space<hbm>>
      %dma_wait3A_135 = tpu.memref_slice %arg4[%mul3A_131] : memref<320000xi32, #tpu.memory_space<hbm>> -> memref<2000xi32, #tpu.memory_space<hbm>>
      tpu.wait_dma2 semaphore(%arg25 : memref<!tpu.dma_semaphore, #tpu.memory_space<semaphore_mem>>) src(%dma_wait3A_135 : memref<2000xi32, #tpu.memory_space<hbm>>) dst(%arg21 : memref<2000xi32, #tpu.memory_space<vmem>>)
      %scan3A_136 = arith.constant 0 : i32
      %scan3A_137 = arith.constant 0 : i32
      %scan3A_138 = arith.constant 25 : i32
      %scan3A_139 = arith.addi %scan3A_137, %scan3A_138 : i32
      %scan3A_140 = arith.constant 1 : i32
      scf.for %scan3A_147 = %scan3A_137 to %scan3A_139 step %scan3A_140  : i32 {
        %mul3A_148 = arith.constant 80 : i32
        %mul3A_149 = arith.muli %scan3A_147, %mul3A_148 : i32
        %add3A_150 = arith.constant 0 : i32
        %add3A_151 = arith.addi %mul3A_149, %add3A_150 : i32
        %get3A = arith.index_cast %add3A_151 : i32 to index
        %get3A_152 = tpu.vector_load %arg20[%get3A] {strides = array<i32>} : memref<2000xi32, #tpu.memory_space<vmem>>, vector<16xi32>,
        %get3A_153 = arith.index_cast %add3A_151 : i32 to index
        %get3A_154 = tpu.vector_load %arg21[%get3A_153] {strides = array<i32>} : memref<2000xi32, #tpu.memory_space<vmem>>, vector<16xi32>,
        %add3A_155 = arith.constant 16 : i32
        %add3A_156 = arith.addi %mul3A_149, %add3A_155 : i32
        %get3A_157 = arith.index_cast %add3A_156 : i32 to index
        %get3A_158 = tpu.vector_load %arg20[%get3A_157] {strides = array<i32>} : memref<2000xi32, #tpu.memory_space<vmem>>, vector<16xi32>,
        %get3A_159 = arith.index_cast %add3A_156 : i32 to index
        %get3A_160 = tpu.vector_load %arg21[%get3A_159] {strides = array<i32>} : memref<2000xi32, #tpu.memory_space<vmem>>, vector<16xi32>,
        %add3A_161 = arith.constant 32 : i32
        %add3A_162 = arith.addi %mul3A_149, %add3A_161 : i32
        %get3A_163 = arith.index_cast %add3A_162 : i32 to index
        %get3A_164 = tpu.vector_load %arg20[%get3A_163] {strides = array<i32>} : memref<2000xi32, #tpu.memory_space<vmem>>, vector<16xi32>,
        %get3A_165 = arith.index_cast %add3A_162 : i32 to index
        %get3A_166 = tpu.vector_load %arg21[%get3A_165] {strides = array<i32>} : memref<2000xi32, #tpu.memory_space<vmem>>, vector<16xi32>,
        %add3A_167 = arith.constant 48 : i32
        %add3A_168 = arith.addi %mul3A_149, %add3A_167 : i32
        %get3A_169 = arith.index_cast %add3A_168 : i32 to index
        %get3A_170 = tpu.vector_load %arg20[%get3A_169] {strides = array<i32>} : memref<2000xi32, #tpu.memory_space<vmem>>, vector<16xi32>,
        %get3A_171 = arith.index_cast %add3A_168 : i32 to index
        %get3A_172 = tpu.vector_load %arg21[%get3A_171] {strides = array<i32>} : memref<2000xi32, #tpu.memory_space<vmem>>, vector<16xi32>,
        %add3A_173 = arith.constant 64 : i32
        %add3A_174 = arith.addi %mul3A_149, %add3A_173 : i32
        %get3A_175 = arith.index_cast %add3A_174 : i32 to index
        %get3A_176 = tpu.vector_load %arg20[%get3A_175] {strides = array<i32>} : memref<2000xi32, #tpu.memory_space<vmem>>, vector<16xi32>,
        %get3A_177 = arith.index_cast %add3A_174 : i32 to index
        %get3A_178 = tpu.vector_load %arg21[%get3A_177] {strides = array<i32>} : memref<2000xi32, #tpu.memory_space<vmem>>, vector<16xi32>,
        %gather3A = tpu.vector_load_idx %arg15[%get3A_152] : memref<10000xf32, #tpu.memory_space<vmem>>[vector<16xi32>], vector<16xf32>,
        %gather3A_179 = tpu.vector_load_idx %arg16[%get3A_152] : memref<10000xf32, #tpu.memory_space<vmem>>[vector<16xi32>], vector<16xf32>,
        %gather3A_180 = tpu.vector_load_idx %arg15[%get3A_158] : memref<10000xf32, #tpu.memory_space<vmem>>[vector<16xi32>], vector<16xf32>,
        %gather3A_181 = tpu.vector_load_idx %arg16[%get3A_158] : memref<10000xf32, #tpu.memory_space<vmem>>[vector<16xi32>], vector<16xf32>,
        %gather3A_182 = tpu.vector_load_idx %arg15[%get3A_164] : memref<10000xf32, #tpu.memory_space<vmem>>[vector<16xi32>], vector<16xf32>,
        %gather3A_183 = tpu.vector_load_idx %arg16[%get3A_164] : memref<10000xf32, #tpu.memory_space<vmem>>[vector<16xi32>], vector<16xf32>,
        %gather3A_184 = tpu.vector_load_idx %arg15[%get3A_170] : memref<10000xf32, #tpu.memory_space<vmem>>[vector<16xi32>], vector<16xf32>,
        %gather3A_185 = tpu.vector_load_idx %arg16[%get3A_170] : memref<10000xf32, #tpu.memory_space<vmem>>[vector<16xi32>], vector<16xf32>,
        %gather3A_186 = tpu.vector_load_idx %arg15[%get3A_176] : memref<10000xf32, #tpu.memory_space<vmem>>[vector<16xi32>], vector<16xf32>,
        %gather3A_187 = tpu.vector_load_idx %arg16[%get3A_176] : memref<10000xf32, #tpu.memory_space<vmem>>[vector<16xi32>], vector<16xf32>,
        %broadcast_in_dim3A = arith.constant true
        %broadcast_in_dim3A_188 = vector.broadcast %broadcast_in_dim3A : i1 to vector<16xi1>
        %unique3A, %unique3A_189 = tpu.scan_count mask(%broadcast_in_dim3A_188 : vector<16xi1>) value(%get3A_154 : vector<16xi32>) : vector<16xi1>, vector<16xi32>
        %gather3A_190 = tpu.vector_load_idx %arg11[%get3A_154] : memref<10000xf32, #tpu.memory_space<vmem>>[vector<16xi32>], vector<16xf32>,
        %gather3A_191 = tpu.vector_load_idx %arg13[%get3A_154] : memref<10000xf32, #tpu.memory_space<vmem>>[vector<16xi32>], vector<16xf32>,
        %gather3A_192 = tpu.vector_load_idx %arg12[%get3A_154] : memref<10000xf32, #tpu.memory_space<vmem>>[vector<16xi32>], vector<16xf32>,
        %gather3A_193 = tpu.vector_load_idx %arg14[%get3A_154] : memref<10000xf32, #tpu.memory_space<vmem>>[vector<16xi32>], vector<16xf32>,
        tpu.vector_store_idx %arg7[%get3A_154], %gather3A {add = true} : memref<10000xf32, #tpu.memory_space<vmem>>[vector<16xi32>], vector<16xf32>,
        %mul3A_194 = arith.mulf %gather3A, %gather3A : vector<16xf32>
        tpu.vector_store_idx %arg9[%get3A_154], %mul3A_194 {add = true} : memref<10000xf32, #tpu.memory_space<vmem>>[vector<16xi32>], vector<16xf32>,
        tpu.vector_store_idx %arg8[%get3A_154], %gather3A_179 {add = true} : memref<10000xf32, #tpu.memory_space<vmem>>[vector<16xi32>], vector<16xf32>,
        %mul3A_195 = arith.mulf %gather3A_179, %gather3A_179 : vector<16xf32>
        tpu.vector_store_idx %arg10[%get3A_154], %mul3A_195 {add = true} : memref<10000xf32, #tpu.memory_space<vmem>>[vector<16xi32>], vector<16xf32>,
        %gt3A = arith.cmpf ogt, %gather3A, %gather3A_190 : vector<16xf32>
        tpu.vector_store_idx %arg11[%get3A_154], %gather3A masked %gt3A : memref<10000xf32, #tpu.memory_space<vmem>>[vector<16xi32>], vector<16xf32>, vector<16xi1>
        %lt3A_196 = arith.cmpf olt, %gather3A, %gather3A_191 : vector<16xf32>
        tpu.vector_store_idx %arg13[%get3A_154], %gather3A masked %lt3A_196 : memref<10000xf32, #tpu.memory_space<vmem>>[vector<16xi32>], vector<16xf32>, vector<16xi1>
        %gt3A_197 = arith.cmpf ogt, %gather3A_179, %gather3A_192 : vector<16xf32>
        tpu.vector_store_idx %arg12[%get3A_154], %gather3A_179 masked %gt3A_197 : memref<10000xf32, #tpu.memory_space<vmem>>[vector<16xi32>], vector<16xf32>, vector<16xi1>
        %lt3A_198 = arith.cmpf olt, %gather3A_179, %gather3A_193 : vector<16xf32>
        tpu.vector_store_idx %arg14[%get3A_154], %gather3A_179 masked %lt3A_198 : memref<10000xf32, #tpu.memory_space<vmem>>[vector<16xi32>], vector<16xf32>, vector<16xi1>
        %all_reduce_population_count3A = tpu.all_reduce %unique3A {dim = 0 : i64, kind = #tpu.reduction_kind<sum>} : vector<16xi1> -> vector<16xi32>
        %slice3A = vector.extract_strided_slice %all_reduce_population_count3A {offsets = [0], sizes = [1], strides = [1]} : vector<16xi32> to vector<1xi32>
        %squeeze3A = vector.extract %slice3A[0] : i32 from vector<1xi32>
        %broadcast_in_dim3A_199 = arith.constant true
        %broadcast_in_dim3A_200 = vector.broadcast %broadcast_in_dim3A_199 : i1 to vector<16xi1>
        %unique3A_201, %unique3A_202 = tpu.scan_count mask(%broadcast_in_dim3A_200 : vector<16xi1>) value(%get3A_160 : vector<16xi32>) : vector<16xi1>, vector<16xi32>
        %gather3A_203 = tpu.vector_load_idx %arg11[%get3A_160] : memref<10000xf32, #tpu.memory_space<vmem>>[vector<16xi32>], vector<16xf32>,
        %gather3A_204 = tpu.vector_load_idx %arg13[%get3A_160] : memref<10000xf32, #tpu.memory_space<vmem>>[vector<16xi32>], vector<16xf32>,
        %gather3A_205 = tpu.vector_load_idx %arg12[%get3A_160] : memref<10000xf32, #tpu.memory_space<vmem>>[vector<16xi32>], vector<16xf32>,
        %gather3A_206 = tpu.vector_load_idx %arg14[%get3A_160] : memref<10000xf32, #tpu.memory_space<vmem>>[vector<16xi32>], vector<16xf32>,
        tpu.vector_store_idx %arg7[%get3A_160], %gather3A_180 {add = true} : memref<10000xf32, #tpu.memory_space<vmem>>[vector<16xi32>], vector<16xf32>,
        %mul3A_207 = arith.mulf %gather3A_180, %gather3A_180 : vector<16xf32>
        tpu.vector_store_idx %arg9[%get3A_160], %mul3A_207 {add = true} : memref<10000xf32, #tpu.memory_space<vmem>>[vector<16xi32>], vector<16xf32>,
        tpu.vector_store_idx %arg8[%get3A_160], %gather3A_181 {add = true} : memref<10000xf32, #tpu.memory_space<vmem>>[vector<16xi32>], vector<16xf32>,
        %mul3A_208 = arith.mulf %gather3A_181, %gather3A_181 : vector<16xf32>
        tpu.vector_store_idx %arg10[%get3A_160], %mul3A_208 {add = true} : memref<10000xf32, #tpu.memory_space<vmem>>[vector<16xi32>], vector<16xf32>,
        %gt3A_209 = arith.cmpf ogt, %gather3A_180, %gather3A_203 : vector<16xf32>
        tpu.vector_store_idx %arg11[%get3A_160], %gather3A_180 masked %gt3A_209 : memref<10000xf32, #tpu.memory_space<vmem>>[vector<16xi32>], vector<16xf32>, vector<16xi1>
        %lt3A_210 = arith.cmpf olt, %gather3A_180, %gather3A_204 : vector<16xf32>
        tpu.vector_store_idx %arg13[%get3A_160], %gather3A_180 masked %lt3A_210 : memref<10000xf32, #tpu.memory_space<vmem>>[vector<16xi32>], vector<16xf32>, vector<16xi1>
        %gt3A_211 = arith.cmpf ogt, %gather3A_181, %gather3A_205 : vector<16xf32>
        tpu.vector_store_idx %arg12[%get3A_160], %gather3A_181 masked %gt3A_211 : memref<10000xf32, #tpu.memory_space<vmem>>[vector<16xi32>], vector<16xf32>, vector<16xi1>
        %lt3A_212 = arith.cmpf olt, %gather3A_181, %gather3A_206 : vector<16xf32>
        tpu.vector_store_idx %arg14[%get3A_160], %gather3A_181 masked %lt3A_212 : memref<10000xf32, #tpu.memory_space<vmem>>[vector<16xi32>], vector<16xf32>, vector<16xi1>
        %all_reduce_population_count3A_213 = tpu.all_reduce %unique3A_201 {dim = 0 : i64, kind = #tpu.reduction_kind<sum>} : vector<16xi1> -> vector<16xi32>
        %slice3A_214 = vector.extract_strided_slice %all_reduce_population_count3A_213 {offsets = [0], sizes = [1], strides = [1]} : vector<16xi32> to vector<1xi32>
        %squeeze3A_215 = vector.extract %slice3A_214[0] : i32 from vector<1xi32>
        %broadcast_in_dim3A_216 = arith.constant true
        %broadcast_in_dim3A_217 = vector.broadcast %broadcast_in_dim3A_216 : i1 to vector<16xi1>
        %unique3A_218, %unique3A_219 = tpu.scan_count mask(%broadcast_in_dim3A_217 : vector<16xi1>) value(%get3A_166 : vector<16xi32>) : vector<16xi1>, vector<16xi32>
        %gather3A_220 = tpu.vector_load_idx %arg11[%get3A_166] : memref<10000xf32, #tpu.memory_space<vmem>>[vector<16xi32>], vector<16xf32>,
        %gather3A_221 = tpu.vector_load_idx %arg13[%get3A_166] : memref<10000xf32, #tpu.memory_space<vmem>>[vector<16xi32>], vector<16xf32>,
        %gather3A_222 = tpu.vector_load_idx %arg12[%get3A_166] : memref<10000xf32, #tpu.memory_space<vmem>>[vector<16xi32>], vector<16xf32>,
        %gather3A_223 = tpu.vector_load_idx %arg14[%get3A_166] : memref<10000xf32, #tpu.memory_space<vmem>>[vector<16xi32>], vector<16xf32>,
        tpu.vector_store_idx %arg7[%get3A_166], %gather3A_182 {add = true} : memref<10000xf32, #tpu.memory_space<vmem>>[vector<16xi32>], vector<16xf32>,
        %mul3A_224 = arith.mulf %gather3A_182, %gather3A_182 : vector<16xf32>
        tpu.vector_store_idx %arg9[%get3A_166], %mul3A_224 {add = true} : memref<10000xf32, #tpu.memory_space<vmem>>[vector<16xi32>], vector<16xf32>,
        tpu.vector_store_idx %arg8[%get3A_166], %gather3A_183 {add = true} : memref<10000xf32, #tpu.memory_space<vmem>>[vector<16xi32>], vector<16xf32>,
        %mul3A_225 = arith.mulf %gather3A_183, %gather3A_183 : vector<16xf32>
        tpu.vector_store_idx %arg10[%get3A_166], %mul3A_225 {add = true} : memref<10000xf32, #tpu.memory_space<vmem>>[vector<16xi32>], vector<16xf32>,
        %gt3A_226 = arith.cmpf ogt, %gather3A_182, %gather3A_220 : vector<16xf32>
        tpu.vector_store_idx %arg11[%get3A_166], %gather3A_182 masked %gt3A_226 : memref<10000xf32, #tpu.memory_space<vmem>>[vector<16xi32>], vector<16xf32>, vector<16xi1>
        %lt3A_227 = arith.cmpf olt, %gather3A_182, %gather3A_221 : vector<16xf32>
        tpu.vector_store_idx %arg13[%get3A_166], %gather3A_182 masked %lt3A_227 : memref<10000xf32, #tpu.memory_space<vmem>>[vector<16xi32>], vector<16xf32>, vector<16xi1>
        %gt3A_228 = arith.cmpf ogt, %gather3A_183, %gather3A_222 : vector<16xf32>
        tpu.vector_store_idx %arg12[%get3A_166], %gather3A_183 masked %gt3A_228 : memref<10000xf32, #tpu.memory_space<vmem>>[vector<16xi32>], vector<16xf32>, vector<16xi1>
        %lt3A_229 = arith.cmpf olt, %gather3A_183, %gather3A_223 : vector<16xf32>
        tpu.vector_store_idx %arg14[%get3A_166], %gather3A_183 masked %lt3A_229 : memref<10000xf32, #tpu.memory_space<vmem>>[vector<16xi32>], vector<16xf32>, vector<16xi1>
        %all_reduce_population_count3A_230 = tpu.all_reduce %unique3A_218 {dim = 0 : i64, kind = #tpu.reduction_kind<sum>} : vector<16xi1> -> vector<16xi32>
        %slice3A_231 = vector.extract_strided_slice %all_reduce_population_count3A_230 {offsets = [0], sizes = [1], strides = [1]} : vector<16xi32> to vector<1xi32>
        %squeeze3A_232 = vector.extract %slice3A_231[0] : i32 from vector<1xi32>
        %broadcast_in_dim3A_233 = arith.constant true
        %broadcast_in_dim3A_234 = vector.broadcast %broadcast_in_dim3A_233 : i1 to vector<16xi1>
        %unique3A_235, %unique3A_236 = tpu.scan_count mask(%broadcast_in_dim3A_234 : vector<16xi1>) value(%get3A_172 : vector<16xi32>) : vector<16xi1>, vector<16xi32>
        %gather3A_237 = tpu.vector_load_idx %arg11[%get3A_172] : memref<10000xf32, #tpu.memory_space<vmem>>[vector<16xi32>], vector<16xf32>,
        %gather3A_238 = tpu.vector_load_idx %arg13[%get3A_172] : memref<10000xf32, #tpu.memory_space<vmem>>[vector<16xi32>], vector<16xf32>,
        %gather3A_239 = tpu.vector_load_idx %arg12[%get3A_172] : memref<10000xf32, #tpu.memory_space<vmem>>[vector<16xi32>], vector<16xf32>,
        %gather3A_240 = tpu.vector_load_idx %arg14[%get3A_172] : memref<10000xf32, #tpu.memory_space<vmem>>[vector<16xi32>], vector<16xf32>,
        tpu.vector_store_idx %arg7[%get3A_172], %gather3A_184 {add = true} : memref<10000xf32, #tpu.memory_space<vmem>>[vector<16xi32>], vector<16xf32>,
        %mul3A_241 = arith.mulf %gather3A_184, %gather3A_184 : vector<16xf32>
        tpu.vector_store_idx %arg9[%get3A_172], %mul3A_241 {add = true} : memref<10000xf32, #tpu.memory_space<vmem>>[vector<16xi32>], vector<16xf32>,
        tpu.vector_store_idx %arg8[%get3A_172], %gather3A_185 {add = true} : memref<10000xf32, #tpu.memory_space<vmem>>[vector<16xi32>], vector<16xf32>,
        %mul3A_242 = arith.mulf %gather3A_185, %gather3A_185 : vector<16xf32>
        tpu.vector_store_idx %arg10[%get3A_172], %mul3A_242 {add = true} : memref<10000xf32, #tpu.memory_space<vmem>>[vector<16xi32>], vector<16xf32>,
        %gt3A_243 = arith.cmpf ogt, %gather3A_184, %gather3A_237 : vector<16xf32>
        tpu.vector_store_idx %arg11[%get3A_172], %gather3A_184 masked %gt3A_243 : memref<10000xf32, #tpu.memory_space<vmem>>[vector<16xi32>], vector<16xf32>, vector<16xi1>
        %lt3A_244 = arith.cmpf olt, %gather3A_184, %gather3A_238 : vector<16xf32>
        tpu.vector_store_idx %arg13[%get3A_172], %gather3A_184 masked %lt3A_244 : memref<10000xf32, #tpu.memory_space<vmem>>[vector<16xi32>], vector<16xf32>, vector<16xi1>
        %gt3A_245 = arith.cmpf ogt, %gather3A_185, %gather3A_239 : vector<16xf32>
        tpu.vector_store_idx %arg12[%get3A_172], %gather3A_185 masked %gt3A_245 : memref<10000xf32, #tpu.memory_space<vmem>>[vector<16xi32>], vector<16xf32>, vector<16xi1>
        %lt3A_246 = arith.cmpf olt, %gather3A_185, %gather3A_240 : vector<16xf32>
        tpu.vector_store_idx %arg14[%get3A_172], %gather3A_185 masked %lt3A_246 : memref<10000xf32, #tpu.memory_space<vmem>>[vector<16xi32>], vector<16xf32>, vector<16xi1>
        %all_reduce_population_count3A_247 = tpu.all_reduce %unique3A_235 {dim = 0 : i64, kind = #tpu.reduction_kind<sum>} : vector<16xi1> -> vector<16xi32>
        %slice3A_248 = vector.extract_strided_slice %all_reduce_population_count3A_247 {offsets = [0], sizes = [1], strides = [1]} : vector<16xi32> to vector<1xi32>
        %squeeze3A_249 = vector.extract %slice3A_248[0] : i32 from vector<1xi32>
        %broadcast_in_dim3A_250 = arith.constant true
        %broadcast_in_dim3A_251 = vector.broadcast %broadcast_in_dim3A_250 : i1 to vector<16xi1>
        %unique3A_252, %unique3A_253 = tpu.scan_count mask(%broadcast_in_dim3A_251 : vector<16xi1>) value(%get3A_178 : vector<16xi32>) : vector<16xi1>, vector<16xi32>
        %gather3A_254 = tpu.vector_load_idx %arg11[%get3A_178] : memref<10000xf32, #tpu.memory_space<vmem>>[vector<16xi32>], vector<16xf32>,
        %gather3A_255 = tpu.vector_load_idx %arg13[%get3A_178] : memref<10000xf32, #tpu.memory_space<vmem>>[vector<16xi32>], vector<16xf32>,
        %gather3A_256 = tpu.vector_load_idx %arg12[%get3A_178] : memref<10000xf32, #tpu.memory_space<vmem>>[vector<16xi32>], vector<16xf32>,
        %gather3A_257 = tpu.vector_load_idx %arg14[%get3A_178] : memref<10000xf32, #tpu.memory_space<vmem>>[vector<16xi32>], vector<16xf32>,
        tpu.vector_store_idx %arg7[%get3A_178], %gather3A_186 {add = true} : memref<10000xf32, #tpu.memory_space<vmem>>[vector<16xi32>], vector<16xf32>,
        %mul3A_258 = arith.mulf %gather3A_186, %gather3A_186 : vector<16xf32>
        tpu.vector_store_idx %arg9[%get3A_178], %mul3A_258 {add = true} : memref<10000xf32, #tpu.memory_space<vmem>>[vector<16xi32>], vector<16xf32>,
        tpu.vector_store_idx %arg8[%get3A_178], %gather3A_187 {add = true} : memref<10000xf32, #tpu.memory_space<vmem>>[vector<16xi32>], vector<16xf32>,
        %mul3A_259 = arith.mulf %gather3A_187, %gather3A_187 : vector<16xf32>
        tpu.vector_store_idx %arg10[%get3A_178], %mul3A_259 {add = true} : memref<10000xf32, #tpu.memory_space<vmem>>[vector<16xi32>], vector<16xf32>,
        %gt3A_260 = arith.cmpf ogt, %gather3A_186, %gather3A_254 : vector<16xf32>
        tpu.vector_store_idx %arg11[%get3A_178], %gather3A_186 masked %gt3A_260 : memref<10000xf32, #tpu.memory_space<vmem>>[vector<16xi32>], vector<16xf32>, vector<16xi1>
        %lt3A_261 = arith.cmpf olt, %gather3A_186, %gather3A_255 : vector<16xf32>
        tpu.vector_store_idx %arg13[%get3A_178], %gather3A_186 masked %lt3A_261 : memref<10000xf32, #tpu.memory_space<vmem>>[vector<16xi32>], vector<16xf32>, vector<16xi1>
        %gt3A_262 = arith.cmpf ogt, %gather3A_187, %gather3A_256 : vector<16xf32>
        tpu.vector_store_idx %arg12[%get3A_178], %gather3A_187 masked %gt3A_262 : memref<10000xf32, #tpu.memory_space<vmem>>[vector<16xi32>], vector<16xf32>, vector<16xi1>
        %lt3A_263 = arith.cmpf olt, %gather3A_187, %gather3A_257 : vector<16xf32>
        tpu.vector_store_idx %arg14[%get3A_178], %gather3A_187 masked %lt3A_263 : memref<10000xf32, #tpu.memory_space<vmem>>[vector<16xi32>], vector<16xf32>, vector<16xi1>
        %all_reduce_population_count3A_264 = tpu.all_reduce %unique3A_252 {dim = 0 : i64, kind = #tpu.reduction_kind<sum>} : vector<16xi1> -> vector<16xi32>
        %slice3A_265 = vector.extract_strided_slice %all_reduce_population_count3A_264 {offsets = [0], sizes = [1], strides = [1]} : vector<16xi32> to vector<1xi32>
        %squeeze3A_266 = vector.extract %slice3A_265[0] : i32 from vector<1xi32>
        %lt3A_267 = arith.constant 16 : i32
        %lt3A_268 = arith.cmpi slt, %squeeze3A, %lt3A_267 : i32
        %lt3A_269 = arith.constant 16 : i32
        %lt3A_270 = arith.cmpi slt, %squeeze3A_215, %lt3A_269 : i32
        %or3A = arith.ori %lt3A_268, %lt3A_270 : i1
        %lt3A_271 = arith.constant 16 : i32
        %lt3A_272 = arith.cmpi slt, %squeeze3A_232, %lt3A_271 : i32
        %or3A_273 = arith.ori %or3A, %lt3A_272 : i1
        %lt3A_274 = arith.constant 16 : i32
        %lt3A_275 = arith.cmpi slt, %squeeze3A_249, %lt3A_274 : i32
        %or3A_276 = arith.ori %or3A_273, %lt3A_275 : i1
        %lt3A_277 = arith.constant 16 : i32
        %lt3A_278 = arith.cmpi slt, %squeeze3A_266, %lt3A_277 : i32
        %or3A_279 = arith.ori %or3A_276, %lt3A_278 : i1
        %convert_element_type3A_280 = arith.extui %or3A_279 : i1 to i32
        %cond3A_281 = arith.constant 0 : i32
        %cond3A_282 = arith.cmpi ne, %convert_element_type3A_280, %cond3A_281 : i32
        scf.if %cond3A_282 {
          %broadcast_in_dim3A_283 = arith.constant true
          %broadcast_in_dim3A_284 = vector.broadcast %broadcast_in_dim3A_283 : i1 to vector<16xi1>
          %while3A = scf.while (%while3A_342 = %broadcast_in_dim3A_284) : (vector<16xi1>) -> vector<16xi1> {
            %all_reduce_population_count3A_343 = tpu.all_reduce %while3A_342 {dim = 0 : i64, kind = #tpu.reduction_kind<sum>} : vector<16xi1> -> vector<16xi32>
            %slice3A_344 = vector.extract_strided_slice %all_reduce_population_count3A_343 {offsets = [0], sizes = [1], strides = [1]} : vector<16xi32> to vector<1xi32>
            %squeeze3A_345 = vector.extract %slice3A_344[0] : i32 from vector<1xi32>
            %gt3A_346 = arith.constant 0 : i32
            %gt3A_347 = arith.cmpi sgt, %squeeze3A_345, %gt3A_346 : i32
            scf.condition(%gt3A_347) %while3A_342 : vector<16xi1>
          } do {
          ^bb0(%while3A_342: vector<16xi1>):
            %gather3A_343 = tpu.vector_load_idx %arg11[%get3A_154] : memref<10000xf32, #tpu.memory_space<vmem>>[vector<16xi32>], vector<16xf32>,
            %max3A = arith.maximumf %gather3A_343, %gather3A : vector<16xf32>
            tpu.vector_store_idx %arg11[%get3A_154], %max3A masked %while3A_342 : memref<10000xf32, #tpu.memory_space<vmem>>[vector<16xi32>], vector<16xf32>, vector<16xi1>
            %gather3A_344 = tpu.vector_load_idx %arg11[%get3A_154] : memref<10000xf32, #tpu.memory_space<vmem>>[vector<16xi32>], vector<16xf32>,
            %lt3A_345 = arith.cmpf olt, %gather3A_344, %gather3A : vector<16xf32>
            %and3A = arith.andi %while3A_342, %lt3A_345 : vector<16xi1>
            scf.yield %and3A : vector<16xi1>
          }
          %broadcast_in_dim3A_285 = arith.constant true
          %broadcast_in_dim3A_286 = vector.broadcast %broadcast_in_dim3A_285 : i1 to vector<16xi1>
          %while3A_287 = scf.while (%while3A_342 = %broadcast_in_dim3A_286) : (vector<16xi1>) -> vector<16xi1> {
            %all_reduce_population_count3A_343 = tpu.all_reduce %while3A_342 {dim = 0 : i64, kind = #tpu.reduction_kind<sum>} : vector<16xi1> -> vector<16xi32>
            %slice3A_344 = vector.extract_strided_slice %all_reduce_population_count3A_343 {offsets = [0], sizes = [1], strides = [1]} : vector<16xi32> to vector<1xi32>
            %squeeze3A_345 = vector.extract %slice3A_344[0] : i32 from vector<1xi32>
            %gt3A_346 = arith.constant 0 : i32
            %gt3A_347 = arith.cmpi sgt, %squeeze3A_345, %gt3A_346 : i32
            scf.condition(%gt3A_347) %while3A_342 : vector<16xi1>
          } do {
          ^bb0(%while3A_342: vector<16xi1>):
            %gather3A_343 = tpu.vector_load_idx %arg13[%get3A_154] : memref<10000xf32, #tpu.memory_space<vmem>>[vector<16xi32>], vector<16xf32>,
            %min3A = arith.minimumf %gather3A_343, %gather3A : vector<16xf32>
            tpu.vector_store_idx %arg13[%get3A_154], %min3A masked %while3A_342 : memref<10000xf32, #tpu.memory_space<vmem>>[vector<16xi32>], vector<16xf32>, vector<16xi1>
            %gather3A_344 = tpu.vector_load_idx %arg13[%get3A_154] : memref<10000xf32, #tpu.memory_space<vmem>>[vector<16xi32>], vector<16xf32>,
            %gt3A_345 = arith.cmpf ogt, %gather3A_344, %gather3A : vector<16xf32>
            %and3A = arith.andi %while3A_342, %gt3A_345 : vector<16xi1>
            scf.yield %and3A : vector<16xi1>
          }
          %broadcast_in_dim3A_288 = arith.constant true
          %broadcast_in_dim3A_289 = vector.broadcast %broadcast_in_dim3A_288 : i1 to vector<16xi1>
          %while3A_290 = scf.while (%while3A_342 = %broadcast_in_dim3A_289) : (vector<16xi1>) -> vector<16xi1> {
            %all_reduce_population_count3A_343 = tpu.all_reduce %while3A_342 {dim = 0 : i64, kind = #tpu.reduction_kind<sum>} : vector<16xi1> -> vector<16xi32>
            %slice3A_344 = vector.extract_strided_slice %all_reduce_population_count3A_343 {offsets = [0], sizes = [1], strides = [1]} : vector<16xi32> to vector<1xi32>
            %squeeze3A_345 = vector.extract %slice3A_344[0] : i32 from vector<1xi32>
            %gt3A_346 = arith.constant 0 : i32
            %gt3A_347 = arith.cmpi sgt, %squeeze3A_345, %gt3A_346 : i32
            scf.condition(%gt3A_347) %while3A_342 : vector<16xi1>
          } do {
          ^bb0(%while3A_342: vector<16xi1>):
            %gather3A_343 = tpu.vector_load_idx %arg12[%get3A_154] : memref<10000xf32, #tpu.memory_space<vmem>>[vector<16xi32>], vector<16xf32>,
            %max3A = arith.maximumf %gather3A_343, %gather3A_179 : vector<16xf32>
            tpu.vector_store_idx %arg12[%get3A_154], %max3A masked %while3A_342 : memref<10000xf32, #tpu.memory_space<vmem>>[vector<16xi32>], vector<16xf32>, vector<16xi1>
            %gather3A_344 = tpu.vector_load_idx %arg12[%get3A_154] : memref<10000xf32, #tpu.memory_space<vmem>>[vector<16xi32>], vector<16xf32>,
            %lt3A_345 = arith.cmpf olt, %gather3A_344, %gather3A_179 : vector<16xf32>
            %and3A = arith.andi %while3A_342, %lt3A_345 : vector<16xi1>
            scf.yield %and3A : vector<16xi1>
          }
          %broadcast_in_dim3A_291 = arith.constant true
          %broadcast_in_dim3A_292 = vector.broadcast %broadcast_in_dim3A_291 : i1 to vector<16xi1>
          %while3A_293 = scf.while (%while3A_342 = %broadcast_in_dim3A_292) : (vector<16xi1>) -> vector<16xi1> {
            %all_reduce_population_count3A_343 = tpu.all_reduce %while3A_342 {dim = 0 : i64, kind = #tpu.reduction_kind<sum>} : vector<16xi1> -> vector<16xi32>
            %slice3A_344 = vector.extract_strided_slice %all_reduce_population_count3A_343 {offsets = [0], sizes = [1], strides = [1]} : vector<16xi32> to vector<1xi32>
            %squeeze3A_345 = vector.extract %slice3A_344[0] : i32 from vector<1xi32>
            %gt3A_346 = arith.constant 0 : i32
            %gt3A_347 = arith.cmpi sgt, %squeeze3A_345, %gt3A_346 : i32
            scf.condition(%gt3A_347) %while3A_342 : vector<16xi1>
          } do {
          ^bb0(%while3A_342: vector<16xi1>):
            %gather3A_343 = tpu.vector_load_idx %arg14[%get3A_154] : memref<10000xf32, #tpu.memory_space<vmem>>[vector<16xi32>], vector<16xf32>,
            %min3A = arith.minimumf %gather3A_343, %gather3A_179 : vector<16xf32>
            tpu.vector_store_idx %arg14[%get3A_154], %min3A masked %while3A_342 : memref<10000xf32, #tpu.memory_space<vmem>>[vector<16xi32>], vector<16xf32>, vector<16xi1>
            %gather3A_344 = tpu.vector_load_idx %arg14[%get3A_154] : memref<10000xf32, #tpu.memory_space<vmem>>[vector<16xi32>], vector<16xf32>,
            %gt3A_345 = arith.cmpf ogt, %gather3A_344, %gather3A_179 : vector<16xf32>
            %and3A = arith.andi %while3A_342, %gt3A_345 : vector<16xi1>
            scf.yield %and3A : vector<16xi1>
          }
          %broadcast_in_dim3A_294 = arith.constant true
          %broadcast_in_dim3A_295 = vector.broadcast %broadcast_in_dim3A_294 : i1 to vector<16xi1>
          %while3A_296 = scf.while (%while3A_342 = %broadcast_in_dim3A_295) : (vector<16xi1>) -> vector<16xi1> {
            %all_reduce_population_count3A_343 = tpu.all_reduce %while3A_342 {dim = 0 : i64, kind = #tpu.reduction_kind<sum>} : vector<16xi1> -> vector<16xi32>
            %slice3A_344 = vector.extract_strided_slice %all_reduce_population_count3A_343 {offsets = [0], sizes = [1], strides = [1]} : vector<16xi32> to vector<1xi32>
            %squeeze3A_345 = vector.extract %slice3A_344[0] : i32 from vector<1xi32>
            %gt3A_346 = arith.constant 0 : i32
            %gt3A_347 = arith.cmpi sgt, %squeeze3A_345, %gt3A_346 : i32
            scf.condition(%gt3A_347) %while3A_342 : vector<16xi1>
          } do {
          ^bb0(%while3A_342: vector<16xi1>):
            %gather3A_343 = tpu.vector_load_idx %arg11[%get3A_160] : memref<10000xf32, #tpu.memory_space<vmem>>[vector<16xi32>], vector<16xf32>,
            %max3A = arith.maximumf %gather3A_343, %gather3A_180 : vector<16xf32>
            tpu.vector_store_idx %arg11[%get3A_160], %max3A masked %while3A_342 : memref<10000xf32, #tpu.memory_space<vmem>>[vector<16xi32>], vector<16xf32>, vector<16xi1>
            %gather3A_344 = tpu.vector_load_idx %arg11[%get3A_160] : memref<10000xf32, #tpu.memory_space<vmem>>[vector<16xi32>], vector<16xf32>,
            %lt3A_345 = arith.cmpf olt, %gather3A_344, %gather3A_180 : vector<16xf32>
            %and3A = arith.andi %while3A_342, %lt3A_345 : vector<16xi1>
            scf.yield %and3A : vector<16xi1>
          }
          %broadcast_in_dim3A_297 = arith.constant true
          %broadcast_in_dim3A_298 = vector.broadcast %broadcast_in_dim3A_297 : i1 to vector<16xi1>
          %while3A_299 = scf.while (%while3A_342 = %broadcast_in_dim3A_298) : (vector<16xi1>) -> vector<16xi1> {
            %all_reduce_population_count3A_343 = tpu.all_reduce %while3A_342 {dim = 0 : i64, kind = #tpu.reduction_kind<sum>} : vector<16xi1> -> vector<16xi32>
            %slice3A_344 = vector.extract_strided_slice %all_reduce_population_count3A_343 {offsets = [0], sizes = [1], strides = [1]} : vector<16xi32> to vector<1xi32>
            %squeeze3A_345 = vector.extract %slice3A_344[0] : i32 from vector<1xi32>
            %gt3A_346 = arith.constant 0 : i32
            %gt3A_347 = arith.cmpi sgt, %squeeze3A_345, %gt3A_346 : i32
            scf.condition(%gt3A_347) %while3A_342 : vector<16xi1>
          } do {
          ^bb0(%while3A_342: vector<16xi1>):
            %gather3A_343 = tpu.vector_load_idx %arg13[%get3A_160] : memref<10000xf32, #tpu.memory_space<vmem>>[vector<16xi32>], vector<16xf32>,
            %min3A = arith.minimumf %gather3A_343, %gather3A_180 : vector<16xf32>
            tpu.vector_store_idx %arg13[%get3A_160], %min3A masked %while3A_342 : memref<10000xf32, #tpu.memory_space<vmem>>[vector<16xi32>], vector<16xf32>, vector<16xi1>
            %gather3A_344 = tpu.vector_load_idx %arg13[%get3A_160] : memref<10000xf32, #tpu.memory_space<vmem>>[vector<16xi32>], vector<16xf32>,
            %gt3A_345 = arith.cmpf ogt, %gather3A_344, %gather3A_180 : vector<16xf32>
            %and3A = arith.andi %while3A_342, %gt3A_345 : vector<16xi1>
            scf.yield %and3A : vector<16xi1>
          }
          %broadcast_in_dim3A_300 = arith.constant true
          %broadcast_in_dim3A_301 = vector.broadcast %broadcast_in_dim3A_300 : i1 to vector<16xi1>
          %while3A_302 = scf.while (%while3A_342 = %broadcast_in_dim3A_301) : (vector<16xi1>) -> vector<16xi1> {
            %all_reduce_population_count3A_343 = tpu.all_reduce %while3A_342 {dim = 0 : i64, kind = #tpu.reduction_kind<sum>} : vector<16xi1> -> vector<16xi32>
            %slice3A_344 = vector.extract_strided_slice %all_reduce_population_count3A_343 {offsets = [0], sizes = [1], strides = [1]} : vector<16xi32> to vector<1xi32>
            %squeeze3A_345 = vector.extract %slice3A_344[0] : i32 from vector<1xi32>
            %gt3A_346 = arith.constant 0 : i32
            %gt3A_347 = arith.cmpi sgt, %squeeze3A_345, %gt3A_346 : i32
            scf.condition(%gt3A_347) %while3A_342 : vector<16xi1>
          } do {
          ^bb0(%while3A_342: vector<16xi1>):
            %gather3A_343 = tpu.vector_load_idx %arg12[%get3A_160] : memref<10000xf32, #tpu.memory_space<vmem>>[vector<16xi32>], vector<16xf32>,
            %max3A = arith.maximumf %gather3A_343, %gather3A_181 : vector<16xf32>
            tpu.vector_store_idx %arg12[%get3A_160], %max3A masked %while3A_342 : memref<10000xf32, #tpu.memory_space<vmem>>[vector<16xi32>], vector<16xf32>, vector<16xi1>
            %gather3A_344 = tpu.vector_load_idx %arg12[%get3A_160] : memref<10000xf32, #tpu.memory_space<vmem>>[vector<16xi32>], vector<16xf32>,
            %lt3A_345 = arith.cmpf olt, %gather3A_344, %gather3A_181 : vector<16xf32>
            %and3A = arith.andi %while3A_342, %lt3A_345 : vector<16xi1>
            scf.yield %and3A : vector<16xi1>
          }
          %broadcast_in_dim3A_303 = arith.constant true
          %broadcast_in_dim3A_304 = vector.broadcast %broadcast_in_dim3A_303 : i1 to vector<16xi1>
          %while3A_305 = scf.while (%while3A_342 = %broadcast_in_dim3A_304) : (vector<16xi1>) -> vector<16xi1> {
            %all_reduce_population_count3A_343 = tpu.all_reduce %while3A_342 {dim = 0 : i64, kind = #tpu.reduction_kind<sum>} : vector<16xi1> -> vector<16xi32>
            %slice3A_344 = vector.extract_strided_slice %all_reduce_population_count3A_343 {offsets = [0], sizes = [1], strides = [1]} : vector<16xi32> to vector<1xi32>
            %squeeze3A_345 = vector.extract %slice3A_344[0] : i32 from vector<1xi32>
            %gt3A_346 = arith.constant 0 : i32
            %gt3A_347 = arith.cmpi sgt, %squeeze3A_345, %gt3A_346 : i32
            scf.condition(%gt3A_347) %while3A_342 : vector<16xi1>
          } do {
          ^bb0(%while3A_342: vector<16xi1>):
            %gather3A_343 = tpu.vector_load_idx %arg14[%get3A_160] : memref<10000xf32, #tpu.memory_space<vmem>>[vector<16xi32>], vector<16xf32>,
            %min3A = arith.minimumf %gather3A_343, %gather3A_181 : vector<16xf32>
            tpu.vector_store_idx %arg14[%get3A_160], %min3A masked %while3A_342 : memref<10000xf32, #tpu.memory_space<vmem>>[vector<16xi32>], vector<16xf32>, vector<16xi1>
            %gather3A_344 = tpu.vector_load_idx %arg14[%get3A_160] : memref<10000xf32, #tpu.memory_space<vmem>>[vector<16xi32>], vector<16xf32>,
            %gt3A_345 = arith.cmpf ogt, %gather3A_344, %gather3A_181 : vector<16xf32>
            %and3A = arith.andi %while3A_342, %gt3A_345 : vector<16xi1>
            scf.yield %and3A : vector<16xi1>
          }
          %broadcast_in_dim3A_306 = arith.constant true
          %broadcast_in_dim3A_307 = vector.broadcast %broadcast_in_dim3A_306 : i1 to vector<16xi1>
          %while3A_308 = scf.while (%while3A_342 = %broadcast_in_dim3A_307) : (vector<16xi1>) -> vector<16xi1> {
            %all_reduce_population_count3A_343 = tpu.all_reduce %while3A_342 {dim = 0 : i64, kind = #tpu.reduction_kind<sum>} : vector<16xi1> -> vector<16xi32>
            %slice3A_344 = vector.extract_strided_slice %all_reduce_population_count3A_343 {offsets = [0], sizes = [1], strides = [1]} : vector<16xi32> to vector<1xi32>
            %squeeze3A_345 = vector.extract %slice3A_344[0] : i32 from vector<1xi32>
            %gt3A_346 = arith.constant 0 : i32
            %gt3A_347 = arith.cmpi sgt, %squeeze3A_345, %gt3A_346 : i32
            scf.condition(%gt3A_347) %while3A_342 : vector<16xi1>
          } do {
          ^bb0(%while3A_342: vector<16xi1>):
            %gather3A_343 = tpu.vector_load_idx %arg11[%get3A_166] : memref<10000xf32, #tpu.memory_space<vmem>>[vector<16xi32>], vector<16xf32>,
            %max3A = arith.maximumf %gather3A_343, %gather3A_182 : vector<16xf32>
            tpu.vector_store_idx %arg11[%get3A_166], %max3A masked %while3A_342 : memref<10000xf32, #tpu.memory_space<vmem>>[vector<16xi32>], vector<16xf32>, vector<16xi1>
            %gather3A_344 = tpu.vector_load_idx %arg11[%get3A_166] : memref<10000xf32, #tpu.memory_space<vmem>>[vector<16xi32>], vector<16xf32>,
            %lt3A_345 = arith.cmpf olt, %gather3A_344, %gather3A_182 : vector<16xf32>
            %and3A = arith.andi %while3A_342, %lt3A_345 : vector<16xi1>
            scf.yield %and3A : vector<16xi1>
          }
          %broadcast_in_dim3A_309 = arith.constant true
          %broadcast_in_dim3A_310 = vector.broadcast %broadcast_in_dim3A_309 : i1 to vector<16xi1>
          %while3A_311 = scf.while (%while3A_342 = %broadcast_in_dim3A_310) : (vector<16xi1>) -> vector<16xi1> {
            %all_reduce_population_count3A_343 = tpu.all_reduce %while3A_342 {dim = 0 : i64, kind = #tpu.reduction_kind<sum>} : vector<16xi1> -> vector<16xi32>
            %slice3A_344 = vector.extract_strided_slice %all_reduce_population_count3A_343 {offsets = [0], sizes = [1], strides = [1]} : vector<16xi32> to vector<1xi32>
            %squeeze3A_345 = vector.extract %slice3A_344[0] : i32 from vector<1xi32>
            %gt3A_346 = arith.constant 0 : i32
            %gt3A_347 = arith.cmpi sgt, %squeeze3A_345, %gt3A_346 : i32
            scf.condition(%gt3A_347) %while3A_342 : vector<16xi1>
          } do {
          ^bb0(%while3A_342: vector<16xi1>):
            %gather3A_343 = tpu.vector_load_idx %arg13[%get3A_166] : memref<10000xf32, #tpu.memory_space<vmem>>[vector<16xi32>], vector<16xf32>,
            %min3A = arith.minimumf %gather3A_343, %gather3A_182 : vector<16xf32>
            tpu.vector_store_idx %arg13[%get3A_166], %min3A masked %while3A_342 : memref<10000xf32, #tpu.memory_space<vmem>>[vector<16xi32>], vector<16xf32>, vector<16xi1>
            %gather3A_344 = tpu.vector_load_idx %arg13[%get3A_166] : memref<10000xf32, #tpu.memory_space<vmem>>[vector<16xi32>], vector<16xf32>,
            %gt3A_345 = arith.cmpf ogt, %gather3A_344, %gather3A_182 : vector<16xf32>
            %and3A = arith.andi %while3A_342, %gt3A_345 : vector<16xi1>
            scf.yield %and3A : vector<16xi1>
          }
          %broadcast_in_dim3A_312 = arith.constant true
          %broadcast_in_dim3A_313 = vector.broadcast %broadcast_in_dim3A_312 : i1 to vector<16xi1>
          %while3A_314 = scf.while (%while3A_342 = %broadcast_in_dim3A_313) : (vector<16xi1>) -> vector<16xi1> {
            %all_reduce_population_count3A_343 = tpu.all_reduce %while3A_342 {dim = 0 : i64, kind = #tpu.reduction_kind<sum>} : vector<16xi1> -> vector<16xi32>
            %slice3A_344 = vector.extract_strided_slice %all_reduce_population_count3A_343 {offsets = [0], sizes = [1], strides = [1]} : vector<16xi32> to vector<1xi32>
            %squeeze3A_345 = vector.extract %slice3A_344[0] : i32 from vector<1xi32>
            %gt3A_346 = arith.constant 0 : i32
            %gt3A_347 = arith.cmpi sgt, %squeeze3A_345, %gt3A_346 : i32
            scf.condition(%gt3A_347) %while3A_342 : vector<16xi1>
          } do {
          ^bb0(%while3A_342: vector<16xi1>):
            %gather3A_343 = tpu.vector_load_idx %arg12[%get3A_166] : memref<10000xf32, #tpu.memory_space<vmem>>[vector<16xi32>], vector<16xf32>,
            %max3A = arith.maximumf %gather3A_343, %gather3A_183 : vector<16xf32>
            tpu.vector_store_idx %arg12[%get3A_166], %max3A masked %while3A_342 : memref<10000xf32, #tpu.memory_space<vmem>>[vector<16xi32>], vector<16xf32>, vector<16xi1>
            %gather3A_344 = tpu.vector_load_idx %arg12[%get3A_166] : memref<10000xf32, #tpu.memory_space<vmem>>[vector<16xi32>], vector<16xf32>,
            %lt3A_345 = arith.cmpf olt, %gather3A_344, %gather3A_183 : vector<16xf32>
            %and3A = arith.andi %while3A_342, %lt3A_345 : vector<16xi1>
            scf.yield %and3A : vector<16xi1>
          }
          %broadcast_in_dim3A_315 = arith.constant true
          %broadcast_in_dim3A_316 = vector.broadcast %broadcast_in_dim3A_315 : i1 to vector<16xi1>
          %while3A_317 = scf.while (%while3A_342 = %broadcast_in_dim3A_316) : (vector<16xi1>) -> vector<16xi1> {
            %all_reduce_population_count3A_343 = tpu.all_reduce %while3A_342 {dim = 0 : i64, kind = #tpu.reduction_kind<sum>} : vector<16xi1> -> vector<16xi32>
            %slice3A_344 = vector.extract_strided_slice %all_reduce_population_count3A_343 {offsets = [0], sizes = [1], strides = [1]} : vector<16xi32> to vector<1xi32>
            %squeeze3A_345 = vector.extract %slice3A_344[0] : i32 from vector<1xi32>
            %gt3A_346 = arith.constant 0 : i32
            %gt3A_347 = arith.cmpi sgt, %squeeze3A_345, %gt3A_346 : i32
            scf.condition(%gt3A_347) %while3A_342 : vector<16xi1>
          } do {
          ^bb0(%while3A_342: vector<16xi1>):
            %gather3A_343 = tpu.vector_load_idx %arg14[%get3A_166] : memref<10000xf32, #tpu.memory_space<vmem>>[vector<16xi32>], vector<16xf32>,
            %min3A = arith.minimumf %gather3A_343, %gather3A_183 : vector<16xf32>
            tpu.vector_store_idx %arg14[%get3A_166], %min3A masked %while3A_342 : memref<10000xf32, #tpu.memory_space<vmem>>[vector<16xi32>], vector<16xf32>, vector<16xi1>
            %gather3A_344 = tpu.vector_load_idx %arg14[%get3A_166] : memref<10000xf32, #tpu.memory_space<vmem>>[vector<16xi32>], vector<16xf32>,
            %gt3A_345 = arith.cmpf ogt, %gather3A_344, %gather3A_183 : vector<16xf32>
            %and3A = arith.andi %while3A_342, %gt3A_345 : vector<16xi1>
            scf.yield %and3A : vector<16xi1>
          }
          %broadcast_in_dim3A_318 = arith.constant true
          %broadcast_in_dim3A_319 = vector.broadcast %broadcast_in_dim3A_318 : i1 to vector<16xi1>
          %while3A_320 = scf.while (%while3A_342 = %broadcast_in_dim3A_319) : (vector<16xi1>) -> vector<16xi1> {
            %all_reduce_population_count3A_343 = tpu.all_reduce %while3A_342 {dim = 0 : i64, kind = #tpu.reduction_kind<sum>} : vector<16xi1> -> vector<16xi32>
            %slice3A_344 = vector.extract_strided_slice %all_reduce_population_count3A_343 {offsets = [0], sizes = [1], strides = [1]} : vector<16xi32> to vector<1xi32>
            %squeeze3A_345 = vector.extract %slice3A_344[0] : i32 from vector<1xi32>
            %gt3A_346 = arith.constant 0 : i32
            %gt3A_347 = arith.cmpi sgt, %squeeze3A_345, %gt3A_346 : i32
            scf.condition(%gt3A_347) %while3A_342 : vector<16xi1>
          } do {
          ^bb0(%while3A_342: vector<16xi1>):
            %gather3A_343 = tpu.vector_load_idx %arg11[%get3A_172] : memref<10000xf32, #tpu.memory_space<vmem>>[vector<16xi32>], vector<16xf32>,
            %max3A = arith.maximumf %gather3A_343, %gather3A_184 : vector<16xf32>
            tpu.vector_store_idx %arg11[%get3A_172], %max3A masked %while3A_342 : memref<10000xf32, #tpu.memory_space<vmem>>[vector<16xi32>], vector<16xf32>, vector<16xi1>
            %gather3A_344 = tpu.vector_load_idx %arg11[%get3A_172] : memref<10000xf32, #tpu.memory_space<vmem>>[vector<16xi32>], vector<16xf32>,
            %lt3A_345 = arith.cmpf olt, %gather3A_344, %gather3A_184 : vector<16xf32>
            %and3A = arith.andi %while3A_342, %lt3A_345 : vector<16xi1>
            scf.yield %and3A : vector<16xi1>
          }
          %broadcast_in_dim3A_321 = arith.constant true
          %broadcast_in_dim3A_322 = vector.broadcast %broadcast_in_dim3A_321 : i1 to vector<16xi1>
          %while3A_323 = scf.while (%while3A_342 = %broadcast_in_dim3A_322) : (vector<16xi1>) -> vector<16xi1> {
            %all_reduce_population_count3A_343 = tpu.all_reduce %while3A_342 {dim = 0 : i64, kind = #tpu.reduction_kind<sum>} : vector<16xi1> -> vector<16xi32>
            %slice3A_344 = vector.extract_strided_slice %all_reduce_population_count3A_343 {offsets = [0], sizes = [1], strides = [1]} : vector<16xi32> to vector<1xi32>
            %squeeze3A_345 = vector.extract %slice3A_344[0] : i32 from vector<1xi32>
            %gt3A_346 = arith.constant 0 : i32
            %gt3A_347 = arith.cmpi sgt, %squeeze3A_345, %gt3A_346 : i32
            scf.condition(%gt3A_347) %while3A_342 : vector<16xi1>
          } do {
          ^bb0(%while3A_342: vector<16xi1>):
            %gather3A_343 = tpu.vector_load_idx %arg13[%get3A_172] : memref<10000xf32, #tpu.memory_space<vmem>>[vector<16xi32>], vector<16xf32>,
            %min3A = arith.minimumf %gather3A_343, %gather3A_184 : vector<16xf32>
            tpu.vector_store_idx %arg13[%get3A_172], %min3A masked %while3A_342 : memref<10000xf32, #tpu.memory_space<vmem>>[vector<16xi32>], vector<16xf32>, vector<16xi1>
            %gather3A_344 = tpu.vector_load_idx %arg13[%get3A_172] : memref<10000xf32, #tpu.memory_space<vmem>>[vector<16xi32>], vector<16xf32>,
            %gt3A_345 = arith.cmpf ogt, %gather3A_344, %gather3A_184 : vector<16xf32>
            %and3A = arith.andi %while3A_342, %gt3A_345 : vector<16xi1>
            scf.yield %and3A : vector<16xi1>
          }
          %broadcast_in_dim3A_324 = arith.constant true
          %broadcast_in_dim3A_325 = vector.broadcast %broadcast_in_dim3A_324 : i1 to vector<16xi1>
          %while3A_326 = scf.while (%while3A_342 = %broadcast_in_dim3A_325) : (vector<16xi1>) -> vector<16xi1> {
            %all_reduce_population_count3A_343 = tpu.all_reduce %while3A_342 {dim = 0 : i64, kind = #tpu.reduction_kind<sum>} : vector<16xi1> -> vector<16xi32>
            %slice3A_344 = vector.extract_strided_slice %all_reduce_population_count3A_343 {offsets = [0], sizes = [1], strides = [1]} : vector<16xi32> to vector<1xi32>
            %squeeze3A_345 = vector.extract %slice3A_344[0] : i32 from vector<1xi32>
            %gt3A_346 = arith.constant 0 : i32
            %gt3A_347 = arith.cmpi sgt, %squeeze3A_345, %gt3A_346 : i32
            scf.condition(%gt3A_347) %while3A_342 : vector<16xi1>
          } do {
          ^bb0(%while3A_342: vector<16xi1>):
            %gather3A_343 = tpu.vector_load_idx %arg12[%get3A_172] : memref<10000xf32, #tpu.memory_space<vmem>>[vector<16xi32>], vector<16xf32>,
            %max3A = arith.maximumf %gather3A_343, %gather3A_185 : vector<16xf32>
            tpu.vector_store_idx %arg12[%get3A_172], %max3A masked %while3A_342 : memref<10000xf32, #tpu.memory_space<vmem>>[vector<16xi32>], vector<16xf32>, vector<16xi1>
            %gather3A_344 = tpu.vector_load_idx %arg12[%get3A_172] : memref<10000xf32, #tpu.memory_space<vmem>>[vector<16xi32>], vector<16xf32>,
            %lt3A_345 = arith.cmpf olt, %gather3A_344, %gather3A_185 : vector<16xf32>
            %and3A = arith.andi %while3A_342, %lt3A_345 : vector<16xi1>
            scf.yield %and3A : vector<16xi1>
          }
          %broadcast_in_dim3A_327 = arith.constant true
          %broadcast_in_dim3A_328 = vector.broadcast %broadcast_in_dim3A_327 : i1 to vector<16xi1>
          %while3A_329 = scf.while (%while3A_342 = %broadcast_in_dim3A_328) : (vector<16xi1>) -> vector<16xi1> {
            %all_reduce_population_count3A_343 = tpu.all_reduce %while3A_342 {dim = 0 : i64, kind = #tpu.reduction_kind<sum>} : vector<16xi1> -> vector<16xi32>
            %slice3A_344 = vector.extract_strided_slice %all_reduce_population_count3A_343 {offsets = [0], sizes = [1], strides = [1]} : vector<16xi32> to vector<1xi32>
            %squeeze3A_345 = vector.extract %slice3A_344[0] : i32 from vector<1xi32>
            %gt3A_346 = arith.constant 0 : i32
            %gt3A_347 = arith.cmpi sgt, %squeeze3A_345, %gt3A_346 : i32
            scf.condition(%gt3A_347) %while3A_342 : vector<16xi1>
          } do {
          ^bb0(%while3A_342: vector<16xi1>):
            %gather3A_343 = tpu.vector_load_idx %arg14[%get3A_172] : memref<10000xf32, #tpu.memory_space<vmem>>[vector<16xi32>], vector<16xf32>,
            %min3A = arith.minimumf %gather3A_343, %gather3A_185 : vector<16xf32>
            tpu.vector_store_idx %arg14[%get3A_172], %min3A masked %while3A_342 : memref<10000xf32, #tpu.memory_space<vmem>>[vector<16xi32>], vector<16xf32>, vector<16xi1>
            %gather3A_344 = tpu.vector_load_idx %arg14[%get3A_172] : memref<10000xf32, #tpu.memory_space<vmem>>[vector<16xi32>], vector<16xf32>,
            %gt3A_345 = arith.cmpf ogt, %gather3A_344, %gather3A_185 : vector<16xf32>
            %and3A = arith.andi %while3A_342, %gt3A_345 : vector<16xi1>
            scf.yield %and3A : vector<16xi1>
          }
          %broadcast_in_dim3A_330 = arith.constant true
          %broadcast_in_dim3A_331 = vector.broadcast %broadcast_in_dim3A_330 : i1 to vector<16xi1>
          %while3A_332 = scf.while (%while3A_342 = %broadcast_in_dim3A_331) : (vector<16xi1>) -> vector<16xi1> {
            %all_reduce_population_count3A_343 = tpu.all_reduce %while3A_342 {dim = 0 : i64, kind = #tpu.reduction_kind<sum>} : vector<16xi1> -> vector<16xi32>
            %slice3A_344 = vector.extract_strided_slice %all_reduce_population_count3A_343 {offsets = [0], sizes = [1], strides = [1]} : vector<16xi32> to vector<1xi32>
            %squeeze3A_345 = vector.extract %slice3A_344[0] : i32 from vector<1xi32>
            %gt3A_346 = arith.constant 0 : i32
            %gt3A_347 = arith.cmpi sgt, %squeeze3A_345, %gt3A_346 : i32
            scf.condition(%gt3A_347) %while3A_342 : vector<16xi1>
          } do {
          ^bb0(%while3A_342: vector<16xi1>):
            %gather3A_343 = tpu.vector_load_idx %arg11[%get3A_178] : memref<10000xf32, #tpu.memory_space<vmem>>[vector<16xi32>], vector<16xf32>,
            %max3A = arith.maximumf %gather3A_343, %gather3A_186 : vector<16xf32>
            tpu.vector_store_idx %arg11[%get3A_178], %max3A masked %while3A_342 : memref<10000xf32, #tpu.memory_space<vmem>>[vector<16xi32>], vector<16xf32>, vector<16xi1>
            %gather3A_344 = tpu.vector_load_idx %arg11[%get3A_178] : memref<10000xf32, #tpu.memory_space<vmem>>[vector<16xi32>], vector<16xf32>,
            %lt3A_345 = arith.cmpf olt, %gather3A_344, %gather3A_186 : vector<16xf32>
            %and3A = arith.andi %while3A_342, %lt3A_345 : vector<16xi1>
            scf.yield %and3A : vector<16xi1>
          }
          %broadcast_in_dim3A_333 = arith.constant true
          %broadcast_in_dim3A_334 = vector.broadcast %broadcast_in_dim3A_333 : i1 to vector<16xi1>
          %while3A_335 = scf.while (%while3A_342 = %broadcast_in_dim3A_334) : (vector<16xi1>) -> vector<16xi1> {
            %all_reduce_population_count3A_343 = tpu.all_reduce %while3A_342 {dim = 0 : i64, kind = #tpu.reduction_kind<sum>} : vector<16xi1> -> vector<16xi32>
            %slice3A_344 = vector.extract_strided_slice %all_reduce_population_count3A_343 {offsets = [0], sizes = [1], strides = [1]} : vector<16xi32> to vector<1xi32>
            %squeeze3A_345 = vector.extract %slice3A_344[0] : i32 from vector<1xi32>
            %gt3A_346 = arith.constant 0 : i32
            %gt3A_347 = arith.cmpi sgt, %squeeze3A_345, %gt3A_346 : i32
            scf.condition(%gt3A_347) %while3A_342 : vector<16xi1>
          } do {
          ^bb0(%while3A_342: vector<16xi1>):
            %gather3A_343 = tpu.vector_load_idx %arg13[%get3A_178] : memref<10000xf32, #tpu.memory_space<vmem>>[vector<16xi32>], vector<16xf32>,
            %min3A = arith.minimumf %gather3A_343, %gather3A_186 : vector<16xf32>
            tpu.vector_store_idx %arg13[%get3A_178], %min3A masked %while3A_342 : memref<10000xf32, #tpu.memory_space<vmem>>[vector<16xi32>], vector<16xf32>, vector<16xi1>
            %gather3A_344 = tpu.vector_load_idx %arg13[%get3A_178] : memref<10000xf32, #tpu.memory_space<vmem>>[vector<16xi32>], vector<16xf32>,
            %gt3A_345 = arith.cmpf ogt, %gather3A_344, %gather3A_186 : vector<16xf32>
            %and3A = arith.andi %while3A_342, %gt3A_345 : vector<16xi1>
            scf.yield %and3A : vector<16xi1>
          }
          %broadcast_in_dim3A_336 = arith.constant true
          %broadcast_in_dim3A_337 = vector.broadcast %broadcast_in_dim3A_336 : i1 to vector<16xi1>
          %while3A_338 = scf.while (%while3A_342 = %broadcast_in_dim3A_337) : (vector<16xi1>) -> vector<16xi1> {
            %all_reduce_population_count3A_343 = tpu.all_reduce %while3A_342 {dim = 0 : i64, kind = #tpu.reduction_kind<sum>} : vector<16xi1> -> vector<16xi32>
            %slice3A_344 = vector.extract_strided_slice %all_reduce_population_count3A_343 {offsets = [0], sizes = [1], strides = [1]} : vector<16xi32> to vector<1xi32>
            %squeeze3A_345 = vector.extract %slice3A_344[0] : i32 from vector<1xi32>
            %gt3A_346 = arith.constant 0 : i32
            %gt3A_347 = arith.cmpi sgt, %squeeze3A_345, %gt3A_346 : i32
            scf.condition(%gt3A_347) %while3A_342 : vector<16xi1>
          } do {
          ^bb0(%while3A_342: vector<16xi1>):
            %gather3A_343 = tpu.vector_load_idx %arg12[%get3A_178] : memref<10000xf32, #tpu.memory_space<vmem>>[vector<16xi32>], vector<16xf32>,
            %max3A = arith.maximumf %gather3A_343, %gather3A_187 : vector<16xf32>
            tpu.vector_store_idx %arg12[%get3A_178], %max3A masked %while3A_342 : memref<10000xf32, #tpu.memory_space<vmem>>[vector<16xi32>], vector<16xf32>, vector<16xi1>
            %gather3A_344 = tpu.vector_load_idx %arg12[%get3A_178] : memref<10000xf32, #tpu.memory_space<vmem>>[vector<16xi32>], vector<16xf32>,
            %lt3A_345 = arith.cmpf olt, %gather3A_344, %gather3A_187 : vector<16xf32>
            %and3A = arith.andi %while3A_342, %lt3A_345 : vector<16xi1>
            scf.yield %and3A : vector<16xi1>
          }
          %broadcast_in_dim3A_339 = arith.constant true
          %broadcast_in_dim3A_340 = vector.broadcast %broadcast_in_dim3A_339 : i1 to vector<16xi1>
          %while3A_341 = scf.while (%while3A_342 = %broadcast_in_dim3A_340) : (vector<16xi1>) -> vector<16xi1> {
            %all_reduce_population_count3A_343 = tpu.all_reduce %while3A_342 {dim = 0 : i64, kind = #tpu.reduction_kind<sum>} : vector<16xi1> -> vector<16xi32>
            %slice3A_344 = vector.extract_strided_slice %all_reduce_population_count3A_343 {offsets = [0], sizes = [1], strides = [1]} : vector<16xi32> to vector<1xi32>
            %squeeze3A_345 = vector.extract %slice3A_344[0] : i32 from vector<1xi32>
            %gt3A_346 = arith.constant 0 : i32
            %gt3A_347 = arith.cmpi sgt, %squeeze3A_345, %gt3A_346 : i32
            scf.condition(%gt3A_347) %while3A_342 : vector<16xi1>
          } do {
          ^bb0(%while3A_342: vector<16xi1>):
            %gather3A_343 = tpu.vector_load_idx %arg14[%get3A_178] : memref<10000xf32, #tpu.memory_space<vmem>>[vector<16xi32>], vector<16xf32>,
            %min3A = arith.minimumf %gather3A_343, %gather3A_187 : vector<16xf32>
            tpu.vector_store_idx %arg14[%get3A_178], %min3A masked %while3A_342 : memref<10000xf32, #tpu.memory_space<vmem>>[vector<16xi32>], vector<16xf32>, vector<16xi1>
            %gather3A_344 = tpu.vector_load_idx %arg14[%get3A_178] : memref<10000xf32, #tpu.memory_space<vmem>>[vector<16xi32>], vector<16xf32>,
            %gt3A_345 = arith.cmpf ogt, %gather3A_344, %gather3A_187 : vector<16xf32>
            %and3A = arith.andi %while3A_342, %gt3A_345 : vector<16xi1>
            scf.yield %and3A : vector<16xi1>
          }
        } else {
        }
      }
      %scan3A_141 = arith.constant 25 : i32
      %eq3A_142 = arith.constant 0 : i32
      %eq3A_143 = arith.cmpi eq, %add3A, %eq3A_142 : i32
      %convert_element_type3A_144 = arith.extui %eq3A_143 : i1 to i32
      %cond3A_145 = arith.constant 0 : i32
      %cond3A_146 = arith.cmpi ne, %convert_element_type3A_144, %cond3A_145 : i32
      scf.if %cond3A_146 {
        %scan3A_147 = arith.constant 0 : i32
        %scan3A_148 = arith.constant 0 : i32
        %scan3A_149 = arith.constant 25 : i32
        %scan3A_150 = arith.addi %scan3A_148, %scan3A_149 : i32
        %scan3A_151 = arith.constant 1 : i32
        scf.for %scan3A_153 = %scan3A_148 to %scan3A_150 step %scan3A_151  : i32 {
          %mul3A_154 = arith.constant 80 : i32
          %mul3A_155 = arith.muli %scan3A_153, %mul3A_154 : i32
          %add3A_156 = arith.constant 0 : i32
          %add3A_157 = arith.addi %mul3A_155, %add3A_156 : i32
          %get3A = arith.index_cast %add3A_157 : i32 to index
          %get3A_158 = tpu.vector_load %arg21[%get3A] {strides = array<i32>} : memref<2000xi32, #tpu.memory_space<vmem>>, vector<16xi32>,
          %add3A_159 = arith.constant 16 : i32
          %add3A_160 = arith.addi %mul3A_155, %add3A_159 : i32
          %get3A_161 = arith.index_cast %add3A_160 : i32 to index
          %get3A_162 = tpu.vector_load %arg21[%get3A_161] {strides = array<i32>} : memref<2000xi32, #tpu.memory_space<vmem>>, vector<16xi32>,
          %add3A_163 = arith.constant 32 : i32
          %add3A_164 = arith.addi %mul3A_155, %add3A_163 : i32
          %get3A_165 = arith.index_cast %add3A_164 : i32 to index
          %get3A_166 = tpu.vector_load %arg21[%get3A_165] {strides = array<i32>} : memref<2000xi32, #tpu.memory_space<vmem>>, vector<16xi32>,
          %add3A_167 = arith.constant 48 : i32
          %add3A_168 = arith.addi %mul3A_155, %add3A_167 : i32
          %get3A_169 = arith.index_cast %add3A_168 : i32 to index
          %get3A_170 = tpu.vector_load %arg21[%get3A_169] {strides = array<i32>} : memref<2000xi32, #tpu.memory_space<vmem>>, vector<16xi32>,
          %add3A_171 = arith.constant 64 : i32
          %add3A_172 = arith.addi %mul3A_155, %add3A_171 : i32
          %get3A_173 = arith.index_cast %add3A_172 : i32 to index
          %get3A_174 = tpu.vector_load %arg21[%get3A_173] {strides = array<i32>} : memref<2000xi32, #tpu.memory_space<vmem>>, vector<16xi32>,
          %broadcast_in_dim3A = arith.constant 1.000000e+00 : f32
          %broadcast_in_dim3A_175 = vector.broadcast %broadcast_in_dim3A : f32 to vector<16xf32>
          tpu.vector_store_idx %arg17[%get3A_158], %broadcast_in_dim3A_175 {add = true} : memref<10000xf32, #tpu.memory_space<vmem>>[vector<16xi32>], vector<16xf32>,
          %broadcast_in_dim3A_176 = arith.constant 1.000000e+00 : f32
          %broadcast_in_dim3A_177 = vector.broadcast %broadcast_in_dim3A_176 : f32 to vector<16xf32>
          tpu.vector_store_idx %arg17[%get3A_162], %broadcast_in_dim3A_177 {add = true} : memref<10000xf32, #tpu.memory_space<vmem>>[vector<16xi32>], vector<16xf32>,
          %broadcast_in_dim3A_178 = arith.constant 1.000000e+00 : f32
          %broadcast_in_dim3A_179 = vector.broadcast %broadcast_in_dim3A_178 : f32 to vector<16xf32>
          tpu.vector_store_idx %arg17[%get3A_166], %broadcast_in_dim3A_179 {add = true} : memref<10000xf32, #tpu.memory_space<vmem>>[vector<16xi32>], vector<16xf32>,
          %broadcast_in_dim3A_180 = arith.constant 1.000000e+00 : f32
          %broadcast_in_dim3A_181 = vector.broadcast %broadcast_in_dim3A_180 : f32 to vector<16xf32>
          tpu.vector_store_idx %arg17[%get3A_170], %broadcast_in_dim3A_181 {add = true} : memref<10000xf32, #tpu.memory_space<vmem>>[vector<16xi32>], vector<16xf32>,
          %broadcast_in_dim3A_182 = arith.constant 1.000000e+00 : f32
          %broadcast_in_dim3A_183 = vector.broadcast %broadcast_in_dim3A_182 : f32 to vector<16xf32>
          tpu.vector_store_idx %arg17[%get3A_174], %broadcast_in_dim3A_183 {add = true} : memref<10000xf32, #tpu.memory_space<vmem>>[vector<16xi32>], vector<16xf32>,
        }
        %scan3A_152 = arith.constant 25 : i32
      } else {
      }
    }
    %scan3A_24 = arith.constant 80 : i32
    "tpu.region"() ({
      %run_scoped3A = tpu.sem_alloc : memref<!tpu.dma_semaphore, #tpu.memory_space<semaphore_mem>>
      %dma_start3A_93 = arith.constant 0 : i32
      %dma_start3A_94 = tpu.memref_slice %arg5[%add3A_4, %dma_start3A_93] : memref<512x10000xf32, #tpu.memory_space<hbm>> -> memref<1x10000xf32, #tpu.memory_space<hbm>>
      %dma_start3A_95 = tpu.memref_squeeze %dma_start3A_94 : memref<1x10000xf32, #tpu.memory_space<hbm>> -> memref<10000xf32, #tpu.memory_space<hbm>>
      %dma_start3A_96 = arith.constant 0 : i32
      %dma_start3A_97 = tpu.memref_slice %arg5[%add3A_4, %dma_start3A_96] : memref<512x10000xf32, #tpu.memory_space<hbm>> -> memref<1x10000xf32, #tpu.memory_space<hbm>>
      %dma_start3A_98 = tpu.memref_squeeze %dma_start3A_97 : memref<1x10000xf32, #tpu.memory_space<hbm>> -> memref<10000xf32, #tpu.memory_space<hbm>>
      tpu.enqueue_dma source(%arg7 : memref<10000xf32, #tpu.memory_space<vmem>>) target(%dma_start3A_98 : memref<10000xf32, #tpu.memory_space<hbm>>) target_semaphore(%run_scoped3A : memref<!tpu.dma_semaphore, #tpu.memory_space<semaphore_mem>>)
      %dma_wait3A = arith.constant 0 : i32
      %dma_wait3A_99 = tpu.memref_slice %arg5[%add3A_4, %dma_wait3A] : memref<512x10000xf32, #tpu.memory_space<hbm>> -> memref<1x10000xf32, #tpu.memory_space<hbm>>
      %dma_wait3A_100 = tpu.memref_squeeze %dma_wait3A_99 : memref<1x10000xf32, #tpu.memory_space<hbm>> -> memref<10000xf32, #tpu.memory_space<hbm>>
      %dma_wait3A_101 = arith.constant 0 : i32
      %dma_wait3A_102 = tpu.memref_slice %arg5[%add3A_4, %dma_wait3A_101] : memref<512x10000xf32, #tpu.memory_space<hbm>> -> memref<1x10000xf32, #tpu.memory_space<hbm>>
      %dma_wait3A_103 = tpu.memref_squeeze %dma_wait3A_102 : memref<1x10000xf32, #tpu.memory_space<hbm>> -> memref<10000xf32, #tpu.memory_space<hbm>>
      tpu.wait_dma2 semaphore(%run_scoped3A : memref<!tpu.dma_semaphore, #tpu.memory_space<semaphore_mem>>) src(%arg7 : memref<10000xf32, #tpu.memory_space<vmem>>) dst(%dma_wait3A_103 : memref<10000xf32, #tpu.memory_space<hbm>>)
      tpu.yield
    }) : () -> ()
    %add3A_25 = arith.constant 1 : i32
    %add3A_26 = arith.addi %add3A_4, %add3A_25 : i32
    "tpu.region"() ({
      %run_scoped3A = tpu.sem_alloc : memref<!tpu.dma_semaphore, #tpu.memory_space<semaphore_mem>>
      %dma_start3A_93 = arith.constant 0 : i32
      %dma_start3A_94 = tpu.memref_slice %arg5[%add3A_26, %dma_start3A_93] : memref<512x10000xf32, #tpu.memory_space<hbm>> -> memref<1x10000xf32, #tpu.memory_space<hbm>>
      %dma_start3A_95 = tpu.memref_squeeze %dma_start3A_94 : memref<1x10000xf32, #tpu.memory_space<hbm>> -> memref<10000xf32, #tpu.memory_space<hbm>>
      %dma_start3A_96 = arith.constant 0 : i32
      %dma_start3A_97 = tpu.memref_slice %arg5[%add3A_26, %dma_start3A_96] : memref<512x10000xf32, #tpu.memory_space<hbm>> -> memref<1x10000xf32, #tpu.memory_space<hbm>>
      %dma_start3A_98 = tpu.memref_squeeze %dma_start3A_97 : memref<1x10000xf32, #tpu.memory_space<hbm>> -> memref<10000xf32, #tpu.memory_space<hbm>>
      tpu.enqueue_dma source(%arg8 : memref<10000xf32, #tpu.memory_space<vmem>>) target(%dma_start3A_98 : memref<10000xf32, #tpu.memory_space<hbm>>) target_semaphore(%run_scoped3A : memref<!tpu.dma_semaphore, #tpu.memory_space<semaphore_mem>>)
      %dma_wait3A = arith.constant 0 : i32
      %dma_wait3A_99 = tpu.memref_slice %arg5[%add3A_26, %dma_wait3A] : memref<512x10000xf32, #tpu.memory_space<hbm>> -> memref<1x10000xf32, #tpu.memory_space<hbm>>
      %dma_wait3A_100 = tpu.memref_squeeze %dma_wait3A_99 : memref<1x10000xf32, #tpu.memory_space<hbm>> -> memref<10000xf32, #tpu.memory_space<hbm>>
      %dma_wait3A_101 = arith.constant 0 : i32
      %dma_wait3A_102 = tpu.memref_slice %arg5[%add3A_26, %dma_wait3A_101] : memref<512x10000xf32, #tpu.memory_space<hbm>> -> memref<1x10000xf32, #tpu.memory_space<hbm>>
      %dma_wait3A_103 = tpu.memref_squeeze %dma_wait3A_102 : memref<1x10000xf32, #tpu.memory_space<hbm>> -> memref<10000xf32, #tpu.memory_space<hbm>>
      tpu.wait_dma2 semaphore(%run_scoped3A : memref<!tpu.dma_semaphore, #tpu.memory_space<semaphore_mem>>) src(%arg8 : memref<10000xf32, #tpu.memory_space<vmem>>) dst(%dma_wait3A_103 : memref<10000xf32, #tpu.memory_space<hbm>>)
      tpu.yield
    }) : () -> ()
    %add3A_27 = arith.constant 128 : i32
    %add3A_28 = arith.addi %add3A_27, %add3A_4 : i32
    "tpu.region"() ({
      %run_scoped3A = tpu.sem_alloc : memref<!tpu.dma_semaphore, #tpu.memory_space<semaphore_mem>>
      %dma_start3A_93 = arith.constant 0 : i32
      %dma_start3A_94 = tpu.memref_slice %arg5[%add3A_28, %dma_start3A_93] : memref<512x10000xf32, #tpu.memory_space<hbm>> -> memref<1x10000xf32, #tpu.memory_space<hbm>>
      %dma_start3A_95 = tpu.memref_squeeze %dma_start3A_94 : memref<1x10000xf32, #tpu.memory_space<hbm>> -> memref<10000xf32, #tpu.memory_space<hbm>>
      %dma_start3A_96 = arith.constant 0 : i32
      %dma_start3A_97 = tpu.memref_slice %arg5[%add3A_28, %dma_start3A_96] : memref<512x10000xf32, #tpu.memory_space<hbm>> -> memref<1x10000xf32, #tpu.memory_space<hbm>>
      %dma_start3A_98 = tpu.memref_squeeze %dma_start3A_97 : memref<1x10000xf32, #tpu.memory_space<hbm>> -> memref<10000xf32, #tpu.memory_space<hbm>>
      tpu.enqueue_dma source(%arg9 : memref<10000xf32, #tpu.memory_space<vmem>>) target(%dma_start3A_98 : memref<10000xf32, #tpu.memory_space<hbm>>) target_semaphore(%run_scoped3A : memref<!tpu.dma_semaphore, #tpu.memory_space<semaphore_mem>>)
      %dma_wait3A = arith.constant 0 : i32
      %dma_wait3A_99 = tpu.memref_slice %arg5[%add3A_28, %dma_wait3A] : memref<512x10000xf32, #tpu.memory_space<hbm>> -> memref<1x10000xf32, #tpu.memory_space<hbm>>
      %dma_wait3A_100 = tpu.memref_squeeze %dma_wait3A_99 : memref<1x10000xf32, #tpu.memory_space<hbm>> -> memref<10000xf32, #tpu.memory_space<hbm>>
      %dma_wait3A_101 = arith.constant 0 : i32
      %dma_wait3A_102 = tpu.memref_slice %arg5[%add3A_28, %dma_wait3A_101] : memref<512x10000xf32, #tpu.memory_space<hbm>> -> memref<1x10000xf32, #tpu.memory_space<hbm>>
      %dma_wait3A_103 = tpu.memref_squeeze %dma_wait3A_102 : memref<1x10000xf32, #tpu.memory_space<hbm>> -> memref<10000xf32, #tpu.memory_space<hbm>>
      tpu.wait_dma2 semaphore(%run_scoped3A : memref<!tpu.dma_semaphore, #tpu.memory_space<semaphore_mem>>) src(%arg9 : memref<10000xf32, #tpu.memory_space<vmem>>) dst(%dma_wait3A_103 : memref<10000xf32, #tpu.memory_space<hbm>>)
      tpu.yield
    }) : () -> ()
    %add3A_29 = arith.constant 128 : i32
    %add3A_30 = arith.addi %add3A_29, %add3A_4 : i32
    %add3A_31 = arith.constant 1 : i32
    %add3A_32 = arith.addi %add3A_30, %add3A_31 : i32
    "tpu.region"() ({
      %run_scoped3A = tpu.sem_alloc : memref<!tpu.dma_semaphore, #tpu.memory_space<semaphore_mem>>
      %dma_start3A_93 = arith.constant 0 : i32
      %dma_start3A_94 = tpu.memref_slice %arg5[%add3A_32, %dma_start3A_93] : memref<512x10000xf32, #tpu.memory_space<hbm>> -> memref<1x10000xf32, #tpu.memory_space<hbm>>
      %dma_start3A_95 = tpu.memref_squeeze %dma_start3A_94 : memref<1x10000xf32, #tpu.memory_space<hbm>> -> memref<10000xf32, #tpu.memory_space<hbm>>
      %dma_start3A_96 = arith.constant 0 : i32
      %dma_start3A_97 = tpu.memref_slice %arg5[%add3A_32, %dma_start3A_96] : memref<512x10000xf32, #tpu.memory_space<hbm>> -> memref<1x10000xf32, #tpu.memory_space<hbm>>
      %dma_start3A_98 = tpu.memref_squeeze %dma_start3A_97 : memref<1x10000xf32, #tpu.memory_space<hbm>> -> memref<10000xf32, #tpu.memory_space<hbm>>
      tpu.enqueue_dma source(%arg10 : memref<10000xf32, #tpu.memory_space<vmem>>) target(%dma_start3A_98 : memref<10000xf32, #tpu.memory_space<hbm>>) target_semaphore(%run_scoped3A : memref<!tpu.dma_semaphore, #tpu.memory_space<semaphore_mem>>)
      %dma_wait3A = arith.constant 0 : i32
      %dma_wait3A_99 = tpu.memref_slice %arg5[%add3A_32, %dma_wait3A] : memref<512x10000xf32, #tpu.memory_space<hbm>> -> memref<1x10000xf32, #tpu.memory_space<hbm>>
      %dma_wait3A_100 = tpu.memref_squeeze %dma_wait3A_99 : memref<1x10000xf32, #tpu.memory_space<hbm>> -> memref<10000xf32, #tpu.memory_space<hbm>>
      %dma_wait3A_101 = arith.constant 0 : i32
      %dma_wait3A_102 = tpu.memref_slice %arg5[%add3A_32, %dma_wait3A_101] : memref<512x10000xf32, #tpu.memory_space<hbm>> -> memref<1x10000xf32, #tpu.memory_space<hbm>>
      %dma_wait3A_103 = tpu.memref_squeeze %dma_wait3A_102 : memref<1x10000xf32, #tpu.memory_space<hbm>> -> memref<10000xf32, #tpu.memory_space<hbm>>
      tpu.wait_dma2 semaphore(%run_scoped3A : memref<!tpu.dma_semaphore, #tpu.memory_space<semaphore_mem>>) src(%arg10 : memref<10000xf32, #tpu.memory_space<vmem>>) dst(%dma_wait3A_103 : memref<10000xf32, #tpu.memory_space<hbm>>)
      tpu.yield
    }) : () -> ()
    %add3A_33 = arith.constant 256 : i32
    %add3A_34 = arith.addi %add3A_33, %add3A_4 : i32
    "tpu.region"() ({
      %run_scoped3A = tpu.sem_alloc : memref<!tpu.dma_semaphore, #tpu.memory_space<semaphore_mem>>
      %dma_start3A_93 = arith.constant 0 : i32
      %dma_start3A_94 = tpu.memref_slice %arg5[%add3A_34, %dma_start3A_93] : memref<512x10000xf32, #tpu.memory_space<hbm>> -> memref<1x10000xf32, #tpu.memory_space<hbm>>
      %dma_start3A_95 = tpu.memref_squeeze %dma_start3A_94 : memref<1x10000xf32, #tpu.memory_space<hbm>> -> memref<10000xf32, #tpu.memory_space<hbm>>
      %dma_start3A_96 = arith.constant 0 : i32
      %dma_start3A_97 = tpu.memref_slice %arg5[%add3A_34, %dma_start3A_96] : memref<512x10000xf32, #tpu.memory_space<hbm>> -> memref<1x10000xf32, #tpu.memory_space<hbm>>
      %dma_start3A_98 = tpu.memref_squeeze %dma_start3A_97 : memref<1x10000xf32, #tpu.memory_space<hbm>> -> memref<10000xf32, #tpu.memory_space<hbm>>
      tpu.enqueue_dma source(%arg11 : memref<10000xf32, #tpu.memory_space<vmem>>) target(%dma_start3A_98 : memref<10000xf32, #tpu.memory_space<hbm>>) target_semaphore(%run_scoped3A : memref<!tpu.dma_semaphore, #tpu.memory_space<semaphore_mem>>)
      %dma_wait3A = arith.constant 0 : i32
      %dma_wait3A_99 = tpu.memref_slice %arg5[%add3A_34, %dma_wait3A] : memref<512x10000xf32, #tpu.memory_space<hbm>> -> memref<1x10000xf32, #tpu.memory_space<hbm>>
      %dma_wait3A_100 = tpu.memref_squeeze %dma_wait3A_99 : memref<1x10000xf32, #tpu.memory_space<hbm>> -> memref<10000xf32, #tpu.memory_space<hbm>>
      %dma_wait3A_101 = arith.constant 0 : i32
      %dma_wait3A_102 = tpu.memref_slice %arg5[%add3A_34, %dma_wait3A_101] : memref<512x10000xf32, #tpu.memory_space<hbm>> -> memref<1x10000xf32, #tpu.memory_space<hbm>>
      %dma_wait3A_103 = tpu.memref_squeeze %dma_wait3A_102 : memref<1x10000xf32, #tpu.memory_space<hbm>> -> memref<10000xf32, #tpu.memory_space<hbm>>
      tpu.wait_dma2 semaphore(%run_scoped3A : memref<!tpu.dma_semaphore, #tpu.memory_space<semaphore_mem>>) src(%arg11 : memref<10000xf32, #tpu.memory_space<vmem>>) dst(%dma_wait3A_103 : memref<10000xf32, #tpu.memory_space<hbm>>)
      tpu.yield
    }) : () -> ()
    %add3A_35 = arith.constant 256 : i32
    %add3A_36 = arith.addi %add3A_35, %add3A_4 : i32
    %add3A_37 = arith.constant 1 : i32
    %add3A_38 = arith.addi %add3A_36, %add3A_37 : i32
    "tpu.region"() ({
      %run_scoped3A = tpu.sem_alloc : memref<!tpu.dma_semaphore, #tpu.memory_space<semaphore_mem>>
      %dma_start3A_93 = arith.constant 0 : i32
      %dma_start3A_94 = tpu.memref_slice %arg5[%add3A_38, %dma_start3A_93] : memref<512x10000xf32, #tpu.memory_space<hbm>> -> memref<1x10000xf32, #tpu.memory_space<hbm>>
      %dma_start3A_95 = tpu.memref_squeeze %dma_start3A_94 : memref<1x10000xf32, #tpu.memory_space<hbm>> -> memref<10000xf32, #tpu.memory_space<hbm>>
      %dma_start3A_96 = arith.constant 0 : i32
      %dma_start3A_97 = tpu.memref_slice %arg5[%add3A_38, %dma_start3A_96] : memref<512x10000xf32, #tpu.memory_space<hbm>> -> memref<1x10000xf32, #tpu.memory_space<hbm>>
      %dma_start3A_98 = tpu.memref_squeeze %dma_start3A_97 : memref<1x10000xf32, #tpu.memory_space<hbm>> -> memref<10000xf32, #tpu.memory_space<hbm>>
      tpu.enqueue_dma source(%arg12 : memref<10000xf32, #tpu.memory_space<vmem>>) target(%dma_start3A_98 : memref<10000xf32, #tpu.memory_space<hbm>>) target_semaphore(%run_scoped3A : memref<!tpu.dma_semaphore, #tpu.memory_space<semaphore_mem>>)
      %dma_wait3A = arith.constant 0 : i32
      %dma_wait3A_99 = tpu.memref_slice %arg5[%add3A_38, %dma_wait3A] : memref<512x10000xf32, #tpu.memory_space<hbm>> -> memref<1x10000xf32, #tpu.memory_space<hbm>>
      %dma_wait3A_100 = tpu.memref_squeeze %dma_wait3A_99 : memref<1x10000xf32, #tpu.memory_space<hbm>> -> memref<10000xf32, #tpu.memory_space<hbm>>
      %dma_wait3A_101 = arith.constant 0 : i32
      %dma_wait3A_102 = tpu.memref_slice %arg5[%add3A_38, %dma_wait3A_101] : memref<512x10000xf32, #tpu.memory_space<hbm>> -> memref<1x10000xf32, #tpu.memory_space<hbm>>
      %dma_wait3A_103 = tpu.memref_squeeze %dma_wait3A_102 : memref<1x10000xf32, #tpu.memory_space<hbm>> -> memref<10000xf32, #tpu.memory_space<hbm>>
      tpu.wait_dma2 semaphore(%run_scoped3A : memref<!tpu.dma_semaphore, #tpu.memory_space<semaphore_mem>>) src(%arg12 : memref<10000xf32, #tpu.memory_space<vmem>>) dst(%dma_wait3A_103 : memref<10000xf32, #tpu.memory_space<hbm>>)
      tpu.yield
    }) : () -> ()
    %add3A_39 = arith.constant 384 : i32
    %add3A_40 = arith.addi %add3A_39, %add3A_4 : i32
    "tpu.region"() ({
      %run_scoped3A = tpu.sem_alloc : memref<!tpu.dma_semaphore, #tpu.memory_space<semaphore_mem>>
      %dma_start3A_93 = arith.constant 0 : i32
      %dma_start3A_94 = tpu.memref_slice %arg5[%add3A_40, %dma_start3A_93] : memref<512x10000xf32, #tpu.memory_space<hbm>> -> memref<1x10000xf32, #tpu.memory_space<hbm>>
      %dma_start3A_95 = tpu.memref_squeeze %dma_start3A_94 : memref<1x10000xf32, #tpu.memory_space<hbm>> -> memref<10000xf32, #tpu.memory_space<hbm>>
      %dma_start3A_96 = arith.constant 0 : i32
      %dma_start3A_97 = tpu.memref_slice %arg5[%add3A_40, %dma_start3A_96] : memref<512x10000xf32, #tpu.memory_space<hbm>> -> memref<1x10000xf32, #tpu.memory_space<hbm>>
      %dma_start3A_98 = tpu.memref_squeeze %dma_start3A_97 : memref<1x10000xf32, #tpu.memory_space<hbm>> -> memref<10000xf32, #tpu.memory_space<hbm>>
      tpu.enqueue_dma source(%arg13 : memref<10000xf32, #tpu.memory_space<vmem>>) target(%dma_start3A_98 : memref<10000xf32, #tpu.memory_space<hbm>>) target_semaphore(%run_scoped3A : memref<!tpu.dma_semaphore, #tpu.memory_space<semaphore_mem>>)
      %dma_wait3A = arith.constant 0 : i32
      %dma_wait3A_99 = tpu.memref_slice %arg5[%add3A_40, %dma_wait3A] : memref<512x10000xf32, #tpu.memory_space<hbm>> -> memref<1x10000xf32, #tpu.memory_space<hbm>>
      %dma_wait3A_100 = tpu.memref_squeeze %dma_wait3A_99 : memref<1x10000xf32, #tpu.memory_space<hbm>> -> memref<10000xf32, #tpu.memory_space<hbm>>
      %dma_wait3A_101 = arith.constant 0 : i32
      %dma_wait3A_102 = tpu.memref_slice %arg5[%add3A_40, %dma_wait3A_101] : memref<512x10000xf32, #tpu.memory_space<hbm>> -> memref<1x10000xf32, #tpu.memory_space<hbm>>
      %dma_wait3A_103 = tpu.memref_squeeze %dma_wait3A_102 : memref<1x10000xf32, #tpu.memory_space<hbm>> -> memref<10000xf32, #tpu.memory_space<hbm>>
      tpu.wait_dma2 semaphore(%run_scoped3A : memref<!tpu.dma_semaphore, #tpu.memory_space<semaphore_mem>>) src(%arg13 : memref<10000xf32, #tpu.memory_space<vmem>>) dst(%dma_wait3A_103 : memref<10000xf32, #tpu.memory_space<hbm>>)
      tpu.yield
    }) : () -> ()
    %add3A_41 = arith.constant 384 : i32
    %add3A_42 = arith.addi %add3A_41, %add3A_4 : i32
    %add3A_43 = arith.constant 1 : i32
    %add3A_44 = arith.addi %add3A_42, %add3A_43 : i32
    "tpu.region"() ({
      %run_scoped3A = tpu.sem_alloc : memref<!tpu.dma_semaphore, #tpu.memory_space<semaphore_mem>>
      %dma_start3A_93 = arith.constant 0 : i32
      %dma_start3A_94 = tpu.memref_slice %arg5[%add3A_44, %dma_start3A_93] : memref<512x10000xf32, #tpu.memory_space<hbm>> -> memref<1x10000xf32, #tpu.memory_space<hbm>>
      %dma_start3A_95 = tpu.memref_squeeze %dma_start3A_94 : memref<1x10000xf32, #tpu.memory_space<hbm>> -> memref<10000xf32, #tpu.memory_space<hbm>>
      %dma_start3A_96 = arith.constant 0 : i32
      %dma_start3A_97 = tpu.memref_slice %arg5[%add3A_44, %dma_start3A_96] : memref<512x10000xf32, #tpu.memory_space<hbm>> -> memref<1x10000xf32, #tpu.memory_space<hbm>>
      %dma_start3A_98 = tpu.memref_squeeze %dma_start3A_97 : memref<1x10000xf32, #tpu.memory_space<hbm>> -> memref<10000xf32, #tpu.memory_space<hbm>>
      tpu.enqueue_dma source(%arg14 : memref<10000xf32, #tpu.memory_space<vmem>>) target(%dma_start3A_98 : memref<10000xf32, #tpu.memory_space<hbm>>) target_semaphore(%run_scoped3A : memref<!tpu.dma_semaphore, #tpu.memory_space<semaphore_mem>>)
      %dma_wait3A = arith.constant 0 : i32
      %dma_wait3A_99 = tpu.memref_slice %arg5[%add3A_44, %dma_wait3A] : memref<512x10000xf32, #tpu.memory_space<hbm>> -> memref<1x10000xf32, #tpu.memory_space<hbm>>
      %dma_wait3A_100 = tpu.memref_squeeze %dma_wait3A_99 : memref<1x10000xf32, #tpu.memory_space<hbm>> -> memref<10000xf32, #tpu.memory_space<hbm>>
      %dma_wait3A_101 = arith.constant 0 : i32
      %dma_wait3A_102 = tpu.memref_slice %arg5[%add3A_44, %dma_wait3A_101] : memref<512x10000xf32, #tpu.memory_space<hbm>> -> memref<1x10000xf32, #tpu.memory_space<hbm>>
      %dma_wait3A_103 = tpu.memref_squeeze %dma_wait3A_102 : memref<1x10000xf32, #tpu.memory_space<hbm>> -> memref<10000xf32, #tpu.memory_space<hbm>>
      tpu.wait_dma2 semaphore(%run_scoped3A : memref<!tpu.dma_semaphore, #tpu.memory_space<semaphore_mem>>) src(%arg14 : memref<10000xf32, #tpu.memory_space<vmem>>) dst(%dma_wait3A_103 : memref<10000xf32, #tpu.memory_space<hbm>>)
      tpu.yield
    }) : () -> ()
    %eq3A = arith.constant 0 : i32
    %eq3A_45 = arith.cmpi eq, %add3A, %eq3A : i32
    %convert_element_type3A = arith.extui %eq3A_45 : i1 to i32
    %cond3A = arith.constant 0 : i32
    %cond3A_46 = arith.cmpi ne, %convert_element_type3A, %cond3A : i32
    scf.if %cond3A_46 {
      "tpu.region"() ({
        %run_scoped3A = tpu.sem_alloc : memref<!tpu.dma_semaphore, #tpu.memory_space<semaphore_mem>>
        tpu.enqueue_dma source(%arg17 : memref<10000xf32, #tpu.memory_space<vmem>>) target(%arg6 : memref<10000xf32, #tpu.memory_space<hbm>>) target_semaphore(%run_scoped3A : memref<!tpu.dma_semaphore, #tpu.memory_space<semaphore_mem>>)
        tpu.wait_dma2 semaphore(%run_scoped3A : memref<!tpu.dma_semaphore, #tpu.memory_space<semaphore_mem>>) src(%arg17 : memref<10000xf32, #tpu.memory_space<vmem>>) dst(%arg6 : memref<10000xf32, #tpu.memory_space<hbm>>)
        tpu.yield
      }) : () -> ()
    } else {
    }
    %mul3A_47 = arith.constant 2 : i32
    %mul3A_48 = arith.muli %mul3A_47, %add3A : i32
    %add3A_49 = arith.constant 64 : i32
    %add3A_50 = arith.addi %add3A_49, %mul3A_48 : i32
    "tpu.region"() ({
      %run_scoped3A = tpu.sem_alloc : memref<!tpu.dma_semaphore, #tpu.memory_space<semaphore_mem>>
      %dma_start3A_93 = arith.constant 0 : i32
      %dma_start3A_94 = tpu.memref_slice %arg2[%add3A_50, %dma_start3A_93] : memref<128x10000xf32, #tpu.memory_space<hbm>> -> memref<1x10000xf32, #tpu.memory_space<hbm>>
      %dma_start3A_95 = tpu.memref_squeeze %dma_start3A_94 : memref<1x10000xf32, #tpu.memory_space<hbm>> -> memref<10000xf32, #tpu.memory_space<hbm>>
      %dma_start3A_96 = arith.constant 0 : i32
      %dma_start3A_97 = tpu.memref_slice %arg2[%add3A_50, %dma_start3A_96] : memref<128x10000xf32, #tpu.memory_space<hbm>> -> memref<1x10000xf32, #tpu.memory_space<hbm>>
      %dma_start3A_98 = tpu.memref_squeeze %dma_start3A_97 : memref<1x10000xf32, #tpu.memory_space<hbm>> -> memref<10000xf32, #tpu.memory_space<hbm>>
      tpu.enqueue_dma source(%dma_start3A_98 : memref<10000xf32, #tpu.memory_space<hbm>>) target(%arg15 : memref<10000xf32, #tpu.memory_space<vmem>>) target_semaphore(%run_scoped3A : memref<!tpu.dma_semaphore, #tpu.memory_space<semaphore_mem>>)
      %dma_wait3A = arith.constant 0 : i32
      %dma_wait3A_99 = tpu.memref_slice %arg2[%add3A_50, %dma_wait3A] : memref<128x10000xf32, #tpu.memory_space<hbm>> -> memref<1x10000xf32, #tpu.memory_space<hbm>>
      %dma_wait3A_100 = tpu.memref_squeeze %dma_wait3A_99 : memref<1x10000xf32, #tpu.memory_space<hbm>> -> memref<10000xf32, #tpu.memory_space<hbm>>
      %dma_wait3A_101 = arith.constant 0 : i32
      %dma_wait3A_102 = tpu.memref_slice %arg2[%add3A_50, %dma_wait3A_101] : memref<128x10000xf32, #tpu.memory_space<hbm>> -> memref<1x10000xf32, #tpu.memory_space<hbm>>
      %dma_wait3A_103 = tpu.memref_squeeze %dma_wait3A_102 : memref<1x10000xf32, #tpu.memory_space<hbm>> -> memref<10000xf32, #tpu.memory_space<hbm>>
      tpu.wait_dma2 semaphore(%run_scoped3A : memref<!tpu.dma_semaphore, #tpu.memory_space<semaphore_mem>>) src(%dma_wait3A_103 : memref<10000xf32, #tpu.memory_space<hbm>>) dst(%arg15 : memref<10000xf32, #tpu.memory_space<vmem>>)
      tpu.yield
    }) : () -> ()
    %add3A_51 = arith.constant 1 : i32
    %add3A_52 = arith.addi %add3A_50, %add3A_51 : i32
    "tpu.region"() ({
      %run_scoped3A = tpu.sem_alloc : memref<!tpu.dma_semaphore, #tpu.memory_space<semaphore_mem>>
      %dma_start3A_93 = arith.constant 0 : i32
      %dma_start3A_94 = tpu.memref_slice %arg2[%add3A_52, %dma_start3A_93] : memref<128x10000xf32, #tpu.memory_space<hbm>> -> memref<1x10000xf32, #tpu.memory_space<hbm>>
      %dma_start3A_95 = tpu.memref_squeeze %dma_start3A_94 : memref<1x10000xf32, #tpu.memory_space<hbm>> -> memref<10000xf32, #tpu.memory_space<hbm>>
      %dma_start3A_96 = arith.constant 0 : i32
      %dma_start3A_97 = tpu.memref_slice %arg2[%add3A_52, %dma_start3A_96] : memref<128x10000xf32, #tpu.memory_space<hbm>> -> memref<1x10000xf32, #tpu.memory_space<hbm>>
      %dma_start3A_98 = tpu.memref_squeeze %dma_start3A_97 : memref<1x10000xf32, #tpu.memory_space<hbm>> -> memref<10000xf32, #tpu.memory_space<hbm>>
      tpu.enqueue_dma source(%dma_start3A_98 : memref<10000xf32, #tpu.memory_space<hbm>>) target(%arg16 : memref<10000xf32, #tpu.memory_space<vmem>>) target_semaphore(%run_scoped3A : memref<!tpu.dma_semaphore, #tpu.memory_space<semaphore_mem>>)
      %dma_wait3A = arith.constant 0 : i32
      %dma_wait3A_99 = tpu.memref_slice %arg2[%add3A_52, %dma_wait3A] : memref<128x10000xf32, #tpu.memory_space<hbm>> -> memref<1x10000xf32, #tpu.memory_space<hbm>>
      %dma_wait3A_100 = tpu.memref_squeeze %dma_wait3A_99 : memref<1x10000xf32, #tpu.memory_space<hbm>> -> memref<10000xf32, #tpu.memory_space<hbm>>
      %dma_wait3A_101 = arith.constant 0 : i32
      %dma_wait3A_102 = tpu.memref_slice %arg2[%add3A_52, %dma_wait3A_101] : memref<128x10000xf32, #tpu.memory_space<hbm>> -> memref<1x10000xf32, #tpu.memory_space<hbm>>
      %dma_wait3A_103 = tpu.memref_squeeze %dma_wait3A_102 : memref<1x10000xf32, #tpu.memory_space<hbm>> -> memref<10000xf32, #tpu.memory_space<hbm>>
      tpu.wait_dma2 semaphore(%run_scoped3A : memref<!tpu.dma_semaphore, #tpu.memory_space<semaphore_mem>>) src(%dma_wait3A_103 : memref<10000xf32, #tpu.memory_space<hbm>>) dst(%arg16 : memref<10000xf32, #tpu.memory_space<vmem>>)
      tpu.yield
    }) : () -> ()
    %scan3A_53 = arith.constant 0 : i32
    %scan3A_54 = arith.constant 0 : i32
    %scan3A_55 = arith.constant 625 : i32
    %scan3A_56 = arith.addi %scan3A_54, %scan3A_55 : i32
    %scan3A_57 = arith.constant 1 : i32
    scf.for %scan3A_93 = %scan3A_54 to %scan3A_56 step %scan3A_57  : i32 {
      %mul3A_94 = arith.constant 16 : i32
      %mul3A_95 = arith.muli %scan3A_93, %mul3A_94 : i32
      %broadcast_in_dim3A = arith.constant 0.000000e+00 : f32
      %broadcast_in_dim3A_96 = vector.broadcast %broadcast_in_dim3A : f32 to vector<16xf32>
      %swap3A = arith.index_cast %mul3A_95 : i32 to index
      %swap3A_97 = tpu.vector_load %arg7[%swap3A] {strides = array<i32>} : memref<10000xf32, #tpu.memory_space<vmem>>, vector<16xf32>,
      tpu.vector_store %arg7[%swap3A], %broadcast_in_dim3A_96 {strides = array<i32>} : memref<10000xf32, #tpu.memory_space<vmem>>, vector<16xf32>,
      %swap3A_98 = arith.index_cast %mul3A_95 : i32 to index
      %swap3A_99 = tpu.vector_load %arg8[%swap3A_98] {strides = array<i32>} : memref<10000xf32, #tpu.memory_space<vmem>>, vector<16xf32>,
      tpu.vector_store %arg8[%swap3A_98], %broadcast_in_dim3A_96 {strides = array<i32>} : memref<10000xf32, #tpu.memory_space<vmem>>, vector<16xf32>,
      %swap3A_100 = arith.index_cast %mul3A_95 : i32 to index
      %swap3A_101 = tpu.vector_load %arg9[%swap3A_100] {strides = array<i32>} : memref<10000xf32, #tpu.memory_space<vmem>>, vector<16xf32>,
      tpu.vector_store %arg9[%swap3A_100], %broadcast_in_dim3A_96 {strides = array<i32>} : memref<10000xf32, #tpu.memory_space<vmem>>, vector<16xf32>,
      %swap3A_102 = arith.index_cast %mul3A_95 : i32 to index
      %swap3A_103 = tpu.vector_load %arg10[%swap3A_102] {strides = array<i32>} : memref<10000xf32, #tpu.memory_space<vmem>>, vector<16xf32>,
      tpu.vector_store %arg10[%swap3A_102], %broadcast_in_dim3A_96 {strides = array<i32>} : memref<10000xf32, #tpu.memory_space<vmem>>, vector<16xf32>,
      %broadcast_in_dim3A_104 = arith.constant -3.000000e+38 : f32
      %broadcast_in_dim3A_105 = vector.broadcast %broadcast_in_dim3A_104 : f32 to vector<16xf32>
      %swap3A_106 = arith.index_cast %mul3A_95 : i32 to index
      %swap3A_107 = tpu.vector_load %arg11[%swap3A_106] {strides = array<i32>} : memref<10000xf32, #tpu.memory_space<vmem>>, vector<16xf32>,
      tpu.vector_store %arg11[%swap3A_106], %broadcast_in_dim3A_105 {strides = array<i32>} : memref<10000xf32, #tpu.memory_space<vmem>>, vector<16xf32>,
      %broadcast_in_dim3A_108 = arith.constant -3.000000e+38 : f32
      %broadcast_in_dim3A_109 = vector.broadcast %broadcast_in_dim3A_108 : f32 to vector<16xf32>
      %swap3A_110 = arith.index_cast %mul3A_95 : i32 to index
      %swap3A_111 = tpu.vector_load %arg12[%swap3A_110] {strides = array<i32>} : memref<10000xf32, #tpu.memory_space<vmem>>, vector<16xf32>,
      tpu.vector_store %arg12[%swap3A_110], %broadcast_in_dim3A_109 {strides = array<i32>} : memref<10000xf32, #tpu.memory_space<vmem>>, vector<16xf32>,
      %broadcast_in_dim3A_112 = arith.constant 3.000000e+38 : f32
      %broadcast_in_dim3A_113 = vector.broadcast %broadcast_in_dim3A_112 : f32 to vector<16xf32>
      %swap3A_114 = arith.index_cast %mul3A_95 : i32 to index
      %swap3A_115 = tpu.vector_load %arg13[%swap3A_114] {strides = array<i32>} : memref<10000xf32, #tpu.memory_space<vmem>>, vector<16xf32>,
      tpu.vector_store %arg13[%swap3A_114], %broadcast_in_dim3A_113 {strides = array<i32>} : memref<10000xf32, #tpu.memory_space<vmem>>, vector<16xf32>,
      %broadcast_in_dim3A_116 = arith.constant 3.000000e+38 : f32
      %broadcast_in_dim3A_117 = vector.broadcast %broadcast_in_dim3A_116 : f32 to vector<16xf32>
      %swap3A_118 = arith.index_cast %mul3A_95 : i32 to index
      %swap3A_119 = tpu.vector_load %arg14[%swap3A_118] {strides = array<i32>} : memref<10000xf32, #tpu.memory_space<vmem>>, vector<16xf32>,
      tpu.vector_store %arg14[%swap3A_118], %broadcast_in_dim3A_117 {strides = array<i32>} : memref<10000xf32, #tpu.memory_space<vmem>>, vector<16xf32>,
    }
    %scan3A_58 = arith.constant 625 : i32
    %dma_start3A_59 = arith.constant 0 : i32
    %dma_start3A_60 = tpu.memref_slice %arg3[%dma_start3A_59] : memref<320000xi32, #tpu.memory_space<hbm>> -> memref<2000xi32, #tpu.memory_space<hbm>>
    %dma_start3A_61 = arith.constant 0 : i32
    %dma_start3A_62 = tpu.memref_slice %arg3[%dma_start3A_61] : memref<320000xi32, #tpu.memory_space<hbm>> -> memref<2000xi32, #tpu.memory_space<hbm>>
    tpu.enqueue_dma source(%dma_start3A_62 : memref<2000xi32, #tpu.memory_space<hbm>>) target(%arg18 : memref<2000xi32, #tpu.memory_space<vmem>>) target_semaphore(%arg22 : memref<!tpu.dma_semaphore, #tpu.memory_space<semaphore_mem>>)
    %dma_start3A_63 = arith.constant 0 : i32
    %dma_start3A_64 = tpu.memref_slice %arg4[%dma_start3A_63] : memref<320000xi32, #tpu.memory_space<hbm>> -> memref<2000xi32, #tpu.memory_space<hbm>>
    %dma_start3A_65 = arith.constant 0 : i32
    %dma_start3A_66 = tpu.memref_slice %arg4[%dma_start3A_65] : memref<320000xi32, #tpu.memory_space<hbm>> -> memref<2000xi32, #tpu.memory_space<hbm>>
    tpu.enqueue_dma source(%dma_start3A_66 : memref<2000xi32, #tpu.memory_space<hbm>>) target(%arg19 : memref<2000xi32, #tpu.memory_space<vmem>>) target_semaphore(%arg23 : memref<!tpu.dma_semaphore, #tpu.memory_space<semaphore_mem>>)
    %scan3A_67 = arith.constant 0 : i32
    %scan3A_68 = arith.constant 0 : i32
    %scan3A_69 = arith.constant 80 : i32
    %scan3A_70 = arith.addi %scan3A_68, %scan3A_69 : i32
    %scan3A_71 = arith.constant 1 : i32
    scf.for %scan3A_93 = %scan3A_68 to %scan3A_70 step %scan3A_71  : i32 {
      %mul3A_94 = arith.constant 2 : i32
      %mul3A_95 = arith.muli %mul3A_94, %scan3A_93 : i32
      %add3A_96 = arith.constant 1 : i32
      %add3A_97 = arith.addi %mul3A_95, %add3A_96 : i32
      %mul3A_98 = arith.constant 2000 : i32
      %mul3A_99 = arith.muli %add3A_97, %mul3A_98 : i32
      %dma_start3A_100 = tpu.memref_slice %arg3[%mul3A_99] : memref<320000xi32, #tpu.memory_space<hbm>> -> memref<2000xi32, #tpu.memory_space<hbm>>
      %dma_start3A_101 = tpu.memref_slice %arg3[%mul3A_99] : memref<320000xi32, #tpu.memory_space<hbm>> -> memref<2000xi32, #tpu.memory_space<hbm>>
      tpu.enqueue_dma source(%dma_start3A_101 : memref<2000xi32, #tpu.memory_space<hbm>>) target(%arg20 : memref<2000xi32, #tpu.memory_space<vmem>>) target_semaphore(%arg24 : memref<!tpu.dma_semaphore, #tpu.memory_space<semaphore_mem>>)
      %dma_start3A_102 = tpu.memref_slice %arg4[%mul3A_99] : memref<320000xi32, #tpu.memory_space<hbm>> -> memref<2000xi32, #tpu.memory_space<hbm>>
      %dma_start3A_103 = tpu.memref_slice %arg4[%mul3A_99] : memref<320000xi32, #tpu.memory_space<hbm>> -> memref<2000xi32, #tpu.memory_space<hbm>>
      tpu.enqueue_dma source(%dma_start3A_103 : memref<2000xi32, #tpu.memory_space<hbm>>) target(%arg21 : memref<2000xi32, #tpu.memory_space<vmem>>) target_semaphore(%arg25 : memref<!tpu.dma_semaphore, #tpu.memory_space<semaphore_mem>>)
      %mul3A_104 = arith.constant 2 : i32
      %mul3A_105 = arith.muli %mul3A_104, %scan3A_93 : i32
      %mul3A_106 = arith.constant 2000 : i32
      %mul3A_107 = arith.muli %mul3A_105, %mul3A_106 : i32
      %dma_wait3A = tpu.memref_slice %arg3[%mul3A_107] : memref<320000xi32, #tpu.memory_space<hbm>> -> memref<2000xi32, #tpu.memory_space<hbm>>
      %dma_wait3A_108 = tpu.memref_slice %arg3[%mul3A_107] : memref<320000xi32, #tpu.memory_space<hbm>> -> memref<2000xi32, #tpu.memory_space<hbm>>
      tpu.wait_dma2 semaphore(%arg22 : memref<!tpu.dma_semaphore, #tpu.memory_space<semaphore_mem>>) src(%dma_wait3A_108 : memref<2000xi32, #tpu.memory_space<hbm>>) dst(%arg18 : memref<2000xi32, #tpu.memory_space<vmem>>)
      %dma_wait3A_109 = tpu.memref_slice %arg4[%mul3A_107] : memref<320000xi32, #tpu.memory_space<hbm>> -> memref<2000xi32, #tpu.memory_space<hbm>>
      %dma_wait3A_110 = tpu.memref_slice %arg4[%mul3A_107] : memref<320000xi32, #tpu.memory_space<hbm>> -> memref<2000xi32, #tpu.memory_space<hbm>>
      tpu.wait_dma2 semaphore(%arg23 : memref<!tpu.dma_semaphore, #tpu.memory_space<semaphore_mem>>) src(%dma_wait3A_110 : memref<2000xi32, #tpu.memory_space<hbm>>) dst(%arg19 : memref<2000xi32, #tpu.memory_space<vmem>>)
      %scan3A_111 = arith.constant 0 : i32
      %scan3A_112 = arith.constant 0 : i32
      %scan3A_113 = arith.constant 25 : i32
      %scan3A_114 = arith.addi %scan3A_112, %scan3A_113 : i32
      %scan3A_115 = arith.constant 1 : i32
      scf.for %scan3A_137 = %scan3A_112 to %scan3A_114 step %scan3A_115  : i32 {
        %mul3A_138 = arith.constant 80 : i32
        %mul3A_139 = arith.muli %scan3A_137, %mul3A_138 : i32
        %add3A_140 = arith.constant 0 : i32
        %add3A_141 = arith.addi %mul3A_139, %add3A_140 : i32
        %get3A = arith.index_cast %add3A_141 : i32 to index
        %get3A_142 = tpu.vector_load %arg18[%get3A] {strides = array<i32>} : memref<2000xi32, #tpu.memory_space<vmem>>, vector<16xi32>,
        %get3A_143 = arith.index_cast %add3A_141 : i32 to index
        %get3A_144 = tpu.vector_load %arg19[%get3A_143] {strides = array<i32>} : memref<2000xi32, #tpu.memory_space<vmem>>, vector<16xi32>,
        %add3A_145 = arith.constant 16 : i32
        %add3A_146 = arith.addi %mul3A_139, %add3A_145 : i32
        %get3A_147 = arith.index_cast %add3A_146 : i32 to index
        %get3A_148 = tpu.vector_load %arg18[%get3A_147] {strides = array<i32>} : memref<2000xi32, #tpu.memory_space<vmem>>, vector<16xi32>,
        %get3A_149 = arith.index_cast %add3A_146 : i32 to index
        %get3A_150 = tpu.vector_load %arg19[%get3A_149] {strides = array<i32>} : memref<2000xi32, #tpu.memory_space<vmem>>, vector<16xi32>,
        %add3A_151 = arith.constant 32 : i32
        %add3A_152 = arith.addi %mul3A_139, %add3A_151 : i32
        %get3A_153 = arith.index_cast %add3A_152 : i32 to index
        %get3A_154 = tpu.vector_load %arg18[%get3A_153] {strides = array<i32>} : memref<2000xi32, #tpu.memory_space<vmem>>, vector<16xi32>,
        %get3A_155 = arith.index_cast %add3A_152 : i32 to index
        %get3A_156 = tpu.vector_load %arg19[%get3A_155] {strides = array<i32>} : memref<2000xi32, #tpu.memory_space<vmem>>, vector<16xi32>,
        %add3A_157 = arith.constant 48 : i32
        %add3A_158 = arith.addi %mul3A_139, %add3A_157 : i32
        %get3A_159 = arith.index_cast %add3A_158 : i32 to index
        %get3A_160 = tpu.vector_load %arg18[%get3A_159] {strides = array<i32>} : memref<2000xi32, #tpu.memory_space<vmem>>, vector<16xi32>,
        %get3A_161 = arith.index_cast %add3A_158 : i32 to index
        %get3A_162 = tpu.vector_load %arg19[%get3A_161] {strides = array<i32>} : memref<2000xi32, #tpu.memory_space<vmem>>, vector<16xi32>,
        %add3A_163 = arith.constant 64 : i32
        %add3A_164 = arith.addi %mul3A_139, %add3A_163 : i32
        %get3A_165 = arith.index_cast %add3A_164 : i32 to index
        %get3A_166 = tpu.vector_load %arg18[%get3A_165] {strides = array<i32>} : memref<2000xi32, #tpu.memory_space<vmem>>, vector<16xi32>,
        %get3A_167 = arith.index_cast %add3A_164 : i32 to index
        %get3A_168 = tpu.vector_load %arg19[%get3A_167] {strides = array<i32>} : memref<2000xi32, #tpu.memory_space<vmem>>, vector<16xi32>,
        %gather3A = tpu.vector_load_idx %arg15[%get3A_142] : memref<10000xf32, #tpu.memory_space<vmem>>[vector<16xi32>], vector<16xf32>,
        %gather3A_169 = tpu.vector_load_idx %arg16[%get3A_142] : memref<10000xf32, #tpu.memory_space<vmem>>[vector<16xi32>], vector<16xf32>,
        %gather3A_170 = tpu.vector_load_idx %arg15[%get3A_148] : memref<10000xf32, #tpu.memory_space<vmem>>[vector<16xi32>], vector<16xf32>,
        %gather3A_171 = tpu.vector_load_idx %arg16[%get3A_148] : memref<10000xf32, #tpu.memory_space<vmem>>[vector<16xi32>], vector<16xf32>,
        %gather3A_172 = tpu.vector_load_idx %arg15[%get3A_154] : memref<10000xf32, #tpu.memory_space<vmem>>[vector<16xi32>], vector<16xf32>,
        %gather3A_173 = tpu.vector_load_idx %arg16[%get3A_154] : memref<10000xf32, #tpu.memory_space<vmem>>[vector<16xi32>], vector<16xf32>,
        %gather3A_174 = tpu.vector_load_idx %arg15[%get3A_160] : memref<10000xf32, #tpu.memory_space<vmem>>[vector<16xi32>], vector<16xf32>,
        %gather3A_175 = tpu.vector_load_idx %arg16[%get3A_160] : memref<10000xf32, #tpu.memory_space<vmem>>[vector<16xi32>], vector<16xf32>,
        %gather3A_176 = tpu.vector_load_idx %arg15[%get3A_166] : memref<10000xf32, #tpu.memory_space<vmem>>[vector<16xi32>], vector<16xf32>,
        %gather3A_177 = tpu.vector_load_idx %arg16[%get3A_166] : memref<10000xf32, #tpu.memory_space<vmem>>[vector<16xi32>], vector<16xf32>,
        %broadcast_in_dim3A = arith.constant true
        %broadcast_in_dim3A_178 = vector.broadcast %broadcast_in_dim3A : i1 to vector<16xi1>
        %unique3A, %unique3A_179 = tpu.scan_count mask(%broadcast_in_dim3A_178 : vector<16xi1>) value(%get3A_144 : vector<16xi32>) : vector<16xi1>, vector<16xi32>
        %gather3A_180 = tpu.vector_load_idx %arg11[%get3A_144] : memref<10000xf32, #tpu.memory_space<vmem>>[vector<16xi32>], vector<16xf32>,
        %gather3A_181 = tpu.vector_load_idx %arg13[%get3A_144] : memref<10000xf32, #tpu.memory_space<vmem>>[vector<16xi32>], vector<16xf32>,
        %gather3A_182 = tpu.vector_load_idx %arg12[%get3A_144] : memref<10000xf32, #tpu.memory_space<vmem>>[vector<16xi32>], vector<16xf32>,
        %gather3A_183 = tpu.vector_load_idx %arg14[%get3A_144] : memref<10000xf32, #tpu.memory_space<vmem>>[vector<16xi32>], vector<16xf32>,
        tpu.vector_store_idx %arg7[%get3A_144], %gather3A {add = true} : memref<10000xf32, #tpu.memory_space<vmem>>[vector<16xi32>], vector<16xf32>,
        %mul3A_184 = arith.mulf %gather3A, %gather3A : vector<16xf32>
        tpu.vector_store_idx %arg9[%get3A_144], %mul3A_184 {add = true} : memref<10000xf32, #tpu.memory_space<vmem>>[vector<16xi32>], vector<16xf32>,
        tpu.vector_store_idx %arg8[%get3A_144], %gather3A_169 {add = true} : memref<10000xf32, #tpu.memory_space<vmem>>[vector<16xi32>], vector<16xf32>,
        %mul3A_185 = arith.mulf %gather3A_169, %gather3A_169 : vector<16xf32>
        tpu.vector_store_idx %arg10[%get3A_144], %mul3A_185 {add = true} : memref<10000xf32, #tpu.memory_space<vmem>>[vector<16xi32>], vector<16xf32>,
        %gt3A = arith.cmpf ogt, %gather3A, %gather3A_180 : vector<16xf32>
        tpu.vector_store_idx %arg11[%get3A_144], %gather3A masked %gt3A : memref<10000xf32, #tpu.memory_space<vmem>>[vector<16xi32>], vector<16xf32>, vector<16xi1>
        %lt3A_186 = arith.cmpf olt, %gather3A, %gather3A_181 : vector<16xf32>
        tpu.vector_store_idx %arg13[%get3A_144], %gather3A masked %lt3A_186 : memref<10000xf32, #tpu.memory_space<vmem>>[vector<16xi32>], vector<16xf32>, vector<16xi1>
        %gt3A_187 = arith.cmpf ogt, %gather3A_169, %gather3A_182 : vector<16xf32>
        tpu.vector_store_idx %arg12[%get3A_144], %gather3A_169 masked %gt3A_187 : memref<10000xf32, #tpu.memory_space<vmem>>[vector<16xi32>], vector<16xf32>, vector<16xi1>
        %lt3A_188 = arith.cmpf olt, %gather3A_169, %gather3A_183 : vector<16xf32>
        tpu.vector_store_idx %arg14[%get3A_144], %gather3A_169 masked %lt3A_188 : memref<10000xf32, #tpu.memory_space<vmem>>[vector<16xi32>], vector<16xf32>, vector<16xi1>
        %all_reduce_population_count3A = tpu.all_reduce %unique3A {dim = 0 : i64, kind = #tpu.reduction_kind<sum>} : vector<16xi1> -> vector<16xi32>
        %slice3A = vector.extract_strided_slice %all_reduce_population_count3A {offsets = [0], sizes = [1], strides = [1]} : vector<16xi32> to vector<1xi32>
        %squeeze3A = vector.extract %slice3A[0] : i32 from vector<1xi32>
        %broadcast_in_dim3A_189 = arith.constant true
        %broadcast_in_dim3A_190 = vector.broadcast %broadcast_in_dim3A_189 : i1 to vector<16xi1>
        %unique3A_191, %unique3A_192 = tpu.scan_count mask(%broadcast_in_dim3A_190 : vector<16xi1>) value(%get3A_150 : vector<16xi32>) : vector<16xi1>, vector<16xi32>
        %gather3A_193 = tpu.vector_load_idx %arg11[%get3A_150] : memref<10000xf32, #tpu.memory_space<vmem>>[vector<16xi32>], vector<16xf32>,
        %gather3A_194 = tpu.vector_load_idx %arg13[%get3A_150] : memref<10000xf32, #tpu.memory_space<vmem>>[vector<16xi32>], vector<16xf32>,
        %gather3A_195 = tpu.vector_load_idx %arg12[%get3A_150] : memref<10000xf32, #tpu.memory_space<vmem>>[vector<16xi32>], vector<16xf32>,
        %gather3A_196 = tpu.vector_load_idx %arg14[%get3A_150] : memref<10000xf32, #tpu.memory_space<vmem>>[vector<16xi32>], vector<16xf32>,
        tpu.vector_store_idx %arg7[%get3A_150], %gather3A_170 {add = true} : memref<10000xf32, #tpu.memory_space<vmem>>[vector<16xi32>], vector<16xf32>,
        %mul3A_197 = arith.mulf %gather3A_170, %gather3A_170 : vector<16xf32>
        tpu.vector_store_idx %arg9[%get3A_150], %mul3A_197 {add = true} : memref<10000xf32, #tpu.memory_space<vmem>>[vector<16xi32>], vector<16xf32>,
        tpu.vector_store_idx %arg8[%get3A_150], %gather3A_171 {add = true} : memref<10000xf32, #tpu.memory_space<vmem>>[vector<16xi32>], vector<16xf32>,
        %mul3A_198 = arith.mulf %gather3A_171, %gather3A_171 : vector<16xf32>
        tpu.vector_store_idx %arg10[%get3A_150], %mul3A_198 {add = true} : memref<10000xf32, #tpu.memory_space<vmem>>[vector<16xi32>], vector<16xf32>,
        %gt3A_199 = arith.cmpf ogt, %gather3A_170, %gather3A_193 : vector<16xf32>
        tpu.vector_store_idx %arg11[%get3A_150], %gather3A_170 masked %gt3A_199 : memref<10000xf32, #tpu.memory_space<vmem>>[vector<16xi32>], vector<16xf32>, vector<16xi1>
        %lt3A_200 = arith.cmpf olt, %gather3A_170, %gather3A_194 : vector<16xf32>
        tpu.vector_store_idx %arg13[%get3A_150], %gather3A_170 masked %lt3A_200 : memref<10000xf32, #tpu.memory_space<vmem>>[vector<16xi32>], vector<16xf32>, vector<16xi1>
        %gt3A_201 = arith.cmpf ogt, %gather3A_171, %gather3A_195 : vector<16xf32>
        tpu.vector_store_idx %arg12[%get3A_150], %gather3A_171 masked %gt3A_201 : memref<10000xf32, #tpu.memory_space<vmem>>[vector<16xi32>], vector<16xf32>, vector<16xi1>
        %lt3A_202 = arith.cmpf olt, %gather3A_171, %gather3A_196 : vector<16xf32>
        tpu.vector_store_idx %arg14[%get3A_150], %gather3A_171 masked %lt3A_202 : memref<10000xf32, #tpu.memory_space<vmem>>[vector<16xi32>], vector<16xf32>, vector<16xi1>
        %all_reduce_population_count3A_203 = tpu.all_reduce %unique3A_191 {dim = 0 : i64, kind = #tpu.reduction_kind<sum>} : vector<16xi1> -> vector<16xi32>
        %slice3A_204 = vector.extract_strided_slice %all_reduce_population_count3A_203 {offsets = [0], sizes = [1], strides = [1]} : vector<16xi32> to vector<1xi32>
        %squeeze3A_205 = vector.extract %slice3A_204[0] : i32 from vector<1xi32>
        %broadcast_in_dim3A_206 = arith.constant true
        %broadcast_in_dim3A_207 = vector.broadcast %broadcast_in_dim3A_206 : i1 to vector<16xi1>
        %unique3A_208, %unique3A_209 = tpu.scan_count mask(%broadcast_in_dim3A_207 : vector<16xi1>) value(%get3A_156 : vector<16xi32>) : vector<16xi1>, vector<16xi32>
        %gather3A_210 = tpu.vector_load_idx %arg11[%get3A_156] : memref<10000xf32, #tpu.memory_space<vmem>>[vector<16xi32>], vector<16xf32>,
        %gather3A_211 = tpu.vector_load_idx %arg13[%get3A_156] : memref<10000xf32, #tpu.memory_space<vmem>>[vector<16xi32>], vector<16xf32>,
        %gather3A_212 = tpu.vector_load_idx %arg12[%get3A_156] : memref<10000xf32, #tpu.memory_space<vmem>>[vector<16xi32>], vector<16xf32>,
        %gather3A_213 = tpu.vector_load_idx %arg14[%get3A_156] : memref<10000xf32, #tpu.memory_space<vmem>>[vector<16xi32>], vector<16xf32>,
        tpu.vector_store_idx %arg7[%get3A_156], %gather3A_172 {add = true} : memref<10000xf32, #tpu.memory_space<vmem>>[vector<16xi32>], vector<16xf32>,
        %mul3A_214 = arith.mulf %gather3A_172, %gather3A_172 : vector<16xf32>
        tpu.vector_store_idx %arg9[%get3A_156], %mul3A_214 {add = true} : memref<10000xf32, #tpu.memory_space<vmem>>[vector<16xi32>], vector<16xf32>,
        tpu.vector_store_idx %arg8[%get3A_156], %gather3A_173 {add = true} : memref<10000xf32, #tpu.memory_space<vmem>>[vector<16xi32>], vector<16xf32>,
        %mul3A_215 = arith.mulf %gather3A_173, %gather3A_173 : vector<16xf32>
        tpu.vector_store_idx %arg10[%get3A_156], %mul3A_215 {add = true} : memref<10000xf32, #tpu.memory_space<vmem>>[vector<16xi32>], vector<16xf32>,
        %gt3A_216 = arith.cmpf ogt, %gather3A_172, %gather3A_210 : vector<16xf32>
        tpu.vector_store_idx %arg11[%get3A_156], %gather3A_172 masked %gt3A_216 : memref<10000xf32, #tpu.memory_space<vmem>>[vector<16xi32>], vector<16xf32>, vector<16xi1>
        %lt3A_217 = arith.cmpf olt, %gather3A_172, %gather3A_211 : vector<16xf32>
        tpu.vector_store_idx %arg13[%get3A_156], %gather3A_172 masked %lt3A_217 : memref<10000xf32, #tpu.memory_space<vmem>>[vector<16xi32>], vector<16xf32>, vector<16xi1>
        %gt3A_218 = arith.cmpf ogt, %gather3A_173, %gather3A_212 : vector<16xf32>
        tpu.vector_store_idx %arg12[%get3A_156], %gather3A_173 masked %gt3A_218 : memref<10000xf32, #tpu.memory_space<vmem>>[vector<16xi32>], vector<16xf32>, vector<16xi1>
        %lt3A_219 = arith.cmpf olt, %gather3A_173, %gather3A_213 : vector<16xf32>
        tpu.vector_store_idx %arg14[%get3A_156], %gather3A_173 masked %lt3A_219 : memref<10000xf32, #tpu.memory_space<vmem>>[vector<16xi32>], vector<16xf32>, vector<16xi1>
        %all_reduce_population_count3A_220 = tpu.all_reduce %unique3A_208 {dim = 0 : i64, kind = #tpu.reduction_kind<sum>} : vector<16xi1> -> vector<16xi32>
        %slice3A_221 = vector.extract_strided_slice %all_reduce_population_count3A_220 {offsets = [0], sizes = [1], strides = [1]} : vector<16xi32> to vector<1xi32>
        %squeeze3A_222 = vector.extract %slice3A_221[0] : i32 from vector<1xi32>
        %broadcast_in_dim3A_223 = arith.constant true
        %broadcast_in_dim3A_224 = vector.broadcast %broadcast_in_dim3A_223 : i1 to vector<16xi1>
        %unique3A_225, %unique3A_226 = tpu.scan_count mask(%broadcast_in_dim3A_224 : vector<16xi1>) value(%get3A_162 : vector<16xi32>) : vector<16xi1>, vector<16xi32>
        %gather3A_227 = tpu.vector_load_idx %arg11[%get3A_162] : memref<10000xf32, #tpu.memory_space<vmem>>[vector<16xi32>], vector<16xf32>,
        %gather3A_228 = tpu.vector_load_idx %arg13[%get3A_162] : memref<10000xf32, #tpu.memory_space<vmem>>[vector<16xi32>], vector<16xf32>,
        %gather3A_229 = tpu.vector_load_idx %arg12[%get3A_162] : memref<10000xf32, #tpu.memory_space<vmem>>[vector<16xi32>], vector<16xf32>,
        %gather3A_230 = tpu.vector_load_idx %arg14[%get3A_162] : memref<10000xf32, #tpu.memory_space<vmem>>[vector<16xi32>], vector<16xf32>,
        tpu.vector_store_idx %arg7[%get3A_162], %gather3A_174 {add = true} : memref<10000xf32, #tpu.memory_space<vmem>>[vector<16xi32>], vector<16xf32>,
        %mul3A_231 = arith.mulf %gather3A_174, %gather3A_174 : vector<16xf32>
        tpu.vector_store_idx %arg9[%get3A_162], %mul3A_231 {add = true} : memref<10000xf32, #tpu.memory_space<vmem>>[vector<16xi32>], vector<16xf32>,
        tpu.vector_store_idx %arg8[%get3A_162], %gather3A_175 {add = true} : memref<10000xf32, #tpu.memory_space<vmem>>[vector<16xi32>], vector<16xf32>,
        %mul3A_232 = arith.mulf %gather3A_175, %gather3A_175 : vector<16xf32>
        tpu.vector_store_idx %arg10[%get3A_162], %mul3A_232 {add = true} : memref<10000xf32, #tpu.memory_space<vmem>>[vector<16xi32>], vector<16xf32>,
        %gt3A_233 = arith.cmpf ogt, %gather3A_174, %gather3A_227 : vector<16xf32>
        tpu.vector_store_idx %arg11[%get3A_162], %gather3A_174 masked %gt3A_233 : memref<10000xf32, #tpu.memory_space<vmem>>[vector<16xi32>], vector<16xf32>, vector<16xi1>
        %lt3A_234 = arith.cmpf olt, %gather3A_174, %gather3A_228 : vector<16xf32>
        tpu.vector_store_idx %arg13[%get3A_162], %gather3A_174 masked %lt3A_234 : memref<10000xf32, #tpu.memory_space<vmem>>[vector<16xi32>], vector<16xf32>, vector<16xi1>
        %gt3A_235 = arith.cmpf ogt, %gather3A_175, %gather3A_229 : vector<16xf32>
        tpu.vector_store_idx %arg12[%get3A_162], %gather3A_175 masked %gt3A_235 : memref<10000xf32, #tpu.memory_space<vmem>>[vector<16xi32>], vector<16xf32>, vector<16xi1>
        %lt3A_236 = arith.cmpf olt, %gather3A_175, %gather3A_230 : vector<16xf32>
        tpu.vector_store_idx %arg14[%get3A_162], %gather3A_175 masked %lt3A_236 : memref<10000xf32, #tpu.memory_space<vmem>>[vector<16xi32>], vector<16xf32>, vector<16xi1>
        %all_reduce_population_count3A_237 = tpu.all_reduce %unique3A_225 {dim = 0 : i64, kind = #tpu.reduction_kind<sum>} : vector<16xi1> -> vector<16xi32>
        %slice3A_238 = vector.extract_strided_slice %all_reduce_population_count3A_237 {offsets = [0], sizes = [1], strides = [1]} : vector<16xi32> to vector<1xi32>
        %squeeze3A_239 = vector.extract %slice3A_238[0] : i32 from vector<1xi32>
        %broadcast_in_dim3A_240 = arith.constant true
        %broadcast_in_dim3A_241 = vector.broadcast %broadcast_in_dim3A_240 : i1 to vector<16xi1>
        %unique3A_242, %unique3A_243 = tpu.scan_count mask(%broadcast_in_dim3A_241 : vector<16xi1>) value(%get3A_168 : vector<16xi32>) : vector<16xi1>, vector<16xi32>
        %gather3A_244 = tpu.vector_load_idx %arg11[%get3A_168] : memref<10000xf32, #tpu.memory_space<vmem>>[vector<16xi32>], vector<16xf32>,
        %gather3A_245 = tpu.vector_load_idx %arg13[%get3A_168] : memref<10000xf32, #tpu.memory_space<vmem>>[vector<16xi32>], vector<16xf32>,
        %gather3A_246 = tpu.vector_load_idx %arg12[%get3A_168] : memref<10000xf32, #tpu.memory_space<vmem>>[vector<16xi32>], vector<16xf32>,
        %gather3A_247 = tpu.vector_load_idx %arg14[%get3A_168] : memref<10000xf32, #tpu.memory_space<vmem>>[vector<16xi32>], vector<16xf32>,
        tpu.vector_store_idx %arg7[%get3A_168], %gather3A_176 {add = true} : memref<10000xf32, #tpu.memory_space<vmem>>[vector<16xi32>], vector<16xf32>,
        %mul3A_248 = arith.mulf %gather3A_176, %gather3A_176 : vector<16xf32>
        tpu.vector_store_idx %arg9[%get3A_168], %mul3A_248 {add = true} : memref<10000xf32, #tpu.memory_space<vmem>>[vector<16xi32>], vector<16xf32>,
        tpu.vector_store_idx %arg8[%get3A_168], %gather3A_177 {add = true} : memref<10000xf32, #tpu.memory_space<vmem>>[vector<16xi32>], vector<16xf32>,
        %mul3A_249 = arith.mulf %gather3A_177, %gather3A_177 : vector<16xf32>
        tpu.vector_store_idx %arg10[%get3A_168], %mul3A_249 {add = true} : memref<10000xf32, #tpu.memory_space<vmem>>[vector<16xi32>], vector<16xf32>,
        %gt3A_250 = arith.cmpf ogt, %gather3A_176, %gather3A_244 : vector<16xf32>
        tpu.vector_store_idx %arg11[%get3A_168], %gather3A_176 masked %gt3A_250 : memref<10000xf32, #tpu.memory_space<vmem>>[vector<16xi32>], vector<16xf32>, vector<16xi1>
        %lt3A_251 = arith.cmpf olt, %gather3A_176, %gather3A_245 : vector<16xf32>
        tpu.vector_store_idx %arg13[%get3A_168], %gather3A_176 masked %lt3A_251 : memref<10000xf32, #tpu.memory_space<vmem>>[vector<16xi32>], vector<16xf32>, vector<16xi1>
        %gt3A_252 = arith.cmpf ogt, %gather3A_177, %gather3A_246 : vector<16xf32>
        tpu.vector_store_idx %arg12[%get3A_168], %gather3A_177 masked %gt3A_252 : memref<10000xf32, #tpu.memory_space<vmem>>[vector<16xi32>], vector<16xf32>, vector<16xi1>
        %lt3A_253 = arith.cmpf olt, %gather3A_177, %gather3A_247 : vector<16xf32>
        tpu.vector_store_idx %arg14[%get3A_168], %gather3A_177 masked %lt3A_253 : memref<10000xf32, #tpu.memory_space<vmem>>[vector<16xi32>], vector<16xf32>, vector<16xi1>
        %all_reduce_population_count3A_254 = tpu.all_reduce %unique3A_242 {dim = 0 : i64, kind = #tpu.reduction_kind<sum>} : vector<16xi1> -> vector<16xi32>
        %slice3A_255 = vector.extract_strided_slice %all_reduce_population_count3A_254 {offsets = [0], sizes = [1], strides = [1]} : vector<16xi32> to vector<1xi32>
        %squeeze3A_256 = vector.extract %slice3A_255[0] : i32 from vector<1xi32>
        %lt3A_257 = arith.constant 16 : i32
        %lt3A_258 = arith.cmpi slt, %squeeze3A, %lt3A_257 : i32
        %lt3A_259 = arith.constant 16 : i32
        %lt3A_260 = arith.cmpi slt, %squeeze3A_205, %lt3A_259 : i32
        %or3A = arith.ori %lt3A_258, %lt3A_260 : i1
        %lt3A_261 = arith.constant 16 : i32
        %lt3A_262 = arith.cmpi slt, %squeeze3A_222, %lt3A_261 : i32
        %or3A_263 = arith.ori %or3A, %lt3A_262 : i1
        %lt3A_264 = arith.constant 16 : i32
        %lt3A_265 = arith.cmpi slt, %squeeze3A_239, %lt3A_264 : i32
        %or3A_266 = arith.ori %or3A_263, %lt3A_265 : i1
        %lt3A_267 = arith.constant 16 : i32
        %lt3A_268 = arith.cmpi slt, %squeeze3A_256, %lt3A_267 : i32
        %or3A_269 = arith.ori %or3A_266, %lt3A_268 : i1
        %convert_element_type3A_270 = arith.extui %or3A_269 : i1 to i32
        %cond3A_271 = arith.constant 0 : i32
        %cond3A_272 = arith.cmpi ne, %convert_element_type3A_270, %cond3A_271 : i32
        scf.if %cond3A_272 {
          %broadcast_in_dim3A_273 = arith.constant true
          %broadcast_in_dim3A_274 = vector.broadcast %broadcast_in_dim3A_273 : i1 to vector<16xi1>
          %while3A = scf.while (%while3A_332 = %broadcast_in_dim3A_274) : (vector<16xi1>) -> vector<16xi1> {
            %all_reduce_population_count3A_333 = tpu.all_reduce %while3A_332 {dim = 0 : i64, kind = #tpu.reduction_kind<sum>} : vector<16xi1> -> vector<16xi32>
            %slice3A_334 = vector.extract_strided_slice %all_reduce_population_count3A_333 {offsets = [0], sizes = [1], strides = [1]} : vector<16xi32> to vector<1xi32>
            %squeeze3A_335 = vector.extract %slice3A_334[0] : i32 from vector<1xi32>
            %gt3A_336 = arith.constant 0 : i32
            %gt3A_337 = arith.cmpi sgt, %squeeze3A_335, %gt3A_336 : i32
            scf.condition(%gt3A_337) %while3A_332 : vector<16xi1>
          } do {
          ^bb0(%while3A_332: vector<16xi1>):
            %gather3A_333 = tpu.vector_load_idx %arg11[%get3A_144] : memref<10000xf32, #tpu.memory_space<vmem>>[vector<16xi32>], vector<16xf32>,
            %max3A = arith.maximumf %gather3A_333, %gather3A : vector<16xf32>
            tpu.vector_store_idx %arg11[%get3A_144], %max3A masked %while3A_332 : memref<10000xf32, #tpu.memory_space<vmem>>[vector<16xi32>], vector<16xf32>, vector<16xi1>
            %gather3A_334 = tpu.vector_load_idx %arg11[%get3A_144] : memref<10000xf32, #tpu.memory_space<vmem>>[vector<16xi32>], vector<16xf32>,
            %lt3A_335 = arith.cmpf olt, %gather3A_334, %gather3A : vector<16xf32>
            %and3A = arith.andi %while3A_332, %lt3A_335 : vector<16xi1>
            scf.yield %and3A : vector<16xi1>
          }
          %broadcast_in_dim3A_275 = arith.constant true
          %broadcast_in_dim3A_276 = vector.broadcast %broadcast_in_dim3A_275 : i1 to vector<16xi1>
          %while3A_277 = scf.while (%while3A_332 = %broadcast_in_dim3A_276) : (vector<16xi1>) -> vector<16xi1> {
            %all_reduce_population_count3A_333 = tpu.all_reduce %while3A_332 {dim = 0 : i64, kind = #tpu.reduction_kind<sum>} : vector<16xi1> -> vector<16xi32>
            %slice3A_334 = vector.extract_strided_slice %all_reduce_population_count3A_333 {offsets = [0], sizes = [1], strides = [1]} : vector<16xi32> to vector<1xi32>
            %squeeze3A_335 = vector.extract %slice3A_334[0] : i32 from vector<1xi32>
            %gt3A_336 = arith.constant 0 : i32
            %gt3A_337 = arith.cmpi sgt, %squeeze3A_335, %gt3A_336 : i32
            scf.condition(%gt3A_337) %while3A_332 : vector<16xi1>
          } do {
          ^bb0(%while3A_332: vector<16xi1>):
            %gather3A_333 = tpu.vector_load_idx %arg13[%get3A_144] : memref<10000xf32, #tpu.memory_space<vmem>>[vector<16xi32>], vector<16xf32>,
            %min3A = arith.minimumf %gather3A_333, %gather3A : vector<16xf32>
            tpu.vector_store_idx %arg13[%get3A_144], %min3A masked %while3A_332 : memref<10000xf32, #tpu.memory_space<vmem>>[vector<16xi32>], vector<16xf32>, vector<16xi1>
            %gather3A_334 = tpu.vector_load_idx %arg13[%get3A_144] : memref<10000xf32, #tpu.memory_space<vmem>>[vector<16xi32>], vector<16xf32>,
            %gt3A_335 = arith.cmpf ogt, %gather3A_334, %gather3A : vector<16xf32>
            %and3A = arith.andi %while3A_332, %gt3A_335 : vector<16xi1>
            scf.yield %and3A : vector<16xi1>
          }
          %broadcast_in_dim3A_278 = arith.constant true
          %broadcast_in_dim3A_279 = vector.broadcast %broadcast_in_dim3A_278 : i1 to vector<16xi1>
          %while3A_280 = scf.while (%while3A_332 = %broadcast_in_dim3A_279) : (vector<16xi1>) -> vector<16xi1> {
            %all_reduce_population_count3A_333 = tpu.all_reduce %while3A_332 {dim = 0 : i64, kind = #tpu.reduction_kind<sum>} : vector<16xi1> -> vector<16xi32>
            %slice3A_334 = vector.extract_strided_slice %all_reduce_population_count3A_333 {offsets = [0], sizes = [1], strides = [1]} : vector<16xi32> to vector<1xi32>
            %squeeze3A_335 = vector.extract %slice3A_334[0] : i32 from vector<1xi32>
            %gt3A_336 = arith.constant 0 : i32
            %gt3A_337 = arith.cmpi sgt, %squeeze3A_335, %gt3A_336 : i32
            scf.condition(%gt3A_337) %while3A_332 : vector<16xi1>
          } do {
          ^bb0(%while3A_332: vector<16xi1>):
            %gather3A_333 = tpu.vector_load_idx %arg12[%get3A_144] : memref<10000xf32, #tpu.memory_space<vmem>>[vector<16xi32>], vector<16xf32>,
            %max3A = arith.maximumf %gather3A_333, %gather3A_169 : vector<16xf32>
            tpu.vector_store_idx %arg12[%get3A_144], %max3A masked %while3A_332 : memref<10000xf32, #tpu.memory_space<vmem>>[vector<16xi32>], vector<16xf32>, vector<16xi1>
            %gather3A_334 = tpu.vector_load_idx %arg12[%get3A_144] : memref<10000xf32, #tpu.memory_space<vmem>>[vector<16xi32>], vector<16xf32>,
            %lt3A_335 = arith.cmpf olt, %gather3A_334, %gather3A_169 : vector<16xf32>
            %and3A = arith.andi %while3A_332, %lt3A_335 : vector<16xi1>
            scf.yield %and3A : vector<16xi1>
          }
          %broadcast_in_dim3A_281 = arith.constant true
          %broadcast_in_dim3A_282 = vector.broadcast %broadcast_in_dim3A_281 : i1 to vector<16xi1>
          %while3A_283 = scf.while (%while3A_332 = %broadcast_in_dim3A_282) : (vector<16xi1>) -> vector<16xi1> {
            %all_reduce_population_count3A_333 = tpu.all_reduce %while3A_332 {dim = 0 : i64, kind = #tpu.reduction_kind<sum>} : vector<16xi1> -> vector<16xi32>
            %slice3A_334 = vector.extract_strided_slice %all_reduce_population_count3A_333 {offsets = [0], sizes = [1], strides = [1]} : vector<16xi32> to vector<1xi32>
            %squeeze3A_335 = vector.extract %slice3A_334[0] : i32 from vector<1xi32>
            %gt3A_336 = arith.constant 0 : i32
            %gt3A_337 = arith.cmpi sgt, %squeeze3A_335, %gt3A_336 : i32
            scf.condition(%gt3A_337) %while3A_332 : vector<16xi1>
          } do {
          ^bb0(%while3A_332: vector<16xi1>):
            %gather3A_333 = tpu.vector_load_idx %arg14[%get3A_144] : memref<10000xf32, #tpu.memory_space<vmem>>[vector<16xi32>], vector<16xf32>,
            %min3A = arith.minimumf %gather3A_333, %gather3A_169 : vector<16xf32>
            tpu.vector_store_idx %arg14[%get3A_144], %min3A masked %while3A_332 : memref<10000xf32, #tpu.memory_space<vmem>>[vector<16xi32>], vector<16xf32>, vector<16xi1>
            %gather3A_334 = tpu.vector_load_idx %arg14[%get3A_144] : memref<10000xf32, #tpu.memory_space<vmem>>[vector<16xi32>], vector<16xf32>,
            %gt3A_335 = arith.cmpf ogt, %gather3A_334, %gather3A_169 : vector<16xf32>
            %and3A = arith.andi %while3A_332, %gt3A_335 : vector<16xi1>
            scf.yield %and3A : vector<16xi1>
          }
          %broadcast_in_dim3A_284 = arith.constant true
          %broadcast_in_dim3A_285 = vector.broadcast %broadcast_in_dim3A_284 : i1 to vector<16xi1>
          %while3A_286 = scf.while (%while3A_332 = %broadcast_in_dim3A_285) : (vector<16xi1>) -> vector<16xi1> {
            %all_reduce_population_count3A_333 = tpu.all_reduce %while3A_332 {dim = 0 : i64, kind = #tpu.reduction_kind<sum>} : vector<16xi1> -> vector<16xi32>
            %slice3A_334 = vector.extract_strided_slice %all_reduce_population_count3A_333 {offsets = [0], sizes = [1], strides = [1]} : vector<16xi32> to vector<1xi32>
            %squeeze3A_335 = vector.extract %slice3A_334[0] : i32 from vector<1xi32>
            %gt3A_336 = arith.constant 0 : i32
            %gt3A_337 = arith.cmpi sgt, %squeeze3A_335, %gt3A_336 : i32
            scf.condition(%gt3A_337) %while3A_332 : vector<16xi1>
          } do {
          ^bb0(%while3A_332: vector<16xi1>):
            %gather3A_333 = tpu.vector_load_idx %arg11[%get3A_150] : memref<10000xf32, #tpu.memory_space<vmem>>[vector<16xi32>], vector<16xf32>,
            %max3A = arith.maximumf %gather3A_333, %gather3A_170 : vector<16xf32>
            tpu.vector_store_idx %arg11[%get3A_150], %max3A masked %while3A_332 : memref<10000xf32, #tpu.memory_space<vmem>>[vector<16xi32>], vector<16xf32>, vector<16xi1>
            %gather3A_334 = tpu.vector_load_idx %arg11[%get3A_150] : memref<10000xf32, #tpu.memory_space<vmem>>[vector<16xi32>], vector<16xf32>,
            %lt3A_335 = arith.cmpf olt, %gather3A_334, %gather3A_170 : vector<16xf32>
            %and3A = arith.andi %while3A_332, %lt3A_335 : vector<16xi1>
            scf.yield %and3A : vector<16xi1>
          }
          %broadcast_in_dim3A_287 = arith.constant true
          %broadcast_in_dim3A_288 = vector.broadcast %broadcast_in_dim3A_287 : i1 to vector<16xi1>
          %while3A_289 = scf.while (%while3A_332 = %broadcast_in_dim3A_288) : (vector<16xi1>) -> vector<16xi1> {
            %all_reduce_population_count3A_333 = tpu.all_reduce %while3A_332 {dim = 0 : i64, kind = #tpu.reduction_kind<sum>} : vector<16xi1> -> vector<16xi32>
            %slice3A_334 = vector.extract_strided_slice %all_reduce_population_count3A_333 {offsets = [0], sizes = [1], strides = [1]} : vector<16xi32> to vector<1xi32>
            %squeeze3A_335 = vector.extract %slice3A_334[0] : i32 from vector<1xi32>
            %gt3A_336 = arith.constant 0 : i32
            %gt3A_337 = arith.cmpi sgt, %squeeze3A_335, %gt3A_336 : i32
            scf.condition(%gt3A_337) %while3A_332 : vector<16xi1>
          } do {
          ^bb0(%while3A_332: vector<16xi1>):
            %gather3A_333 = tpu.vector_load_idx %arg13[%get3A_150] : memref<10000xf32, #tpu.memory_space<vmem>>[vector<16xi32>], vector<16xf32>,
            %min3A = arith.minimumf %gather3A_333, %gather3A_170 : vector<16xf32>
            tpu.vector_store_idx %arg13[%get3A_150], %min3A masked %while3A_332 : memref<10000xf32, #tpu.memory_space<vmem>>[vector<16xi32>], vector<16xf32>, vector<16xi1>
            %gather3A_334 = tpu.vector_load_idx %arg13[%get3A_150] : memref<10000xf32, #tpu.memory_space<vmem>>[vector<16xi32>], vector<16xf32>,
            %gt3A_335 = arith.cmpf ogt, %gather3A_334, %gather3A_170 : vector<16xf32>
            %and3A = arith.andi %while3A_332, %gt3A_335 : vector<16xi1>
            scf.yield %and3A : vector<16xi1>
          }
          %broadcast_in_dim3A_290 = arith.constant true
          %broadcast_in_dim3A_291 = vector.broadcast %broadcast_in_dim3A_290 : i1 to vector<16xi1>
          %while3A_292 = scf.while (%while3A_332 = %broadcast_in_dim3A_291) : (vector<16xi1>) -> vector<16xi1> {
            %all_reduce_population_count3A_333 = tpu.all_reduce %while3A_332 {dim = 0 : i64, kind = #tpu.reduction_kind<sum>} : vector<16xi1> -> vector<16xi32>
            %slice3A_334 = vector.extract_strided_slice %all_reduce_population_count3A_333 {offsets = [0], sizes = [1], strides = [1]} : vector<16xi32> to vector<1xi32>
            %squeeze3A_335 = vector.extract %slice3A_334[0] : i32 from vector<1xi32>
            %gt3A_336 = arith.constant 0 : i32
            %gt3A_337 = arith.cmpi sgt, %squeeze3A_335, %gt3A_336 : i32
            scf.condition(%gt3A_337) %while3A_332 : vector<16xi1>
          } do {
          ^bb0(%while3A_332: vector<16xi1>):
            %gather3A_333 = tpu.vector_load_idx %arg12[%get3A_150] : memref<10000xf32, #tpu.memory_space<vmem>>[vector<16xi32>], vector<16xf32>,
            %max3A = arith.maximumf %gather3A_333, %gather3A_171 : vector<16xf32>
            tpu.vector_store_idx %arg12[%get3A_150], %max3A masked %while3A_332 : memref<10000xf32, #tpu.memory_space<vmem>>[vector<16xi32>], vector<16xf32>, vector<16xi1>
            %gather3A_334 = tpu.vector_load_idx %arg12[%get3A_150] : memref<10000xf32, #tpu.memory_space<vmem>>[vector<16xi32>], vector<16xf32>,
            %lt3A_335 = arith.cmpf olt, %gather3A_334, %gather3A_171 : vector<16xf32>
            %and3A = arith.andi %while3A_332, %lt3A_335 : vector<16xi1>
            scf.yield %and3A : vector<16xi1>
          }
          %broadcast_in_dim3A_293 = arith.constant true
          %broadcast_in_dim3A_294 = vector.broadcast %broadcast_in_dim3A_293 : i1 to vector<16xi1>
          %while3A_295 = scf.while (%while3A_332 = %broadcast_in_dim3A_294) : (vector<16xi1>) -> vector<16xi1> {
            %all_reduce_population_count3A_333 = tpu.all_reduce %while3A_332 {dim = 0 : i64, kind = #tpu.reduction_kind<sum>} : vector<16xi1> -> vector<16xi32>
            %slice3A_334 = vector.extract_strided_slice %all_reduce_population_count3A_333 {offsets = [0], sizes = [1], strides = [1]} : vector<16xi32> to vector<1xi32>
            %squeeze3A_335 = vector.extract %slice3A_334[0] : i32 from vector<1xi32>
            %gt3A_336 = arith.constant 0 : i32
            %gt3A_337 = arith.cmpi sgt, %squeeze3A_335, %gt3A_336 : i32
            scf.condition(%gt3A_337) %while3A_332 : vector<16xi1>
          } do {
          ^bb0(%while3A_332: vector<16xi1>):
            %gather3A_333 = tpu.vector_load_idx %arg14[%get3A_150] : memref<10000xf32, #tpu.memory_space<vmem>>[vector<16xi32>], vector<16xf32>,
            %min3A = arith.minimumf %gather3A_333, %gather3A_171 : vector<16xf32>
            tpu.vector_store_idx %arg14[%get3A_150], %min3A masked %while3A_332 : memref<10000xf32, #tpu.memory_space<vmem>>[vector<16xi32>], vector<16xf32>, vector<16xi1>
            %gather3A_334 = tpu.vector_load_idx %arg14[%get3A_150] : memref<10000xf32, #tpu.memory_space<vmem>>[vector<16xi32>], vector<16xf32>,
            %gt3A_335 = arith.cmpf ogt, %gather3A_334, %gather3A_171 : vector<16xf32>
            %and3A = arith.andi %while3A_332, %gt3A_335 : vector<16xi1>
            scf.yield %and3A : vector<16xi1>
          }
          %broadcast_in_dim3A_296 = arith.constant true
          %broadcast_in_dim3A_297 = vector.broadcast %broadcast_in_dim3A_296 : i1 to vector<16xi1>
          %while3A_298 = scf.while (%while3A_332 = %broadcast_in_dim3A_297) : (vector<16xi1>) -> vector<16xi1> {
            %all_reduce_population_count3A_333 = tpu.all_reduce %while3A_332 {dim = 0 : i64, kind = #tpu.reduction_kind<sum>} : vector<16xi1> -> vector<16xi32>
            %slice3A_334 = vector.extract_strided_slice %all_reduce_population_count3A_333 {offsets = [0], sizes = [1], strides = [1]} : vector<16xi32> to vector<1xi32>
            %squeeze3A_335 = vector.extract %slice3A_334[0] : i32 from vector<1xi32>
            %gt3A_336 = arith.constant 0 : i32
            %gt3A_337 = arith.cmpi sgt, %squeeze3A_335, %gt3A_336 : i32
            scf.condition(%gt3A_337) %while3A_332 : vector<16xi1>
          } do {
          ^bb0(%while3A_332: vector<16xi1>):
            %gather3A_333 = tpu.vector_load_idx %arg11[%get3A_156] : memref<10000xf32, #tpu.memory_space<vmem>>[vector<16xi32>], vector<16xf32>,
            %max3A = arith.maximumf %gather3A_333, %gather3A_172 : vector<16xf32>
            tpu.vector_store_idx %arg11[%get3A_156], %max3A masked %while3A_332 : memref<10000xf32, #tpu.memory_space<vmem>>[vector<16xi32>], vector<16xf32>, vector<16xi1>
            %gather3A_334 = tpu.vector_load_idx %arg11[%get3A_156] : memref<10000xf32, #tpu.memory_space<vmem>>[vector<16xi32>], vector<16xf32>,
            %lt3A_335 = arith.cmpf olt, %gather3A_334, %gather3A_172 : vector<16xf32>
            %and3A = arith.andi %while3A_332, %lt3A_335 : vector<16xi1>
            scf.yield %and3A : vector<16xi1>
          }
          %broadcast_in_dim3A_299 = arith.constant true
          %broadcast_in_dim3A_300 = vector.broadcast %broadcast_in_dim3A_299 : i1 to vector<16xi1>
          %while3A_301 = scf.while (%while3A_332 = %broadcast_in_dim3A_300) : (vector<16xi1>) -> vector<16xi1> {
            %all_reduce_population_count3A_333 = tpu.all_reduce %while3A_332 {dim = 0 : i64, kind = #tpu.reduction_kind<sum>} : vector<16xi1> -> vector<16xi32>
            %slice3A_334 = vector.extract_strided_slice %all_reduce_population_count3A_333 {offsets = [0], sizes = [1], strides = [1]} : vector<16xi32> to vector<1xi32>
            %squeeze3A_335 = vector.extract %slice3A_334[0] : i32 from vector<1xi32>
            %gt3A_336 = arith.constant 0 : i32
            %gt3A_337 = arith.cmpi sgt, %squeeze3A_335, %gt3A_336 : i32
            scf.condition(%gt3A_337) %while3A_332 : vector<16xi1>
          } do {
          ^bb0(%while3A_332: vector<16xi1>):
            %gather3A_333 = tpu.vector_load_idx %arg13[%get3A_156] : memref<10000xf32, #tpu.memory_space<vmem>>[vector<16xi32>], vector<16xf32>,
            %min3A = arith.minimumf %gather3A_333, %gather3A_172 : vector<16xf32>
            tpu.vector_store_idx %arg13[%get3A_156], %min3A masked %while3A_332 : memref<10000xf32, #tpu.memory_space<vmem>>[vector<16xi32>], vector<16xf32>, vector<16xi1>
            %gather3A_334 = tpu.vector_load_idx %arg13[%get3A_156] : memref<10000xf32, #tpu.memory_space<vmem>>[vector<16xi32>], vector<16xf32>,
            %gt3A_335 = arith.cmpf ogt, %gather3A_334, %gather3A_172 : vector<16xf32>
            %and3A = arith.andi %while3A_332, %gt3A_335 : vector<16xi1>
            scf.yield %and3A : vector<16xi1>
          }
          %broadcast_in_dim3A_302 = arith.constant true
          %broadcast_in_dim3A_303 = vector.broadcast %broadcast_in_dim3A_302 : i1 to vector<16xi1>
          %while3A_304 = scf.while (%while3A_332 = %broadcast_in_dim3A_303) : (vector<16xi1>) -> vector<16xi1> {
            %all_reduce_population_count3A_333 = tpu.all_reduce %while3A_332 {dim = 0 : i64, kind = #tpu.reduction_kind<sum>} : vector<16xi1> -> vector<16xi32>
            %slice3A_334 = vector.extract_strided_slice %all_reduce_population_count3A_333 {offsets = [0], sizes = [1], strides = [1]} : vector<16xi32> to vector<1xi32>
            %squeeze3A_335 = vector.extract %slice3A_334[0] : i32 from vector<1xi32>
            %gt3A_336 = arith.constant 0 : i32
            %gt3A_337 = arith.cmpi sgt, %squeeze3A_335, %gt3A_336 : i32
            scf.condition(%gt3A_337) %while3A_332 : vector<16xi1>
          } do {
          ^bb0(%while3A_332: vector<16xi1>):
            %gather3A_333 = tpu.vector_load_idx %arg12[%get3A_156] : memref<10000xf32, #tpu.memory_space<vmem>>[vector<16xi32>], vector<16xf32>,
            %max3A = arith.maximumf %gather3A_333, %gather3A_173 : vector<16xf32>
            tpu.vector_store_idx %arg12[%get3A_156], %max3A masked %while3A_332 : memref<10000xf32, #tpu.memory_space<vmem>>[vector<16xi32>], vector<16xf32>, vector<16xi1>
            %gather3A_334 = tpu.vector_load_idx %arg12[%get3A_156] : memref<10000xf32, #tpu.memory_space<vmem>>[vector<16xi32>], vector<16xf32>,
            %lt3A_335 = arith.cmpf olt, %gather3A_334, %gather3A_173 : vector<16xf32>
            %and3A = arith.andi %while3A_332, %lt3A_335 : vector<16xi1>
            scf.yield %and3A : vector<16xi1>
          }
          %broadcast_in_dim3A_305 = arith.constant true
          %broadcast_in_dim3A_306 = vector.broadcast %broadcast_in_dim3A_305 : i1 to vector<16xi1>
          %while3A_307 = scf.while (%while3A_332 = %broadcast_in_dim3A_306) : (vector<16xi1>) -> vector<16xi1> {
            %all_reduce_population_count3A_333 = tpu.all_reduce %while3A_332 {dim = 0 : i64, kind = #tpu.reduction_kind<sum>} : vector<16xi1> -> vector<16xi32>
            %slice3A_334 = vector.extract_strided_slice %all_reduce_population_count3A_333 {offsets = [0], sizes = [1], strides = [1]} : vector<16xi32> to vector<1xi32>
            %squeeze3A_335 = vector.extract %slice3A_334[0] : i32 from vector<1xi32>
            %gt3A_336 = arith.constant 0 : i32
            %gt3A_337 = arith.cmpi sgt, %squeeze3A_335, %gt3A_336 : i32
            scf.condition(%gt3A_337) %while3A_332 : vector<16xi1>
          } do {
          ^bb0(%while3A_332: vector<16xi1>):
            %gather3A_333 = tpu.vector_load_idx %arg14[%get3A_156] : memref<10000xf32, #tpu.memory_space<vmem>>[vector<16xi32>], vector<16xf32>,
            %min3A = arith.minimumf %gather3A_333, %gather3A_173 : vector<16xf32>
            tpu.vector_store_idx %arg14[%get3A_156], %min3A masked %while3A_332 : memref<10000xf32, #tpu.memory_space<vmem>>[vector<16xi32>], vector<16xf32>, vector<16xi1>
            %gather3A_334 = tpu.vector_load_idx %arg14[%get3A_156] : memref<10000xf32, #tpu.memory_space<vmem>>[vector<16xi32>], vector<16xf32>,
            %gt3A_335 = arith.cmpf ogt, %gather3A_334, %gather3A_173 : vector<16xf32>
            %and3A = arith.andi %while3A_332, %gt3A_335 : vector<16xi1>
            scf.yield %and3A : vector<16xi1>
          }
          %broadcast_in_dim3A_308 = arith.constant true
          %broadcast_in_dim3A_309 = vector.broadcast %broadcast_in_dim3A_308 : i1 to vector<16xi1>
          %while3A_310 = scf.while (%while3A_332 = %broadcast_in_dim3A_309) : (vector<16xi1>) -> vector<16xi1> {
            %all_reduce_population_count3A_333 = tpu.all_reduce %while3A_332 {dim = 0 : i64, kind = #tpu.reduction_kind<sum>} : vector<16xi1> -> vector<16xi32>
            %slice3A_334 = vector.extract_strided_slice %all_reduce_population_count3A_333 {offsets = [0], sizes = [1], strides = [1]} : vector<16xi32> to vector<1xi32>
            %squeeze3A_335 = vector.extract %slice3A_334[0] : i32 from vector<1xi32>
            %gt3A_336 = arith.constant 0 : i32
            %gt3A_337 = arith.cmpi sgt, %squeeze3A_335, %gt3A_336 : i32
            scf.condition(%gt3A_337) %while3A_332 : vector<16xi1>
          } do {
          ^bb0(%while3A_332: vector<16xi1>):
            %gather3A_333 = tpu.vector_load_idx %arg11[%get3A_162] : memref<10000xf32, #tpu.memory_space<vmem>>[vector<16xi32>], vector<16xf32>,
            %max3A = arith.maximumf %gather3A_333, %gather3A_174 : vector<16xf32>
            tpu.vector_store_idx %arg11[%get3A_162], %max3A masked %while3A_332 : memref<10000xf32, #tpu.memory_space<vmem>>[vector<16xi32>], vector<16xf32>, vector<16xi1>
            %gather3A_334 = tpu.vector_load_idx %arg11[%get3A_162] : memref<10000xf32, #tpu.memory_space<vmem>>[vector<16xi32>], vector<16xf32>,
            %lt3A_335 = arith.cmpf olt, %gather3A_334, %gather3A_174 : vector<16xf32>
            %and3A = arith.andi %while3A_332, %lt3A_335 : vector<16xi1>
            scf.yield %and3A : vector<16xi1>
          }
          %broadcast_in_dim3A_311 = arith.constant true
          %broadcast_in_dim3A_312 = vector.broadcast %broadcast_in_dim3A_311 : i1 to vector<16xi1>
          %while3A_313 = scf.while (%while3A_332 = %broadcast_in_dim3A_312) : (vector<16xi1>) -> vector<16xi1> {
            %all_reduce_population_count3A_333 = tpu.all_reduce %while3A_332 {dim = 0 : i64, kind = #tpu.reduction_kind<sum>} : vector<16xi1> -> vector<16xi32>
            %slice3A_334 = vector.extract_strided_slice %all_reduce_population_count3A_333 {offsets = [0], sizes = [1], strides = [1]} : vector<16xi32> to vector<1xi32>
            %squeeze3A_335 = vector.extract %slice3A_334[0] : i32 from vector<1xi32>
            %gt3A_336 = arith.constant 0 : i32
            %gt3A_337 = arith.cmpi sgt, %squeeze3A_335, %gt3A_336 : i32
            scf.condition(%gt3A_337) %while3A_332 : vector<16xi1>
          } do {
          ^bb0(%while3A_332: vector<16xi1>):
            %gather3A_333 = tpu.vector_load_idx %arg13[%get3A_162] : memref<10000xf32, #tpu.memory_space<vmem>>[vector<16xi32>], vector<16xf32>,
            %min3A = arith.minimumf %gather3A_333, %gather3A_174 : vector<16xf32>
            tpu.vector_store_idx %arg13[%get3A_162], %min3A masked %while3A_332 : memref<10000xf32, #tpu.memory_space<vmem>>[vector<16xi32>], vector<16xf32>, vector<16xi1>
            %gather3A_334 = tpu.vector_load_idx %arg13[%get3A_162] : memref<10000xf32, #tpu.memory_space<vmem>>[vector<16xi32>], vector<16xf32>,
            %gt3A_335 = arith.cmpf ogt, %gather3A_334, %gather3A_174 : vector<16xf32>
            %and3A = arith.andi %while3A_332, %gt3A_335 : vector<16xi1>
            scf.yield %and3A : vector<16xi1>
          }
          %broadcast_in_dim3A_314 = arith.constant true
          %broadcast_in_dim3A_315 = vector.broadcast %broadcast_in_dim3A_314 : i1 to vector<16xi1>
          %while3A_316 = scf.while (%while3A_332 = %broadcast_in_dim3A_315) : (vector<16xi1>) -> vector<16xi1> {
            %all_reduce_population_count3A_333 = tpu.all_reduce %while3A_332 {dim = 0 : i64, kind = #tpu.reduction_kind<sum>} : vector<16xi1> -> vector<16xi32>
            %slice3A_334 = vector.extract_strided_slice %all_reduce_population_count3A_333 {offsets = [0], sizes = [1], strides = [1]} : vector<16xi32> to vector<1xi32>
            %squeeze3A_335 = vector.extract %slice3A_334[0] : i32 from vector<1xi32>
            %gt3A_336 = arith.constant 0 : i32
            %gt3A_337 = arith.cmpi sgt, %squeeze3A_335, %gt3A_336 : i32
            scf.condition(%gt3A_337) %while3A_332 : vector<16xi1>
          } do {
          ^bb0(%while3A_332: vector<16xi1>):
            %gather3A_333 = tpu.vector_load_idx %arg12[%get3A_162] : memref<10000xf32, #tpu.memory_space<vmem>>[vector<16xi32>], vector<16xf32>,
            %max3A = arith.maximumf %gather3A_333, %gather3A_175 : vector<16xf32>
            tpu.vector_store_idx %arg12[%get3A_162], %max3A masked %while3A_332 : memref<10000xf32, #tpu.memory_space<vmem>>[vector<16xi32>], vector<16xf32>, vector<16xi1>
            %gather3A_334 = tpu.vector_load_idx %arg12[%get3A_162] : memref<10000xf32, #tpu.memory_space<vmem>>[vector<16xi32>], vector<16xf32>,
            %lt3A_335 = arith.cmpf olt, %gather3A_334, %gather3A_175 : vector<16xf32>
            %and3A = arith.andi %while3A_332, %lt3A_335 : vector<16xi1>
            scf.yield %and3A : vector<16xi1>
          }
          %broadcast_in_dim3A_317 = arith.constant true
          %broadcast_in_dim3A_318 = vector.broadcast %broadcast_in_dim3A_317 : i1 to vector<16xi1>
          %while3A_319 = scf.while (%while3A_332 = %broadcast_in_dim3A_318) : (vector<16xi1>) -> vector<16xi1> {
            %all_reduce_population_count3A_333 = tpu.all_reduce %while3A_332 {dim = 0 : i64, kind = #tpu.reduction_kind<sum>} : vector<16xi1> -> vector<16xi32>
            %slice3A_334 = vector.extract_strided_slice %all_reduce_population_count3A_333 {offsets = [0], sizes = [1], strides = [1]} : vector<16xi32> to vector<1xi32>
            %squeeze3A_335 = vector.extract %slice3A_334[0] : i32 from vector<1xi32>
            %gt3A_336 = arith.constant 0 : i32
            %gt3A_337 = arith.cmpi sgt, %squeeze3A_335, %gt3A_336 : i32
            scf.condition(%gt3A_337) %while3A_332 : vector<16xi1>
          } do {
          ^bb0(%while3A_332: vector<16xi1>):
            %gather3A_333 = tpu.vector_load_idx %arg14[%get3A_162] : memref<10000xf32, #tpu.memory_space<vmem>>[vector<16xi32>], vector<16xf32>,
            %min3A = arith.minimumf %gather3A_333, %gather3A_175 : vector<16xf32>
            tpu.vector_store_idx %arg14[%get3A_162], %min3A masked %while3A_332 : memref<10000xf32, #tpu.memory_space<vmem>>[vector<16xi32>], vector<16xf32>, vector<16xi1>
            %gather3A_334 = tpu.vector_load_idx %arg14[%get3A_162] : memref<10000xf32, #tpu.memory_space<vmem>>[vector<16xi32>], vector<16xf32>,
            %gt3A_335 = arith.cmpf ogt, %gather3A_334, %gather3A_175 : vector<16xf32>
            %and3A = arith.andi %while3A_332, %gt3A_335 : vector<16xi1>
            scf.yield %and3A : vector<16xi1>
          }
          %broadcast_in_dim3A_320 = arith.constant true
          %broadcast_in_dim3A_321 = vector.broadcast %broadcast_in_dim3A_320 : i1 to vector<16xi1>
          %while3A_322 = scf.while (%while3A_332 = %broadcast_in_dim3A_321) : (vector<16xi1>) -> vector<16xi1> {
            %all_reduce_population_count3A_333 = tpu.all_reduce %while3A_332 {dim = 0 : i64, kind = #tpu.reduction_kind<sum>} : vector<16xi1> -> vector<16xi32>
            %slice3A_334 = vector.extract_strided_slice %all_reduce_population_count3A_333 {offsets = [0], sizes = [1], strides = [1]} : vector<16xi32> to vector<1xi32>
            %squeeze3A_335 = vector.extract %slice3A_334[0] : i32 from vector<1xi32>
            %gt3A_336 = arith.constant 0 : i32
            %gt3A_337 = arith.cmpi sgt, %squeeze3A_335, %gt3A_336 : i32
            scf.condition(%gt3A_337) %while3A_332 : vector<16xi1>
          } do {
          ^bb0(%while3A_332: vector<16xi1>):
            %gather3A_333 = tpu.vector_load_idx %arg11[%get3A_168] : memref<10000xf32, #tpu.memory_space<vmem>>[vector<16xi32>], vector<16xf32>,
            %max3A = arith.maximumf %gather3A_333, %gather3A_176 : vector<16xf32>
            tpu.vector_store_idx %arg11[%get3A_168], %max3A masked %while3A_332 : memref<10000xf32, #tpu.memory_space<vmem>>[vector<16xi32>], vector<16xf32>, vector<16xi1>
            %gather3A_334 = tpu.vector_load_idx %arg11[%get3A_168] : memref<10000xf32, #tpu.memory_space<vmem>>[vector<16xi32>], vector<16xf32>,
            %lt3A_335 = arith.cmpf olt, %gather3A_334, %gather3A_176 : vector<16xf32>
            %and3A = arith.andi %while3A_332, %lt3A_335 : vector<16xi1>
            scf.yield %and3A : vector<16xi1>
          }
          %broadcast_in_dim3A_323 = arith.constant true
          %broadcast_in_dim3A_324 = vector.broadcast %broadcast_in_dim3A_323 : i1 to vector<16xi1>
          %while3A_325 = scf.while (%while3A_332 = %broadcast_in_dim3A_324) : (vector<16xi1>) -> vector<16xi1> {
            %all_reduce_population_count3A_333 = tpu.all_reduce %while3A_332 {dim = 0 : i64, kind = #tpu.reduction_kind<sum>} : vector<16xi1> -> vector<16xi32>
            %slice3A_334 = vector.extract_strided_slice %all_reduce_population_count3A_333 {offsets = [0], sizes = [1], strides = [1]} : vector<16xi32> to vector<1xi32>
            %squeeze3A_335 = vector.extract %slice3A_334[0] : i32 from vector<1xi32>
            %gt3A_336 = arith.constant 0 : i32
            %gt3A_337 = arith.cmpi sgt, %squeeze3A_335, %gt3A_336 : i32
            scf.condition(%gt3A_337) %while3A_332 : vector<16xi1>
          } do {
          ^bb0(%while3A_332: vector<16xi1>):
            %gather3A_333 = tpu.vector_load_idx %arg13[%get3A_168] : memref<10000xf32, #tpu.memory_space<vmem>>[vector<16xi32>], vector<16xf32>,
            %min3A = arith.minimumf %gather3A_333, %gather3A_176 : vector<16xf32>
            tpu.vector_store_idx %arg13[%get3A_168], %min3A masked %while3A_332 : memref<10000xf32, #tpu.memory_space<vmem>>[vector<16xi32>], vector<16xf32>, vector<16xi1>
            %gather3A_334 = tpu.vector_load_idx %arg13[%get3A_168] : memref<10000xf32, #tpu.memory_space<vmem>>[vector<16xi32>], vector<16xf32>,
            %gt3A_335 = arith.cmpf ogt, %gather3A_334, %gather3A_176 : vector<16xf32>
            %and3A = arith.andi %while3A_332, %gt3A_335 : vector<16xi1>
            scf.yield %and3A : vector<16xi1>
          }
          %broadcast_in_dim3A_326 = arith.constant true
          %broadcast_in_dim3A_327 = vector.broadcast %broadcast_in_dim3A_326 : i1 to vector<16xi1>
          %while3A_328 = scf.while (%while3A_332 = %broadcast_in_dim3A_327) : (vector<16xi1>) -> vector<16xi1> {
            %all_reduce_population_count3A_333 = tpu.all_reduce %while3A_332 {dim = 0 : i64, kind = #tpu.reduction_kind<sum>} : vector<16xi1> -> vector<16xi32>
            %slice3A_334 = vector.extract_strided_slice %all_reduce_population_count3A_333 {offsets = [0], sizes = [1], strides = [1]} : vector<16xi32> to vector<1xi32>
            %squeeze3A_335 = vector.extract %slice3A_334[0] : i32 from vector<1xi32>
            %gt3A_336 = arith.constant 0 : i32
            %gt3A_337 = arith.cmpi sgt, %squeeze3A_335, %gt3A_336 : i32
            scf.condition(%gt3A_337) %while3A_332 : vector<16xi1>
          } do {
          ^bb0(%while3A_332: vector<16xi1>):
            %gather3A_333 = tpu.vector_load_idx %arg12[%get3A_168] : memref<10000xf32, #tpu.memory_space<vmem>>[vector<16xi32>], vector<16xf32>,
            %max3A = arith.maximumf %gather3A_333, %gather3A_177 : vector<16xf32>
            tpu.vector_store_idx %arg12[%get3A_168], %max3A masked %while3A_332 : memref<10000xf32, #tpu.memory_space<vmem>>[vector<16xi32>], vector<16xf32>, vector<16xi1>
            %gather3A_334 = tpu.vector_load_idx %arg12[%get3A_168] : memref<10000xf32, #tpu.memory_space<vmem>>[vector<16xi32>], vector<16xf32>,
            %lt3A_335 = arith.cmpf olt, %gather3A_334, %gather3A_177 : vector<16xf32>
            %and3A = arith.andi %while3A_332, %lt3A_335 : vector<16xi1>
            scf.yield %and3A : vector<16xi1>
          }
          %broadcast_in_dim3A_329 = arith.constant true
          %broadcast_in_dim3A_330 = vector.broadcast %broadcast_in_dim3A_329 : i1 to vector<16xi1>
          %while3A_331 = scf.while (%while3A_332 = %broadcast_in_dim3A_330) : (vector<16xi1>) -> vector<16xi1> {
            %all_reduce_population_count3A_333 = tpu.all_reduce %while3A_332 {dim = 0 : i64, kind = #tpu.reduction_kind<sum>} : vector<16xi1> -> vector<16xi32>
            %slice3A_334 = vector.extract_strided_slice %all_reduce_population_count3A_333 {offsets = [0], sizes = [1], strides = [1]} : vector<16xi32> to vector<1xi32>
            %squeeze3A_335 = vector.extract %slice3A_334[0] : i32 from vector<1xi32>
            %gt3A_336 = arith.constant 0 : i32
            %gt3A_337 = arith.cmpi sgt, %squeeze3A_335, %gt3A_336 : i32
            scf.condition(%gt3A_337) %while3A_332 : vector<16xi1>
          } do {
          ^bb0(%while3A_332: vector<16xi1>):
            %gather3A_333 = tpu.vector_load_idx %arg14[%get3A_168] : memref<10000xf32, #tpu.memory_space<vmem>>[vector<16xi32>], vector<16xf32>,
            %min3A = arith.minimumf %gather3A_333, %gather3A_177 : vector<16xf32>
            tpu.vector_store_idx %arg14[%get3A_168], %min3A masked %while3A_332 : memref<10000xf32, #tpu.memory_space<vmem>>[vector<16xi32>], vector<16xf32>, vector<16xi1>
            %gather3A_334 = tpu.vector_load_idx %arg14[%get3A_168] : memref<10000xf32, #tpu.memory_space<vmem>>[vector<16xi32>], vector<16xf32>,
            %gt3A_335 = arith.cmpf ogt, %gather3A_334, %gather3A_177 : vector<16xf32>
            %and3A = arith.andi %while3A_332, %gt3A_335 : vector<16xi1>
            scf.yield %and3A : vector<16xi1>
          }
        } else {
        }
      }
      %scan3A_116 = arith.constant 25 : i32
      %lt3A = arith.constant 79 : i32
      %lt3A_117 = arith.cmpi slt, %scan3A_93, %lt3A : i32
      %convert_element_type3A_118 = arith.extui %lt3A_117 : i1 to i32
      %cond3A_119 = arith.constant 0 : i32
      %cond3A_120 = arith.cmpi ne, %convert_element_type3A_118, %cond3A_119 : i32
      scf.if %cond3A_120 {
        %mul3A_137 = arith.constant 2 : i32
        %mul3A_138 = arith.muli %mul3A_137, %scan3A_93 : i32
        %add3A_139 = arith.constant 2 : i32
        %add3A_140 = arith.addi %mul3A_138, %add3A_139 : i32
        %mul3A_141 = arith.constant 2000 : i32
        %mul3A_142 = arith.muli %add3A_140, %mul3A_141 : i32
        %dma_start3A_143 = tpu.memref_slice %arg3[%mul3A_142] : memref<320000xi32, #tpu.memory_space<hbm>> -> memref<2000xi32, #tpu.memory_space<hbm>>
        %dma_start3A_144 = tpu.memref_slice %arg3[%mul3A_142] : memref<320000xi32, #tpu.memory_space<hbm>> -> memref<2000xi32, #tpu.memory_space<hbm>>
        tpu.enqueue_dma source(%dma_start3A_144 : memref<2000xi32, #tpu.memory_space<hbm>>) target(%arg18 : memref<2000xi32, #tpu.memory_space<vmem>>) target_semaphore(%arg22 : memref<!tpu.dma_semaphore, #tpu.memory_space<semaphore_mem>>)
        %dma_start3A_145 = tpu.memref_slice %arg4[%mul3A_142] : memref<320000xi32, #tpu.memory_space<hbm>> -> memref<2000xi32, #tpu.memory_space<hbm>>
        %dma_start3A_146 = tpu.memref_slice %arg4[%mul3A_142] : memref<320000xi32, #tpu.memory_space<hbm>> -> memref<2000xi32, #tpu.memory_space<hbm>>
        tpu.enqueue_dma source(%dma_start3A_146 : memref<2000xi32, #tpu.memory_space<hbm>>) target(%arg19 : memref<2000xi32, #tpu.memory_space<vmem>>) target_semaphore(%arg23 : memref<!tpu.dma_semaphore, #tpu.memory_space<semaphore_mem>>)
      } else {
      }
      %mul3A_121 = arith.constant 2 : i32
      %mul3A_122 = arith.muli %mul3A_121, %scan3A_93 : i32
      %add3A_123 = arith.constant 1 : i32
      %add3A_124 = arith.addi %mul3A_122, %add3A_123 : i32
      %mul3A_125 = arith.constant 2000 : i32
      %mul3A_126 = arith.muli %add3A_124, %mul3A_125 : i32
      %dma_wait3A_127 = tpu.memref_slice %arg3[%mul3A_126] : memref<320000xi32, #tpu.memory_space<hbm>> -> memref<2000xi32, #tpu.memory_space<hbm>>
      %dma_wait3A_128 = tpu.memref_slice %arg3[%mul3A_126] : memref<320000xi32, #tpu.memory_space<hbm>> -> memref<2000xi32, #tpu.memory_space<hbm>>
      tpu.wait_dma2 semaphore(%arg24 : memref<!tpu.dma_semaphore, #tpu.memory_space<semaphore_mem>>) src(%dma_wait3A_128 : memref<2000xi32, #tpu.memory_space<hbm>>) dst(%arg20 : memref<2000xi32, #tpu.memory_space<vmem>>)
      %dma_wait3A_129 = tpu.memref_slice %arg4[%mul3A_126] : memref<320000xi32, #tpu.memory_space<hbm>> -> memref<2000xi32, #tpu.memory_space<hbm>>
      %dma_wait3A_130 = tpu.memref_slice %arg4[%mul3A_126] : memref<320000xi32, #tpu.memory_space<hbm>> -> memref<2000xi32, #tpu.memory_space<hbm>>
      tpu.wait_dma2 semaphore(%arg25 : memref<!tpu.dma_semaphore, #tpu.memory_space<semaphore_mem>>) src(%dma_wait3A_130 : memref<2000xi32, #tpu.memory_space<hbm>>) dst(%arg21 : memref<2000xi32, #tpu.memory_space<vmem>>)
      %scan3A_131 = arith.constant 0 : i32
      %scan3A_132 = arith.constant 0 : i32
      %scan3A_133 = arith.constant 25 : i32
      %scan3A_134 = arith.addi %scan3A_132, %scan3A_133 : i32
      %scan3A_135 = arith.constant 1 : i32
      scf.for %scan3A_137 = %scan3A_132 to %scan3A_134 step %scan3A_135  : i32 {
        %mul3A_138 = arith.constant 80 : i32
        %mul3A_139 = arith.muli %scan3A_137, %mul3A_138 : i32
        %add3A_140 = arith.constant 0 : i32
        %add3A_141 = arith.addi %mul3A_139, %add3A_140 : i32
        %get3A = arith.index_cast %add3A_141 : i32 to index
        %get3A_142 = tpu.vector_load %arg20[%get3A] {strides = array<i32>} : memref<2000xi32, #tpu.memory_space<vmem>>, vector<16xi32>,
        %get3A_143 = arith.index_cast %add3A_141 : i32 to index
        %get3A_144 = tpu.vector_load %arg21[%get3A_143] {strides = array<i32>} : memref<2000xi32, #tpu.memory_space<vmem>>, vector<16xi32>,
        %add3A_145 = arith.constant 16 : i32
        %add3A_146 = arith.addi %mul3A_139, %add3A_145 : i32
        %get3A_147 = arith.index_cast %add3A_146 : i32 to index
        %get3A_148 = tpu.vector_load %arg20[%get3A_147] {strides = array<i32>} : memref<2000xi32, #tpu.memory_space<vmem>>, vector<16xi32>,
        %get3A_149 = arith.index_cast %add3A_146 : i32 to index
        %get3A_150 = tpu.vector_load %arg21[%get3A_149] {strides = array<i32>} : memref<2000xi32, #tpu.memory_space<vmem>>, vector<16xi32>,
        %add3A_151 = arith.constant 32 : i32
        %add3A_152 = arith.addi %mul3A_139, %add3A_151 : i32
        %get3A_153 = arith.index_cast %add3A_152 : i32 to index
        %get3A_154 = tpu.vector_load %arg20[%get3A_153] {strides = array<i32>} : memref<2000xi32, #tpu.memory_space<vmem>>, vector<16xi32>,
        %get3A_155 = arith.index_cast %add3A_152 : i32 to index
        %get3A_156 = tpu.vector_load %arg21[%get3A_155] {strides = array<i32>} : memref<2000xi32, #tpu.memory_space<vmem>>, vector<16xi32>,
        %add3A_157 = arith.constant 48 : i32
        %add3A_158 = arith.addi %mul3A_139, %add3A_157 : i32
        %get3A_159 = arith.index_cast %add3A_158 : i32 to index
        %get3A_160 = tpu.vector_load %arg20[%get3A_159] {strides = array<i32>} : memref<2000xi32, #tpu.memory_space<vmem>>, vector<16xi32>,
        %get3A_161 = arith.index_cast %add3A_158 : i32 to index
        %get3A_162 = tpu.vector_load %arg21[%get3A_161] {strides = array<i32>} : memref<2000xi32, #tpu.memory_space<vmem>>, vector<16xi32>,
        %add3A_163 = arith.constant 64 : i32
        %add3A_164 = arith.addi %mul3A_139, %add3A_163 : i32
        %get3A_165 = arith.index_cast %add3A_164 : i32 to index
        %get3A_166 = tpu.vector_load %arg20[%get3A_165] {strides = array<i32>} : memref<2000xi32, #tpu.memory_space<vmem>>, vector<16xi32>,
        %get3A_167 = arith.index_cast %add3A_164 : i32 to index
        %get3A_168 = tpu.vector_load %arg21[%get3A_167] {strides = array<i32>} : memref<2000xi32, #tpu.memory_space<vmem>>, vector<16xi32>,
        %gather3A = tpu.vector_load_idx %arg15[%get3A_142] : memref<10000xf32, #tpu.memory_space<vmem>>[vector<16xi32>], vector<16xf32>,
        %gather3A_169 = tpu.vector_load_idx %arg16[%get3A_142] : memref<10000xf32, #tpu.memory_space<vmem>>[vector<16xi32>], vector<16xf32>,
        %gather3A_170 = tpu.vector_load_idx %arg15[%get3A_148] : memref<10000xf32, #tpu.memory_space<vmem>>[vector<16xi32>], vector<16xf32>,
        %gather3A_171 = tpu.vector_load_idx %arg16[%get3A_148] : memref<10000xf32, #tpu.memory_space<vmem>>[vector<16xi32>], vector<16xf32>,
        %gather3A_172 = tpu.vector_load_idx %arg15[%get3A_154] : memref<10000xf32, #tpu.memory_space<vmem>>[vector<16xi32>], vector<16xf32>,
        %gather3A_173 = tpu.vector_load_idx %arg16[%get3A_154] : memref<10000xf32, #tpu.memory_space<vmem>>[vector<16xi32>], vector<16xf32>,
        %gather3A_174 = tpu.vector_load_idx %arg15[%get3A_160] : memref<10000xf32, #tpu.memory_space<vmem>>[vector<16xi32>], vector<16xf32>,
        %gather3A_175 = tpu.vector_load_idx %arg16[%get3A_160] : memref<10000xf32, #tpu.memory_space<vmem>>[vector<16xi32>], vector<16xf32>,
        %gather3A_176 = tpu.vector_load_idx %arg15[%get3A_166] : memref<10000xf32, #tpu.memory_space<vmem>>[vector<16xi32>], vector<16xf32>,
        %gather3A_177 = tpu.vector_load_idx %arg16[%get3A_166] : memref<10000xf32, #tpu.memory_space<vmem>>[vector<16xi32>], vector<16xf32>,
        %broadcast_in_dim3A = arith.constant true
        %broadcast_in_dim3A_178 = vector.broadcast %broadcast_in_dim3A : i1 to vector<16xi1>
        %unique3A, %unique3A_179 = tpu.scan_count mask(%broadcast_in_dim3A_178 : vector<16xi1>) value(%get3A_144 : vector<16xi32>) : vector<16xi1>, vector<16xi32>
        %gather3A_180 = tpu.vector_load_idx %arg11[%get3A_144] : memref<10000xf32, #tpu.memory_space<vmem>>[vector<16xi32>], vector<16xf32>,
        %gather3A_181 = tpu.vector_load_idx %arg13[%get3A_144] : memref<10000xf32, #tpu.memory_space<vmem>>[vector<16xi32>], vector<16xf32>,
        %gather3A_182 = tpu.vector_load_idx %arg12[%get3A_144] : memref<10000xf32, #tpu.memory_space<vmem>>[vector<16xi32>], vector<16xf32>,
        %gather3A_183 = tpu.vector_load_idx %arg14[%get3A_144] : memref<10000xf32, #tpu.memory_space<vmem>>[vector<16xi32>], vector<16xf32>,
        tpu.vector_store_idx %arg7[%get3A_144], %gather3A {add = true} : memref<10000xf32, #tpu.memory_space<vmem>>[vector<16xi32>], vector<16xf32>,
        %mul3A_184 = arith.mulf %gather3A, %gather3A : vector<16xf32>
        tpu.vector_store_idx %arg9[%get3A_144], %mul3A_184 {add = true} : memref<10000xf32, #tpu.memory_space<vmem>>[vector<16xi32>], vector<16xf32>,
        tpu.vector_store_idx %arg8[%get3A_144], %gather3A_169 {add = true} : memref<10000xf32, #tpu.memory_space<vmem>>[vector<16xi32>], vector<16xf32>,
        %mul3A_185 = arith.mulf %gather3A_169, %gather3A_169 : vector<16xf32>
        tpu.vector_store_idx %arg10[%get3A_144], %mul3A_185 {add = true} : memref<10000xf32, #tpu.memory_space<vmem>>[vector<16xi32>], vector<16xf32>,
        %gt3A = arith.cmpf ogt, %gather3A, %gather3A_180 : vector<16xf32>
        tpu.vector_store_idx %arg11[%get3A_144], %gather3A masked %gt3A : memref<10000xf32, #tpu.memory_space<vmem>>[vector<16xi32>], vector<16xf32>, vector<16xi1>
        %lt3A_186 = arith.cmpf olt, %gather3A, %gather3A_181 : vector<16xf32>
        tpu.vector_store_idx %arg13[%get3A_144], %gather3A masked %lt3A_186 : memref<10000xf32, #tpu.memory_space<vmem>>[vector<16xi32>], vector<16xf32>, vector<16xi1>
        %gt3A_187 = arith.cmpf ogt, %gather3A_169, %gather3A_182 : vector<16xf32>
        tpu.vector_store_idx %arg12[%get3A_144], %gather3A_169 masked %gt3A_187 : memref<10000xf32, #tpu.memory_space<vmem>>[vector<16xi32>], vector<16xf32>, vector<16xi1>
        %lt3A_188 = arith.cmpf olt, %gather3A_169, %gather3A_183 : vector<16xf32>
        tpu.vector_store_idx %arg14[%get3A_144], %gather3A_169 masked %lt3A_188 : memref<10000xf32, #tpu.memory_space<vmem>>[vector<16xi32>], vector<16xf32>, vector<16xi1>
        %all_reduce_population_count3A = tpu.all_reduce %unique3A {dim = 0 : i64, kind = #tpu.reduction_kind<sum>} : vector<16xi1> -> vector<16xi32>
        %slice3A = vector.extract_strided_slice %all_reduce_population_count3A {offsets = [0], sizes = [1], strides = [1]} : vector<16xi32> to vector<1xi32>
        %squeeze3A = vector.extract %slice3A[0] : i32 from vector<1xi32>
        %broadcast_in_dim3A_189 = arith.constant true
        %broadcast_in_dim3A_190 = vector.broadcast %broadcast_in_dim3A_189 : i1 to vector<16xi1>
        %unique3A_191, %unique3A_192 = tpu.scan_count mask(%broadcast_in_dim3A_190 : vector<16xi1>) value(%get3A_150 : vector<16xi32>) : vector<16xi1>, vector<16xi32>
        %gather3A_193 = tpu.vector_load_idx %arg11[%get3A_150] : memref<10000xf32, #tpu.memory_space<vmem>>[vector<16xi32>], vector<16xf32>,
        %gather3A_194 = tpu.vector_load_idx %arg13[%get3A_150] : memref<10000xf32, #tpu.memory_space<vmem>>[vector<16xi32>], vector<16xf32>,
        %gather3A_195 = tpu.vector_load_idx %arg12[%get3A_150] : memref<10000xf32, #tpu.memory_space<vmem>>[vector<16xi32>], vector<16xf32>,
        %gather3A_196 = tpu.vector_load_idx %arg14[%get3A_150] : memref<10000xf32, #tpu.memory_space<vmem>>[vector<16xi32>], vector<16xf32>,
        tpu.vector_store_idx %arg7[%get3A_150], %gather3A_170 {add = true} : memref<10000xf32, #tpu.memory_space<vmem>>[vector<16xi32>], vector<16xf32>,
        %mul3A_197 = arith.mulf %gather3A_170, %gather3A_170 : vector<16xf32>
        tpu.vector_store_idx %arg9[%get3A_150], %mul3A_197 {add = true} : memref<10000xf32, #tpu.memory_space<vmem>>[vector<16xi32>], vector<16xf32>,
        tpu.vector_store_idx %arg8[%get3A_150], %gather3A_171 {add = true} : memref<10000xf32, #tpu.memory_space<vmem>>[vector<16xi32>], vector<16xf32>,
        %mul3A_198 = arith.mulf %gather3A_171, %gather3A_171 : vector<16xf32>
        tpu.vector_store_idx %arg10[%get3A_150], %mul3A_198 {add = true} : memref<10000xf32, #tpu.memory_space<vmem>>[vector<16xi32>], vector<16xf32>,
        %gt3A_199 = arith.cmpf ogt, %gather3A_170, %gather3A_193 : vector<16xf32>
        tpu.vector_store_idx %arg11[%get3A_150], %gather3A_170 masked %gt3A_199 : memref<10000xf32, #tpu.memory_space<vmem>>[vector<16xi32>], vector<16xf32>, vector<16xi1>
        %lt3A_200 = arith.cmpf olt, %gather3A_170, %gather3A_194 : vector<16xf32>
        tpu.vector_store_idx %arg13[%get3A_150], %gather3A_170 masked %lt3A_200 : memref<10000xf32, #tpu.memory_space<vmem>>[vector<16xi32>], vector<16xf32>, vector<16xi1>
        %gt3A_201 = arith.cmpf ogt, %gather3A_171, %gather3A_195 : vector<16xf32>
        tpu.vector_store_idx %arg12[%get3A_150], %gather3A_171 masked %gt3A_201 : memref<10000xf32, #tpu.memory_space<vmem>>[vector<16xi32>], vector<16xf32>, vector<16xi1>
        %lt3A_202 = arith.cmpf olt, %gather3A_171, %gather3A_196 : vector<16xf32>
        tpu.vector_store_idx %arg14[%get3A_150], %gather3A_171 masked %lt3A_202 : memref<10000xf32, #tpu.memory_space<vmem>>[vector<16xi32>], vector<16xf32>, vector<16xi1>
        %all_reduce_population_count3A_203 = tpu.all_reduce %unique3A_191 {dim = 0 : i64, kind = #tpu.reduction_kind<sum>} : vector<16xi1> -> vector<16xi32>
        %slice3A_204 = vector.extract_strided_slice %all_reduce_population_count3A_203 {offsets = [0], sizes = [1], strides = [1]} : vector<16xi32> to vector<1xi32>
        %squeeze3A_205 = vector.extract %slice3A_204[0] : i32 from vector<1xi32>
        %broadcast_in_dim3A_206 = arith.constant true
        %broadcast_in_dim3A_207 = vector.broadcast %broadcast_in_dim3A_206 : i1 to vector<16xi1>
        %unique3A_208, %unique3A_209 = tpu.scan_count mask(%broadcast_in_dim3A_207 : vector<16xi1>) value(%get3A_156 : vector<16xi32>) : vector<16xi1>, vector<16xi32>
        %gather3A_210 = tpu.vector_load_idx %arg11[%get3A_156] : memref<10000xf32, #tpu.memory_space<vmem>>[vector<16xi32>], vector<16xf32>,
        %gather3A_211 = tpu.vector_load_idx %arg13[%get3A_156] : memref<10000xf32, #tpu.memory_space<vmem>>[vector<16xi32>], vector<16xf32>,
        %gather3A_212 = tpu.vector_load_idx %arg12[%get3A_156] : memref<10000xf32, #tpu.memory_space<vmem>>[vector<16xi32>], vector<16xf32>,
        %gather3A_213 = tpu.vector_load_idx %arg14[%get3A_156] : memref<10000xf32, #tpu.memory_space<vmem>>[vector<16xi32>], vector<16xf32>,
        tpu.vector_store_idx %arg7[%get3A_156], %gather3A_172 {add = true} : memref<10000xf32, #tpu.memory_space<vmem>>[vector<16xi32>], vector<16xf32>,
        %mul3A_214 = arith.mulf %gather3A_172, %gather3A_172 : vector<16xf32>
        tpu.vector_store_idx %arg9[%get3A_156], %mul3A_214 {add = true} : memref<10000xf32, #tpu.memory_space<vmem>>[vector<16xi32>], vector<16xf32>,
        tpu.vector_store_idx %arg8[%get3A_156], %gather3A_173 {add = true} : memref<10000xf32, #tpu.memory_space<vmem>>[vector<16xi32>], vector<16xf32>,
        %mul3A_215 = arith.mulf %gather3A_173, %gather3A_173 : vector<16xf32>
        tpu.vector_store_idx %arg10[%get3A_156], %mul3A_215 {add = true} : memref<10000xf32, #tpu.memory_space<vmem>>[vector<16xi32>], vector<16xf32>,
        %gt3A_216 = arith.cmpf ogt, %gather3A_172, %gather3A_210 : vector<16xf32>
        tpu.vector_store_idx %arg11[%get3A_156], %gather3A_172 masked %gt3A_216 : memref<10000xf32, #tpu.memory_space<vmem>>[vector<16xi32>], vector<16xf32>, vector<16xi1>
        %lt3A_217 = arith.cmpf olt, %gather3A_172, %gather3A_211 : vector<16xf32>
        tpu.vector_store_idx %arg13[%get3A_156], %gather3A_172 masked %lt3A_217 : memref<10000xf32, #tpu.memory_space<vmem>>[vector<16xi32>], vector<16xf32>, vector<16xi1>
        %gt3A_218 = arith.cmpf ogt, %gather3A_173, %gather3A_212 : vector<16xf32>
        tpu.vector_store_idx %arg12[%get3A_156], %gather3A_173 masked %gt3A_218 : memref<10000xf32, #tpu.memory_space<vmem>>[vector<16xi32>], vector<16xf32>, vector<16xi1>
        %lt3A_219 = arith.cmpf olt, %gather3A_173, %gather3A_213 : vector<16xf32>
        tpu.vector_store_idx %arg14[%get3A_156], %gather3A_173 masked %lt3A_219 : memref<10000xf32, #tpu.memory_space<vmem>>[vector<16xi32>], vector<16xf32>, vector<16xi1>
        %all_reduce_population_count3A_220 = tpu.all_reduce %unique3A_208 {dim = 0 : i64, kind = #tpu.reduction_kind<sum>} : vector<16xi1> -> vector<16xi32>
        %slice3A_221 = vector.extract_strided_slice %all_reduce_population_count3A_220 {offsets = [0], sizes = [1], strides = [1]} : vector<16xi32> to vector<1xi32>
        %squeeze3A_222 = vector.extract %slice3A_221[0] : i32 from vector<1xi32>
        %broadcast_in_dim3A_223 = arith.constant true
        %broadcast_in_dim3A_224 = vector.broadcast %broadcast_in_dim3A_223 : i1 to vector<16xi1>
        %unique3A_225, %unique3A_226 = tpu.scan_count mask(%broadcast_in_dim3A_224 : vector<16xi1>) value(%get3A_162 : vector<16xi32>) : vector<16xi1>, vector<16xi32>
        %gather3A_227 = tpu.vector_load_idx %arg11[%get3A_162] : memref<10000xf32, #tpu.memory_space<vmem>>[vector<16xi32>], vector<16xf32>,
        %gather3A_228 = tpu.vector_load_idx %arg13[%get3A_162] : memref<10000xf32, #tpu.memory_space<vmem>>[vector<16xi32>], vector<16xf32>,
        %gather3A_229 = tpu.vector_load_idx %arg12[%get3A_162] : memref<10000xf32, #tpu.memory_space<vmem>>[vector<16xi32>], vector<16xf32>,
        %gather3A_230 = tpu.vector_load_idx %arg14[%get3A_162] : memref<10000xf32, #tpu.memory_space<vmem>>[vector<16xi32>], vector<16xf32>,
        tpu.vector_store_idx %arg7[%get3A_162], %gather3A_174 {add = true} : memref<10000xf32, #tpu.memory_space<vmem>>[vector<16xi32>], vector<16xf32>,
        %mul3A_231 = arith.mulf %gather3A_174, %gather3A_174 : vector<16xf32>
        tpu.vector_store_idx %arg9[%get3A_162], %mul3A_231 {add = true} : memref<10000xf32, #tpu.memory_space<vmem>>[vector<16xi32>], vector<16xf32>,
        tpu.vector_store_idx %arg8[%get3A_162], %gather3A_175 {add = true} : memref<10000xf32, #tpu.memory_space<vmem>>[vector<16xi32>], vector<16xf32>,
        %mul3A_232 = arith.mulf %gather3A_175, %gather3A_175 : vector<16xf32>
        tpu.vector_store_idx %arg10[%get3A_162], %mul3A_232 {add = true} : memref<10000xf32, #tpu.memory_space<vmem>>[vector<16xi32>], vector<16xf32>,
        %gt3A_233 = arith.cmpf ogt, %gather3A_174, %gather3A_227 : vector<16xf32>
        tpu.vector_store_idx %arg11[%get3A_162], %gather3A_174 masked %gt3A_233 : memref<10000xf32, #tpu.memory_space<vmem>>[vector<16xi32>], vector<16xf32>, vector<16xi1>
        %lt3A_234 = arith.cmpf olt, %gather3A_174, %gather3A_228 : vector<16xf32>
        tpu.vector_store_idx %arg13[%get3A_162], %gather3A_174 masked %lt3A_234 : memref<10000xf32, #tpu.memory_space<vmem>>[vector<16xi32>], vector<16xf32>, vector<16xi1>
        %gt3A_235 = arith.cmpf ogt, %gather3A_175, %gather3A_229 : vector<16xf32>
        tpu.vector_store_idx %arg12[%get3A_162], %gather3A_175 masked %gt3A_235 : memref<10000xf32, #tpu.memory_space<vmem>>[vector<16xi32>], vector<16xf32>, vector<16xi1>
        %lt3A_236 = arith.cmpf olt, %gather3A_175, %gather3A_230 : vector<16xf32>
        tpu.vector_store_idx %arg14[%get3A_162], %gather3A_175 masked %lt3A_236 : memref<10000xf32, #tpu.memory_space<vmem>>[vector<16xi32>], vector<16xf32>, vector<16xi1>
        %all_reduce_population_count3A_237 = tpu.all_reduce %unique3A_225 {dim = 0 : i64, kind = #tpu.reduction_kind<sum>} : vector<16xi1> -> vector<16xi32>
        %slice3A_238 = vector.extract_strided_slice %all_reduce_population_count3A_237 {offsets = [0], sizes = [1], strides = [1]} : vector<16xi32> to vector<1xi32>
        %squeeze3A_239 = vector.extract %slice3A_238[0] : i32 from vector<1xi32>
        %broadcast_in_dim3A_240 = arith.constant true
        %broadcast_in_dim3A_241 = vector.broadcast %broadcast_in_dim3A_240 : i1 to vector<16xi1>
        %unique3A_242, %unique3A_243 = tpu.scan_count mask(%broadcast_in_dim3A_241 : vector<16xi1>) value(%get3A_168 : vector<16xi32>) : vector<16xi1>, vector<16xi32>
        %gather3A_244 = tpu.vector_load_idx %arg11[%get3A_168] : memref<10000xf32, #tpu.memory_space<vmem>>[vector<16xi32>], vector<16xf32>,
        %gather3A_245 = tpu.vector_load_idx %arg13[%get3A_168] : memref<10000xf32, #tpu.memory_space<vmem>>[vector<16xi32>], vector<16xf32>,
        %gather3A_246 = tpu.vector_load_idx %arg12[%get3A_168] : memref<10000xf32, #tpu.memory_space<vmem>>[vector<16xi32>], vector<16xf32>,
        %gather3A_247 = tpu.vector_load_idx %arg14[%get3A_168] : memref<10000xf32, #tpu.memory_space<vmem>>[vector<16xi32>], vector<16xf32>,
        tpu.vector_store_idx %arg7[%get3A_168], %gather3A_176 {add = true} : memref<10000xf32, #tpu.memory_space<vmem>>[vector<16xi32>], vector<16xf32>,
        %mul3A_248 = arith.mulf %gather3A_176, %gather3A_176 : vector<16xf32>
        tpu.vector_store_idx %arg9[%get3A_168], %mul3A_248 {add = true} : memref<10000xf32, #tpu.memory_space<vmem>>[vector<16xi32>], vector<16xf32>,
        tpu.vector_store_idx %arg8[%get3A_168], %gather3A_177 {add = true} : memref<10000xf32, #tpu.memory_space<vmem>>[vector<16xi32>], vector<16xf32>,
        %mul3A_249 = arith.mulf %gather3A_177, %gather3A_177 : vector<16xf32>
        tpu.vector_store_idx %arg10[%get3A_168], %mul3A_249 {add = true} : memref<10000xf32, #tpu.memory_space<vmem>>[vector<16xi32>], vector<16xf32>,
        %gt3A_250 = arith.cmpf ogt, %gather3A_176, %gather3A_244 : vector<16xf32>
        tpu.vector_store_idx %arg11[%get3A_168], %gather3A_176 masked %gt3A_250 : memref<10000xf32, #tpu.memory_space<vmem>>[vector<16xi32>], vector<16xf32>, vector<16xi1>
        %lt3A_251 = arith.cmpf olt, %gather3A_176, %gather3A_245 : vector<16xf32>
        tpu.vector_store_idx %arg13[%get3A_168], %gather3A_176 masked %lt3A_251 : memref<10000xf32, #tpu.memory_space<vmem>>[vector<16xi32>], vector<16xf32>, vector<16xi1>
        %gt3A_252 = arith.cmpf ogt, %gather3A_177, %gather3A_246 : vector<16xf32>
        tpu.vector_store_idx %arg12[%get3A_168], %gather3A_177 masked %gt3A_252 : memref<10000xf32, #tpu.memory_space<vmem>>[vector<16xi32>], vector<16xf32>, vector<16xi1>
        %lt3A_253 = arith.cmpf olt, %gather3A_177, %gather3A_247 : vector<16xf32>
        tpu.vector_store_idx %arg14[%get3A_168], %gather3A_177 masked %lt3A_253 : memref<10000xf32, #tpu.memory_space<vmem>>[vector<16xi32>], vector<16xf32>, vector<16xi1>
        %all_reduce_population_count3A_254 = tpu.all_reduce %unique3A_242 {dim = 0 : i64, kind = #tpu.reduction_kind<sum>} : vector<16xi1> -> vector<16xi32>
        %slice3A_255 = vector.extract_strided_slice %all_reduce_population_count3A_254 {offsets = [0], sizes = [1], strides = [1]} : vector<16xi32> to vector<1xi32>
        %squeeze3A_256 = vector.extract %slice3A_255[0] : i32 from vector<1xi32>
        %lt3A_257 = arith.constant 16 : i32
        %lt3A_258 = arith.cmpi slt, %squeeze3A, %lt3A_257 : i32
        %lt3A_259 = arith.constant 16 : i32
        %lt3A_260 = arith.cmpi slt, %squeeze3A_205, %lt3A_259 : i32
        %or3A = arith.ori %lt3A_258, %lt3A_260 : i1
        %lt3A_261 = arith.constant 16 : i32
        %lt3A_262 = arith.cmpi slt, %squeeze3A_222, %lt3A_261 : i32
        %or3A_263 = arith.ori %or3A, %lt3A_262 : i1
        %lt3A_264 = arith.constant 16 : i32
        %lt3A_265 = arith.cmpi slt, %squeeze3A_239, %lt3A_264 : i32
        %or3A_266 = arith.ori %or3A_263, %lt3A_265 : i1
        %lt3A_267 = arith.constant 16 : i32
        %lt3A_268 = arith.cmpi slt, %squeeze3A_256, %lt3A_267 : i32
        %or3A_269 = arith.ori %or3A_266, %lt3A_268 : i1
        %convert_element_type3A_270 = arith.extui %or3A_269 : i1 to i32
        %cond3A_271 = arith.constant 0 : i32
        %cond3A_272 = arith.cmpi ne, %convert_element_type3A_270, %cond3A_271 : i32
        scf.if %cond3A_272 {
          %broadcast_in_dim3A_273 = arith.constant true
          %broadcast_in_dim3A_274 = vector.broadcast %broadcast_in_dim3A_273 : i1 to vector<16xi1>
          %while3A = scf.while (%while3A_332 = %broadcast_in_dim3A_274) : (vector<16xi1>) -> vector<16xi1> {
            %all_reduce_population_count3A_333 = tpu.all_reduce %while3A_332 {dim = 0 : i64, kind = #tpu.reduction_kind<sum>} : vector<16xi1> -> vector<16xi32>
            %slice3A_334 = vector.extract_strided_slice %all_reduce_population_count3A_333 {offsets = [0], sizes = [1], strides = [1]} : vector<16xi32> to vector<1xi32>
            %squeeze3A_335 = vector.extract %slice3A_334[0] : i32 from vector<1xi32>
            %gt3A_336 = arith.constant 0 : i32
            %gt3A_337 = arith.cmpi sgt, %squeeze3A_335, %gt3A_336 : i32
            scf.condition(%gt3A_337) %while3A_332 : vector<16xi1>
          } do {
          ^bb0(%while3A_332: vector<16xi1>):
            %gather3A_333 = tpu.vector_load_idx %arg11[%get3A_144] : memref<10000xf32, #tpu.memory_space<vmem>>[vector<16xi32>], vector<16xf32>,
            %max3A = arith.maximumf %gather3A_333, %gather3A : vector<16xf32>
            tpu.vector_store_idx %arg11[%get3A_144], %max3A masked %while3A_332 : memref<10000xf32, #tpu.memory_space<vmem>>[vector<16xi32>], vector<16xf32>, vector<16xi1>
            %gather3A_334 = tpu.vector_load_idx %arg11[%get3A_144] : memref<10000xf32, #tpu.memory_space<vmem>>[vector<16xi32>], vector<16xf32>,
            %lt3A_335 = arith.cmpf olt, %gather3A_334, %gather3A : vector<16xf32>
            %and3A = arith.andi %while3A_332, %lt3A_335 : vector<16xi1>
            scf.yield %and3A : vector<16xi1>
          }
          %broadcast_in_dim3A_275 = arith.constant true
          %broadcast_in_dim3A_276 = vector.broadcast %broadcast_in_dim3A_275 : i1 to vector<16xi1>
          %while3A_277 = scf.while (%while3A_332 = %broadcast_in_dim3A_276) : (vector<16xi1>) -> vector<16xi1> {
            %all_reduce_population_count3A_333 = tpu.all_reduce %while3A_332 {dim = 0 : i64, kind = #tpu.reduction_kind<sum>} : vector<16xi1> -> vector<16xi32>
            %slice3A_334 = vector.extract_strided_slice %all_reduce_population_count3A_333 {offsets = [0], sizes = [1], strides = [1]} : vector<16xi32> to vector<1xi32>
            %squeeze3A_335 = vector.extract %slice3A_334[0] : i32 from vector<1xi32>
            %gt3A_336 = arith.constant 0 : i32
            %gt3A_337 = arith.cmpi sgt, %squeeze3A_335, %gt3A_336 : i32
            scf.condition(%gt3A_337) %while3A_332 : vector<16xi1>
          } do {
          ^bb0(%while3A_332: vector<16xi1>):
            %gather3A_333 = tpu.vector_load_idx %arg13[%get3A_144] : memref<10000xf32, #tpu.memory_space<vmem>>[vector<16xi32>], vector<16xf32>,
            %min3A = arith.minimumf %gather3A_333, %gather3A : vector<16xf32>
            tpu.vector_store_idx %arg13[%get3A_144], %min3A masked %while3A_332 : memref<10000xf32, #tpu.memory_space<vmem>>[vector<16xi32>], vector<16xf32>, vector<16xi1>
            %gather3A_334 = tpu.vector_load_idx %arg13[%get3A_144] : memref<10000xf32, #tpu.memory_space<vmem>>[vector<16xi32>], vector<16xf32>,
            %gt3A_335 = arith.cmpf ogt, %gather3A_334, %gather3A : vector<16xf32>
            %and3A = arith.andi %while3A_332, %gt3A_335 : vector<16xi1>
            scf.yield %and3A : vector<16xi1>
          }
          %broadcast_in_dim3A_278 = arith.constant true
          %broadcast_in_dim3A_279 = vector.broadcast %broadcast_in_dim3A_278 : i1 to vector<16xi1>
          %while3A_280 = scf.while (%while3A_332 = %broadcast_in_dim3A_279) : (vector<16xi1>) -> vector<16xi1> {
            %all_reduce_population_count3A_333 = tpu.all_reduce %while3A_332 {dim = 0 : i64, kind = #tpu.reduction_kind<sum>} : vector<16xi1> -> vector<16xi32>
            %slice3A_334 = vector.extract_strided_slice %all_reduce_population_count3A_333 {offsets = [0], sizes = [1], strides = [1]} : vector<16xi32> to vector<1xi32>
            %squeeze3A_335 = vector.extract %slice3A_334[0] : i32 from vector<1xi32>
            %gt3A_336 = arith.constant 0 : i32
            %gt3A_337 = arith.cmpi sgt, %squeeze3A_335, %gt3A_336 : i32
            scf.condition(%gt3A_337) %while3A_332 : vector<16xi1>
          } do {
          ^bb0(%while3A_332: vector<16xi1>):
            %gather3A_333 = tpu.vector_load_idx %arg12[%get3A_144] : memref<10000xf32, #tpu.memory_space<vmem>>[vector<16xi32>], vector<16xf32>,
            %max3A = arith.maximumf %gather3A_333, %gather3A_169 : vector<16xf32>
            tpu.vector_store_idx %arg12[%get3A_144], %max3A masked %while3A_332 : memref<10000xf32, #tpu.memory_space<vmem>>[vector<16xi32>], vector<16xf32>, vector<16xi1>
            %gather3A_334 = tpu.vector_load_idx %arg12[%get3A_144] : memref<10000xf32, #tpu.memory_space<vmem>>[vector<16xi32>], vector<16xf32>,
            %lt3A_335 = arith.cmpf olt, %gather3A_334, %gather3A_169 : vector<16xf32>
            %and3A = arith.andi %while3A_332, %lt3A_335 : vector<16xi1>
            scf.yield %and3A : vector<16xi1>
          }
          %broadcast_in_dim3A_281 = arith.constant true
          %broadcast_in_dim3A_282 = vector.broadcast %broadcast_in_dim3A_281 : i1 to vector<16xi1>
          %while3A_283 = scf.while (%while3A_332 = %broadcast_in_dim3A_282) : (vector<16xi1>) -> vector<16xi1> {
            %all_reduce_population_count3A_333 = tpu.all_reduce %while3A_332 {dim = 0 : i64, kind = #tpu.reduction_kind<sum>} : vector<16xi1> -> vector<16xi32>
            %slice3A_334 = vector.extract_strided_slice %all_reduce_population_count3A_333 {offsets = [0], sizes = [1], strides = [1]} : vector<16xi32> to vector<1xi32>
            %squeeze3A_335 = vector.extract %slice3A_334[0] : i32 from vector<1xi32>
            %gt3A_336 = arith.constant 0 : i32
            %gt3A_337 = arith.cmpi sgt, %squeeze3A_335, %gt3A_336 : i32
            scf.condition(%gt3A_337) %while3A_332 : vector<16xi1>
          } do {
          ^bb0(%while3A_332: vector<16xi1>):
            %gather3A_333 = tpu.vector_load_idx %arg14[%get3A_144] : memref<10000xf32, #tpu.memory_space<vmem>>[vector<16xi32>], vector<16xf32>,
            %min3A = arith.minimumf %gather3A_333, %gather3A_169 : vector<16xf32>
            tpu.vector_store_idx %arg14[%get3A_144], %min3A masked %while3A_332 : memref<10000xf32, #tpu.memory_space<vmem>>[vector<16xi32>], vector<16xf32>, vector<16xi1>
            %gather3A_334 = tpu.vector_load_idx %arg14[%get3A_144] : memref<10000xf32, #tpu.memory_space<vmem>>[vector<16xi32>], vector<16xf32>,
            %gt3A_335 = arith.cmpf ogt, %gather3A_334, %gather3A_169 : vector<16xf32>
            %and3A = arith.andi %while3A_332, %gt3A_335 : vector<16xi1>
            scf.yield %and3A : vector<16xi1>
          }
          %broadcast_in_dim3A_284 = arith.constant true
          %broadcast_in_dim3A_285 = vector.broadcast %broadcast_in_dim3A_284 : i1 to vector<16xi1>
          %while3A_286 = scf.while (%while3A_332 = %broadcast_in_dim3A_285) : (vector<16xi1>) -> vector<16xi1> {
            %all_reduce_population_count3A_333 = tpu.all_reduce %while3A_332 {dim = 0 : i64, kind = #tpu.reduction_kind<sum>} : vector<16xi1> -> vector<16xi32>
            %slice3A_334 = vector.extract_strided_slice %all_reduce_population_count3A_333 {offsets = [0], sizes = [1], strides = [1]} : vector<16xi32> to vector<1xi32>
            %squeeze3A_335 = vector.extract %slice3A_334[0] : i32 from vector<1xi32>
            %gt3A_336 = arith.constant 0 : i32
            %gt3A_337 = arith.cmpi sgt, %squeeze3A_335, %gt3A_336 : i32
            scf.condition(%gt3A_337) %while3A_332 : vector<16xi1>
          } do {
          ^bb0(%while3A_332: vector<16xi1>):
            %gather3A_333 = tpu.vector_load_idx %arg11[%get3A_150] : memref<10000xf32, #tpu.memory_space<vmem>>[vector<16xi32>], vector<16xf32>,
            %max3A = arith.maximumf %gather3A_333, %gather3A_170 : vector<16xf32>
            tpu.vector_store_idx %arg11[%get3A_150], %max3A masked %while3A_332 : memref<10000xf32, #tpu.memory_space<vmem>>[vector<16xi32>], vector<16xf32>, vector<16xi1>
            %gather3A_334 = tpu.vector_load_idx %arg11[%get3A_150] : memref<10000xf32, #tpu.memory_space<vmem>>[vector<16xi32>], vector<16xf32>,
            %lt3A_335 = arith.cmpf olt, %gather3A_334, %gather3A_170 : vector<16xf32>
            %and3A = arith.andi %while3A_332, %lt3A_335 : vector<16xi1>
            scf.yield %and3A : vector<16xi1>
          }
          %broadcast_in_dim3A_287 = arith.constant true
          %broadcast_in_dim3A_288 = vector.broadcast %broadcast_in_dim3A_287 : i1 to vector<16xi1>
          %while3A_289 = scf.while (%while3A_332 = %broadcast_in_dim3A_288) : (vector<16xi1>) -> vector<16xi1> {
            %all_reduce_population_count3A_333 = tpu.all_reduce %while3A_332 {dim = 0 : i64, kind = #tpu.reduction_kind<sum>} : vector<16xi1> -> vector<16xi32>
            %slice3A_334 = vector.extract_strided_slice %all_reduce_population_count3A_333 {offsets = [0], sizes = [1], strides = [1]} : vector<16xi32> to vector<1xi32>
            %squeeze3A_335 = vector.extract %slice3A_334[0] : i32 from vector<1xi32>
            %gt3A_336 = arith.constant 0 : i32
            %gt3A_337 = arith.cmpi sgt, %squeeze3A_335, %gt3A_336 : i32
            scf.condition(%gt3A_337) %while3A_332 : vector<16xi1>
          } do {
          ^bb0(%while3A_332: vector<16xi1>):
            %gather3A_333 = tpu.vector_load_idx %arg13[%get3A_150] : memref<10000xf32, #tpu.memory_space<vmem>>[vector<16xi32>], vector<16xf32>,
            %min3A = arith.minimumf %gather3A_333, %gather3A_170 : vector<16xf32>
            tpu.vector_store_idx %arg13[%get3A_150], %min3A masked %while3A_332 : memref<10000xf32, #tpu.memory_space<vmem>>[vector<16xi32>], vector<16xf32>, vector<16xi1>
            %gather3A_334 = tpu.vector_load_idx %arg13[%get3A_150] : memref<10000xf32, #tpu.memory_space<vmem>>[vector<16xi32>], vector<16xf32>,
            %gt3A_335 = arith.cmpf ogt, %gather3A_334, %gather3A_170 : vector<16xf32>
            %and3A = arith.andi %while3A_332, %gt3A_335 : vector<16xi1>
            scf.yield %and3A : vector<16xi1>
          }
          %broadcast_in_dim3A_290 = arith.constant true
          %broadcast_in_dim3A_291 = vector.broadcast %broadcast_in_dim3A_290 : i1 to vector<16xi1>
          %while3A_292 = scf.while (%while3A_332 = %broadcast_in_dim3A_291) : (vector<16xi1>) -> vector<16xi1> {
            %all_reduce_population_count3A_333 = tpu.all_reduce %while3A_332 {dim = 0 : i64, kind = #tpu.reduction_kind<sum>} : vector<16xi1> -> vector<16xi32>
            %slice3A_334 = vector.extract_strided_slice %all_reduce_population_count3A_333 {offsets = [0], sizes = [1], strides = [1]} : vector<16xi32> to vector<1xi32>
            %squeeze3A_335 = vector.extract %slice3A_334[0] : i32 from vector<1xi32>
            %gt3A_336 = arith.constant 0 : i32
            %gt3A_337 = arith.cmpi sgt, %squeeze3A_335, %gt3A_336 : i32
            scf.condition(%gt3A_337) %while3A_332 : vector<16xi1>
          } do {
          ^bb0(%while3A_332: vector<16xi1>):
            %gather3A_333 = tpu.vector_load_idx %arg12[%get3A_150] : memref<10000xf32, #tpu.memory_space<vmem>>[vector<16xi32>], vector<16xf32>,
            %max3A = arith.maximumf %gather3A_333, %gather3A_171 : vector<16xf32>
            tpu.vector_store_idx %arg12[%get3A_150], %max3A masked %while3A_332 : memref<10000xf32, #tpu.memory_space<vmem>>[vector<16xi32>], vector<16xf32>, vector<16xi1>
            %gather3A_334 = tpu.vector_load_idx %arg12[%get3A_150] : memref<10000xf32, #tpu.memory_space<vmem>>[vector<16xi32>], vector<16xf32>,
            %lt3A_335 = arith.cmpf olt, %gather3A_334, %gather3A_171 : vector<16xf32>
            %and3A = arith.andi %while3A_332, %lt3A_335 : vector<16xi1>
            scf.yield %and3A : vector<16xi1>
          }
          %broadcast_in_dim3A_293 = arith.constant true
          %broadcast_in_dim3A_294 = vector.broadcast %broadcast_in_dim3A_293 : i1 to vector<16xi1>
          %while3A_295 = scf.while (%while3A_332 = %broadcast_in_dim3A_294) : (vector<16xi1>) -> vector<16xi1> {
            %all_reduce_population_count3A_333 = tpu.all_reduce %while3A_332 {dim = 0 : i64, kind = #tpu.reduction_kind<sum>} : vector<16xi1> -> vector<16xi32>
            %slice3A_334 = vector.extract_strided_slice %all_reduce_population_count3A_333 {offsets = [0], sizes = [1], strides = [1]} : vector<16xi32> to vector<1xi32>
            %squeeze3A_335 = vector.extract %slice3A_334[0] : i32 from vector<1xi32>
            %gt3A_336 = arith.constant 0 : i32
            %gt3A_337 = arith.cmpi sgt, %squeeze3A_335, %gt3A_336 : i32
            scf.condition(%gt3A_337) %while3A_332 : vector<16xi1>
          } do {
          ^bb0(%while3A_332: vector<16xi1>):
            %gather3A_333 = tpu.vector_load_idx %arg14[%get3A_150] : memref<10000xf32, #tpu.memory_space<vmem>>[vector<16xi32>], vector<16xf32>,
            %min3A = arith.minimumf %gather3A_333, %gather3A_171 : vector<16xf32>
            tpu.vector_store_idx %arg14[%get3A_150], %min3A masked %while3A_332 : memref<10000xf32, #tpu.memory_space<vmem>>[vector<16xi32>], vector<16xf32>, vector<16xi1>
            %gather3A_334 = tpu.vector_load_idx %arg14[%get3A_150] : memref<10000xf32, #tpu.memory_space<vmem>>[vector<16xi32>], vector<16xf32>,
            %gt3A_335 = arith.cmpf ogt, %gather3A_334, %gather3A_171 : vector<16xf32>
            %and3A = arith.andi %while3A_332, %gt3A_335 : vector<16xi1>
            scf.yield %and3A : vector<16xi1>
          }
          %broadcast_in_dim3A_296 = arith.constant true
          %broadcast_in_dim3A_297 = vector.broadcast %broadcast_in_dim3A_296 : i1 to vector<16xi1>
          %while3A_298 = scf.while (%while3A_332 = %broadcast_in_dim3A_297) : (vector<16xi1>) -> vector<16xi1> {
            %all_reduce_population_count3A_333 = tpu.all_reduce %while3A_332 {dim = 0 : i64, kind = #tpu.reduction_kind<sum>} : vector<16xi1> -> vector<16xi32>
            %slice3A_334 = vector.extract_strided_slice %all_reduce_population_count3A_333 {offsets = [0], sizes = [1], strides = [1]} : vector<16xi32> to vector<1xi32>
            %squeeze3A_335 = vector.extract %slice3A_334[0] : i32 from vector<1xi32>
            %gt3A_336 = arith.constant 0 : i32
            %gt3A_337 = arith.cmpi sgt, %squeeze3A_335, %gt3A_336 : i32
            scf.condition(%gt3A_337) %while3A_332 : vector<16xi1>
          } do {
          ^bb0(%while3A_332: vector<16xi1>):
            %gather3A_333 = tpu.vector_load_idx %arg11[%get3A_156] : memref<10000xf32, #tpu.memory_space<vmem>>[vector<16xi32>], vector<16xf32>,
            %max3A = arith.maximumf %gather3A_333, %gather3A_172 : vector<16xf32>
            tpu.vector_store_idx %arg11[%get3A_156], %max3A masked %while3A_332 : memref<10000xf32, #tpu.memory_space<vmem>>[vector<16xi32>], vector<16xf32>, vector<16xi1>
            %gather3A_334 = tpu.vector_load_idx %arg11[%get3A_156] : memref<10000xf32, #tpu.memory_space<vmem>>[vector<16xi32>], vector<16xf32>,
            %lt3A_335 = arith.cmpf olt, %gather3A_334, %gather3A_172 : vector<16xf32>
            %and3A = arith.andi %while3A_332, %lt3A_335 : vector<16xi1>
            scf.yield %and3A : vector<16xi1>
          }
          %broadcast_in_dim3A_299 = arith.constant true
          %broadcast_in_dim3A_300 = vector.broadcast %broadcast_in_dim3A_299 : i1 to vector<16xi1>
          %while3A_301 = scf.while (%while3A_332 = %broadcast_in_dim3A_300) : (vector<16xi1>) -> vector<16xi1> {
            %all_reduce_population_count3A_333 = tpu.all_reduce %while3A_332 {dim = 0 : i64, kind = #tpu.reduction_kind<sum>} : vector<16xi1> -> vector<16xi32>
            %slice3A_334 = vector.extract_strided_slice %all_reduce_population_count3A_333 {offsets = [0], sizes = [1], strides = [1]} : vector<16xi32> to vector<1xi32>
            %squeeze3A_335 = vector.extract %slice3A_334[0] : i32 from vector<1xi32>
            %gt3A_336 = arith.constant 0 : i32
            %gt3A_337 = arith.cmpi sgt, %squeeze3A_335, %gt3A_336 : i32
            scf.condition(%gt3A_337) %while3A_332 : vector<16xi1>
          } do {
          ^bb0(%while3A_332: vector<16xi1>):
            %gather3A_333 = tpu.vector_load_idx %arg13[%get3A_156] : memref<10000xf32, #tpu.memory_space<vmem>>[vector<16xi32>], vector<16xf32>,
            %min3A = arith.minimumf %gather3A_333, %gather3A_172 : vector<16xf32>
            tpu.vector_store_idx %arg13[%get3A_156], %min3A masked %while3A_332 : memref<10000xf32, #tpu.memory_space<vmem>>[vector<16xi32>], vector<16xf32>, vector<16xi1>
            %gather3A_334 = tpu.vector_load_idx %arg13[%get3A_156] : memref<10000xf32, #tpu.memory_space<vmem>>[vector<16xi32>], vector<16xf32>,
            %gt3A_335 = arith.cmpf ogt, %gather3A_334, %gather3A_172 : vector<16xf32>
            %and3A = arith.andi %while3A_332, %gt3A_335 : vector<16xi1>
            scf.yield %and3A : vector<16xi1>
          }
          %broadcast_in_dim3A_302 = arith.constant true
          %broadcast_in_dim3A_303 = vector.broadcast %broadcast_in_dim3A_302 : i1 to vector<16xi1>
          %while3A_304 = scf.while (%while3A_332 = %broadcast_in_dim3A_303) : (vector<16xi1>) -> vector<16xi1> {
            %all_reduce_population_count3A_333 = tpu.all_reduce %while3A_332 {dim = 0 : i64, kind = #tpu.reduction_kind<sum>} : vector<16xi1> -> vector<16xi32>
            %slice3A_334 = vector.extract_strided_slice %all_reduce_population_count3A_333 {offsets = [0], sizes = [1], strides = [1]} : vector<16xi32> to vector<1xi32>
            %squeeze3A_335 = vector.extract %slice3A_334[0] : i32 from vector<1xi32>
            %gt3A_336 = arith.constant 0 : i32
            %gt3A_337 = arith.cmpi sgt, %squeeze3A_335, %gt3A_336 : i32
            scf.condition(%gt3A_337) %while3A_332 : vector<16xi1>
          } do {
          ^bb0(%while3A_332: vector<16xi1>):
            %gather3A_333 = tpu.vector_load_idx %arg12[%get3A_156] : memref<10000xf32, #tpu.memory_space<vmem>>[vector<16xi32>], vector<16xf32>,
            %max3A = arith.maximumf %gather3A_333, %gather3A_173 : vector<16xf32>
            tpu.vector_store_idx %arg12[%get3A_156], %max3A masked %while3A_332 : memref<10000xf32, #tpu.memory_space<vmem>>[vector<16xi32>], vector<16xf32>, vector<16xi1>
            %gather3A_334 = tpu.vector_load_idx %arg12[%get3A_156] : memref<10000xf32, #tpu.memory_space<vmem>>[vector<16xi32>], vector<16xf32>,
            %lt3A_335 = arith.cmpf olt, %gather3A_334, %gather3A_173 : vector<16xf32>
            %and3A = arith.andi %while3A_332, %lt3A_335 : vector<16xi1>
            scf.yield %and3A : vector<16xi1>
          }
          %broadcast_in_dim3A_305 = arith.constant true
          %broadcast_in_dim3A_306 = vector.broadcast %broadcast_in_dim3A_305 : i1 to vector<16xi1>
          %while3A_307 = scf.while (%while3A_332 = %broadcast_in_dim3A_306) : (vector<16xi1>) -> vector<16xi1> {
            %all_reduce_population_count3A_333 = tpu.all_reduce %while3A_332 {dim = 0 : i64, kind = #tpu.reduction_kind<sum>} : vector<16xi1> -> vector<16xi32>
            %slice3A_334 = vector.extract_strided_slice %all_reduce_population_count3A_333 {offsets = [0], sizes = [1], strides = [1]} : vector<16xi32> to vector<1xi32>
            %squeeze3A_335 = vector.extract %slice3A_334[0] : i32 from vector<1xi32>
            %gt3A_336 = arith.constant 0 : i32
            %gt3A_337 = arith.cmpi sgt, %squeeze3A_335, %gt3A_336 : i32
            scf.condition(%gt3A_337) %while3A_332 : vector<16xi1>
          } do {
          ^bb0(%while3A_332: vector<16xi1>):
            %gather3A_333 = tpu.vector_load_idx %arg14[%get3A_156] : memref<10000xf32, #tpu.memory_space<vmem>>[vector<16xi32>], vector<16xf32>,
            %min3A = arith.minimumf %gather3A_333, %gather3A_173 : vector<16xf32>
            tpu.vector_store_idx %arg14[%get3A_156], %min3A masked %while3A_332 : memref<10000xf32, #tpu.memory_space<vmem>>[vector<16xi32>], vector<16xf32>, vector<16xi1>
            %gather3A_334 = tpu.vector_load_idx %arg14[%get3A_156] : memref<10000xf32, #tpu.memory_space<vmem>>[vector<16xi32>], vector<16xf32>,
            %gt3A_335 = arith.cmpf ogt, %gather3A_334, %gather3A_173 : vector<16xf32>
            %and3A = arith.andi %while3A_332, %gt3A_335 : vector<16xi1>
            scf.yield %and3A : vector<16xi1>
          }
          %broadcast_in_dim3A_308 = arith.constant true
          %broadcast_in_dim3A_309 = vector.broadcast %broadcast_in_dim3A_308 : i1 to vector<16xi1>
          %while3A_310 = scf.while (%while3A_332 = %broadcast_in_dim3A_309) : (vector<16xi1>) -> vector<16xi1> {
            %all_reduce_population_count3A_333 = tpu.all_reduce %while3A_332 {dim = 0 : i64, kind = #tpu.reduction_kind<sum>} : vector<16xi1> -> vector<16xi32>
            %slice3A_334 = vector.extract_strided_slice %all_reduce_population_count3A_333 {offsets = [0], sizes = [1], strides = [1]} : vector<16xi32> to vector<1xi32>
            %squeeze3A_335 = vector.extract %slice3A_334[0] : i32 from vector<1xi32>
            %gt3A_336 = arith.constant 0 : i32
            %gt3A_337 = arith.cmpi sgt, %squeeze3A_335, %gt3A_336 : i32
            scf.condition(%gt3A_337) %while3A_332 : vector<16xi1>
          } do {
          ^bb0(%while3A_332: vector<16xi1>):
            %gather3A_333 = tpu.vector_load_idx %arg11[%get3A_162] : memref<10000xf32, #tpu.memory_space<vmem>>[vector<16xi32>], vector<16xf32>,
            %max3A = arith.maximumf %gather3A_333, %gather3A_174 : vector<16xf32>
            tpu.vector_store_idx %arg11[%get3A_162], %max3A masked %while3A_332 : memref<10000xf32, #tpu.memory_space<vmem>>[vector<16xi32>], vector<16xf32>, vector<16xi1>
            %gather3A_334 = tpu.vector_load_idx %arg11[%get3A_162] : memref<10000xf32, #tpu.memory_space<vmem>>[vector<16xi32>], vector<16xf32>,
            %lt3A_335 = arith.cmpf olt, %gather3A_334, %gather3A_174 : vector<16xf32>
            %and3A = arith.andi %while3A_332, %lt3A_335 : vector<16xi1>
            scf.yield %and3A : vector<16xi1>
          }
          %broadcast_in_dim3A_311 = arith.constant true
          %broadcast_in_dim3A_312 = vector.broadcast %broadcast_in_dim3A_311 : i1 to vector<16xi1>
          %while3A_313 = scf.while (%while3A_332 = %broadcast_in_dim3A_312) : (vector<16xi1>) -> vector<16xi1> {
            %all_reduce_population_count3A_333 = tpu.all_reduce %while3A_332 {dim = 0 : i64, kind = #tpu.reduction_kind<sum>} : vector<16xi1> -> vector<16xi32>
            %slice3A_334 = vector.extract_strided_slice %all_reduce_population_count3A_333 {offsets = [0], sizes = [1], strides = [1]} : vector<16xi32> to vector<1xi32>
            %squeeze3A_335 = vector.extract %slice3A_334[0] : i32 from vector<1xi32>
            %gt3A_336 = arith.constant 0 : i32
            %gt3A_337 = arith.cmpi sgt, %squeeze3A_335, %gt3A_336 : i32
            scf.condition(%gt3A_337) %while3A_332 : vector<16xi1>
          } do {
          ^bb0(%while3A_332: vector<16xi1>):
            %gather3A_333 = tpu.vector_load_idx %arg13[%get3A_162] : memref<10000xf32, #tpu.memory_space<vmem>>[vector<16xi32>], vector<16xf32>,
            %min3A = arith.minimumf %gather3A_333, %gather3A_174 : vector<16xf32>
            tpu.vector_store_idx %arg13[%get3A_162], %min3A masked %while3A_332 : memref<10000xf32, #tpu.memory_space<vmem>>[vector<16xi32>], vector<16xf32>, vector<16xi1>
            %gather3A_334 = tpu.vector_load_idx %arg13[%get3A_162] : memref<10000xf32, #tpu.memory_space<vmem>>[vector<16xi32>], vector<16xf32>,
            %gt3A_335 = arith.cmpf ogt, %gather3A_334, %gather3A_174 : vector<16xf32>
            %and3A = arith.andi %while3A_332, %gt3A_335 : vector<16xi1>
            scf.yield %and3A : vector<16xi1>
          }
          %broadcast_in_dim3A_314 = arith.constant true
          %broadcast_in_dim3A_315 = vector.broadcast %broadcast_in_dim3A_314 : i1 to vector<16xi1>
          %while3A_316 = scf.while (%while3A_332 = %broadcast_in_dim3A_315) : (vector<16xi1>) -> vector<16xi1> {
            %all_reduce_population_count3A_333 = tpu.all_reduce %while3A_332 {dim = 0 : i64, kind = #tpu.reduction_kind<sum>} : vector<16xi1> -> vector<16xi32>
            %slice3A_334 = vector.extract_strided_slice %all_reduce_population_count3A_333 {offsets = [0], sizes = [1], strides = [1]} : vector<16xi32> to vector<1xi32>
            %squeeze3A_335 = vector.extract %slice3A_334[0] : i32 from vector<1xi32>
            %gt3A_336 = arith.constant 0 : i32
            %gt3A_337 = arith.cmpi sgt, %squeeze3A_335, %gt3A_336 : i32
            scf.condition(%gt3A_337) %while3A_332 : vector<16xi1>
          } do {
          ^bb0(%while3A_332: vector<16xi1>):
            %gather3A_333 = tpu.vector_load_idx %arg12[%get3A_162] : memref<10000xf32, #tpu.memory_space<vmem>>[vector<16xi32>], vector<16xf32>,
            %max3A = arith.maximumf %gather3A_333, %gather3A_175 : vector<16xf32>
            tpu.vector_store_idx %arg12[%get3A_162], %max3A masked %while3A_332 : memref<10000xf32, #tpu.memory_space<vmem>>[vector<16xi32>], vector<16xf32>, vector<16xi1>
            %gather3A_334 = tpu.vector_load_idx %arg12[%get3A_162] : memref<10000xf32, #tpu.memory_space<vmem>>[vector<16xi32>], vector<16xf32>,
            %lt3A_335 = arith.cmpf olt, %gather3A_334, %gather3A_175 : vector<16xf32>
            %and3A = arith.andi %while3A_332, %lt3A_335 : vector<16xi1>
            scf.yield %and3A : vector<16xi1>
          }
          %broadcast_in_dim3A_317 = arith.constant true
          %broadcast_in_dim3A_318 = vector.broadcast %broadcast_in_dim3A_317 : i1 to vector<16xi1>
          %while3A_319 = scf.while (%while3A_332 = %broadcast_in_dim3A_318) : (vector<16xi1>) -> vector<16xi1> {
            %all_reduce_population_count3A_333 = tpu.all_reduce %while3A_332 {dim = 0 : i64, kind = #tpu.reduction_kind<sum>} : vector<16xi1> -> vector<16xi32>
            %slice3A_334 = vector.extract_strided_slice %all_reduce_population_count3A_333 {offsets = [0], sizes = [1], strides = [1]} : vector<16xi32> to vector<1xi32>
            %squeeze3A_335 = vector.extract %slice3A_334[0] : i32 from vector<1xi32>
            %gt3A_336 = arith.constant 0 : i32
            %gt3A_337 = arith.cmpi sgt, %squeeze3A_335, %gt3A_336 : i32
            scf.condition(%gt3A_337) %while3A_332 : vector<16xi1>
          } do {
          ^bb0(%while3A_332: vector<16xi1>):
            %gather3A_333 = tpu.vector_load_idx %arg14[%get3A_162] : memref<10000xf32, #tpu.memory_space<vmem>>[vector<16xi32>], vector<16xf32>,
            %min3A = arith.minimumf %gather3A_333, %gather3A_175 : vector<16xf32>
            tpu.vector_store_idx %arg14[%get3A_162], %min3A masked %while3A_332 : memref<10000xf32, #tpu.memory_space<vmem>>[vector<16xi32>], vector<16xf32>, vector<16xi1>
            %gather3A_334 = tpu.vector_load_idx %arg14[%get3A_162] : memref<10000xf32, #tpu.memory_space<vmem>>[vector<16xi32>], vector<16xf32>,
            %gt3A_335 = arith.cmpf ogt, %gather3A_334, %gather3A_175 : vector<16xf32>
            %and3A = arith.andi %while3A_332, %gt3A_335 : vector<16xi1>
            scf.yield %and3A : vector<16xi1>
          }
          %broadcast_in_dim3A_320 = arith.constant true
          %broadcast_in_dim3A_321 = vector.broadcast %broadcast_in_dim3A_320 : i1 to vector<16xi1>
          %while3A_322 = scf.while (%while3A_332 = %broadcast_in_dim3A_321) : (vector<16xi1>) -> vector<16xi1> {
            %all_reduce_population_count3A_333 = tpu.all_reduce %while3A_332 {dim = 0 : i64, kind = #tpu.reduction_kind<sum>} : vector<16xi1> -> vector<16xi32>
            %slice3A_334 = vector.extract_strided_slice %all_reduce_population_count3A_333 {offsets = [0], sizes = [1], strides = [1]} : vector<16xi32> to vector<1xi32>
            %squeeze3A_335 = vector.extract %slice3A_334[0] : i32 from vector<1xi32>
            %gt3A_336 = arith.constant 0 : i32
            %gt3A_337 = arith.cmpi sgt, %squeeze3A_335, %gt3A_336 : i32
            scf.condition(%gt3A_337) %while3A_332 : vector<16xi1>
          } do {
          ^bb0(%while3A_332: vector<16xi1>):
            %gather3A_333 = tpu.vector_load_idx %arg11[%get3A_168] : memref<10000xf32, #tpu.memory_space<vmem>>[vector<16xi32>], vector<16xf32>,
            %max3A = arith.maximumf %gather3A_333, %gather3A_176 : vector<16xf32>
            tpu.vector_store_idx %arg11[%get3A_168], %max3A masked %while3A_332 : memref<10000xf32, #tpu.memory_space<vmem>>[vector<16xi32>], vector<16xf32>, vector<16xi1>
            %gather3A_334 = tpu.vector_load_idx %arg11[%get3A_168] : memref<10000xf32, #tpu.memory_space<vmem>>[vector<16xi32>], vector<16xf32>,
            %lt3A_335 = arith.cmpf olt, %gather3A_334, %gather3A_176 : vector<16xf32>
            %and3A = arith.andi %while3A_332, %lt3A_335 : vector<16xi1>
            scf.yield %and3A : vector<16xi1>
          }
          %broadcast_in_dim3A_323 = arith.constant true
          %broadcast_in_dim3A_324 = vector.broadcast %broadcast_in_dim3A_323 : i1 to vector<16xi1>
          %while3A_325 = scf.while (%while3A_332 = %broadcast_in_dim3A_324) : (vector<16xi1>) -> vector<16xi1> {
            %all_reduce_population_count3A_333 = tpu.all_reduce %while3A_332 {dim = 0 : i64, kind = #tpu.reduction_kind<sum>} : vector<16xi1> -> vector<16xi32>
            %slice3A_334 = vector.extract_strided_slice %all_reduce_population_count3A_333 {offsets = [0], sizes = [1], strides = [1]} : vector<16xi32> to vector<1xi32>
            %squeeze3A_335 = vector.extract %slice3A_334[0] : i32 from vector<1xi32>
            %gt3A_336 = arith.constant 0 : i32
            %gt3A_337 = arith.cmpi sgt, %squeeze3A_335, %gt3A_336 : i32
            scf.condition(%gt3A_337) %while3A_332 : vector<16xi1>
          } do {
          ^bb0(%while3A_332: vector<16xi1>):
            %gather3A_333 = tpu.vector_load_idx %arg13[%get3A_168] : memref<10000xf32, #tpu.memory_space<vmem>>[vector<16xi32>], vector<16xf32>,
            %min3A = arith.minimumf %gather3A_333, %gather3A_176 : vector<16xf32>
            tpu.vector_store_idx %arg13[%get3A_168], %min3A masked %while3A_332 : memref<10000xf32, #tpu.memory_space<vmem>>[vector<16xi32>], vector<16xf32>, vector<16xi1>
            %gather3A_334 = tpu.vector_load_idx %arg13[%get3A_168] : memref<10000xf32, #tpu.memory_space<vmem>>[vector<16xi32>], vector<16xf32>,
            %gt3A_335 = arith.cmpf ogt, %gather3A_334, %gather3A_176 : vector<16xf32>
            %and3A = arith.andi %while3A_332, %gt3A_335 : vector<16xi1>
            scf.yield %and3A : vector<16xi1>
          }
          %broadcast_in_dim3A_326 = arith.constant true
          %broadcast_in_dim3A_327 = vector.broadcast %broadcast_in_dim3A_326 : i1 to vector<16xi1>
          %while3A_328 = scf.while (%while3A_332 = %broadcast_in_dim3A_327) : (vector<16xi1>) -> vector<16xi1> {
            %all_reduce_population_count3A_333 = tpu.all_reduce %while3A_332 {dim = 0 : i64, kind = #tpu.reduction_kind<sum>} : vector<16xi1> -> vector<16xi32>
            %slice3A_334 = vector.extract_strided_slice %all_reduce_population_count3A_333 {offsets = [0], sizes = [1], strides = [1]} : vector<16xi32> to vector<1xi32>
            %squeeze3A_335 = vector.extract %slice3A_334[0] : i32 from vector<1xi32>
            %gt3A_336 = arith.constant 0 : i32
            %gt3A_337 = arith.cmpi sgt, %squeeze3A_335, %gt3A_336 : i32
            scf.condition(%gt3A_337) %while3A_332 : vector<16xi1>
          } do {
          ^bb0(%while3A_332: vector<16xi1>):
            %gather3A_333 = tpu.vector_load_idx %arg12[%get3A_168] : memref<10000xf32, #tpu.memory_space<vmem>>[vector<16xi32>], vector<16xf32>,
            %max3A = arith.maximumf %gather3A_333, %gather3A_177 : vector<16xf32>
            tpu.vector_store_idx %arg12[%get3A_168], %max3A masked %while3A_332 : memref<10000xf32, #tpu.memory_space<vmem>>[vector<16xi32>], vector<16xf32>, vector<16xi1>
            %gather3A_334 = tpu.vector_load_idx %arg12[%get3A_168] : memref<10000xf32, #tpu.memory_space<vmem>>[vector<16xi32>], vector<16xf32>,
            %lt3A_335 = arith.cmpf olt, %gather3A_334, %gather3A_177 : vector<16xf32>
            %and3A = arith.andi %while3A_332, %lt3A_335 : vector<16xi1>
            scf.yield %and3A : vector<16xi1>
          }
          %broadcast_in_dim3A_329 = arith.constant true
          %broadcast_in_dim3A_330 = vector.broadcast %broadcast_in_dim3A_329 : i1 to vector<16xi1>
          %while3A_331 = scf.while (%while3A_332 = %broadcast_in_dim3A_330) : (vector<16xi1>) -> vector<16xi1> {
            %all_reduce_population_count3A_333 = tpu.all_reduce %while3A_332 {dim = 0 : i64, kind = #tpu.reduction_kind<sum>} : vector<16xi1> -> vector<16xi32>
            %slice3A_334 = vector.extract_strided_slice %all_reduce_population_count3A_333 {offsets = [0], sizes = [1], strides = [1]} : vector<16xi32> to vector<1xi32>
            %squeeze3A_335 = vector.extract %slice3A_334[0] : i32 from vector<1xi32>
            %gt3A_336 = arith.constant 0 : i32
            %gt3A_337 = arith.cmpi sgt, %squeeze3A_335, %gt3A_336 : i32
            scf.condition(%gt3A_337) %while3A_332 : vector<16xi1>
          } do {
          ^bb0(%while3A_332: vector<16xi1>):
            %gather3A_333 = tpu.vector_load_idx %arg14[%get3A_168] : memref<10000xf32, #tpu.memory_space<vmem>>[vector<16xi32>], vector<16xf32>,
            %min3A = arith.minimumf %gather3A_333, %gather3A_177 : vector<16xf32>
            tpu.vector_store_idx %arg14[%get3A_168], %min3A masked %while3A_332 : memref<10000xf32, #tpu.memory_space<vmem>>[vector<16xi32>], vector<16xf32>, vector<16xi1>
            %gather3A_334 = tpu.vector_load_idx %arg14[%get3A_168] : memref<10000xf32, #tpu.memory_space<vmem>>[vector<16xi32>], vector<16xf32>,
            %gt3A_335 = arith.cmpf ogt, %gather3A_334, %gather3A_177 : vector<16xf32>
            %and3A = arith.andi %while3A_332, %gt3A_335 : vector<16xi1>
            scf.yield %and3A : vector<16xi1>
          }
        } else {
        }
      }
      %scan3A_136 = arith.constant 25 : i32
    }
    %scan3A_72 = arith.constant 80 : i32
    "tpu.region"() ({
      %run_scoped3A = tpu.sem_alloc : memref<!tpu.dma_semaphore, #tpu.memory_space<semaphore_mem>>
      %dma_start3A_93 = arith.constant 0 : i32
      %dma_start3A_94 = tpu.memref_slice %arg5[%add3A_50, %dma_start3A_93] : memref<512x10000xf32, #tpu.memory_space<hbm>> -> memref<1x10000xf32, #tpu.memory_space<hbm>>
      %dma_start3A_95 = tpu.memref_squeeze %dma_start3A_94 : memref<1x10000xf32, #tpu.memory_space<hbm>> -> memref<10000xf32, #tpu.memory_space<hbm>>
      %dma_start3A_96 = arith.constant 0 : i32
      %dma_start3A_97 = tpu.memref_slice %arg5[%add3A_50, %dma_start3A_96] : memref<512x10000xf32, #tpu.memory_space<hbm>> -> memref<1x10000xf32, #tpu.memory_space<hbm>>
      %dma_start3A_98 = tpu.memref_squeeze %dma_start3A_97 : memref<1x10000xf32, #tpu.memory_space<hbm>> -> memref<10000xf32, #tpu.memory_space<hbm>>
      tpu.enqueue_dma source(%arg7 : memref<10000xf32, #tpu.memory_space<vmem>>) target(%dma_start3A_98 : memref<10000xf32, #tpu.memory_space<hbm>>) target_semaphore(%run_scoped3A : memref<!tpu.dma_semaphore, #tpu.memory_space<semaphore_mem>>)
      %dma_wait3A = arith.constant 0 : i32
      %dma_wait3A_99 = tpu.memref_slice %arg5[%add3A_50, %dma_wait3A] : memref<512x10000xf32, #tpu.memory_space<hbm>> -> memref<1x10000xf32, #tpu.memory_space<hbm>>
      %dma_wait3A_100 = tpu.memref_squeeze %dma_wait3A_99 : memref<1x10000xf32, #tpu.memory_space<hbm>> -> memref<10000xf32, #tpu.memory_space<hbm>>
      %dma_wait3A_101 = arith.constant 0 : i32
      %dma_wait3A_102 = tpu.memref_slice %arg5[%add3A_50, %dma_wait3A_101] : memref<512x10000xf32, #tpu.memory_space<hbm>> -> memref<1x10000xf32, #tpu.memory_space<hbm>>
      %dma_wait3A_103 = tpu.memref_squeeze %dma_wait3A_102 : memref<1x10000xf32, #tpu.memory_space<hbm>> -> memref<10000xf32, #tpu.memory_space<hbm>>
      tpu.wait_dma2 semaphore(%run_scoped3A : memref<!tpu.dma_semaphore, #tpu.memory_space<semaphore_mem>>) src(%arg7 : memref<10000xf32, #tpu.memory_space<vmem>>) dst(%dma_wait3A_103 : memref<10000xf32, #tpu.memory_space<hbm>>)
      tpu.yield
    }) : () -> ()
    %add3A_73 = arith.constant 1 : i32
    %add3A_74 = arith.addi %add3A_50, %add3A_73 : i32
    "tpu.region"() ({
      %run_scoped3A = tpu.sem_alloc : memref<!tpu.dma_semaphore, #tpu.memory_space<semaphore_mem>>
      %dma_start3A_93 = arith.constant 0 : i32
      %dma_start3A_94 = tpu.memref_slice %arg5[%add3A_74, %dma_start3A_93] : memref<512x10000xf32, #tpu.memory_space<hbm>> -> memref<1x10000xf32, #tpu.memory_space<hbm>>
      %dma_start3A_95 = tpu.memref_squeeze %dma_start3A_94 : memref<1x10000xf32, #tpu.memory_space<hbm>> -> memref<10000xf32, #tpu.memory_space<hbm>>
      %dma_start3A_96 = arith.constant 0 : i32
      %dma_start3A_97 = tpu.memref_slice %arg5[%add3A_74, %dma_start3A_96] : memref<512x10000xf32, #tpu.memory_space<hbm>> -> memref<1x10000xf32, #tpu.memory_space<hbm>>
      %dma_start3A_98 = tpu.memref_squeeze %dma_start3A_97 : memref<1x10000xf32, #tpu.memory_space<hbm>> -> memref<10000xf32, #tpu.memory_space<hbm>>
      tpu.enqueue_dma source(%arg8 : memref<10000xf32, #tpu.memory_space<vmem>>) target(%dma_start3A_98 : memref<10000xf32, #tpu.memory_space<hbm>>) target_semaphore(%run_scoped3A : memref<!tpu.dma_semaphore, #tpu.memory_space<semaphore_mem>>)
      %dma_wait3A = arith.constant 0 : i32
      %dma_wait3A_99 = tpu.memref_slice %arg5[%add3A_74, %dma_wait3A] : memref<512x10000xf32, #tpu.memory_space<hbm>> -> memref<1x10000xf32, #tpu.memory_space<hbm>>
      %dma_wait3A_100 = tpu.memref_squeeze %dma_wait3A_99 : memref<1x10000xf32, #tpu.memory_space<hbm>> -> memref<10000xf32, #tpu.memory_space<hbm>>
      %dma_wait3A_101 = arith.constant 0 : i32
      %dma_wait3A_102 = tpu.memref_slice %arg5[%add3A_74, %dma_wait3A_101] : memref<512x10000xf32, #tpu.memory_space<hbm>> -> memref<1x10000xf32, #tpu.memory_space<hbm>>
      %dma_wait3A_103 = tpu.memref_squeeze %dma_wait3A_102 : memref<1x10000xf32, #tpu.memory_space<hbm>> -> memref<10000xf32, #tpu.memory_space<hbm>>
      tpu.wait_dma2 semaphore(%run_scoped3A : memref<!tpu.dma_semaphore, #tpu.memory_space<semaphore_mem>>) src(%arg8 : memref<10000xf32, #tpu.memory_space<vmem>>) dst(%dma_wait3A_103 : memref<10000xf32, #tpu.memory_space<hbm>>)
      tpu.yield
    }) : () -> ()
    %add3A_75 = arith.constant 128 : i32
    %add3A_76 = arith.addi %add3A_75, %add3A_50 : i32
    "tpu.region"() ({
      %run_scoped3A = tpu.sem_alloc : memref<!tpu.dma_semaphore, #tpu.memory_space<semaphore_mem>>
      %dma_start3A_93 = arith.constant 0 : i32
      %dma_start3A_94 = tpu.memref_slice %arg5[%add3A_76, %dma_start3A_93] : memref<512x10000xf32, #tpu.memory_space<hbm>> -> memref<1x10000xf32, #tpu.memory_space<hbm>>
      %dma_start3A_95 = tpu.memref_squeeze %dma_start3A_94 : memref<1x10000xf32, #tpu.memory_space<hbm>> -> memref<10000xf32, #tpu.memory_space<hbm>>
      %dma_start3A_96 = arith.constant 0 : i32
      %dma_start3A_97 = tpu.memref_slice %arg5[%add3A_76, %dma_start3A_96] : memref<512x10000xf32, #tpu.memory_space<hbm>> -> memref<1x10000xf32, #tpu.memory_space<hbm>>
      %dma_start3A_98 = tpu.memref_squeeze %dma_start3A_97 : memref<1x10000xf32, #tpu.memory_space<hbm>> -> memref<10000xf32, #tpu.memory_space<hbm>>
      tpu.enqueue_dma source(%arg9 : memref<10000xf32, #tpu.memory_space<vmem>>) target(%dma_start3A_98 : memref<10000xf32, #tpu.memory_space<hbm>>) target_semaphore(%run_scoped3A : memref<!tpu.dma_semaphore, #tpu.memory_space<semaphore_mem>>)
      %dma_wait3A = arith.constant 0 : i32
      %dma_wait3A_99 = tpu.memref_slice %arg5[%add3A_76, %dma_wait3A] : memref<512x10000xf32, #tpu.memory_space<hbm>> -> memref<1x10000xf32, #tpu.memory_space<hbm>>
      %dma_wait3A_100 = tpu.memref_squeeze %dma_wait3A_99 : memref<1x10000xf32, #tpu.memory_space<hbm>> -> memref<10000xf32, #tpu.memory_space<hbm>>
      %dma_wait3A_101 = arith.constant 0 : i32
      %dma_wait3A_102 = tpu.memref_slice %arg5[%add3A_76, %dma_wait3A_101] : memref<512x10000xf32, #tpu.memory_space<hbm>> -> memref<1x10000xf32, #tpu.memory_space<hbm>>
      %dma_wait3A_103 = tpu.memref_squeeze %dma_wait3A_102 : memref<1x10000xf32, #tpu.memory_space<hbm>> -> memref<10000xf32, #tpu.memory_space<hbm>>
      tpu.wait_dma2 semaphore(%run_scoped3A : memref<!tpu.dma_semaphore, #tpu.memory_space<semaphore_mem>>) src(%arg9 : memref<10000xf32, #tpu.memory_space<vmem>>) dst(%dma_wait3A_103 : memref<10000xf32, #tpu.memory_space<hbm>>)
      tpu.yield
    }) : () -> ()
    %add3A_77 = arith.constant 128 : i32
    %add3A_78 = arith.addi %add3A_77, %add3A_50 : i32
    %add3A_79 = arith.constant 1 : i32
    %add3A_80 = arith.addi %add3A_78, %add3A_79 : i32
    "tpu.region"() ({
      %run_scoped3A = tpu.sem_alloc : memref<!tpu.dma_semaphore, #tpu.memory_space<semaphore_mem>>
      %dma_start3A_93 = arith.constant 0 : i32
      %dma_start3A_94 = tpu.memref_slice %arg5[%add3A_80, %dma_start3A_93] : memref<512x10000xf32, #tpu.memory_space<hbm>> -> memref<1x10000xf32, #tpu.memory_space<hbm>>
      %dma_start3A_95 = tpu.memref_squeeze %dma_start3A_94 : memref<1x10000xf32, #tpu.memory_space<hbm>> -> memref<10000xf32, #tpu.memory_space<hbm>>
      %dma_start3A_96 = arith.constant 0 : i32
      %dma_start3A_97 = tpu.memref_slice %arg5[%add3A_80, %dma_start3A_96] : memref<512x10000xf32, #tpu.memory_space<hbm>> -> memref<1x10000xf32, #tpu.memory_space<hbm>>
      %dma_start3A_98 = tpu.memref_squeeze %dma_start3A_97 : memref<1x10000xf32, #tpu.memory_space<hbm>> -> memref<10000xf32, #tpu.memory_space<hbm>>
      tpu.enqueue_dma source(%arg10 : memref<10000xf32, #tpu.memory_space<vmem>>) target(%dma_start3A_98 : memref<10000xf32, #tpu.memory_space<hbm>>) target_semaphore(%run_scoped3A : memref<!tpu.dma_semaphore, #tpu.memory_space<semaphore_mem>>)
      %dma_wait3A = arith.constant 0 : i32
      %dma_wait3A_99 = tpu.memref_slice %arg5[%add3A_80, %dma_wait3A] : memref<512x10000xf32, #tpu.memory_space<hbm>> -> memref<1x10000xf32, #tpu.memory_space<hbm>>
      %dma_wait3A_100 = tpu.memref_squeeze %dma_wait3A_99 : memref<1x10000xf32, #tpu.memory_space<hbm>> -> memref<10000xf32, #tpu.memory_space<hbm>>
      %dma_wait3A_101 = arith.constant 0 : i32
      %dma_wait3A_102 = tpu.memref_slice %arg5[%add3A_80, %dma_wait3A_101] : memref<512x10000xf32, #tpu.memory_space<hbm>> -> memref<1x10000xf32, #tpu.memory_space<hbm>>
      %dma_wait3A_103 = tpu.memref_squeeze %dma_wait3A_102 : memref<1x10000xf32, #tpu.memory_space<hbm>> -> memref<10000xf32, #tpu.memory_space<hbm>>
      tpu.wait_dma2 semaphore(%run_scoped3A : memref<!tpu.dma_semaphore, #tpu.memory_space<semaphore_mem>>) src(%arg10 : memref<10000xf32, #tpu.memory_space<vmem>>) dst(%dma_wait3A_103 : memref<10000xf32, #tpu.memory_space<hbm>>)
      tpu.yield
    }) : () -> ()
    %add3A_81 = arith.constant 256 : i32
    %add3A_82 = arith.addi %add3A_81, %add3A_50 : i32
    "tpu.region"() ({
      %run_scoped3A = tpu.sem_alloc : memref<!tpu.dma_semaphore, #tpu.memory_space<semaphore_mem>>
      %dma_start3A_93 = arith.constant 0 : i32
      %dma_start3A_94 = tpu.memref_slice %arg5[%add3A_82, %dma_start3A_93] : memref<512x10000xf32, #tpu.memory_space<hbm>> -> memref<1x10000xf32, #tpu.memory_space<hbm>>
      %dma_start3A_95 = tpu.memref_squeeze %dma_start3A_94 : memref<1x10000xf32, #tpu.memory_space<hbm>> -> memref<10000xf32, #tpu.memory_space<hbm>>
      %dma_start3A_96 = arith.constant 0 : i32
      %dma_start3A_97 = tpu.memref_slice %arg5[%add3A_82, %dma_start3A_96] : memref<512x10000xf32, #tpu.memory_space<hbm>> -> memref<1x10000xf32, #tpu.memory_space<hbm>>
      %dma_start3A_98 = tpu.memref_squeeze %dma_start3A_97 : memref<1x10000xf32, #tpu.memory_space<hbm>> -> memref<10000xf32, #tpu.memory_space<hbm>>
      tpu.enqueue_dma source(%arg11 : memref<10000xf32, #tpu.memory_space<vmem>>) target(%dma_start3A_98 : memref<10000xf32, #tpu.memory_space<hbm>>) target_semaphore(%run_scoped3A : memref<!tpu.dma_semaphore, #tpu.memory_space<semaphore_mem>>)
      %dma_wait3A = arith.constant 0 : i32
      %dma_wait3A_99 = tpu.memref_slice %arg5[%add3A_82, %dma_wait3A] : memref<512x10000xf32, #tpu.memory_space<hbm>> -> memref<1x10000xf32, #tpu.memory_space<hbm>>
      %dma_wait3A_100 = tpu.memref_squeeze %dma_wait3A_99 : memref<1x10000xf32, #tpu.memory_space<hbm>> -> memref<10000xf32, #tpu.memory_space<hbm>>
      %dma_wait3A_101 = arith.constant 0 : i32
      %dma_wait3A_102 = tpu.memref_slice %arg5[%add3A_82, %dma_wait3A_101] : memref<512x10000xf32, #tpu.memory_space<hbm>> -> memref<1x10000xf32, #tpu.memory_space<hbm>>
      %dma_wait3A_103 = tpu.memref_squeeze %dma_wait3A_102 : memref<1x10000xf32, #tpu.memory_space<hbm>> -> memref<10000xf32, #tpu.memory_space<hbm>>
      tpu.wait_dma2 semaphore(%run_scoped3A : memref<!tpu.dma_semaphore, #tpu.memory_space<semaphore_mem>>) src(%arg11 : memref<10000xf32, #tpu.memory_space<vmem>>) dst(%dma_wait3A_103 : memref<10000xf32, #tpu.memory_space<hbm>>)
      tpu.yield
    }) : () -> ()
    %add3A_83 = arith.constant 256 : i32
    %add3A_84 = arith.addi %add3A_83, %add3A_50 : i32
    %add3A_85 = arith.constant 1 : i32
    %add3A_86 = arith.addi %add3A_84, %add3A_85 : i32
    "tpu.region"() ({
      %run_scoped3A = tpu.sem_alloc : memref<!tpu.dma_semaphore, #tpu.memory_space<semaphore_mem>>
      %dma_start3A_93 = arith.constant 0 : i32
      %dma_start3A_94 = tpu.memref_slice %arg5[%add3A_86, %dma_start3A_93] : memref<512x10000xf32, #tpu.memory_space<hbm>> -> memref<1x10000xf32, #tpu.memory_space<hbm>>
      %dma_start3A_95 = tpu.memref_squeeze %dma_start3A_94 : memref<1x10000xf32, #tpu.memory_space<hbm>> -> memref<10000xf32, #tpu.memory_space<hbm>>
      %dma_start3A_96 = arith.constant 0 : i32
      %dma_start3A_97 = tpu.memref_slice %arg5[%add3A_86, %dma_start3A_96] : memref<512x10000xf32, #tpu.memory_space<hbm>> -> memref<1x10000xf32, #tpu.memory_space<hbm>>
      %dma_start3A_98 = tpu.memref_squeeze %dma_start3A_97 : memref<1x10000xf32, #tpu.memory_space<hbm>> -> memref<10000xf32, #tpu.memory_space<hbm>>
      tpu.enqueue_dma source(%arg12 : memref<10000xf32, #tpu.memory_space<vmem>>) target(%dma_start3A_98 : memref<10000xf32, #tpu.memory_space<hbm>>) target_semaphore(%run_scoped3A : memref<!tpu.dma_semaphore, #tpu.memory_space<semaphore_mem>>)
      %dma_wait3A = arith.constant 0 : i32
      %dma_wait3A_99 = tpu.memref_slice %arg5[%add3A_86, %dma_wait3A] : memref<512x10000xf32, #tpu.memory_space<hbm>> -> memref<1x10000xf32, #tpu.memory_space<hbm>>
      %dma_wait3A_100 = tpu.memref_squeeze %dma_wait3A_99 : memref<1x10000xf32, #tpu.memory_space<hbm>> -> memref<10000xf32, #tpu.memory_space<hbm>>
      %dma_wait3A_101 = arith.constant 0 : i32
      %dma_wait3A_102 = tpu.memref_slice %arg5[%add3A_86, %dma_wait3A_101] : memref<512x10000xf32, #tpu.memory_space<hbm>> -> memref<1x10000xf32, #tpu.memory_space<hbm>>
      %dma_wait3A_103 = tpu.memref_squeeze %dma_wait3A_102 : memref<1x10000xf32, #tpu.memory_space<hbm>> -> memref<10000xf32, #tpu.memory_space<hbm>>
      tpu.wait_dma2 semaphore(%run_scoped3A : memref<!tpu.dma_semaphore, #tpu.memory_space<semaphore_mem>>) src(%arg12 : memref<10000xf32, #tpu.memory_space<vmem>>) dst(%dma_wait3A_103 : memref<10000xf32, #tpu.memory_space<hbm>>)
      tpu.yield
    }) : () -> ()
    %add3A_87 = arith.constant 384 : i32
    %add3A_88 = arith.addi %add3A_87, %add3A_50 : i32
    "tpu.region"() ({
      %run_scoped3A = tpu.sem_alloc : memref<!tpu.dma_semaphore, #tpu.memory_space<semaphore_mem>>
      %dma_start3A_93 = arith.constant 0 : i32
      %dma_start3A_94 = tpu.memref_slice %arg5[%add3A_88, %dma_start3A_93] : memref<512x10000xf32, #tpu.memory_space<hbm>> -> memref<1x10000xf32, #tpu.memory_space<hbm>>
      %dma_start3A_95 = tpu.memref_squeeze %dma_start3A_94 : memref<1x10000xf32, #tpu.memory_space<hbm>> -> memref<10000xf32, #tpu.memory_space<hbm>>
      %dma_start3A_96 = arith.constant 0 : i32
      %dma_start3A_97 = tpu.memref_slice %arg5[%add3A_88, %dma_start3A_96] : memref<512x10000xf32, #tpu.memory_space<hbm>> -> memref<1x10000xf32, #tpu.memory_space<hbm>>
      %dma_start3A_98 = tpu.memref_squeeze %dma_start3A_97 : memref<1x10000xf32, #tpu.memory_space<hbm>> -> memref<10000xf32, #tpu.memory_space<hbm>>
      tpu.enqueue_dma source(%arg13 : memref<10000xf32, #tpu.memory_space<vmem>>) target(%dma_start3A_98 : memref<10000xf32, #tpu.memory_space<hbm>>) target_semaphore(%run_scoped3A : memref<!tpu.dma_semaphore, #tpu.memory_space<semaphore_mem>>)
      %dma_wait3A = arith.constant 0 : i32
      %dma_wait3A_99 = tpu.memref_slice %arg5[%add3A_88, %dma_wait3A] : memref<512x10000xf32, #tpu.memory_space<hbm>> -> memref<1x10000xf32, #tpu.memory_space<hbm>>
      %dma_wait3A_100 = tpu.memref_squeeze %dma_wait3A_99 : memref<1x10000xf32, #tpu.memory_space<hbm>> -> memref<10000xf32, #tpu.memory_space<hbm>>
      %dma_wait3A_101 = arith.constant 0 : i32
      %dma_wait3A_102 = tpu.memref_slice %arg5[%add3A_88, %dma_wait3A_101] : memref<512x10000xf32, #tpu.memory_space<hbm>> -> memref<1x10000xf32, #tpu.memory_space<hbm>>
      %dma_wait3A_103 = tpu.memref_squeeze %dma_wait3A_102 : memref<1x10000xf32, #tpu.memory_space<hbm>> -> memref<10000xf32, #tpu.memory_space<hbm>>
      tpu.wait_dma2 semaphore(%run_scoped3A : memref<!tpu.dma_semaphore, #tpu.memory_space<semaphore_mem>>) src(%arg13 : memref<10000xf32, #tpu.memory_space<vmem>>) dst(%dma_wait3A_103 : memref<10000xf32, #tpu.memory_space<hbm>>)
      tpu.yield
    }) : () -> ()
    %add3A_89 = arith.constant 384 : i32
    %add3A_90 = arith.addi %add3A_89, %add3A_50 : i32
    %add3A_91 = arith.constant 1 : i32
    %add3A_92 = arith.addi %add3A_90, %add3A_91 : i32
    "tpu.region"() ({
      %run_scoped3A = tpu.sem_alloc : memref<!tpu.dma_semaphore, #tpu.memory_space<semaphore_mem>>
      %dma_start3A_93 = arith.constant 0 : i32
      %dma_start3A_94 = tpu.memref_slice %arg5[%add3A_92, %dma_start3A_93] : memref<512x10000xf32, #tpu.memory_space<hbm>> -> memref<1x10000xf32, #tpu.memory_space<hbm>>
      %dma_start3A_95 = tpu.memref_squeeze %dma_start3A_94 : memref<1x10000xf32, #tpu.memory_space<hbm>> -> memref<10000xf32, #tpu.memory_space<hbm>>
      %dma_start3A_96 = arith.constant 0 : i32
      %dma_start3A_97 = tpu.memref_slice %arg5[%add3A_92, %dma_start3A_96] : memref<512x10000xf32, #tpu.memory_space<hbm>> -> memref<1x10000xf32, #tpu.memory_space<hbm>>
      %dma_start3A_98 = tpu.memref_squeeze %dma_start3A_97 : memref<1x10000xf32, #tpu.memory_space<hbm>> -> memref<10000xf32, #tpu.memory_space<hbm>>
      tpu.enqueue_dma source(%arg14 : memref<10000xf32, #tpu.memory_space<vmem>>) target(%dma_start3A_98 : memref<10000xf32, #tpu.memory_space<hbm>>) target_semaphore(%run_scoped3A : memref<!tpu.dma_semaphore, #tpu.memory_space<semaphore_mem>>)
      %dma_wait3A = arith.constant 0 : i32
      %dma_wait3A_99 = tpu.memref_slice %arg5[%add3A_92, %dma_wait3A] : memref<512x10000xf32, #tpu.memory_space<hbm>> -> memref<1x10000xf32, #tpu.memory_space<hbm>>
      %dma_wait3A_100 = tpu.memref_squeeze %dma_wait3A_99 : memref<1x10000xf32, #tpu.memory_space<hbm>> -> memref<10000xf32, #tpu.memory_space<hbm>>
      %dma_wait3A_101 = arith.constant 0 : i32
      %dma_wait3A_102 = tpu.memref_slice %arg5[%add3A_92, %dma_wait3A_101] : memref<512x10000xf32, #tpu.memory_space<hbm>> -> memref<1x10000xf32, #tpu.memory_space<hbm>>
      %dma_wait3A_103 = tpu.memref_squeeze %dma_wait3A_102 : memref<1x10000xf32, #tpu.memory_space<hbm>> -> memref<10000xf32, #tpu.memory_space<hbm>>
      tpu.wait_dma2 semaphore(%run_scoped3A : memref<!tpu.dma_semaphore, #tpu.memory_space<semaphore_mem>>) src(%arg14 : memref<10000xf32, #tpu.memory_space<vmem>>) dst(%dma_wait3A_103 : memref<10000xf32, #tpu.memory_space<hbm>>)
      tpu.yield
    }) : () -> ()
    return
  }
}

module attributes {stable_mosaic.version = 14 : i64} {
  func.func @_phase1_body(%arg0: i32, %arg1: memref<2000x128xf32, #tpu.memory_space<vmem>>, %arg2: memref<128x128xf32, #tpu.memory_space<vmem>>, %arg3: memref<128xf32, #tpu.memory_space<vmem>>, %arg4: memref<128x128xf32, #tpu.memory_space<vmem>>, %arg5: memref<2000x128xf32, #tpu.memory_space<vmem>>, %arg6: memref<2000x128xf32, #tpu.memory_space<vmem>>) attributes {dimension_semantics = [#tpu.dimension_semantics<arbitrary>], iteration_bounds = array<i64: 5>, scalar_prefetch = 0 : i64, scratch_operands = 0 : i64, tpu.core_type = #tpu.core_type<tc>, window_params = [{transform_indices = @transform_0, window_bounds = array<i64: 2000, 128>}, {pipeline_mode = #tpu.pipeline_mode<synchronous>, transform_indices = @transform_1, window_bounds = array<i64: 128, 128>}, {pipeline_mode = #tpu.pipeline_mode<synchronous>, transform_indices = @transform_2, window_bounds = array<i64: 128>}, {pipeline_mode = #tpu.pipeline_mode<synchronous>, transform_indices = @transform_3, window_bounds = array<i64: 128, 128>}, {transform_indices = @transform_4, window_bounds = array<i64: 2000, 128>}, {transform_indices = @transform_5, window_bounds = array<i64: 2000, 128>}]} {
    %get3A = arith.constant 0 : index
    %get3A_0 = arith.constant 0 : index
    %get3A_1 = vector.load %arg1[%get3A, %get3A_0] : memref<2000x128xf32, #tpu.memory_space<vmem>>, vector<2000x128xf32>
    %get3A_2 = arith.constant 0 : index
    %get3A_3 = arith.constant 0 : index
    %get3A_4 = vector.load %arg2[%get3A_2, %get3A_3] : memref<128x128xf32, #tpu.memory_space<vmem>>, vector<128x128xf32>
    %dot_general3A = arith.constant dense<0.000000e+00> : vector<2000x128xf32>
    %dot_general3A_5 = tpu.matmul %get3A_1, %get3A_4, %dot_general3A {dimension_numbers = #tpu.dot_dimension_numbers<[1], [0], [0], [1], [0, 0, 1, 1], [], []>, transpose_lhs_hint = false} : vector<2000x128xf32>, vector<128x128xf32>, vector<2000x128xf32> -> vector<2000x128xf32>
    %get3A_6 = arith.constant 0 : index
    %get3A_7 = vector.load %arg3[%get3A_6] : memref<128xf32, #tpu.memory_space<vmem>>, vector<128xf32>
    %broadcast_in_dim3A = vector.shape_cast %get3A_7 : vector<128xf32> to vector<1x128xf32>
    %add3A = vector.broadcast %broadcast_in_dim3A : vector<1x128xf32> to vector<2000x128xf32>
    %add3A_8 = arith.addf %dot_general3A_5, %add3A : vector<2000x128xf32>
    %swap3A = arith.constant 0 : index
    %swap3A_9 = arith.constant 0 : index
    %swap3A_10 = vector.load %arg5[%swap3A, %swap3A_9] : memref<2000x128xf32, #tpu.memory_space<vmem>>, vector<2000x128xf32>
    tpu.vector_store %arg5[%swap3A, %swap3A_9], %add3A_8 {strides = array<i32>} : memref<2000x128xf32, #tpu.memory_space<vmem>>, vector<2000x128xf32>,
    %get3A_11 = arith.constant 0 : index
    %get3A_12 = arith.constant 0 : index
    %get3A_13 = vector.load %arg4[%get3A_11, %get3A_12] : memref<128x128xf32, #tpu.memory_space<vmem>>, vector<128x128xf32>
    %dot_general3A_14 = arith.constant dense<0.000000e+00> : vector<2000x128xf32>
    %dot_general3A_15 = tpu.matmul %get3A_1, %get3A_13, %dot_general3A_14 {dimension_numbers = #tpu.dot_dimension_numbers<[1], [0], [0], [1], [0, 0, 1, 1], [], []>, transpose_lhs_hint = false} : vector<2000x128xf32>, vector<128x128xf32>, vector<2000x128xf32> -> vector<2000x128xf32>
    %swap3A_16 = arith.constant 0 : index
    %swap3A_17 = arith.constant 0 : index
    %swap3A_18 = vector.load %arg6[%swap3A_16, %swap3A_17] : memref<2000x128xf32, #tpu.memory_space<vmem>>, vector<2000x128xf32>
    tpu.vector_store %arg6[%swap3A_16, %swap3A_17], %dot_general3A_15 {strides = array<i32>} : memref<2000x128xf32, #tpu.memory_space<vmem>>, vector<2000x128xf32>,
    return
  }
  func.func @transform_0(%arg0: i32) -> (i32, i32) {
    %c0_i32 = arith.constant 0 : i32
    %c0_i32_0 = arith.constant 0 : i32
    return %arg0, %c0_i32 : i32, i32
  }
  func.func @transform_1(%arg0: i32) -> (i32, i32) {
    %c0_i32 = arith.constant 0 : i32
    %c0_i32_0 = arith.constant 0 : i32
    %c0_i32_1 = arith.constant 0 : i32
    return %c0_i32, %c0_i32_0 : i32, i32
  }
  func.func @transform_2(%arg0: i32) -> i32 {
    %c0_i32 = arith.constant 0 : i32
    %c0_i32_0 = arith.constant 0 : i32
    return %c0_i32 : i32
  }
  func.func @transform_3(%arg0: i32) -> (i32, i32) {
    %c0_i32 = arith.constant 0 : i32
    %c0_i32_0 = arith.constant 0 : i32
    %c0_i32_1 = arith.constant 0 : i32
    return %c0_i32, %c0_i32_0 : i32, i32
  }
  func.func @transform_4(%arg0: i32) -> (i32, i32) {
    %c0_i32 = arith.constant 0 : i32
    %c0_i32_0 = arith.constant 0 : i32
    return %arg0, %c0_i32 : i32, i32
  }
  func.func @transform_5(%arg0: i32) -> (i32, i32) {
    %c0_i32 = arith.constant 0 : i32
    %c0_i32_0 = arith.constant 0 : i32
    return %arg0, %c0_i32 : i32, i32
  }
}

module attributes {stable_mosaic.version = 14 : i64} {
  func.func @_tower_body(%arg0: i32, %arg1: memref<2000x128xf32, #tpu.memory_space<vmem>>, %arg2: memref<2000x128xf32, #tpu.memory_space<vmem>>, %arg3: memref<2000x128xf32, #tpu.memory_space<vmem>>, %arg4: memref<2000x128xf32, #tpu.memory_space<vmem>>, %arg5: memref<2000x128xf32, #tpu.memory_space<vmem>>, %arg6: memref<2000x128xf32, #tpu.memory_space<vmem>>, %arg7: memref<2000x1xf32, #tpu.memory_space<vmem>>, %arg8: memref<2000x1xf32, #tpu.memory_space<vmem>>, %arg9: memref<4x32x32xf32, #tpu.memory_space<vmem>>, %arg10: memref<4x128x32xf32, #tpu.memory_space<vmem>>, %arg11: memref<4x128x32xf32, #tpu.memory_space<vmem>>, %arg12: memref<4x128x32xf32, #tpu.memory_space<vmem>>, %arg13: memref<1x128xf32, #tpu.memory_space<vmem>>, %arg14: memref<2000x128xf32, #tpu.memory_space<vmem>>, %arg15: memref<8x128xf32, #tpu.memory_space<vmem>>) attributes {dimension_semantics = [#tpu.dimension_semantics<arbitrary>], iteration_bounds = array<i64: 5>, scalar_prefetch = 0 : i64, scratch_operands = 0 : i64, tpu.core_type = #tpu.core_type<tc>, window_params = [{transform_indices = @transform_0, window_bounds = array<i64: 2000, 128>}, {transform_indices = @transform_1, window_bounds = array<i64: 2000, 128>}, {transform_indices = @transform_2, window_bounds = array<i64: 2000, 128>}, {transform_indices = @transform_3, window_bounds = array<i64: 2000, 128>}, {transform_indices = @transform_4, window_bounds = array<i64: 2000, 128>}, {transform_indices = @transform_5, window_bounds = array<i64: 2000, 128>}, {transform_indices = @transform_6, window_bounds = array<i64: 2000, 1>}, {transform_indices = @transform_7, window_bounds = array<i64: 2000, 1>}, {pipeline_mode = #tpu.pipeline_mode<synchronous>, transform_indices = @transform_8, window_bounds = array<i64: 4, 32, 32>}, {pipeline_mode = #tpu.pipeline_mode<synchronous>, transform_indices = @transform_9, window_bounds = array<i64: 4, 128, 32>}, {pipeline_mode = #tpu.pipeline_mode<synchronous>, transform_indices = @transform_10, window_bounds = array<i64: 4, 128, 32>}, {pipeline_mode = #tpu.pipeline_mode<synchronous>, transform_indices = @transform_11, window_bounds = array<i64: 4, 128, 32>}, {pipeline_mode = #tpu.pipeline_mode<synchronous>, transform_indices = @transform_12, window_bounds = array<i64: 1, 128>}, {transform_indices = @transform_13, window_bounds = array<i64: 2000, 128>}, {pipeline_mode = #tpu.pipeline_mode<synchronous>, transform_indices = @transform_14, window_bounds = array<i64: 8, 128>}]} {
    %get3A = arith.constant 0 : index
    %get3A_0 = arith.constant 0 : index
    %get3A_1 = vector.load %arg7[%get3A, %get3A_0] : memref<2000x1xf32, #tpu.memory_space<vmem>>, vector<2000x1xf32>
    %max3A = arith.constant 1.000000e+00 : f32
    %max3A_2 = vector.broadcast %max3A : f32 to vector<2000x1xf32>
    %max3A_3 = arith.maximumf %get3A_1, %max3A_2 : vector<2000x1xf32>
    %gt3A = arith.constant 0.000000e+00 : f32
    %gt3A_4 = vector.broadcast %gt3A : f32 to vector<2000x1xf32>
    %gt3A_5 = arith.cmpf ogt, %get3A_1, %gt3A_4 : vector<2000x1xf32>
    %add3A = arith.constant 1.000000e+00 : f32
    %add3A_6 = vector.broadcast %add3A : f32 to vector<2000x1xf32>
    %add3A_7 = arith.addf %max3A_3, %add3A_6 : vector<2000x1xf32>
    %log3A = math.log %add3A_7 : vector<2000x1xf32>
    %mul3A = arith.constant 0.285999656 : f32
    %mul3A_8 = vector.broadcast %mul3A : f32 to vector<2000x1xf32>
    %mul3A_9 = arith.mulf %log3A, %mul3A_8 : vector<2000x1xf32>
    %div3A = arith.constant 3.49650764 : f32
    %div3A_10 = vector.broadcast %div3A : f32 to vector<2000x1xf32>
    %div3A_11 = arith.divf %div3A_10, %log3A : vector<2000x1xf32>
    %get3A_12 = arith.constant 0 : index
    %get3A_13 = arith.constant 0 : index
    %get3A_14 = vector.load %arg8[%get3A_12, %get3A_13] : memref<2000x1xf32, #tpu.memory_space<vmem>>, vector<2000x1xf32>
    %eq3A = arith.constant 0 : i32
    %eq3A_15 = arith.cmpi eq, %arg0, %eq3A : i32
    %convert_element_type3A = arith.extui %eq3A_15 : i1 to i32
    %cond3A = arith.constant 0 : i32
    %cond3A_16 = arith.cmpi ne, %convert_element_type3A, %cond3A : i32
    scf.if %cond3A_16 {
      %broadcast_in_dim3A_425 = arith.constant 0.000000e+00 : f32
      %broadcast_in_dim3A_426 = vector.broadcast %broadcast_in_dim3A_425 : f32 to vector<8x128xf32>
      %swap3A_427 = arith.constant 0 : index
      %swap3A_428 = arith.constant 0 : index
      %swap3A_429 = vector.load %arg15[%swap3A_427, %swap3A_428] : memref<8x128xf32, #tpu.memory_space<vmem>>, vector<8x128xf32>
      tpu.vector_store %arg15[%swap3A_427, %swap3A_428], %broadcast_in_dim3A_426 {strides = array<i32>} : memref<8x128xf32, #tpu.memory_space<vmem>>, vector<8x128xf32>,
    } else {
    }
    %get3A_17 = arith.constant 0 : index
    %get3A_18 = arith.constant 0 : index
    %get3A_19 = vector.load %arg2[%get3A_17, %get3A_18] : memref<2000x128xf32, #tpu.memory_space<vmem>>, vector<2000x32xf32>
    %get3A_20 = arith.constant 0 : index
    %get3A_21 = arith.constant 0 : index
    %get3A_22 = vector.load %arg3[%get3A_20, %get3A_21] : memref<2000x128xf32, #tpu.memory_space<vmem>>, vector<2000x32xf32>
    %get3A_23 = arith.constant 0 : index
    %get3A_24 = arith.constant 0 : index
    %get3A_25 = vector.load %arg4[%get3A_23, %get3A_24] : memref<2000x128xf32, #tpu.memory_space<vmem>>, vector<2000x32xf32>
    %mul3A_26 = vector.broadcast %get3A_1 : vector<2000x1xf32> to vector<2000x32xf32>
    %mul3A_27 = arith.mulf %mul3A_26, %get3A_19 : vector<2000x32xf32>
    %add3A_28 = arith.addf %get3A_22, %mul3A_27 : vector<2000x32xf32>
    %div3A_29 = vector.broadcast %max3A_3 : vector<2000x1xf32> to vector<2000x32xf32>
    %div3A_30 = arith.divf %add3A_28, %div3A_29 : vector<2000x32xf32>
    %mul3A_31 = arith.constant 2.000000e+00 : f32
    %mul3A_32 = vector.broadcast %mul3A_31 : f32 to vector<2000x32xf32>
    %mul3A_33 = arith.mulf %mul3A_32, %get3A_19 : vector<2000x32xf32>
    %mul3A_34 = arith.mulf %mul3A_33, %get3A_22 : vector<2000x32xf32>
    %add3A_35 = arith.addf %get3A_25, %mul3A_34 : vector<2000x32xf32>
    %mul3A_36 = vector.broadcast %get3A_1 : vector<2000x1xf32> to vector<2000x32xf32>
    %mul3A_37 = arith.mulf %mul3A_36, %get3A_19 : vector<2000x32xf32>
    %mul3A_38 = arith.mulf %mul3A_37, %get3A_19 : vector<2000x32xf32>
    %add3A_39 = arith.addf %add3A_35, %mul3A_38 : vector<2000x32xf32>
    %div3A_40 = vector.broadcast %max3A_3 : vector<2000x1xf32> to vector<2000x32xf32>
    %div3A_41 = arith.divf %add3A_39, %div3A_40 : vector<2000x32xf32>
    %mul3A_42 = arith.mulf %div3A_30, %div3A_30 : vector<2000x32xf32>
    %sub3A = arith.subf %div3A_41, %mul3A_42 : vector<2000x32xf32>
    %max3A_43 = arith.constant 0.000000e+00 : f32
    %max3A_44 = vector.broadcast %max3A_43 : f32 to vector<2000x32xf32>
    %max3A_45 = arith.maximumf %sub3A, %max3A_44 : vector<2000x32xf32>
    %add3A_46 = arith.constant 9.99999974E-6 : f32
    %add3A_47 = vector.broadcast %add3A_46 : f32 to vector<2000x32xf32>
    %add3A_48 = arith.addf %max3A_45, %add3A_47 : vector<2000x32xf32>
    %sqrt3A = math.sqrt %add3A_48 : vector<2000x32xf32>
    %get3A_49 = arith.constant 0 : index
    %get3A_50 = arith.constant 0 : index
    %get3A_51 = vector.load %arg5[%get3A_49, %get3A_50] : memref<2000x128xf32, #tpu.memory_space<vmem>>, vector<2000x32xf32>
    %add3A_52 = arith.addf %get3A_51, %get3A_19 : vector<2000x32xf32>
    %jit3A = arith.constant 0.000000e+00 : f32
    %broadcast_in_dim3A = vector.shape_cast %gt3A_5 : vector<2000x1xi1> to vector<2000x1xi1>
    %broadcast_in_dim3A_53 = vector.broadcast %broadcast_in_dim3A : vector<2000x1xi1> to vector<2000x32xi1>
    %broadcast_in_dim3A_54 = vector.broadcast %jit3A : f32 to vector<2000x32xf32>
    %select_n3A = arith.select %broadcast_in_dim3A_53, %add3A_52, %broadcast_in_dim3A_54 : vector<2000x32xi1>, vector<2000x32xf32>
    %get3A_55 = arith.constant 0 : index
    %get3A_56 = arith.constant 0 : index
    %get3A_57 = vector.load %arg6[%get3A_55, %get3A_56] : memref<2000x128xf32, #tpu.memory_space<vmem>>, vector<2000x32xf32>
    %add3A_58 = arith.addf %get3A_57, %get3A_19 : vector<2000x32xf32>
    %jit3A_59 = arith.constant 0.000000e+00 : f32
    %broadcast_in_dim3A_60 = vector.shape_cast %gt3A_5 : vector<2000x1xi1> to vector<2000x1xi1>
    %broadcast_in_dim3A_61 = vector.broadcast %broadcast_in_dim3A_60 : vector<2000x1xi1> to vector<2000x32xi1>
    %broadcast_in_dim3A_62 = vector.broadcast %jit3A_59 : f32 to vector<2000x32xf32>
    %select_n3A_63 = arith.select %broadcast_in_dim3A_61, %add3A_58, %broadcast_in_dim3A_62 : vector<2000x32xi1>, vector<2000x32xf32>
    %concatenate3A = tpu.concatenate %div3A_30, %select_n3A, %select_n3A_63, %sqrt3A in 1 : vector<2000x32xf32>, vector<2000x32xf32>, vector<2000x32xf32>, vector<2000x32xf32> -> vector<2000x128xf32>
    %get3A_64 = arith.constant 0 : index
    %get3A_65 = arith.constant 0 : index
    %get3A_66 = vector.load %arg1[%get3A_64, %get3A_65] : memref<2000x128xf32, #tpu.memory_space<vmem>>, vector<2000x32xf32>
    %get3A_67 = arith.constant 0 : index
    %get3A_68 = arith.constant 0 : index
    %get3A_69 = arith.constant 0 : index
    %get3A_70 = vector.load %arg9[%get3A_67, %get3A_68, %get3A_69] : memref<4x32x32xf32, #tpu.memory_space<vmem>>, vector<1x32x32xf32>
    %get3A_71 = vector.shape_cast %get3A_70 : vector<1x32x32xf32> to vector<32x32xf32>
    %dot_general3A = arith.constant dense<0.000000e+00> : vector<2000x32xf32>
    %dot_general3A_72 = tpu.matmul %get3A_66, %get3A_71, %dot_general3A {dimension_numbers = #tpu.dot_dimension_numbers<[1], [0], [0], [1], [0, 0, 1, 1], [], []>, transpose_lhs_hint = false} : vector<2000x32xf32>, vector<32x32xf32>, vector<2000x32xf32> -> vector<2000x32xf32>
    %get3A_73 = arith.constant 0 : index
    %get3A_74 = arith.constant 0 : index
    %get3A_75 = arith.constant 0 : index
    %get3A_76 = vector.load %arg10[%get3A_73, %get3A_74, %get3A_75] : memref<4x128x32xf32, #tpu.memory_space<vmem>>, vector<1x128x32xf32>
    %get3A_77 = vector.shape_cast %get3A_76 : vector<1x128x32xf32> to vector<128x32xf32>
    %dot_general3A_78 = arith.constant dense<0.000000e+00> : vector<2000x32xf32>
    %dot_general3A_79 = tpu.matmul %concatenate3A, %get3A_77, %dot_general3A_78 {dimension_numbers = #tpu.dot_dimension_numbers<[1], [0], [0], [1], [0, 0, 1, 1], [], []>, transpose_lhs_hint = false} : vector<2000x128xf32>, vector<128x32xf32>, vector<2000x32xf32> -> vector<2000x32xf32>
    %add3A_80 = arith.addf %dot_general3A_72, %dot_general3A_79 : vector<2000x32xf32>
    %mul3A_81 = vector.broadcast %mul3A_9 : vector<2000x1xf32> to vector<2000x128xf32>
    %mul3A_82 = arith.mulf %concatenate3A, %mul3A_81 : vector<2000x128xf32>
    %get3A_83 = arith.constant 0 : index
    %get3A_84 = arith.constant 0 : index
    %get3A_85 = arith.constant 0 : index
    %get3A_86 = vector.load %arg11[%get3A_83, %get3A_84, %get3A_85] : memref<4x128x32xf32, #tpu.memory_space<vmem>>, vector<1x128x32xf32>
    %get3A_87 = vector.shape_cast %get3A_86 : vector<1x128x32xf32> to vector<128x32xf32>
    %dot_general3A_88 = arith.constant dense<0.000000e+00> : vector<2000x32xf32>
    %dot_general3A_89 = tpu.matmul %mul3A_82, %get3A_87, %dot_general3A_88 {dimension_numbers = #tpu.dot_dimension_numbers<[1], [0], [0], [1], [0, 0, 1, 1], [], []>, transpose_lhs_hint = false} : vector<2000x128xf32>, vector<128x32xf32>, vector<2000x32xf32> -> vector<2000x32xf32>
    %add3A_90 = arith.addf %add3A_80, %dot_general3A_89 : vector<2000x32xf32>
    %mul3A_91 = vector.broadcast %div3A_11 : vector<2000x1xf32> to vector<2000x128xf32>
    %mul3A_92 = arith.mulf %concatenate3A, %mul3A_91 : vector<2000x128xf32>
    %get3A_93 = arith.constant 0 : index
    %get3A_94 = arith.constant 0 : index
    %get3A_95 = arith.constant 0 : index
    %get3A_96 = vector.load %arg12[%get3A_93, %get3A_94, %get3A_95] : memref<4x128x32xf32, #tpu.memory_space<vmem>>, vector<1x128x32xf32>
    %get3A_97 = vector.shape_cast %get3A_96 : vector<1x128x32xf32> to vector<128x32xf32>
    %dot_general3A_98 = arith.constant dense<0.000000e+00> : vector<2000x32xf32>
    %dot_general3A_99 = tpu.matmul %mul3A_92, %get3A_97, %dot_general3A_98 {dimension_numbers = #tpu.dot_dimension_numbers<[1], [0], [0], [1], [0, 0, 1, 1], [], []>, transpose_lhs_hint = false} : vector<2000x128xf32>, vector<128x32xf32>, vector<2000x32xf32> -> vector<2000x32xf32>
    %add3A_100 = arith.addf %add3A_90, %dot_general3A_99 : vector<2000x32xf32>
    %get3A_101 = arith.constant 0 : index
    %get3A_102 = arith.constant 0 : index
    %get3A_103 = vector.load %arg13[%get3A_101, %get3A_102] : memref<1x128xf32, #tpu.memory_space<vmem>>, vector<1x32xf32>
    %add3A_104 = vector.broadcast %get3A_103 : vector<1x32xf32> to vector<2000x32xf32>
    %add3A_105 = arith.addf %add3A_100, %add3A_104 : vector<2000x32xf32>
    %mul3A_106 = vector.broadcast %get3A_14 : vector<2000x1xf32> to vector<2000x32xf32>
    %mul3A_107 = arith.mulf %add3A_105, %mul3A_106 : vector<2000x32xf32>
    %get3A_108 = arith.constant 0 : index
    %get3A_109 = arith.constant 32 : index
    %get3A_110 = vector.load %arg2[%get3A_108, %get3A_109] : memref<2000x128xf32, #tpu.memory_space<vmem>>, vector<2000x32xf32>
    %get3A_111 = arith.constant 0 : index
    %get3A_112 = arith.constant 32 : index
    %get3A_113 = vector.load %arg3[%get3A_111, %get3A_112] : memref<2000x128xf32, #tpu.memory_space<vmem>>, vector<2000x32xf32>
    %get3A_114 = arith.constant 0 : index
    %get3A_115 = arith.constant 32 : index
    %get3A_116 = vector.load %arg4[%get3A_114, %get3A_115] : memref<2000x128xf32, #tpu.memory_space<vmem>>, vector<2000x32xf32>
    %mul3A_117 = vector.broadcast %get3A_1 : vector<2000x1xf32> to vector<2000x32xf32>
    %mul3A_118 = arith.mulf %mul3A_117, %get3A_110 : vector<2000x32xf32>
    %add3A_119 = arith.addf %get3A_113, %mul3A_118 : vector<2000x32xf32>
    %div3A_120 = vector.broadcast %max3A_3 : vector<2000x1xf32> to vector<2000x32xf32>
    %div3A_121 = arith.divf %add3A_119, %div3A_120 : vector<2000x32xf32>
    %mul3A_122 = arith.constant 2.000000e+00 : f32
    %mul3A_123 = vector.broadcast %mul3A_122 : f32 to vector<2000x32xf32>
    %mul3A_124 = arith.mulf %mul3A_123, %get3A_110 : vector<2000x32xf32>
    %mul3A_125 = arith.mulf %mul3A_124, %get3A_113 : vector<2000x32xf32>
    %add3A_126 = arith.addf %get3A_116, %mul3A_125 : vector<2000x32xf32>
    %mul3A_127 = vector.broadcast %get3A_1 : vector<2000x1xf32> to vector<2000x32xf32>
    %mul3A_128 = arith.mulf %mul3A_127, %get3A_110 : vector<2000x32xf32>
    %mul3A_129 = arith.mulf %mul3A_128, %get3A_110 : vector<2000x32xf32>
    %add3A_130 = arith.addf %add3A_126, %mul3A_129 : vector<2000x32xf32>
    %div3A_131 = vector.broadcast %max3A_3 : vector<2000x1xf32> to vector<2000x32xf32>
    %div3A_132 = arith.divf %add3A_130, %div3A_131 : vector<2000x32xf32>
    %mul3A_133 = arith.mulf %div3A_121, %div3A_121 : vector<2000x32xf32>
    %sub3A_134 = arith.subf %div3A_132, %mul3A_133 : vector<2000x32xf32>
    %max3A_135 = arith.constant 0.000000e+00 : f32
    %max3A_136 = vector.broadcast %max3A_135 : f32 to vector<2000x32xf32>
    %max3A_137 = arith.maximumf %sub3A_134, %max3A_136 : vector<2000x32xf32>
    %add3A_138 = arith.constant 9.99999974E-6 : f32
    %add3A_139 = vector.broadcast %add3A_138 : f32 to vector<2000x32xf32>
    %add3A_140 = arith.addf %max3A_137, %add3A_139 : vector<2000x32xf32>
    %sqrt3A_141 = math.sqrt %add3A_140 : vector<2000x32xf32>
    %get3A_142 = arith.constant 0 : index
    %get3A_143 = arith.constant 32 : index
    %get3A_144 = vector.load %arg5[%get3A_142, %get3A_143] : memref<2000x128xf32, #tpu.memory_space<vmem>>, vector<2000x32xf32>
    %add3A_145 = arith.addf %get3A_144, %get3A_110 : vector<2000x32xf32>
    %jit3A_146 = arith.constant 0.000000e+00 : f32
    %broadcast_in_dim3A_147 = vector.shape_cast %gt3A_5 : vector<2000x1xi1> to vector<2000x1xi1>
    %broadcast_in_dim3A_148 = vector.broadcast %broadcast_in_dim3A_147 : vector<2000x1xi1> to vector<2000x32xi1>
    %broadcast_in_dim3A_149 = vector.broadcast %jit3A_146 : f32 to vector<2000x32xf32>
    %select_n3A_150 = arith.select %broadcast_in_dim3A_148, %add3A_145, %broadcast_in_dim3A_149 : vector<2000x32xi1>, vector<2000x32xf32>
    %get3A_151 = arith.constant 0 : index
    %get3A_152 = arith.constant 32 : index
    %get3A_153 = vector.load %arg6[%get3A_151, %get3A_152] : memref<2000x128xf32, #tpu.memory_space<vmem>>, vector<2000x32xf32>
    %add3A_154 = arith.addf %get3A_153, %get3A_110 : vector<2000x32xf32>
    %jit3A_155 = arith.constant 0.000000e+00 : f32
    %broadcast_in_dim3A_156 = vector.shape_cast %gt3A_5 : vector<2000x1xi1> to vector<2000x1xi1>
    %broadcast_in_dim3A_157 = vector.broadcast %broadcast_in_dim3A_156 : vector<2000x1xi1> to vector<2000x32xi1>
    %broadcast_in_dim3A_158 = vector.broadcast %jit3A_155 : f32 to vector<2000x32xf32>
    %select_n3A_159 = arith.select %broadcast_in_dim3A_157, %add3A_154, %broadcast_in_dim3A_158 : vector<2000x32xi1>, vector<2000x32xf32>
    %concatenate3A_160 = tpu.concatenate %div3A_121, %select_n3A_150, %select_n3A_159, %sqrt3A_141 in 1 : vector<2000x32xf32>, vector<2000x32xf32>, vector<2000x32xf32>, vector<2000x32xf32> -> vector<2000x128xf32>
    %get3A_161 = arith.constant 0 : index
    %get3A_162 = arith.constant 32 : index
    %get3A_163 = vector.load %arg1[%get3A_161, %get3A_162] : memref<2000x128xf32, #tpu.memory_space<vmem>>, vector<2000x32xf32>
    %get3A_164 = arith.constant 1 : index
    %get3A_165 = arith.constant 0 : index
    %get3A_166 = arith.constant 0 : index
    %get3A_167 = vector.load %arg9[%get3A_164, %get3A_165, %get3A_166] : memref<4x32x32xf32, #tpu.memory_space<vmem>>, vector<1x32x32xf32>
    %get3A_168 = vector.shape_cast %get3A_167 : vector<1x32x32xf32> to vector<32x32xf32>
    %dot_general3A_169 = arith.constant dense<0.000000e+00> : vector<2000x32xf32>
    %dot_general3A_170 = tpu.matmul %get3A_163, %get3A_168, %dot_general3A_169 {dimension_numbers = #tpu.dot_dimension_numbers<[1], [0], [0], [1], [0, 0, 1, 1], [], []>, transpose_lhs_hint = false} : vector<2000x32xf32>, vector<32x32xf32>, vector<2000x32xf32> -> vector<2000x32xf32>
    %get3A_171 = arith.constant 1 : index
    %get3A_172 = arith.constant 0 : index
    %get3A_173 = arith.constant 0 : index
    %get3A_174 = vector.load %arg10[%get3A_171, %get3A_172, %get3A_173] : memref<4x128x32xf32, #tpu.memory_space<vmem>>, vector<1x128x32xf32>
    %get3A_175 = vector.shape_cast %get3A_174 : vector<1x128x32xf32> to vector<128x32xf32>
    %dot_general3A_176 = arith.constant dense<0.000000e+00> : vector<2000x32xf32>
    %dot_general3A_177 = tpu.matmul %concatenate3A_160, %get3A_175, %dot_general3A_176 {dimension_numbers = #tpu.dot_dimension_numbers<[1], [0], [0], [1], [0, 0, 1, 1], [], []>, transpose_lhs_hint = false} : vector<2000x128xf32>, vector<128x32xf32>, vector<2000x32xf32> -> vector<2000x32xf32>
    %add3A_178 = arith.addf %dot_general3A_170, %dot_general3A_177 : vector<2000x32xf32>
    %mul3A_179 = vector.broadcast %mul3A_9 : vector<2000x1xf32> to vector<2000x128xf32>
    %mul3A_180 = arith.mulf %concatenate3A_160, %mul3A_179 : vector<2000x128xf32>
    %get3A_181 = arith.constant 1 : index
    %get3A_182 = arith.constant 0 : index
    %get3A_183 = arith.constant 0 : index
    %get3A_184 = vector.load %arg11[%get3A_181, %get3A_182, %get3A_183] : memref<4x128x32xf32, #tpu.memory_space<vmem>>, vector<1x128x32xf32>
    %get3A_185 = vector.shape_cast %get3A_184 : vector<1x128x32xf32> to vector<128x32xf32>
    %dot_general3A_186 = arith.constant dense<0.000000e+00> : vector<2000x32xf32>
    %dot_general3A_187 = tpu.matmul %mul3A_180, %get3A_185, %dot_general3A_186 {dimension_numbers = #tpu.dot_dimension_numbers<[1], [0], [0], [1], [0, 0, 1, 1], [], []>, transpose_lhs_hint = false} : vector<2000x128xf32>, vector<128x32xf32>, vector<2000x32xf32> -> vector<2000x32xf32>
    %add3A_188 = arith.addf %add3A_178, %dot_general3A_187 : vector<2000x32xf32>
    %mul3A_189 = vector.broadcast %div3A_11 : vector<2000x1xf32> to vector<2000x128xf32>
    %mul3A_190 = arith.mulf %concatenate3A_160, %mul3A_189 : vector<2000x128xf32>
    %get3A_191 = arith.constant 1 : index
    %get3A_192 = arith.constant 0 : index
    %get3A_193 = arith.constant 0 : index
    %get3A_194 = vector.load %arg12[%get3A_191, %get3A_192, %get3A_193] : memref<4x128x32xf32, #tpu.memory_space<vmem>>, vector<1x128x32xf32>
    %get3A_195 = vector.shape_cast %get3A_194 : vector<1x128x32xf32> to vector<128x32xf32>
    %dot_general3A_196 = arith.constant dense<0.000000e+00> : vector<2000x32xf32>
    %dot_general3A_197 = tpu.matmul %mul3A_190, %get3A_195, %dot_general3A_196 {dimension_numbers = #tpu.dot_dimension_numbers<[1], [0], [0], [1], [0, 0, 1, 1], [], []>, transpose_lhs_hint = false} : vector<2000x128xf32>, vector<128x32xf32>, vector<2000x32xf32> -> vector<2000x32xf32>
    %add3A_198 = arith.addf %add3A_188, %dot_general3A_197 : vector<2000x32xf32>
    %get3A_199 = arith.constant 0 : index
    %get3A_200 = arith.constant 32 : index
    %get3A_201 = vector.load %arg13[%get3A_199, %get3A_200] : memref<1x128xf32, #tpu.memory_space<vmem>>, vector<1x32xf32>
    %add3A_202 = vector.broadcast %get3A_201 : vector<1x32xf32> to vector<2000x32xf32>
    %add3A_203 = arith.addf %add3A_198, %add3A_202 : vector<2000x32xf32>
    %mul3A_204 = vector.broadcast %get3A_14 : vector<2000x1xf32> to vector<2000x32xf32>
    %mul3A_205 = arith.mulf %add3A_203, %mul3A_204 : vector<2000x32xf32>
    %get3A_206 = arith.constant 0 : index
    %get3A_207 = arith.constant 64 : index
    %get3A_208 = vector.load %arg2[%get3A_206, %get3A_207] : memref<2000x128xf32, #tpu.memory_space<vmem>>, vector<2000x32xf32>
    %get3A_209 = arith.constant 0 : index
    %get3A_210 = arith.constant 64 : index
    %get3A_211 = vector.load %arg3[%get3A_209, %get3A_210] : memref<2000x128xf32, #tpu.memory_space<vmem>>, vector<2000x32xf32>
    %get3A_212 = arith.constant 0 : index
    %get3A_213 = arith.constant 64 : index
    %get3A_214 = vector.load %arg4[%get3A_212, %get3A_213] : memref<2000x128xf32, #tpu.memory_space<vmem>>, vector<2000x32xf32>
    %mul3A_215 = vector.broadcast %get3A_1 : vector<2000x1xf32> to vector<2000x32xf32>
    %mul3A_216 = arith.mulf %mul3A_215, %get3A_208 : vector<2000x32xf32>
    %add3A_217 = arith.addf %get3A_211, %mul3A_216 : vector<2000x32xf32>
    %div3A_218 = vector.broadcast %max3A_3 : vector<2000x1xf32> to vector<2000x32xf32>
    %div3A_219 = arith.divf %add3A_217, %div3A_218 : vector<2000x32xf32>
    %mul3A_220 = arith.constant 2.000000e+00 : f32
    %mul3A_221 = vector.broadcast %mul3A_220 : f32 to vector<2000x32xf32>
    %mul3A_222 = arith.mulf %mul3A_221, %get3A_208 : vector<2000x32xf32>
    %mul3A_223 = arith.mulf %mul3A_222, %get3A_211 : vector<2000x32xf32>
    %add3A_224 = arith.addf %get3A_214, %mul3A_223 : vector<2000x32xf32>
    %mul3A_225 = vector.broadcast %get3A_1 : vector<2000x1xf32> to vector<2000x32xf32>
    %mul3A_226 = arith.mulf %mul3A_225, %get3A_208 : vector<2000x32xf32>
    %mul3A_227 = arith.mulf %mul3A_226, %get3A_208 : vector<2000x32xf32>
    %add3A_228 = arith.addf %add3A_224, %mul3A_227 : vector<2000x32xf32>
    %div3A_229 = vector.broadcast %max3A_3 : vector<2000x1xf32> to vector<2000x32xf32>
    %div3A_230 = arith.divf %add3A_228, %div3A_229 : vector<2000x32xf32>
    %mul3A_231 = arith.mulf %div3A_219, %div3A_219 : vector<2000x32xf32>
    %sub3A_232 = arith.subf %div3A_230, %mul3A_231 : vector<2000x32xf32>
    %max3A_233 = arith.constant 0.000000e+00 : f32
    %max3A_234 = vector.broadcast %max3A_233 : f32 to vector<2000x32xf32>
    %max3A_235 = arith.maximumf %sub3A_232, %max3A_234 : vector<2000x32xf32>
    %add3A_236 = arith.constant 9.99999974E-6 : f32
    %add3A_237 = vector.broadcast %add3A_236 : f32 to vector<2000x32xf32>
    %add3A_238 = arith.addf %max3A_235, %add3A_237 : vector<2000x32xf32>
    %sqrt3A_239 = math.sqrt %add3A_238 : vector<2000x32xf32>
    %get3A_240 = arith.constant 0 : index
    %get3A_241 = arith.constant 64 : index
    %get3A_242 = vector.load %arg5[%get3A_240, %get3A_241] : memref<2000x128xf32, #tpu.memory_space<vmem>>, vector<2000x32xf32>
    %add3A_243 = arith.addf %get3A_242, %get3A_208 : vector<2000x32xf32>
    %jit3A_244 = arith.constant 0.000000e+00 : f32
    %broadcast_in_dim3A_245 = vector.shape_cast %gt3A_5 : vector<2000x1xi1> to vector<2000x1xi1>
    %broadcast_in_dim3A_246 = vector.broadcast %broadcast_in_dim3A_245 : vector<2000x1xi1> to vector<2000x32xi1>
    %broadcast_in_dim3A_247 = vector.broadcast %jit3A_244 : f32 to vector<2000x32xf32>
    %select_n3A_248 = arith.select %broadcast_in_dim3A_246, %add3A_243, %broadcast_in_dim3A_247 : vector<2000x32xi1>, vector<2000x32xf32>
    %get3A_249 = arith.constant 0 : index
    %get3A_250 = arith.constant 64 : index
    %get3A_251 = vector.load %arg6[%get3A_249, %get3A_250] : memref<2000x128xf32, #tpu.memory_space<vmem>>, vector<2000x32xf32>
    %add3A_252 = arith.addf %get3A_251, %get3A_208 : vector<2000x32xf32>
    %jit3A_253 = arith.constant 0.000000e+00 : f32
    %broadcast_in_dim3A_254 = vector.shape_cast %gt3A_5 : vector<2000x1xi1> to vector<2000x1xi1>
    %broadcast_in_dim3A_255 = vector.broadcast %broadcast_in_dim3A_254 : vector<2000x1xi1> to vector<2000x32xi1>
    %broadcast_in_dim3A_256 = vector.broadcast %jit3A_253 : f32 to vector<2000x32xf32>
    %select_n3A_257 = arith.select %broadcast_in_dim3A_255, %add3A_252, %broadcast_in_dim3A_256 : vector<2000x32xi1>, vector<2000x32xf32>
    %concatenate3A_258 = tpu.concatenate %div3A_219, %select_n3A_248, %select_n3A_257, %sqrt3A_239 in 1 : vector<2000x32xf32>, vector<2000x32xf32>, vector<2000x32xf32>, vector<2000x32xf32> -> vector<2000x128xf32>
    %get3A_259 = arith.constant 0 : index
    %get3A_260 = arith.constant 64 : index
    %get3A_261 = vector.load %arg1[%get3A_259, %get3A_260] : memref<2000x128xf32, #tpu.memory_space<vmem>>, vector<2000x32xf32>
    %get3A_262 = arith.constant 2 : index
    %get3A_263 = arith.constant 0 : index
    %get3A_264 = arith.constant 0 : index
    %get3A_265 = vector.load %arg9[%get3A_262, %get3A_263, %get3A_264] : memref<4x32x32xf32, #tpu.memory_space<vmem>>, vector<1x32x32xf32>
    %get3A_266 = vector.shape_cast %get3A_265 : vector<1x32x32xf32> to vector<32x32xf32>
    %dot_general3A_267 = arith.constant dense<0.000000e+00> : vector<2000x32xf32>
    %dot_general3A_268 = tpu.matmul %get3A_261, %get3A_266, %dot_general3A_267 {dimension_numbers = #tpu.dot_dimension_numbers<[1], [0], [0], [1], [0, 0, 1, 1], [], []>, transpose_lhs_hint = false} : vector<2000x32xf32>, vector<32x32xf32>, vector<2000x32xf32> -> vector<2000x32xf32>
    %get3A_269 = arith.constant 2 : index
    %get3A_270 = arith.constant 0 : index
    %get3A_271 = arith.constant 0 : index
    %get3A_272 = vector.load %arg10[%get3A_269, %get3A_270, %get3A_271] : memref<4x128x32xf32, #tpu.memory_space<vmem>>, vector<1x128x32xf32>
    %get3A_273 = vector.shape_cast %get3A_272 : vector<1x128x32xf32> to vector<128x32xf32>
    %dot_general3A_274 = arith.constant dense<0.000000e+00> : vector<2000x32xf32>
    %dot_general3A_275 = tpu.matmul %concatenate3A_258, %get3A_273, %dot_general3A_274 {dimension_numbers = #tpu.dot_dimension_numbers<[1], [0], [0], [1], [0, 0, 1, 1], [], []>, transpose_lhs_hint = false} : vector<2000x128xf32>, vector<128x32xf32>, vector<2000x32xf32> -> vector<2000x32xf32>
    %add3A_276 = arith.addf %dot_general3A_268, %dot_general3A_275 : vector<2000x32xf32>
    %mul3A_277 = vector.broadcast %mul3A_9 : vector<2000x1xf32> to vector<2000x128xf32>
    %mul3A_278 = arith.mulf %concatenate3A_258, %mul3A_277 : vector<2000x128xf32>
    %get3A_279 = arith.constant 2 : index
    %get3A_280 = arith.constant 0 : index
    %get3A_281 = arith.constant 0 : index
    %get3A_282 = vector.load %arg11[%get3A_279, %get3A_280, %get3A_281] : memref<4x128x32xf32, #tpu.memory_space<vmem>>, vector<1x128x32xf32>
    %get3A_283 = vector.shape_cast %get3A_282 : vector<1x128x32xf32> to vector<128x32xf32>
    %dot_general3A_284 = arith.constant dense<0.000000e+00> : vector<2000x32xf32>
    %dot_general3A_285 = tpu.matmul %mul3A_278, %get3A_283, %dot_general3A_284 {dimension_numbers = #tpu.dot_dimension_numbers<[1], [0], [0], [1], [0, 0, 1, 1], [], []>, transpose_lhs_hint = false} : vector<2000x128xf32>, vector<128x32xf32>, vector<2000x32xf32> -> vector<2000x32xf32>
    %add3A_286 = arith.addf %add3A_276, %dot_general3A_285 : vector<2000x32xf32>
    %mul3A_287 = vector.broadcast %div3A_11 : vector<2000x1xf32> to vector<2000x128xf32>
    %mul3A_288 = arith.mulf %concatenate3A_258, %mul3A_287 : vector<2000x128xf32>
    %get3A_289 = arith.constant 2 : index
    %get3A_290 = arith.constant 0 : index
    %get3A_291 = arith.constant 0 : index
    %get3A_292 = vector.load %arg12[%get3A_289, %get3A_290, %get3A_291] : memref<4x128x32xf32, #tpu.memory_space<vmem>>, vector<1x128x32xf32>
    %get3A_293 = vector.shape_cast %get3A_292 : vector<1x128x32xf32> to vector<128x32xf32>
    %dot_general3A_294 = arith.constant dense<0.000000e+00> : vector<2000x32xf32>
    %dot_general3A_295 = tpu.matmul %mul3A_288, %get3A_293, %dot_general3A_294 {dimension_numbers = #tpu.dot_dimension_numbers<[1], [0], [0], [1], [0, 0, 1, 1], [], []>, transpose_lhs_hint = false} : vector<2000x128xf32>, vector<128x32xf32>, vector<2000x32xf32> -> vector<2000x32xf32>
    %add3A_296 = arith.addf %add3A_286, %dot_general3A_295 : vector<2000x32xf32>
    %get3A_297 = arith.constant 0 : index
    %get3A_298 = arith.constant 64 : index
    %get3A_299 = vector.load %arg13[%get3A_297, %get3A_298] : memref<1x128xf32, #tpu.memory_space<vmem>>, vector<1x32xf32>
    %add3A_300 = vector.broadcast %get3A_299 : vector<1x32xf32> to vector<2000x32xf32>
    %add3A_301 = arith.addf %add3A_296, %add3A_300 : vector<2000x32xf32>
    %mul3A_302 = vector.broadcast %get3A_14 : vector<2000x1xf32> to vector<2000x32xf32>
    %mul3A_303 = arith.mulf %add3A_301, %mul3A_302 : vector<2000x32xf32>
    %get3A_304 = arith.constant 0 : index
    %get3A_305 = arith.constant 96 : index
    %get3A_306 = vector.load %arg2[%get3A_304, %get3A_305] : memref<2000x128xf32, #tpu.memory_space<vmem>>, vector<2000x32xf32>
    %get3A_307 = arith.constant 0 : index
    %get3A_308 = arith.constant 96 : index
    %get3A_309 = vector.load %arg3[%get3A_307, %get3A_308] : memref<2000x128xf32, #tpu.memory_space<vmem>>, vector<2000x32xf32>
    %get3A_310 = arith.constant 0 : index
    %get3A_311 = arith.constant 96 : index
    %get3A_312 = vector.load %arg4[%get3A_310, %get3A_311] : memref<2000x128xf32, #tpu.memory_space<vmem>>, vector<2000x32xf32>
    %mul3A_313 = vector.broadcast %get3A_1 : vector<2000x1xf32> to vector<2000x32xf32>
    %mul3A_314 = arith.mulf %mul3A_313, %get3A_306 : vector<2000x32xf32>
    %add3A_315 = arith.addf %get3A_309, %mul3A_314 : vector<2000x32xf32>
    %div3A_316 = vector.broadcast %max3A_3 : vector<2000x1xf32> to vector<2000x32xf32>
    %div3A_317 = arith.divf %add3A_315, %div3A_316 : vector<2000x32xf32>
    %mul3A_318 = arith.constant 2.000000e+00 : f32
    %mul3A_319 = vector.broadcast %mul3A_318 : f32 to vector<2000x32xf32>
    %mul3A_320 = arith.mulf %mul3A_319, %get3A_306 : vector<2000x32xf32>
    %mul3A_321 = arith.mulf %mul3A_320, %get3A_309 : vector<2000x32xf32>
    %add3A_322 = arith.addf %get3A_312, %mul3A_321 : vector<2000x32xf32>
    %mul3A_323 = vector.broadcast %get3A_1 : vector<2000x1xf32> to vector<2000x32xf32>
    %mul3A_324 = arith.mulf %mul3A_323, %get3A_306 : vector<2000x32xf32>
    %mul3A_325 = arith.mulf %mul3A_324, %get3A_306 : vector<2000x32xf32>
    %add3A_326 = arith.addf %add3A_322, %mul3A_325 : vector<2000x32xf32>
    %div3A_327 = vector.broadcast %max3A_3 : vector<2000x1xf32> to vector<2000x32xf32>
    %div3A_328 = arith.divf %add3A_326, %div3A_327 : vector<2000x32xf32>
    %mul3A_329 = arith.mulf %div3A_317, %div3A_317 : vector<2000x32xf32>
    %sub3A_330 = arith.subf %div3A_328, %mul3A_329 : vector<2000x32xf32>
    %max3A_331 = arith.constant 0.000000e+00 : f32
    %max3A_332 = vector.broadcast %max3A_331 : f32 to vector<2000x32xf32>
    %max3A_333 = arith.maximumf %sub3A_330, %max3A_332 : vector<2000x32xf32>
    %add3A_334 = arith.constant 9.99999974E-6 : f32
    %add3A_335 = vector.broadcast %add3A_334 : f32 to vector<2000x32xf32>
    %add3A_336 = arith.addf %max3A_333, %add3A_335 : vector<2000x32xf32>
    %sqrt3A_337 = math.sqrt %add3A_336 : vector<2000x32xf32>
    %get3A_338 = arith.constant 0 : index
    %get3A_339 = arith.constant 96 : index
    %get3A_340 = vector.load %arg5[%get3A_338, %get3A_339] : memref<2000x128xf32, #tpu.memory_space<vmem>>, vector<2000x32xf32>
    %add3A_341 = arith.addf %get3A_340, %get3A_306 : vector<2000x32xf32>
    %jit3A_342 = arith.constant 0.000000e+00 : f32
    %broadcast_in_dim3A_343 = vector.shape_cast %gt3A_5 : vector<2000x1xi1> to vector<2000x1xi1>
    %broadcast_in_dim3A_344 = vector.broadcast %broadcast_in_dim3A_343 : vector<2000x1xi1> to vector<2000x32xi1>
    %broadcast_in_dim3A_345 = vector.broadcast %jit3A_342 : f32 to vector<2000x32xf32>
    %select_n3A_346 = arith.select %broadcast_in_dim3A_344, %add3A_341, %broadcast_in_dim3A_345 : vector<2000x32xi1>, vector<2000x32xf32>
    %get3A_347 = arith.constant 0 : index
    %get3A_348 = arith.constant 96 : index
    %get3A_349 = vector.load %arg6[%get3A_347, %get3A_348] : memref<2000x128xf32, #tpu.memory_space<vmem>>, vector<2000x32xf32>
    %add3A_350 = arith.addf %get3A_349, %get3A_306 : vector<2000x32xf32>
    %jit3A_351 = arith.constant 0.000000e+00 : f32
    %broadcast_in_dim3A_352 = vector.shape_cast %gt3A_5 : vector<2000x1xi1> to vector<2000x1xi1>
    %broadcast_in_dim3A_353 = vector.broadcast %broadcast_in_dim3A_352 : vector<2000x1xi1> to vector<2000x32xi1>
    %broadcast_in_dim3A_354 = vector.broadcast %jit3A_351 : f32 to vector<2000x32xf32>
    %select_n3A_355 = arith.select %broadcast_in_dim3A_353, %add3A_350, %broadcast_in_dim3A_354 : vector<2000x32xi1>, vector<2000x32xf32>
    %concatenate3A_356 = tpu.concatenate %div3A_317, %select_n3A_346, %select_n3A_355, %sqrt3A_337 in 1 : vector<2000x32xf32>, vector<2000x32xf32>, vector<2000x32xf32>, vector<2000x32xf32> -> vector<2000x128xf32>
    %get3A_357 = arith.constant 0 : index
    %get3A_358 = arith.constant 96 : index
    %get3A_359 = vector.load %arg1[%get3A_357, %get3A_358] : memref<2000x128xf32, #tpu.memory_space<vmem>>, vector<2000x32xf32>
    %get3A_360 = arith.constant 3 : index
    %get3A_361 = arith.constant 0 : index
    %get3A_362 = arith.constant 0 : index
    %get3A_363 = vector.load %arg9[%get3A_360, %get3A_361, %get3A_362] : memref<4x32x32xf32, #tpu.memory_space<vmem>>, vector<1x32x32xf32>
    %get3A_364 = vector.shape_cast %get3A_363 : vector<1x32x32xf32> to vector<32x32xf32>
    %dot_general3A_365 = arith.constant dense<0.000000e+00> : vector<2000x32xf32>
    %dot_general3A_366 = tpu.matmul %get3A_359, %get3A_364, %dot_general3A_365 {dimension_numbers = #tpu.dot_dimension_numbers<[1], [0], [0], [1], [0, 0, 1, 1], [], []>, transpose_lhs_hint = false} : vector<2000x32xf32>, vector<32x32xf32>, vector<2000x32xf32> -> vector<2000x32xf32>
    %get3A_367 = arith.constant 3 : index
    %get3A_368 = arith.constant 0 : index
    %get3A_369 = arith.constant 0 : index
    %get3A_370 = vector.load %arg10[%get3A_367, %get3A_368, %get3A_369] : memref<4x128x32xf32, #tpu.memory_space<vmem>>, vector<1x128x32xf32>
    %get3A_371 = vector.shape_cast %get3A_370 : vector<1x128x32xf32> to vector<128x32xf32>
    %dot_general3A_372 = arith.constant dense<0.000000e+00> : vector<2000x32xf32>
    %dot_general3A_373 = tpu.matmul %concatenate3A_356, %get3A_371, %dot_general3A_372 {dimension_numbers = #tpu.dot_dimension_numbers<[1], [0], [0], [1], [0, 0, 1, 1], [], []>, transpose_lhs_hint = false} : vector<2000x128xf32>, vector<128x32xf32>, vector<2000x32xf32> -> vector<2000x32xf32>
    %add3A_374 = arith.addf %dot_general3A_366, %dot_general3A_373 : vector<2000x32xf32>
    %mul3A_375 = vector.broadcast %mul3A_9 : vector<2000x1xf32> to vector<2000x128xf32>
    %mul3A_376 = arith.mulf %concatenate3A_356, %mul3A_375 : vector<2000x128xf32>
    %get3A_377 = arith.constant 3 : index
    %get3A_378 = arith.constant 0 : index
    %get3A_379 = arith.constant 0 : index
    %get3A_380 = vector.load %arg11[%get3A_377, %get3A_378, %get3A_379] : memref<4x128x32xf32, #tpu.memory_space<vmem>>, vector<1x128x32xf32>
    %get3A_381 = vector.shape_cast %get3A_380 : vector<1x128x32xf32> to vector<128x32xf32>
    %dot_general3A_382 = arith.constant dense<0.000000e+00> : vector<2000x32xf32>
    %dot_general3A_383 = tpu.matmul %mul3A_376, %get3A_381, %dot_general3A_382 {dimension_numbers = #tpu.dot_dimension_numbers<[1], [0], [0], [1], [0, 0, 1, 1], [], []>, transpose_lhs_hint = false} : vector<2000x128xf32>, vector<128x32xf32>, vector<2000x32xf32> -> vector<2000x32xf32>
    %add3A_384 = arith.addf %add3A_374, %dot_general3A_383 : vector<2000x32xf32>
    %mul3A_385 = vector.broadcast %div3A_11 : vector<2000x1xf32> to vector<2000x128xf32>
    %mul3A_386 = arith.mulf %concatenate3A_356, %mul3A_385 : vector<2000x128xf32>
    %get3A_387 = arith.constant 3 : index
    %get3A_388 = arith.constant 0 : index
    %get3A_389 = arith.constant 0 : index
    %get3A_390 = vector.load %arg12[%get3A_387, %get3A_388, %get3A_389] : memref<4x128x32xf32, #tpu.memory_space<vmem>>, vector<1x128x32xf32>
    %get3A_391 = vector.shape_cast %get3A_390 : vector<1x128x32xf32> to vector<128x32xf32>
    %dot_general3A_392 = arith.constant dense<0.000000e+00> : vector<2000x32xf32>
    %dot_general3A_393 = tpu.matmul %mul3A_386, %get3A_391, %dot_general3A_392 {dimension_numbers = #tpu.dot_dimension_numbers<[1], [0], [0], [1], [0, 0, 1, 1], [], []>, transpose_lhs_hint = false} : vector<2000x128xf32>, vector<128x32xf32>, vector<2000x32xf32> -> vector<2000x32xf32>
    %add3A_394 = arith.addf %add3A_384, %dot_general3A_393 : vector<2000x32xf32>
    %get3A_395 = arith.constant 0 : index
    %get3A_396 = arith.constant 96 : index
    %get3A_397 = vector.load %arg13[%get3A_395, %get3A_396] : memref<1x128xf32, #tpu.memory_space<vmem>>, vector<1x32xf32>
    %add3A_398 = vector.broadcast %get3A_397 : vector<1x32xf32> to vector<2000x32xf32>
    %add3A_399 = arith.addf %add3A_394, %add3A_398 : vector<2000x32xf32>
    %mul3A_400 = vector.broadcast %get3A_14 : vector<2000x1xf32> to vector<2000x32xf32>
    %mul3A_401 = arith.mulf %add3A_399, %mul3A_400 : vector<2000x32xf32>
    %concatenate3A_402 = tpu.concatenate %mul3A_107, %mul3A_205, %mul3A_303, %mul3A_401 in 1 : vector<2000x32xf32>, vector<2000x32xf32>, vector<2000x32xf32>, vector<2000x32xf32> -> vector<2000x128xf32>
    %swap3A = arith.constant 0 : index
    %swap3A_403 = arith.constant 0 : index
    %swap3A_404 = vector.load %arg14[%swap3A, %swap3A_403] : memref<2000x128xf32, #tpu.memory_space<vmem>>, vector<2000x128xf32>
    tpu.vector_store %arg14[%swap3A, %swap3A_403], %concatenate3A_402 {strides = array<i32>} : memref<2000x128xf32, #tpu.memory_space<vmem>>, vector<2000x128xf32>,
    %get3A_405 = arith.constant 0 : index
    %get3A_406 = arith.constant 0 : index
    %get3A_407 = vector.load %arg15[%get3A_405, %get3A_406] : memref<8x128xf32, #tpu.memory_space<vmem>>, vector<1x128xf32>
    %reduce_sum3A = arith.constant dense<0.000000e+00> : vector<128xf32>
    %reduce_sum3A_408 = vector.multi_reduction <add>, %concatenate3A_402, %reduce_sum3A [0] : vector<2000x128xf32> to vector<128xf32>
    %broadcast_in_dim3A_409 = vector.shape_cast %reduce_sum3A_408 : vector<128xf32> to vector<1x128xf32>
    %add3A_410 = arith.addf %get3A_407, %broadcast_in_dim3A_409 : vector<1x128xf32>
    %swap3A_411 = arith.constant 0 : index
    %swap3A_412 = arith.constant 0 : index
    %swap3A_413 = vector.load %arg15[%swap3A_411, %swap3A_412] : memref<8x128xf32, #tpu.memory_space<vmem>>, vector<1x128xf32>
    tpu.vector_store %arg15[%swap3A_411, %swap3A_412], %add3A_410 {strides = array<i32>} : memref<8x128xf32, #tpu.memory_space<vmem>>, vector<1x128xf32>,
    %get3A_414 = arith.constant 1 : index
    %get3A_415 = arith.constant 0 : index
    %get3A_416 = vector.load %arg15[%get3A_414, %get3A_415] : memref<8x128xf32, #tpu.memory_space<vmem>>, vector<1x128xf32>
    %mul3A_417 = arith.mulf %concatenate3A_402, %concatenate3A_402 : vector<2000x128xf32>
    %reduce_sum3A_418 = arith.constant dense<0.000000e+00> : vector<128xf32>
    %reduce_sum3A_419 = vector.multi_reduction <add>, %mul3A_417, %reduce_sum3A_418 [0] : vector<2000x128xf32> to vector<128xf32>
    %broadcast_in_dim3A_420 = vector.shape_cast %reduce_sum3A_419 : vector<128xf32> to vector<1x128xf32>
    %add3A_421 = arith.addf %get3A_416, %broadcast_in_dim3A_420 : vector<1x128xf32>
    %swap3A_422 = arith.constant 1 : index
    %swap3A_423 = arith.constant 0 : index
    %swap3A_424 = vector.load %arg15[%swap3A_422, %swap3A_423] : memref<8x128xf32, #tpu.memory_space<vmem>>, vector<1x128xf32>
    tpu.vector_store %arg15[%swap3A_422, %swap3A_423], %add3A_421 {strides = array<i32>} : memref<8x128xf32, #tpu.memory_space<vmem>>, vector<1x128xf32>,
    return
  }
  func.func @transform_0(%arg0: i32) -> (i32, i32) {
    %c0_i32 = arith.constant 0 : i32
    %c0_i32_0 = arith.constant 0 : i32
    return %arg0, %c0_i32 : i32, i32
  }
  func.func @transform_1(%arg0: i32) -> (i32, i32) {
    %c0_i32 = arith.constant 0 : i32
    %c0_i32_0 = arith.constant 0 : i32
    return %arg0, %c0_i32 : i32, i32
  }
  func.func @transform_2(%arg0: i32) -> (i32, i32) {
    %c0_i32 = arith.constant 0 : i32
    %c0_i32_0 = arith.constant 0 : i32
    return %arg0, %c0_i32 : i32, i32
  }
  func.func @transform_3(%arg0: i32) -> (i32, i32) {
    %c0_i32 = arith.constant 0 : i32
    %c0_i32_0 = arith.constant 0 : i32
    return %arg0, %c0_i32 : i32, i32
  }
  func.func @transform_4(%arg0: i32) -> (i32, i32) {
    %c0_i32 = arith.constant 0 : i32
    %c0_i32_0 = arith.constant 0 : i32
    return %arg0, %c0_i32 : i32, i32
  }
  func.func @transform_5(%arg0: i32) -> (i32, i32) {
    %c0_i32 = arith.constant 0 : i32
    %c0_i32_0 = arith.constant 0 : i32
    return %arg0, %c0_i32 : i32, i32
  }
  func.func @transform_6(%arg0: i32) -> (i32, i32) {
    %c0_i32 = arith.constant 0 : i32
    %c0_i32_0 = arith.constant 0 : i32
    return %arg0, %c0_i32 : i32, i32
  }
  func.func @transform_7(%arg0: i32) -> (i32, i32) {
    %c0_i32 = arith.constant 0 : i32
    %c0_i32_0 = arith.constant 0 : i32
    return %arg0, %c0_i32 : i32, i32
  }
  func.func @transform_8(%arg0: i32) -> (i32, i32, i32) {
    %c0_i32 = arith.constant 0 : i32
    %c0_i32_0 = arith.constant 0 : i32
    %c0_i32_1 = arith.constant 0 : i32
    %c0_i32_2 = arith.constant 0 : i32
    return %c0_i32, %c0_i32_0, %c0_i32_1 : i32, i32, i32
  }
  func.func @transform_9(%arg0: i32) -> (i32, i32, i32) {
    %c0_i32 = arith.constant 0 : i32
    %c0_i32_0 = arith.constant 0 : i32
    %c0_i32_1 = arith.constant 0 : i32
    %c0_i32_2 = arith.constant 0 : i32
    return %c0_i32, %c0_i32_0, %c0_i32_1 : i32, i32, i32
  }
  func.func @transform_10(%arg0: i32) -> (i32, i32, i32) {
    %c0_i32 = arith.constant 0 : i32
    %c0_i32_0 = arith.constant 0 : i32
    %c0_i32_1 = arith.constant 0 : i32
    %c0_i32_2 = arith.constant 0 : i32
    return %c0_i32, %c0_i32_0, %c0_i32_1 : i32, i32, i32
  }
  func.func @transform_11(%arg0: i32) -> (i32, i32, i32) {
    %c0_i32 = arith.constant 0 : i32
    %c0_i32_0 = arith.constant 0 : i32
    %c0_i32_1 = arith.constant 0 : i32
    %c0_i32_2 = arith.constant 0 : i32
    return %c0_i32, %c0_i32_0, %c0_i32_1 : i32, i32, i32
  }
  func.func @transform_12(%arg0: i32) -> (i32, i32) {
    %c0_i32 = arith.constant 0 : i32
    %c0_i32_0 = arith.constant 0 : i32
    %c0_i32_1 = arith.constant 0 : i32
    return %c0_i32, %c0_i32_0 : i32, i32
  }
  func.func @transform_13(%arg0: i32) -> (i32, i32) {
    %c0_i32 = arith.constant 0 : i32
    %c0_i32_0 = arith.constant 0 : i32
    return %arg0, %c0_i32 : i32, i32
  }
  func.func @transform_14(%arg0: i32) -> (i32, i32) {
    %c0_i32 = arith.constant 0 : i32
    %c0_i32_0 = arith.constant 0 : i32
    %c0_i32_1 = arith.constant 0 : i32
    return %c0_i32, %c0_i32_0 : i32, i32
  }
}

module attributes {stable_mosaic.version = 14 : i64} {
  func.func @_phase3_body(%arg0: i32, %arg1: memref<2000x128xf32, #tpu.memory_space<vmem>>, %arg2: memref<2000x128xf32, #tpu.memory_space<vmem>>, %arg3: memref<8x128xf32, #tpu.memory_space<vmem>>, %arg4: memref<1x128xf32, #tpu.memory_space<vmem>>, %arg5: memref<1x128xf32, #tpu.memory_space<vmem>>, %arg6: memref<128x128xf32, #tpu.memory_space<vmem>>, %arg7: memref<128xf32, #tpu.memory_space<vmem>>, %arg8: memref<2000x128xf32, #tpu.memory_space<vmem>>) attributes {dimension_semantics = [#tpu.dimension_semantics<arbitrary>], iteration_bounds = array<i64: 5>, scalar_prefetch = 0 : i64, scratch_operands = 0 : i64, tpu.core_type = #tpu.core_type<tc>, window_params = [{transform_indices = @transform_0, window_bounds = array<i64: 2000, 128>}, {transform_indices = @transform_1, window_bounds = array<i64: 2000, 128>}, {pipeline_mode = #tpu.pipeline_mode<synchronous>, transform_indices = @transform_2, window_bounds = array<i64: 8, 128>}, {pipeline_mode = #tpu.pipeline_mode<synchronous>, transform_indices = @transform_3, window_bounds = array<i64: 1, 128>}, {pipeline_mode = #tpu.pipeline_mode<synchronous>, transform_indices = @transform_4, window_bounds = array<i64: 1, 128>}, {pipeline_mode = #tpu.pipeline_mode<synchronous>, transform_indices = @transform_5, window_bounds = array<i64: 128, 128>}, {pipeline_mode = #tpu.pipeline_mode<synchronous>, transform_indices = @transform_6, window_bounds = array<i64: 128>}, {transform_indices = @transform_7, window_bounds = array<i64: 2000, 128>}]} {
    %get3A = arith.constant 0 : index
    %get3A_0 = arith.constant 0 : index
    %get3A_1 = vector.load %arg3[%get3A, %get3A_0] : memref<8x128xf32, #tpu.memory_space<vmem>>, vector<1x128xf32>
    %mul3A = arith.constant 9.99999974E-5 : f32
    %mul3A_2 = vector.broadcast %mul3A : f32 to vector<1x128xf32>
    %mul3A_3 = arith.mulf %get3A_1, %mul3A_2 : vector<1x128xf32>
    %get3A_4 = arith.constant 1 : index
    %get3A_5 = arith.constant 0 : index
    %get3A_6 = vector.load %arg3[%get3A_4, %get3A_5] : memref<8x128xf32, #tpu.memory_space<vmem>>, vector<1x128xf32>
    %mul3A_7 = arith.constant 9.99999974E-5 : f32
    %mul3A_8 = vector.broadcast %mul3A_7 : f32 to vector<1x128xf32>
    %mul3A_9 = arith.mulf %get3A_6, %mul3A_8 : vector<1x128xf32>
    %mul3A_10 = arith.mulf %mul3A_3, %mul3A_3 : vector<1x128xf32>
    %sub3A = arith.subf %mul3A_9, %mul3A_10 : vector<1x128xf32>
    %get3A_11 = arith.constant 0 : index
    %get3A_12 = arith.constant 0 : index
    %get3A_13 = vector.load %arg2[%get3A_11, %get3A_12] : memref<2000x128xf32, #tpu.memory_space<vmem>>, vector<2000x128xf32>
    %sub3A_14 = vector.broadcast %mul3A_3 : vector<1x128xf32> to vector<2000x128xf32>
    %sub3A_15 = arith.subf %get3A_13, %sub3A_14 : vector<2000x128xf32>
    %add3A = arith.constant 9.99999974E-6 : f32
    %add3A_16 = vector.broadcast %add3A : f32 to vector<1x128xf32>
    %add3A_17 = arith.addf %sub3A, %add3A_16 : vector<1x128xf32>
    %rsqrt3A = math.rsqrt %add3A_17 : vector<1x128xf32>
    %mul3A_18 = vector.broadcast %rsqrt3A : vector<1x128xf32> to vector<2000x128xf32>
    %mul3A_19 = arith.mulf %sub3A_15, %mul3A_18 : vector<2000x128xf32>
    %get3A_20 = arith.constant 0 : index
    %get3A_21 = arith.constant 0 : index
    %get3A_22 = vector.load %arg4[%get3A_20, %get3A_21] : memref<1x128xf32, #tpu.memory_space<vmem>>, vector<1x128xf32>
    %mul3A_23 = vector.broadcast %get3A_22 : vector<1x128xf32> to vector<2000x128xf32>
    %mul3A_24 = arith.mulf %mul3A_19, %mul3A_23 : vector<2000x128xf32>
    %get3A_25 = arith.constant 0 : index
    %get3A_26 = arith.constant 0 : index
    %get3A_27 = vector.load %arg5[%get3A_25, %get3A_26] : memref<1x128xf32, #tpu.memory_space<vmem>>, vector<1x128xf32>
    %add3A_28 = vector.broadcast %get3A_27 : vector<1x128xf32> to vector<2000x128xf32>
    %add3A_29 = arith.addf %mul3A_24, %add3A_28 : vector<2000x128xf32>
    %get3A_30 = arith.constant 0 : index
    %get3A_31 = arith.constant 0 : index
    %get3A_32 = vector.load %arg6[%get3A_30, %get3A_31] : memref<128x128xf32, #tpu.memory_space<vmem>>, vector<128x128xf32>
    %dot_general3A = arith.constant dense<0.000000e+00> : vector<2000x128xf32>
    %dot_general3A_33 = tpu.matmul %add3A_29, %get3A_32, %dot_general3A {dimension_numbers = #tpu.dot_dimension_numbers<[1], [0], [0], [1], [0, 0, 1, 1], [], []>, transpose_lhs_hint = false} : vector<2000x128xf32>, vector<128x128xf32>, vector<2000x128xf32> -> vector<2000x128xf32>
    %get3A_34 = arith.constant 0 : index
    %get3A_35 = vector.load %arg7[%get3A_34] : memref<128xf32, #tpu.memory_space<vmem>>, vector<128xf32>
    %broadcast_in_dim3A = vector.shape_cast %get3A_35 : vector<128xf32> to vector<1x128xf32>
    %add3A_36 = vector.broadcast %broadcast_in_dim3A : vector<1x128xf32> to vector<2000x128xf32>
    %add3A_37 = arith.addf %dot_general3A_33, %add3A_36 : vector<2000x128xf32>
    %ge3A = arith.constant 0.000000e+00 : f32
    %ge3A_38 = vector.broadcast %ge3A : f32 to vector<2000x128xf32>
    %ge3A_39 = arith.cmpf oge, %add3A_37, %ge3A_38 : vector<2000x128xf32>
    %mul3A_40 = arith.constant 0.00999999977 : f32
    %mul3A_41 = vector.broadcast %mul3A_40 : f32 to vector<2000x128xf32>
    %mul3A_42 = arith.mulf %mul3A_41, %add3A_37 : vector<2000x128xf32>
    %select_n3A = arith.select %ge3A_39, %add3A_37, %mul3A_42 : vector<2000x128xi1>, vector<2000x128xf32>
    %get3A_43 = arith.constant 0 : index
    %get3A_44 = arith.constant 0 : index
    %get3A_45 = vector.load %arg1[%get3A_43, %get3A_44] : memref<2000x128xf32, #tpu.memory_space<vmem>>, vector<2000x128xf32>
    %add3A_46 = arith.addf %get3A_45, %select_n3A : vector<2000x128xf32>
    %swap3A = arith.constant 0 : index
    %swap3A_47 = arith.constant 0 : index
    %swap3A_48 = vector.load %arg8[%swap3A, %swap3A_47] : memref<2000x128xf32, #tpu.memory_space<vmem>>, vector<2000x128xf32>
    tpu.vector_store %arg8[%swap3A, %swap3A_47], %add3A_46 {strides = array<i32>} : memref<2000x128xf32, #tpu.memory_space<vmem>>, vector<2000x128xf32>,
    return
  }
  func.func @transform_0(%arg0: i32) -> (i32, i32) {
    %c0_i32 = arith.constant 0 : i32
    %c0_i32_0 = arith.constant 0 : i32
    return %arg0, %c0_i32 : i32, i32
  }
  func.func @transform_1(%arg0: i32) -> (i32, i32) {
    %c0_i32 = arith.constant 0 : i32
    %c0_i32_0 = arith.constant 0 : i32
    return %arg0, %c0_i32 : i32, i32
  }
  func.func @transform_2(%arg0: i32) -> (i32, i32) {
    %c0_i32 = arith.constant 0 : i32
    %c0_i32_0 = arith.constant 0 : i32
    %c0_i32_1 = arith.constant 0 : i32
    return %c0_i32, %c0_i32_0 : i32, i32
  }
  func.func @transform_3(%arg0: i32) -> (i32, i32) {
    %c0_i32 = arith.constant 0 : i32
    %c0_i32_0 = arith.constant 0 : i32
    %c0_i32_1 = arith.constant 0 : i32
    return %c0_i32, %c0_i32_0 : i32, i32
  }
  func.func @transform_4(%arg0: i32) -> (i32, i32) {
    %c0_i32 = arith.constant 0 : i32
    %c0_i32_0 = arith.constant 0 : i32
    %c0_i32_1 = arith.constant 0 : i32
    return %c0_i32, %c0_i32_0 : i32, i32
  }
  func.func @transform_5(%arg0: i32) -> (i32, i32) {
    %c0_i32 = arith.constant 0 : i32
    %c0_i32_0 = arith.constant 0 : i32
    %c0_i32_1 = arith.constant 0 : i32
    return %c0_i32, %c0_i32_0 : i32, i32
  }
  func.func @transform_6(%arg0: i32) -> i32 {
    %c0_i32 = arith.constant 0 : i32
    %c0_i32_0 = arith.constant 0 : i32
    return %c0_i32 : i32
  }
  func.func @transform_7(%arg0: i32) -> (i32, i32) {
    %c0_i32 = arith.constant 0 : i32
    %c0_i32_0 = arith.constant 0 : i32
    return %arg0, %c0_i32 : i32, i32
  }
}

</mosaic_0001>

<sc_bundles>
// kernel: kernel.6.cloned.1.call-start
scs
__scs_entry_jumppad:
0x0: {  	(pc) =	sbr.rel $0x88, $3  }
0x1: {  	(tag) =	ssettag $0x0;
	lr =	simm.s32 $0x1  }
0x2: {  	[smem:$0x3F96] =	sst lr;
	_ =	strace $0xD0000000  }
0x3: {  	_ = 	snop  }
0x4: {  	_ = 	snop  }
0x5: {  	_ = 	snop  }
0x6: {  	_ = 	snop  }
0x7: {  	_ = 	snop  }
__scs_overlays_trampoline_lowered:
0x8: {  	[smem:$0x3FA5] =	sst s0  }
0x9: {  	[smem:$0x3FA6] =	sst s1  }
0xa: {  	[smem:$0x3FA7] =	sst s2  }
0xb: {  	[smem:$0x3FA8] =	sst s3  }
0xc: {  	[smem:$0x3FA9] =	sst s4  }
0xd: {  	[smem:$0x3FAA] =	sst s5  }
0xe: {  	[smem:$0x3FAB] =	sst s6  }
0xf: {  	[smem:$0x3FAC] =	sst s7  }
0x10: {  	[smem:$0x3FAD] =	sst s8  }
0x11: {  	[smem:$0x3FAE] =	sst s9;
	s0 =	simm.s32 @!p0 $0x0  }
0x12: {  	s1 =	sld [smem:$0x3F94];
	s0 =	simm.s32 @p0 $0x1  }
0x13: {  	[smem:$0x3FAF] =	sst s0;
	s0 =	simm.s32 @!p1 $0x0  }
0x14: {  	s2 =	sld [smem:$0x3F93];
	s0 =	simm.s32 @p1 $0x1  }
0x15: {  	[smem:$0x3FB0] =	sst s0;
	s0 =	simm.s32 @!p2 $0x0  }
0x16: {  	s3 =	sld [smem:$0x3FDB];
	s0 =	simm.s32 @p2 $0x1  }
0x17: {  	s4 =	simm.s32 $0x1BF5;
	[smem:$0x3FB2] =	sst s0  }
0x18: {  	s0 =	sld [smem:$0x3F95];
	_ =	swait.ge [sflag:s4], $0x0  }
0x19: {  	s7 =	sld [smem:$0x3F96]  }
0x1a: {  	s8 =	sadd.s32 $0xFFFFE003, lr  }
0x1b: {  	s9 =	sadd.s32 $0xFFFFFEF7, lr;
	s5 =	simm.s32 $0xFFFFFFFF;
	p2 =	slt.u32 s8, $0xFFFFF086  }
0x1c: {  	p1 =	slt.u32 s9, $0xF7A;
	s5 =	simm.s32 @!p2 $0x0  }
0x1d: {  	s5 =	simm.s32 @p1 $0x1;
	p0 =	seq.s32 s7, s2  }
0x1e: {  	s7 =	smul.u32 @!p0 $0xF7A, s2;
	p2 =	seq.s32 @!p0 s5, $0x0  }
0x1f: {  	s9 =	smul.u32 $0xF7A, s1;
	s8 =	simm.s32 @!p0 $0x1BF5;
	p2 =	por !p2, p0  }
0x20: {  	[sflag:s8] =	ssyncset.s32 @!p0 $0xFFFFF086;
	s6 =	sadd.s32 @!p0 s3, s7;
	s7 =	simm.s32 @!p0 $0x108  }
0x21: {  	s3 =	sadd.s32 s3, s9;
	s6 =	sadd.s32 @!p0 $0x88, s6;
	s7 =	simm.s32 @p2 $0x1082  }
0x22: {  	[simem:s7], [sflag:s8] =	dma.local @!p0 [hbm:s6], $0xF7A  }
0x23: {  	s9 =	sor.u32 $0xD0000000, s2;
	s6 =	simm.s32 $0x108;
	_ =	swait.ge @!p0 [sflag:s8], $0x0  }
0x24: {  	s3 =	sadd.s32 $0x88, s3;
	s6 =	simm.s32 @!p1 $0x1082;
	[sflag:s4] =	ssyncset.s32 $0xFFFFF086  }
0x25: {  	[simem:s6], [sflag:s4] =	dma.local [hbm:s3], $0xF7A  }
0x26: {  	[smem:$0x3F96] =	sst s1;
	(tag) =	ssettag s2;
	_ =	strace s9  }
0x27: {  	s1 =	sld [smem:$0x3FA6]  }
0x28: {  	s2 =	sld [smem:$0x3FA7]  }
0x29: {  	s4 =	sld [smem:$0x3FA9]  }
0x2a: {  	p0 =	seq.s32 s5, $0x0;
	s5 =	sld [smem:$0x3FAA]  }
0x2b: {  	s6 =	sld [smem:$0x3FAB]  }
0x2c: {  	s7 =	sld [smem:$0x3FAC]  }
0x2d: {  	s3 =	simm.s32 $0x108;
	s8 =	sld [smem:$0x3FAD]  }
0x2e: {  	s3 =	simm.s32 @!p0 $0x1082;
	s9 =	sld [smem:$0x3FAE]  }
0x2f: {  	lr =	sadd.s32 s0, s3;
	s0 =	sld [smem:$0x3FA5]  }
0x30: {  	s3 =	sld [smem:$0x3FA8]  }
0x31: {  	[smem:$0x3FB1] =	sst s10  }
0x32: {  	s10 =	sld [smem:$0x3FAF];
	_ =	sdelay $0x3  }
0x33: {  	p0 =	seq.s32 s10, $0x1;
	s10 =	sld [smem:$0x3FB1];
	_ =	sdelay $0x3  }
0x34: {  	[smem:$0x3FB1] =	sst s10  }
0x35: {  	s10 =	sld [smem:$0x3FB0];
	_ =	sdelay $0x3  }
0x36: {  	p1 =	seq.s32 s10, $0x1;
	s10 =	sld [smem:$0x3FB1];
	_ =	sdelay $0x3  }
0x37: {  	[smem:$0x3FB1] =	sst s10  }
0x38: {  	s10 =	sld [smem:$0x3FB2]  }
0x39: {  	_ = 	snop;
	(pc) =	sbr.ind lr, $3  }
0x3a: {  	_ = 	snop  }
0x3b: {  	_ = 	snop  }
0x3c: {  	p2 =	seq.s32 s10, $0x1;
	s10 =	sld [smem:$0x3FB1]  }
0x3d: {  	_ =	shalt  }
0x3e: {  	_ =	shalt  }
0x3f: {  	_ =	shalt  }
0x40: {  	_ =	shalt  }
0x41: {  	_ =	shalt  }
0x42: {  	_ =	shalt  }
0x43: {  	_ =	shalt  }
0x44: {  	_ =	shalt  }
0x45: {  	_ =	shalt  }
0x46: {  	_ =	shalt  }
0x47: {  	_ =	shalt  }
0x48: {  	_ =	shalt  }
0x49: {  	_ =	shalt  }
0x4a: {  	_ =	shalt  }
0x4b: {  	_ =	shalt  }
0x4c: {  	_ =	shalt  }
0x4d: {  	_ =	shalt  }
0x4e: {  	_ =	shalt  }
0x4f: {  	_ =	shalt  }
0x50: {  	_ =	shalt  }
0x51: {  	_ =	shalt  }
0x52: {  	_ =	shalt  }
0x53: {  	_ =	shalt  }
0x54: {  	_ =	shalt  }
0x55: {  	_ =	shalt  }
0x56: {  	_ =	shalt  }
0x57: {  	_ =	shalt  }
0x58: {  	_ =	shalt  }
0x59: {  	_ =	shalt  }
0x5a: {  	_ =	shalt  }
0x5b: {  	_ =	shalt  }
0x5c: {  	_ =	shalt  }
0x5d: {  	_ =	shalt  }
0x5e: {  	_ =	shalt  }
0x5f: {  	_ =	shalt  }
0x60: {  	_ =	shalt  }
0x61: {  	_ =	shalt  }
0x62: {  	_ =	shalt  }
0x63: {  	_ =	shalt  }
0x64: {  	_ =	shalt  }
0x65: {  	_ =	shalt  }
0x66: {  	_ =	shalt  }
0x67: {  	_ =	shalt  }
0x68: {  	_ =	shalt  }
0x69: {  	_ =	shalt  }
0x6a: {  	_ =	shalt  }
0x6b: {  	_ =	shalt  }
0x6c: {  	_ =	shalt  }
0x6d: {  	_ =	shalt  }
0x6e: {  	_ =	shalt  }
0x6f: {  	_ =	shalt  }
0x70: {  	_ =	shalt  }
0x71: {  	_ =	shalt  }
0x72: {  	_ =	shalt  }
0x73: {  	_ =	shalt  }
0x74: {  	_ =	shalt  }
0x75: {  	_ =	shalt  }
0x76: {  	_ =	shalt  }
0x77: {  	_ =	shalt  }
0x78: {  	_ =	shalt  }
0x79: {  	_ =	shalt  }
0x7a: {  	_ =	shalt  }
0x7b: {  	_ =	shalt  }
0x7c: {  	_ =	shalt  }
0x7d: {  	_ =	shalt  }
0x7e: {  	_ =	shalt  }
0x7f: {  	_ =	shalt  }
0x80: {  	_ =	shalt  }
0x81: {  	_ =	shalt  }
0x82: {  	_ =	shalt  }
0x83: {  	_ =	shalt  }
0x84: {  	_ =	shalt  }
0x85: {  	_ =	shalt  }
0x86: {  	_ =	shalt  }
0x87: {  	_ =	shalt  }
.Lfunc_end0:
.L_simem_size_0:
called_computation_lowered:
.L_overlay_start_0:
0x88: {  	s2 =	sld [smem:$0x3FD9]  }
0x89: {  	s3 =	sld [smem:$0x3FFE];
	_ =	sdelay $0x1  }
0x8a: {  	s1 =	srdreg.scid  }
0x8b: {  	s0 =	sand.u32 $0x1, s1  }
0x8c: {  	s17 =	sshll.u32 s0, $0xA;
	s2 =	sadd.s32 s3, s2  }
0x8d: {  	s2 =	sadd.s32 s2, s17  }
0x8e: {  	[smem:$0x3FBD] =	sst s2  }
0x8f: {  	_ = 	snop  }
0x90: {  	s2 =	sld [smem:$0x3FD0];
	(tm) =	ssettm $0x1  }
0x91: {  	s18 =	sld [smem:$0x3FFB];
	_ =	sdelay $0x3  }
0x92: {  	_ =	strace s18  }
0x93: {  	s3 =	sld [smem:$0x3FFC];
	_ =	sdelay $0x3  }
0x94: {  	_ =	strace s3  }
0x95: {  	s3 =	sld [smem:$0x3FFD];
	_ =	sdelay $0x3  }
0x96: {  	_ =	strace s3  }
0x97: {  	_ =	strace $0x8FFFFFFF  }
0x98: {  	s19 =	sld [smem:$0x3FDB];
	_ =	sdelay $0x1  }
0x99: {  	s4 =	simm.s32 $_scs_section_size  }
0x9a: {  	s5 =	simm.s32 $_size__tile_overlayer_lowered;
	s6 =	simm.s32 $_tile_overlayer_lowered  }
0x9b: {  	s22 =	simm.s32 $0x1BFF;
	s21 =	sshll.u32 s6, $0x1;
	s3 =	sadd.s32 s4, s19  }
0x9c: {  	s7 =	simm.s32 $0x0;
	s20 =	sshll.u32 s5, $0x1;
	s5 =	sadd.s32 s21, s3  }
0x9d: {  	[timem:s7], [sflag:s22] =	dma.local [hbm:s5], s20  }
0x9e: {  	_ =	swait.ge [sflag:s22], s20  }
0x9f: {  	s4 =	ssub.s32 $0x0, s20;
	[sflag:s22] =	ssyncset.done $0x0  }
0xa0: {  	[sflag:s22] =	ssyncadd.s32 s4;
	_ =	sdelay $0x1  }
0xa1: {  	s23 =	simm.s32 $0x1B8B  }
0xa2: {  	_ =	swait.ge [sflag:s23], $0x1  }
0xa3: {  	[sflag:s23] =	ssyncset.done $0x0  }
0xa4: {  	s25 =	simm.s32 $0x1B8E;
	s24 =	sld [smem:$0x3FFE];
	[sflag:s23] =	ssyncadd.s32 $0xFFFFFFFF  }
0xa5: {  	s26 =	simm.s32 $execute0_lowered;
	[smem:$0x3FD2] =	sst s25  }
0xa6: {  	s5 =	sshll.u32 s26, $0x1;
	_ =	strace $0x80000046;
	[dreg:$0x1] =	wrdreg $0xFFFFFFFF  }
0xa7: {  	s28 =	simm.s32 $_size_execute0_lowered;
	s3 =	sadd.s32 s3, s5;
	[dreg:$0x0] =	wrdreg $0x0  }
0xa8: {  	s5 =	sshll.u32 s28, $0x1;
	[dreg:$0x2] =	wrdreg s3  }
0xa9: {  	[dreg:$0x3] =	wrdreg s5  }
0xaa: {  	[dreg:$0x4] =	wrdreg $0xC0  }
0xab: {  	_ =	task [dreg:s7], $0x5FFFF  }
0xac: {  	[dreg:$0x1] =	wrdreg $0xFFFFFFFF  }
0xad: {  	[dreg:$0x0] =	wrdreg $0x60  }
0xae: {  	[dreg:$0x2] =	wrdreg s24  }
0xaf: {  	[dreg:$0x3] =	wrdreg s2  }
0xb0: {  	[dreg:$0x4] =	wrdreg $0x9  }
0xb1: {  	_ =	task.clear_ibuf [dreg:s7], $0x5FFFF;
	_ =	strace $0x90000046  }
0xb2: {  	s29 =	simm.s32 $0x9;
	_ =	strace $0x80000048  }
0xb3: {  	_ =	swait.ge [sflag:s29], $0x1  }
0xb4: {  	[sflag:s29] =	ssyncadd.s32 $0xFFFFFFFF  }
0xb5: {  	_ =	strace $0x90000048  }
0xb6: {  	_ =	sfence  }
0xb7: {  	s30 =	sld [smem:$0x0];
	_ =	sdelay $0x2  }
0xb8: {  	s31 =	sshll.u32 s1, $0xD;
	s1 =	sshrl.u32 s1, $0x2  }
0xb9: {  	s3 =	sand.u32 $0x4000, s31;
	s1 =	sadd.s32 s1, s30  }
0xba: {  	s0 =	sor.u32 s3, s0;
	s1 =	sshll.u32 s1, $0x11  }
0xbb: {  	s0 =	sor.u32 s1, s0  }
0xbc: {  	s0 =	sadd.s32 $0x8F2B, s0  }
0xbd: {  	[sflag:s0] =	ssyncadd.remote.s32 $0x1  }
0xbe: {  	_ =	sfence.sel $0xFFFF  }
0xbf: {  	[dreg:$0x0] =	wrdreg $0xFFFFFFFF;
	(pc) =	sbr.abs _section_cstart, $3  }
0xc0: {  	[dreg:$0x1] =	wrdreg $0xFFFFFFFF  }
0xc1: {  	_ =	task.clear_ibuf [dreg:s7], $0x2FFFF;
	_ =	strace $0x9FFFFFFF  }
0xc2: {  	(tm) =	ssettm $0x7FFFFFFF  }
0xc3: {  	_ =	shalt  }
tec
execute0_lowered:
.L_overlay_start_1:
0x0: {  	(tag) =	ssettag $0x1  }
0x1: {  	s0 =	srdreg.scid  }
0x2: {  	s4 =	stileid.u32;
	s28 =	simm.s32 $0x80;
	s29 =	simm.s32 $0x400  }
0x3: {  	s30 =	simm.s32 $0x13C00;
	s31 =	simm.s32 $0x5;
	s3 =	sand.u32 $0x1, s0  }
0x4: {  	s1 =	sshll.u32 s4, $0x1;
	s0 =	rddreg [dreg:$0x0];
	s4 =	sshrl.u32 s4, $0x1  }
0x5: {  	s2 =	sor.u32 s3, s1;
	s1 =	simm.s32 $0x0;
	s4 =	smul.u32 $0x13C00, s4  }
0x6: {  	s3 =	ssub.s32 $0x2, s3;
	s6 =	sadd.s32 $0x2200, s0;
	s5 =	sshll.u32 s2, $0x8  }
0x7: {  	[smem:$0x7FF] =	sst s1;
	s7 =	sshrl.u32 s3, $0x1;
	s8 =	sshll.u32 s2, $0x1  }
0x8: {  	p0 =	sne.s32 s2, $0x0;
	s2 =	simm.s32 $0x4;
	s5 =	sand.u32 $0x300, s5  }
0x9: {  	s3 =	ssub.s32 s3, s7;
	s17 =	sor.u32 $0x81, s8;
	s19 =	sor.u32 $0x101, s8  }
0xa: {  	s24 =	sor.u32 $0x181, s8;
	s26 =	sor.u32 $0x41, s8;
	s5 =	sor.u32 s4, s5  }
0xb: {  	s4 =	sadd.s32 $0x33800, s0;
	s18 =	sshrl.u32 s17, $0x3;
	s11 =	sshrl.u32 s19, $0x3  }
0xc: {  	s25 =	sshrl.u32 s24, $0x3;
	s12 =	sshrl.u32 s26, $0x3;
	s14 =	sshrl.u32 s5, $0x3  }
0xd: {  	s16 =	sadd.s32 $0x13C000, s5;
	s11 =	smul.u32 $0x13C00, s11;
	s20 =	sadd.s32 $0x278000, s5  }
0xe: {  	s23 =	sadd.s32 $0x3B4000, s5;
	s12 =	smul.u32 $0x13C00, s12;
	s13 =	sadd.s32 $0x9E000, s5  }
0xf: {  	s9 =	sadd.s32 s6, s14;
	s15 =	sor.u32 $0x10, s14;
	s7 =	sadd.s32 s4, s14  }
0x10: {  	s14 =	sshrl.u32 s13, $0x3;
	s13 =	simm.s32 $0x7680;
	[dreg:$0x3] =	wrdreg s9  }
0x11: {  	s10 =	sadd.s32 s6, s15;
	[dreg:$0x5] =	wrdreg s7;
	s9 =	sadd.s32 s4, s15  }
0x12: {  	s7 =	sshrl.u32 s16, $0x3;
	s15 =	sor.u32 $0xC1, s8;
	[dreg:$0x4] =	wrdreg s10  }
0x13: {  	[dreg:$0x6] =	wrdreg s9;
	s7 =	sadd.s32 s4, s7;
	s9 =	sshll.u32 s17, $0x7  }
0x14: {  	s10 =	sshll.u32 s19, $0x7;
	s16 =	sshrl.u32 s15, $0x3;
	s17 =	sor.u32 $0x141, s8  }
0x15: {  	s8 =	sor.u32 $0x1C1, s8;
	[dreg:$0x7] =	wrdreg s7;
	s7 =	smul.u32 $0x13C00, s18  }
0x16: {  	s9 =	sand.u32 $0x380, s9;
	s10 =	sand.u32 $0x380, s10;
	s18 =	sshrl.u32 s17, $0x3  }
0x17: {  	s10 =	sor.u32 s10, s11;
	s11 =	sshll.u32 s26, $0x7;
	s7 =	sor.u32 s9, s7  }
0x18: {  	s9 =	sshrl.u32 s20, $0x3;
	s22 =	sshrl.u32 s10, $0x3;
	s10 =	smul.u32 $0x13C00, s25  }
0x19: {  	s11 =	sand.u32 $0x380, s11;
	s20 =	sadd.s32 $0x1DA000, s5;
	s7 =	sshrl.u32 s7, $0x3  }
0x1a: {  	s21 =	sadd.s32 s4, s9;
	s9 =	sshll.u32 s24, $0x7;
	s7 =	sadd.s32 s4, s7  }
0x1b: {  	[dreg:$0x9] =	wrdreg s21;
	s9 =	sand.u32 $0x380, s9;
	s21 =	sshrl.u32 s8, $0x3  }
0x1c: {  	s8 =	sshll.u32 s8, $0x7;
	[dreg:$0x8] =	wrdreg s7;
	s7 =	sadd.s32 s4, s22  }
0x1d: {  	s10 =	sor.u32 s9, s10;
	s9 =	sor.u32 s11, s12;
	s11 =	smul.u32 $0x13C00, s18  }
0x1e: {  	s8 =	sand.u32 $0x380, s8;
	s12 =	simm.s32 $0x2780;
	[dreg:$0xa] =	wrdreg s7  }
0x1f: {  	s7 =	sshrl.u32 s23, $0x3;
	s9 =	sshrl.u32 s9, $0x3;
	s23 =	sadd.s32 $0x316000, s5  }
0x20: {  	s5 =	sadd.s32 $0x452000, s5;
	s7 =	sadd.s32 s4, s7;
	s24 =	sshrl.u32 s23, $0x3  }
0x21: {  	[dreg:$0xb] =	wrdreg s7;
	s7 =	sshrl.u32 s10, $0x3;
	s10 =	sadd.s32 s6, s14  }
0x22: {  	s5 =	sshrl.u32 s5, $0x3;
	s6 =	sadd.s32 s6, s9;
	[dreg:$0xd] =	wrdreg s10  }
0x23: {  	s9 =	sadd.s32 s4, s9;
	s5 =	sadd.s32 s4, s5;
	[dreg:$0xe] =	wrdreg s6  }
0x24: {  	s7 =	sadd.s32 s4, s7;
	s6 =	sshll.u32 s15, $0x7;
	[dreg:$0x10] =	wrdreg s9  }
0x25: {  	s10 =	sshll.u32 s17, $0x7;
	[dreg:$0x15] =	wrdreg s5;
	s5 =	simm.s32 $0x1  }
0x26: {  	s9 =	simm.s32 $0xC580;
	s15 =	simm.s32 $0x0;
	[dreg:$0xc] =	wrdreg s7  }
0x27: {  	s7 =	sadd.s32 s4, s14;
	s19 =	sand.u32 $0x380, s10;
	s10 =	sshrl.u32 s20, $0x3  }
0x28: {  	[dreg:$0xf] =	wrdreg s7;
	s7 =	smul.u32 $0x13C00, s16;
	s22 =	sadd.s32 s4, s10  }
0x29: {  	s6 =	sand.u32 $0x380, s6;
	s20 =	simm.s32 $0x16380;
	[dreg:$0x11] =	wrdreg s22  }
0x2a: {  	s6 =	sor.u32 s6, s7;
	s7 =	sor.u32 s19, s11;
	s11 =	smul.u32 $0x13C00, s21  }
0x2b: {  	s14 =	simm.s32 $0x18B00;
	s10 =	simm.s32 $0x11480;
	s21 =	rddreg [dreg:$0x1]  }
0x2c: {  	s6 =	sshrl.u32 s6, $0x3;
	s7 =	sshrl.u32 s7, $0x3;
	s8 =	sor.u32 s8, s11  }
0x2d: {  	s6 =	sadd.s32 s4, s6;
	s25 =	sadd.s32 s4, s7;
	s7 =	simm.s32 $0x9E00  }
0x2e: {  	s11 =	simm.s32 $0x4F00;
	[dreg:$0x12] =	wrdreg s6;
	s6 =	sadd.s32 s4, s24  }
.Ltmp0:
0x2f: {  	[dreg:$0x14] =	wrdreg s25;
	s26 =	sshrl.u32 s8, $0x3;
	(pc) =	sbr.rel .LBB2_1-.Ltmp0, $4  }
0x30: {  	s24 =	sadd.s32 $0x29A00, s0;
	s25 =	sadd.s32 $0xD1800, s0;
	s8 =	simm.s32 $0xED00  }
0x31: {  	s0 =	simm.s32 $0x3;
	[dreg:$0x13] =	wrdreg s6;
	s4 =	sadd.s32 s4, s26  }
0x32: {  	v0 =	vimm.f32 $0.0e+00;
	v1 =	vimm.f32 $-3.000000010e+38;
	s26 =	smax.u32 s3, $0x1;
	s3 =	simm.s32 $0x1C280;
	[dreg:$0x16] =	wrdreg s4  }
0x33: {  	v2 =	vimm.f32 $3.000000010e+38;
	vm0 =	vmmov $0xffff;
	v3 =	vimm.f32 $1.000000000e+00;
	s6 =	simm.s32 $0x2;
	s4 =	simm.s32 $0x1CA80;
	_ =	strace $0x80000047  }
.LBB2_182:
0x34: {  	s16 =	rddreg [dreg:$0xf]  }
0x35: {  	[hbm4b:s16+s28] =	stream.strided.scatter [tilespmem:s1], [sflag:$0x5], $0x2780, s29, s28, $0x38;
	[tilespmem:$0x1D280] =	vst v63  }
0x36: {  	_ =	swait.ge [sflag:s31], $0x2780  }
0x37: {  	[sflag:s31] =	ssyncset.done $0x0  }
0x38: {  	s22 =	rddreg [dreg:$0x10];
	[sflag:s31] =	ssyncadd.s32 $0xFFFFD880  }
0x39: {  	[hbm4b:s22+s28] =	stream.strided.scatter [tilespmem:s12], [sflag:$0x5], $0x2780, s29, s28, $0x38;
	[tilespmem:$0x1D280] =	vst v63  }
0x3a: {  	_ =	swait.ge [sflag:s31], $0x2780  }
0x3b: {  	[sflag:s31] =	ssyncset.done $0x0  }
0x3c: {  	s23 =	rddreg [dreg:$0x11];
	[sflag:s31] =	ssyncadd.s32 $0xFFFFD880  }
0x3d: {  	[hbm4b:s23+s28] =	stream.strided.scatter [tilespmem:s11], [sflag:$0x5], $0x2780, s29, s28, $0x38;
	[tilespmem:$0x1D280] =	vst v63  }
0x3e: {  	_ =	swait.ge [sflag:s31], $0x2780  }
0x3f: {  	[sflag:s31] =	ssyncset.done $0x0  }
0x40: {  	s17 =	rddreg [dreg:$0x12];
	[sflag:s31] =	ssyncadd.s32 $0xFFFFD880  }
0x41: {  	[hbm4b:s17+s28] =	stream.strided.scatter [tilespmem:s13], [sflag:$0x5], $0x2780, s29, s28, $0x38;
	[tilespmem:$0x1D280] =	vst v63  }
0x42: {  	_ =	swait.ge [sflag:s31], $0x2780  }
0x43: {  	[sflag:s31] =	ssyncset.done $0x0  }
0x44: {  	s18 =	rddreg [dreg:$0x13];
	[sflag:s31] =	ssyncadd.s32 $0xFFFFD880  }
0x45: {  	[hbm4b:s18+s28] =	stream.strided.scatter [tilespmem:s7], [sflag:$0x5], $0x2780, s29, s28, $0x38;
	[tilespmem:$0x1D280] =	vst v63  }
0x46: {  	_ =	swait.ge [sflag:s31], $0x2780  }
0x47: {  	[sflag:s31] =	ssyncset.done $0x0  }
0x48: {  	s19 =	rddreg [dreg:$0x14];
	[sflag:s31] =	ssyncadd.s32 $0xFFFFD880  }
0x49: {  	[hbm4b:s19+s28] =	stream.strided.scatter [tilespmem:s9], [sflag:$0x5], $0x2780, s29, s28, $0x38;
	[tilespmem:$0x1D280] =	vst v63  }
0x4a: {  	_ =	swait.ge [sflag:s31], $0x2780  }
0x4b: {  	[sflag:s31] =	ssyncset.done $0x0  }
0x4c: {  	s22 =	rddreg [dreg:$0x15];
	[sflag:s31] =	ssyncadd.s32 $0xFFFFD880  }
0x4d: {  	[hbm4b:s22+s28] =	stream.strided.scatter [tilespmem:s8], [sflag:$0x5], $0x2780, s29, s28, $0x38;
	[tilespmem:$0x1D280] =	vst v63  }
0x4e: {  	s15 =	sadd.s32 $0x1, s15;
	_ =	swait.ge [sflag:s31], $0x2780  }
0x4f: {  	p1 =	sne.s32 s15, s26;
	[sflag:s31] =	ssyncset.done $0x0  }
.Ltmp1:
0x50: {  	s23 =	rddreg [dreg:$0x16];
	[sflag:s31] =	ssyncadd.s32 $0xFFFFD880;
	(pc) =	sbr.rel @!p1 .LBB2_183-.Ltmp1, $4  }
0x51: {  	[hbm4b:s23+s28] =	stream.strided.scatter [tilespmem:s10], [sflag:$0x5], $0x2780, s29, s28, $0x38;
	[tilespmem:$0x1D280] =	vst v63  }
0x52: {  	_ =	swait.ge [sflag:s31], $0x2780  }
0x53: {  	[sflag:s31] =	ssyncset.done $0x0  }
0x54: {  	[sflag:s31] =	ssyncadd.s32 $0xFFFFD880  }
.LBB2_1:
0x55: {  	s16 =	rddreg [dreg:$0x3]  }
0x56: {  	[tilespmem:s30], [sflag:$0x5] =	stream.strided.gather [hbm4b:s16+s28], $0x2780, s29, s28, $0x38;
	[tilespmem:$0x1D280] =	vst v63  }
0x57: {  	_ =	swait.ge [sflag:s31], $0x2780  }
0x58: {  	[sflag:s31] =	ssyncset.done $0x0  }
0x59: {  	s23 =	rddreg [dreg:$0x4];
	[sflag:s31] =	ssyncadd.s32 $0xFFFFD880  }
0x5a: {  	[tilespmem:s20], [sflag:$0x5] =	stream.strided.gather [hbm4b:s23+s28], $0x2780, s29, s28, $0x38;
	[tilespmem:$0x1D280] =	vst v63  }
0x5b: {  	_ =	swait.ge [sflag:s31], $0x2780  }
0x5c: {  	[sflag:s31] =	ssyncset.done $0x0  }
0x5d: {  	s17 =	simm.s32 $0x40;
	s16 =	simm.s32 $0x0;
	[sflag:s31] =	ssyncadd.s32 $0xFFFFD880  }
.LBB2_2:
0x5e: {  	p1 =	sne.s32 s17, $0x9C00;
	[tilespmem:s16+$0x18B00] =	vst v0  }
0x5f: {  	[tilespmem:s16+$0x0] =	vst v0  }
0x60: {  	[tilespmem:s16+$0x2780] =	vst v0  }
0x61: {  	[tilespmem:s16+$0x4F00] =	vst v0  }
.Ltmp2:
0x62: {  	[tilespmem:s16+$0x7680] =	vst v0;
	(pc) =	sbr.rel @p1 .LBB2_2-.Ltmp2, $4  }
0x63: {  	[tilespmem:s16+$0x9E00] =	vst v1  }
0x64: {  	[tilespmem:s16+$0xC580] =	vst v1  }
0x65: {  	[tilespmem:s16+$0xED00] =	vst v2  }
0x66: {  	[tilespmem:s16+$0x11480] =	vst v2;
	s16 =	sshra.s32 s17, $0x2;
	s17 =	sadd.s32 $0x40, s17  }
0x67: {  	[tilespmem:s16+$0x18B00] =	vst v0  }
0x68: {  	[tilespmem:s16+$0x0] =	vst v0  }
0x69: {  	[tilespmem:s16+$0x2780] =	vst v0  }
0x6a: {  	[tilespmem:s16+$0x4F00] =	vst v0  }
0x6b: {  	[tilespmem:s16+$0x7680] =	vst v0  }
0x6c: {  	[tilespmem:s16+$0x9E00] =	vst v1  }
0x6d: {  	[tilespmem:s16+$0xC580] =	vst v1  }
.Ltmp3:
0x6e: {  	[tilespmem:s16+$0xED00] =	vst v2;
	(pc) =	sbr.rel .LBB2_4-.Ltmp3, $4  }
0x6f: {  	[tilespmem:s16+$0x11480] =	vst v2;
	s16 =	simm.s32 $0x0;
	s17 =	simm.s32 $0x1B280  }
0x70: {  	[tilespmem:s17], [sflag:$0x1] =	stream.linear.gather [hbm4b:s24+s16], $0x7D0, $0x38;
	[tilespmem:$0x1D280] =	vst v63  }
0x71: {  	s23 =	simm.s32 $0x1BA80;
	s17 =	simm.s32 $0x0  }
0x72: {  	[tilespmem:s23], [sflag:$0x2] =	stream.linear.gather [hbm4b:s21+s16], $0x7D0, $0x38;
	[tilespmem:$0x1D280] =	vst v63  }
.LBB2_91:
.Ltmp4:
0x73: {  	(pc) =	sbr.rel @!p0 .LBB2_92-.Ltmp4, $1  }
0x74: {  	_ =	sdelay $0x3  }
.LBB2_95:
0x75: {  	s17 =	sadd.s32 $0x1, s17  }
0x76: {  	p1 =	sne.s32 s17, $0x50  }
.Ltmp5:
0x77: {  	_ = 	snop;
	(pc) =	sbr.rel @!p1 .LBB2_96-.Ltmp5, $1  }
0x78: {  	_ =	sdelay $0x3  }
.LBB2_4:
0x79: {  	s18 =	smul.u32 $0xFA0, s17;
	_ =	sdelay $0x1  }
0x7a: {  	s19 =	sshrl.u32 s18, $0x3  }
0x7b: {  	s19 =	sadd.s32 $0xFA, s19  }
0x7c: {  	s22 =	sadd.s32 s24, s19  }
0x7d: {  	[tilespmem:s3], [sflag:$0x3] =	stream.linear.gather [hbm4b:s22+s16], $0x7D0, $0x38;
	[tilespmem:$0x1D280] =	vst v63  }
0x7e: {  	s19 =	sadd.s32 s21, s19  }
0x7f: {  	[tilespmem:s4], [sflag:$0x4] =	stream.linear.gather [hbm4b:s19+s16], $0x7D0, $0x38;
	[tilespmem:$0x1D280] =	vst v63  }
0x80: {  	_ =	swait.ge [sflag:s5], $0x7D0  }
.Ltmp6:
0x81: {  	[sflag:s5] =	ssyncset.done $0x0;
	(pc) =	sbr.rel .LBB2_5-.Ltmp6, $4  }
0x82: {  	[sflag:s5] =	ssyncadd.s32 $0xFFFFF830  }
0x83: {  	_ =	swait.ge [sflag:s6], $0x7D0  }
0x84: {  	[sflag:s6] =	ssyncset.done $0x0  }
0x85: {  	s19 =	simm.s32 $0x0;
	[sflag:s6] =	ssyncadd.s32 $0xFFFFF830  }
.LBB2_45:
0x86: {  	s19 =	sadd.s32 $0x1, s19  }
0x87: {  	p1 =	sne.s32 s19, $0x19  }
.Ltmp7:
0x88: {  	_ = 	snop;
	(pc) =	sbr.rel @!p1 .LBB2_46-.Ltmp7, $1  }
0x89: {  	_ =	sdelay $0x3  }
.LBB2_5:
0x8a: {  	s22 =	smul.u32 $0x50, s19;
	_ =	sdelay $0x1  }
0x8b: {  	v5 =	vld [tilespmem:s22+$0x1B280]  }
0x8c: {  	v16 =	vld [tilespmem:s22+$0x1BA80]  }
0x8d: {  	v6 =	vld [tilespmem:s22+$0x1B290]  }
0x8e: {  	v13 =	vld [tilespmem:s22+$0x1BA90]  }
0x8f: {  	v8 =	vld [tilespmem:s22+$0x1B2A0]  }
0x90: {  	v10 =	vld [tilespmem:s22+$0x1BAA0]  }
0x91: {  	v19 =	vld [tilespmem:s22+$0x1B2B0]  }
0x92: {  	v7 =	vld [tilespmem:s22+$0x1BAB0]  }
0x93: {  	v20 =	vld [tilespmem:s22+$0x1B2C0]  }
0x94: {  	v4 =	vld [tilespmem:s22+$0x1BAC0]  }
0x95: {  	v18 =	vld.idx.msk [tilespmem:v5+s30+$0x0], $0xffff  }
0x96: {  	v17 =	vld.idx.msk [tilespmem:v5+s20+$0x0], $0xffff  }
0x97: {  	v15 =	vld.idx.msk [tilespmem:v6+s30+$0x0], $0xffff  }
0x98: {  	v14 =	vld.idx.msk [tilespmem:v6+s20+$0x0], $0xffff  }
0x99: {  	v12 =	vld.idx.msk [tilespmem:v8+s30+$0x0], $0xffff  }
0x9a: {  	v11 =	vld.idx.msk [tilespmem:v8+s20+$0x0], $0xffff  }
0x9b: {  	v9 =	vld.idx.msk [tilespmem:v19+s30+$0x0], $0xffff  }
0x9c: {  	v5 =	vld.idx.msk [tilespmem:v16+s7+$0x0], $0xffff  }
0x9d: {  	v21 =	vld.idx.msk [tilespmem:v16+s8+$0x0], $0xffff  }
0x9e: {  	v22 =	vld.idx.msk [tilespmem:v16+s9+$0x0], $0xffff  }
0x9f: {  	v23 =	vld.idx.msk [tilespmem:v16+s10+$0x0], $0xffff  }
0xa0: {  	v8 =	vld.idx.msk [tilespmem:v19+s20+$0x0], $0xffff  }
0xa1: {  	v6 =	vld.idx.msk [tilespmem:v20+s30+$0x0], $0xffff;
	vm1 =	vgt.f32 v18, v5  }
0xa2: {  	v5 =	vld.idx.msk [tilespmem:v20+s20+$0x0], $0xffff;
	v19 =	vmul.f32 v18, v18;
	vm2 =	vlt.f32 v18, v21  }
0xa3: {  	(xrf1) =	vunique.msk.u32 $0xffff, v16;
	[tilespmem:v16+s1+$0x0] =	vst.idx.add.f32.msk $0xffff, v18;
	vm3 =	vgt.f32 v17, v22  }
0xa4: {  	(xrf1) =	vunique.msk.u32 $0xffff, v13;
	vm4 =	vlt.f32 v17, v23;
	[tilespmem:v16+s11+$0x0] =	vst.idx.add.f32.msk $0xffff, v19;
	v19 =	vmul.f32 v17, v17  }
0xa5: {  	[tilespmem:v16+s12+$0x0] =	vst.idx.add.f32.msk $0xffff, v17  }
0xa6: {  	[tilespmem:v16+s13+$0x0] =	vst.idx.add.f32.msk $0xffff, v19  }
0xa7: {  	[tilespmem:v16+s7+$0x0] =	vst.idx.msk vm1, v18  }
0xa8: {  	(xrf1) =	vunique.msk.u32 $0xffff, v10;
	[tilespmem:v16+s8+$0x0] =	vst.idx.msk vm2, v18  }
0xa9: {  	[tilespmem:v16+s9+$0x0] =	vst.idx.msk vm3, v17  }
0xaa: {  	(xrf1) =	vunique.msk.u32 $0xffff, v7;
	[tilespmem:v16+s10+$0x0] =	vst.idx.msk vm4, v17  }
0xab: {  	v19 =	vld.idx.msk [tilespmem:v13+s7+$0x0], $0xffff  }
0xac: {  	(xrf1) =	vunique.msk.u32 $0xffff, v4;
	v20 =	vld.idx.msk [tilespmem:v13+s8+$0x0], $0xffff;
	_ =	sdelay $0x1  }
0xad: {  	v55 =	vld.idx.msk [tilespmem:v13+s9+$0x0], $0xffff  }
0xae: {  	v56 =	vld.idx.msk [tilespmem:v13+s10+$0x0], $0xffff  }
0xaf: {  	vm1 =	vgt.f32 v15, v19;
	v19 =	vmul.f32 v15, v15  }
0xb0: {  	[tilespmem:v13+s1+$0x0] =	vst.idx.add.f32.msk $0xffff, v15;
	vm2 =	vlt.f32 v15, v20;
	_, v20, vm5 =	vpop (xrf1)  }
0xb1: {  	_, v20, vm10 =	vpop (xrf1);
	[tilespmem:v13+s11+$0x0] =	vst.idx.add.f32.msk $0xffff, v19;
	v19 =	vmul.f32 v14, v14  }
0xb2: {  	vm3 =	vgt.f32 v14, v55;
	v20 =	vmpcnt.ones.xlane vm10;
	[tilespmem:v13+s12+$0x0] =	vst.idx.add.f32.msk $0xffff, v14  }
0xb3: {  	vm9 =	vlt.f32 v14, v56;
	[tilespmem:v13+s13+$0x0] =	vst.idx.add.f32.msk $0xffff, v19;
	v19 =	vmpcnt.ones.xlane vm5;
	_ =	sdelay $0x1  }
0xb4: {  	[tilespmem:v13+s7+$0x0] =	vst.idx.msk vm1, v15;
	_, v57, vm1 =	vpop (xrf1);
	(v2sf) =	vpush v19, $0x0  }
0xb5: {  	(v2sf) =	vpush v20, $0x0;
	v19 =	vmpcnt.ones.xlane vm1  }
0xb6: {  	[tilespmem:v13+s8+$0x0] =	vst.idx.msk vm2, v15;
	_, v20, vm1 =	vpop (xrf1)  }
0xb7: {  	[tilespmem:v13+s9+$0x0] =	vst.idx.msk vm3, v14;
	(v2sf) =	vpush v19, $0x0;
	v19 =	vmpcnt.ones.xlane vm1  }
0xb8: {  	[tilespmem:v13+s10+$0x0] =	vst.idx.msk vm9, v14;
	_, v59, vm1 =	vpop (xrf1)  }
0xb9: {  	v20 =	vld.idx.msk [tilespmem:v10+s7+$0x0], $0xffff;
	(v2sf) =	vpush v19, $0x0;
	v19 =	vmpcnt.ones.xlane vm1  }
0xba: {  	v21 =	vld.idx.msk [tilespmem:v10+s8+$0x0], $0xffff  }
0xbb: {  	v58 =	vld.idx.msk [tilespmem:v10+s9+$0x0], $0xffff;
	(v2sf) =	vpush v19, $0x0  }
0xbc: {  	v23 =	vld.idx.msk [tilespmem:v10+s10+$0x0], $0xffff;
	_ =	sdelay $0x1  }
0xbd: {  	vm1 =	vgt.f32 v12, v20  }
0xbe: {  	v19 =	vmul.f32 v12, v12;
	vm2 =	vlt.f32 v12, v21  }
0xbf: {  	[tilespmem:v10+s1+$0x0] =	vst.idx.add.f32.msk $0xffff, v12;
	vm3 =	vgt.f32 v11, v58  }
0xc0: {  	[tilespmem:v10+s11+$0x0] =	vst.idx.add.f32.msk $0xffff, v19;
	v19 =	vmul.f32 v11, v11;
	vm11 =	vlt.f32 v11, v23  }
0xc1: {  	[tilespmem:v10+s12+$0x0] =	vst.idx.add.f32.msk $0xffff, v11  }
0xc2: {  	[tilespmem:v10+s13+$0x0] =	vst.idx.add.f32.msk $0xffff, v19;
	s22 =	spop (v2sf)  }
0xc3: {  	[tilespmem:v10+s7+$0x0] =	vst.idx.msk vm1, v12;
	s23 =	spop (v2sf);
	p1 =	slt.s32 s22, $0x10  }
0xc4: {  	[tilespmem:v10+s8+$0x0] =	vst.idx.msk vm2, v12;
	p2 =	slt.s32 @!p1 s23, $0x10  }
0xc5: {  	[tilespmem:v10+s9+$0x0] =	vst.idx.msk vm3, v11;
	s22 =	spop (v2sf);
	p1 =	por p1, p2  }
0xc6: {  	[tilespmem:v10+s10+$0x0] =	vst.idx.msk vm11, v11;
	p2 =	slt.s32 @!p1 s22, $0x10  }
0xc7: {  	v19 =	vld.idx.msk [tilespmem:v7+s7+$0x0], $0xffff;
	s22 =	spop (v2sf);
	p1 =	por p1, p2  }
0xc8: {  	v20 =	vld.idx.msk [tilespmem:v7+s8+$0x0], $0xffff;
	p2 =	slt.s32 @!p1 s22, $0x10  }
0xc9: {  	s22 =	spop (v2sf);
	p1 =	por p1, p2  }
0xca: {  	v60 =	vld.idx.msk [tilespmem:v7+s9+$0x0], $0xffff;
	p2 =	sgt.s32 @!p1 s22, $0xF  }
0xcb: {  	v61 =	vld.idx.msk [tilespmem:v7+s10+$0x0], $0xffff;
	p1 =	por p1, !p2  }
0xcc: {  	vm1 =	vmmov @p1 $0xffff  }
0xcd: {  	vm2 =	vgt.f32 v9, v19;
	vm3 =	vlt.f32 v9, v20;
	v20 =	vmpcnt.ones.xlane @p1 vm1  }
0xce: {  	v19 =	vmul.f32 v9, v9  }
0xcf: {  	[tilespmem:v7+s1+$0x0] =	vst.idx.add.f32.msk $0xffff, v9;
	vm12 =	vgt.f32 v8, v60;
	(v2sf) =	vpush @p1 v20, $0x0  }
0xd0: {  	vm13 =	vlt.f32 v8, v61;
	[tilespmem:v7+s11+$0x0] =	vst.idx.add.f32.msk $0xffff, v19;
	v19 =	vmul.f32 v8, v8  }
0xd1: {  	[tilespmem:v7+s12+$0x0] =	vst.idx.add.f32.msk $0xffff, v8  }
0xd2: {  	[tilespmem:v7+s13+$0x0] =	vst.idx.add.f32.msk $0xffff, v19  }
0xd3: {  	[tilespmem:v7+s7+$0x0] =	vst.idx.msk vm2, v9  }
0xd4: {  	[tilespmem:v7+s8+$0x0] =	vst.idx.msk vm3, v9  }
0xd5: {  	[tilespmem:v7+s9+$0x0] =	vst.idx.msk vm12, v8  }
0xd6: {  	[tilespmem:v7+s10+$0x0] =	vst.idx.msk vm13, v8  }
0xd7: {  	v19 =	vld.idx.msk [tilespmem:v4+s7+$0x0], $0xffff  }
0xd8: {  	v20 =	vld.idx.msk [tilespmem:v4+s8+$0x0], $0xffff  }
0xd9: {  	v62 =	vld.idx.msk [tilespmem:v4+s9+$0x0], $0xffff  }
0xda: {  	v63 =	vld.idx.msk [tilespmem:v4+s10+$0x0], $0xffff;
	_ =	sdelay $0x1  }
0xdb: {  	vm2 =	vgt.f32 v6, v19  }
0xdc: {  	v19 =	vmul.f32 v6, v6;
	vm3 =	vlt.f32 v6, v20  }
0xdd: {  	[tilespmem:v4+s1+$0x0] =	vst.idx.add.f32.msk $0xffff, v6;
	vm14 =	vgt.f32 v5, v62;
	s22 =	spop @p1 (v2sf)  }
0xde: {  	vm15 =	vlt.f32 v5, v63;
	[tilespmem:v4+s11+$0x0] =	vst.idx.add.f32.msk $0xffff, v19;
	v19 =	vmul.f32 v5, v5;
	p2 =	slt.s32 @p1 s22, $0x1  }
0xdf: {  	[tilespmem:v4+s12+$0x0] =	vst.idx.add.f32.msk $0xffff, v5;
	p1 =	por !p1, p2  }
.Ltmp8:
0xe0: {  	[tilespmem:v4+s13+$0x0] =	vst.idx.add.f32.msk $0xffff, v19;
	(pc) =	sbr.rel @p1 .LBB2_45-.Ltmp8, $4  }
0xe1: {  	[tilespmem:v4+s7+$0x0] =	vst.idx.msk vm2, v6  }
0xe2: {  	[tilespmem:v4+s8+$0x0] =	vst.idx.msk vm3, v6  }
0xe3: {  	[tilespmem:v4+s9+$0x0] =	vst.idx.msk vm14, v5  }
0xe4: {  	[tilespmem:v4+s10+$0x0] =	vst.idx.msk vm15, v5  }
.LBB2_6:
0xe5: {  	v19 =	vld.idx.msk [tilespmem:v16+s7+$0x0], $0xffff;
	_ =	sdelay $0x4  }
0xe6: {  	v19 =	vmax.f32 v19, v18  }
0xe7: {  	[tilespmem:v16+s7+$0x0] =	vst.idx.msk vm1, v19  }
0xe8: {  	v19 =	vld.idx.msk [tilespmem:v16+s7+$0x0], $0xffff;
	_ =	sdelay $0x4  }
0xe9: {  	vm2 =	vlt.f32 v19, v18  }
0xea: {  	vm1 =	vmand vm1, vm2  }
0xeb: {  	v19 =	vmpcnt.ones.xlane vm1;
	_ =	sdelay $0x1  }
0xec: {  	(v2sf) =	vpush v19, $0x0;
	_ =	sdelay $0xe  }
0xed: {  	s22 =	spop (v2sf)  }
0xee: {  	p1 =	sgt.s32 s22, $0x0  }
.Ltmp9:
0xef: {  	_ = 	snop;
	(pc) =	sbr.rel @p1 .LBB2_6-.Ltmp9, $1  }
0xf0: {  	_ =	sdelay $0x3  }
0xf1: {  	vm1 =	vmmov vm0  }
.LBB2_8:
0xf2: {  	v19 =	vld.idx.msk [tilespmem:v16+s8+$0x0], $0xffff;
	_ =	sdelay $0x4  }
0xf3: {  	v19 =	vmin.f32 v19, v18  }
0xf4: {  	[tilespmem:v16+s8+$0x0] =	vst.idx.msk vm1, v19  }
0xf5: {  	v19 =	vld.idx.msk [tilespmem:v16+s8+$0x0], $0xffff;
	_ =	sdelay $0x4  }
0xf6: {  	vm2 =	vgt.f32 v19, v18  }
0xf7: {  	vm1 =	vmand vm1, vm2  }
0xf8: {  	v19 =	vmpcnt.ones.xlane vm1;
	_ =	sdelay $0x1  }
0xf9: {  	(v2sf) =	vpush v19, $0x0;
	_ =	sdelay $0xe  }
0xfa: {  	s22 =	spop (v2sf)  }
0xfb: {  	p1 =	sgt.s32 s22, $0x0  }
.Ltmp10:
0xfc: {  	_ = 	snop;
	(pc) =	sbr.rel @p1 .LBB2_8-.Ltmp10, $1  }
0xfd: {  	_ =	sdelay $0x3  }
0xfe: {  	vm1 =	vmmov vm0  }
.LBB2_10:
0xff: {  	v18 =	vld.idx.msk [tilespmem:v16+s9+$0x0], $0xffff;
	_ =	sdelay $0x4  }
0x100: {  	v18 =	vmax.f32 v18, v17  }
0x101: {  	[tilespmem:v16+s9+$0x0] =	vst.idx.msk vm1, v18  }
0x102: {  	v18 =	vld.idx.msk [tilespmem:v16+s9+$0x0], $0xffff;
	_ =	sdelay $0x4  }
0x103: {  	vm2 =	vlt.f32 v18, v17  }
0x104: {  	vm1 =	vmand vm1, vm2  }
0x105: {  	v18 =	vmpcnt.ones.xlane vm1;
	_ =	sdelay $0x1  }
0x106: {  	(v2sf) =	vpush v18, $0x0;
	_ =	sdelay $0xe  }
0x107: {  	s22 =	spop (v2sf)  }
0x108: {  	p1 =	sgt.s32 s22, $0x0  }
.Ltmp11:
0x109: {  	_ = 	snop;
	(pc) =	sbr.rel @p1 .LBB2_10-.Ltmp11, $1  }
0x10a: {  	_ =	sdelay $0x3  }
0x10b: {  	vm1 =	vmmov vm0  }
.LBB2_12:
0x10c: {  	v18 =	vld.idx.msk [tilespmem:v16+s10+$0x0], $0xffff;
	_ =	sdelay $0x4  }
0x10d: {  	v18 =	vmin.f32 v18, v17  }
0x10e: {  	[tilespmem:v16+s10+$0x0] =	vst.idx.msk vm1, v18  }
0x10f: {  	v18 =	vld.idx.msk [tilespmem:v16+s10+$0x0], $0xffff;
	_ =	sdelay $0x4  }
0x110: {  	vm2 =	vgt.f32 v18, v17  }
0x111: {  	vm1 =	vmand vm1, vm2  }
0x112: {  	v18 =	vmpcnt.ones.xlane vm1;
	_ =	sdelay $0x1  }
0x113: {  	(v2sf) =	vpush v18, $0x0;
	_ =	sdelay $0xe  }
0x114: {  	s22 =	spop (v2sf)  }
0x115: {  	p1 =	sgt.s32 s22, $0x0  }
.Ltmp12:
0x116: {  	_ = 	snop;
	(pc) =	sbr.rel @p1 .LBB2_12-.Ltmp12, $1  }
0x117: {  	_ =	sdelay $0x3  }
0x118: {  	vm1 =	vmmov vm0  }
.LBB2_14:
0x119: {  	v16 =	vld.idx.msk [tilespmem:v13+s7+$0x0], $0xffff;
	_ =	sdelay $0x4  }
0x11a: {  	v16 =	vmax.f32 v16, v15  }
0x11b: {  	[tilespmem:v13+s7+$0x0] =	vst.idx.msk vm1, v16  }
0x11c: {  	v16 =	vld.idx.msk [tilespmem:v13+s7+$0x0], $0xffff;
	_ =	sdelay $0x4  }
0x11d: {  	vm2 =	vlt.f32 v16, v15  }
0x11e: {  	vm1 =	vmand vm1, vm2  }
0x11f: {  	v16 =	vmpcnt.ones.xlane vm1;
	_ =	sdelay $0x1  }
0x120: {  	(v2sf) =	vpush v16, $0x0;
	_ =	sdelay $0xe  }
0x121: {  	s22 =	spop (v2sf)  }
0x122: {  	p1 =	sgt.s32 s22, $0x0  }
.Ltmp13:
0x123: {  	_ = 	snop;
	(pc) =	sbr.rel @p1 .LBB2_14-.Ltmp13, $1  }
0x124: {  	_ =	sdelay $0x3  }
0x125: {  	vm1 =	vmmov vm0  }
.LBB2_16:
0x126: {  	v16 =	vld.idx.msk [tilespmem:v13+s8+$0x0], $0xffff;
	_ =	sdelay $0x4  }
0x127: {  	v16 =	vmin.f32 v16, v15  }
0x128: {  	[tilespmem:v13+s8+$0x0] =	vst.idx.msk vm1, v16  }
0x129: {  	v16 =	vld.idx.msk [tilespmem:v13+s8+$0x0], $0xffff;
	_ =	sdelay $0x4  }
0x12a: {  	vm2 =	vgt.f32 v16, v15  }
0x12b: {  	vm1 =	vmand vm1, vm2  }
0x12c: {  	v16 =	vmpcnt.ones.xlane vm1;
	_ =	sdelay $0x1  }
0x12d: {  	(v2sf) =	vpush v16, $0x0;
	_ =	sdelay $0xe  }
0x12e: {  	s22 =	spop (v2sf)  }
0x12f: {  	p1 =	sgt.s32 s22, $0x0  }
.Ltmp14:
0x130: {  	_ = 	snop;
	(pc) =	sbr.rel @p1 .LBB2_16-.Ltmp14, $1  }
0x131: {  	_ =	sdelay $0x3  }
0x132: {  	vm1 =	vmmov vm0  }
.LBB2_18:
0x133: {  	v15 =	vld.idx.msk [tilespmem:v13+s9+$0x0], $0xffff;
	_ =	sdelay $0x4  }
0x134: {  	v15 =	vmax.f32 v15, v14  }
0x135: {  	[tilespmem:v13+s9+$0x0] =	vst.idx.msk vm1, v15  }
0x136: {  	v15 =	vld.idx.msk [tilespmem:v13+s9+$0x0], $0xffff;
	_ =	sdelay $0x4  }
0x137: {  	vm2 =	vlt.f32 v15, v14  }
0x138: {  	vm1 =	vmand vm1, vm2  }
0x139: {  	v15 =	vmpcnt.ones.xlane vm1;
	_ =	sdelay $0x1  }
0x13a: {  	(v2sf) =	vpush v15, $0x0;
	_ =	sdelay $0xe  }
0x13b: {  	s22 =	spop (v2sf)  }
0x13c: {  	p1 =	sgt.s32 s22, $0x0  }
.Ltmp15:
0x13d: {  	_ = 	snop;
	(pc) =	sbr.rel @p1 .LBB2_18-.Ltmp15, $1  }
0x13e: {  	_ =	sdelay $0x3  }
0x13f: {  	vm1 =	vmmov vm0  }
.LBB2_20:
0x140: {  	v15 =	vld.idx.msk [tilespmem:v13+s10+$0x0], $0xffff;
	_ =	sdelay $0x4  }
0x141: {  	v15 =	vmin.f32 v15, v14  }
0x142: {  	[tilespmem:v13+s10+$0x0] =	vst.idx.msk vm1, v15  }
0x143: {  	v15 =	vld.idx.msk [tilespmem:v13+s10+$0x0], $0xffff;
	_ =	sdelay $0x4  }
0x144: {  	vm2 =	vgt.f32 v15, v14  }
0x145: {  	vm1 =	vmand vm1, vm2  }
0x146: {  	v15 =	vmpcnt.ones.xlane vm1;
	_ =	sdelay $0x1  }
0x147: {  	(v2sf) =	vpush v15, $0x0;
	_ =	sdelay $0xe  }
0x148: {  	s22 =	spop (v2sf)  }
0x149: {  	p1 =	sgt.s32 s22, $0x0  }
.Ltmp16:
0x14a: {  	_ = 	snop;
	(pc) =	sbr.rel @p1 .LBB2_20-.Ltmp16, $1  }
0x14b: {  	_ =	sdelay $0x3  }
0x14c: {  	vm1 =	vmmov vm0  }
.LBB2_22:
0x14d: {  	v13 =	vld.idx.msk [tilespmem:v10+s7+$0x0], $0xffff;
	_ =	sdelay $0x4  }
0x14e: {  	v13 =	vmax.f32 v13, v12  }
0x14f: {  	[tilespmem:v10+s7+$0x0] =	vst.idx.msk vm1, v13  }
0x150: {  	v13 =	vld.idx.msk [tilespmem:v10+s7+$0x0], $0xffff;
	_ =	sdelay $0x4  }
0x151: {  	vm2 =	vlt.f32 v13, v12  }
0x152: {  	vm1 =	vmand vm1, vm2  }
0x153: {  	v13 =	vmpcnt.ones.xlane vm1;
	_ =	sdelay $0x1  }
0x154: {  	(v2sf) =	vpush v13, $0x0;
	_ =	sdelay $0xe  }
0x155: {  	s22 =	spop (v2sf)  }
0x156: {  	p1 =	sgt.s32 s22, $0x0  }
.Ltmp17:
0x157: {  	_ = 	snop;
	(pc) =	sbr.rel @p1 .LBB2_22-.Ltmp17, $1  }
0x158: {  	_ =	sdelay $0x3  }
0x159: {  	vm1 =	vmmov vm0  }
.LBB2_24:
0x15a: {  	v13 =	vld.idx.msk [tilespmem:v10+s8+$0x0], $0xffff;
	_ =	sdelay $0x4  }
0x15b: {  	v13 =	vmin.f32 v13, v12  }
0x15c: {  	[tilespmem:v10+s8+$0x0] =	vst.idx.msk vm1, v13  }
0x15d: {  	v13 =	vld.idx.msk [tilespmem:v10+s8+$0x0], $0xffff;
	_ =	sdelay $0x4  }
0x15e: {  	vm2 =	vgt.f32 v13, v12  }
0x15f: {  	vm1 =	vmand vm1, vm2  }
0x160: {  	v13 =	vmpcnt.ones.xlane vm1;
	_ =	sdelay $0x1  }
0x161: {  	(v2sf) =	vpush v13, $0x0;
	_ =	sdelay $0xe  }
0x162: {  	s22 =	spop (v2sf)  }
0x163: {  	p1 =	sgt.s32 s22, $0x0  }
.Ltmp18:
0x164: {  	_ = 	snop;
	(pc) =	sbr.rel @p1 .LBB2_24-.Ltmp18, $1  }
0x165: {  	_ =	sdelay $0x3  }
0x166: {  	vm1 =	vmmov vm0  }
.LBB2_26:
0x167: {  	v12 =	vld.idx.msk [tilespmem:v10+s9+$0x0], $0xffff;
	_ =	sdelay $0x4  }
0x168: {  	v12 =	vmax.f32 v12, v11  }
0x169: {  	[tilespmem:v10+s9+$0x0] =	vst.idx.msk vm1, v12  }
0x16a: {  	v12 =	vld.idx.msk [tilespmem:v10+s9+$0x0], $0xffff;
	_ =	sdelay $0x4  }
0x16b: {  	vm2 =	vlt.f32 v12, v11  }
0x16c: {  	vm1 =	vmand vm1, vm2  }
0x16d: {  	v63 =	vmpcnt.ones.xlane vm1;
	_ =	sdelay $0x1  }
0x16e: {  	(v2sf) =	vpush v63, $0x0;
	_ =	sdelay $0xe  }
0x16f: {  	s22 =	spop (v2sf)  }
0x170: {  	p1 =	sgt.s32 s22, $0x0  }
.Ltmp19:
0x171: {  	_ = 	snop;
	(pc) =	sbr.rel @p1 .LBB2_26-.Ltmp19, $1  }
0x172: {  	_ =	sdelay $0x3  }
0x173: {  	vm1 =	vmmov vm0  }
.LBB2_28:
0x174: {  	v12 =	vld.idx.msk [tilespmem:v10+s10+$0x0], $0xffff;
	_ =	sdelay $0x4  }
0x175: {  	v12 =	vmin.f32 v12, v11  }
0x176: {  	[tilespmem:v10+s10+$0x0] =	vst.idx.msk vm1, v12  }
0x177: {  	v12 =	vld.idx.msk [tilespmem:v10+s10+$0x0], $0xffff;
	_ =	sdelay $0x4  }
0x178: {  	vm2 =	vgt.f32 v12, v11  }
0x179: {  	vm1 =	vmand vm1, vm2  }
0x17a: {  	v63 =	vmpcnt.ones.xlane vm1;
	_ =	sdelay $0x1  }
0x17b: {  	(v2sf) =	vpush v63, $0x0;
	_ =	sdelay $0xe  }
0x17c: {  	s22 =	spop (v2sf)  }
0x17d: {  	p1 =	sgt.s32 s22, $0x0  }
.Ltmp20:
0x17e: {  	_ = 	snop;
	(pc) =	sbr.rel @p1 .LBB2_28-.Ltmp20, $1  }
0x17f: {  	_ =	sdelay $0x3  }
0x180: {  	vm1 =	vmmov vm0  }
.LBB2_30:
0x181: {  	v10 =	vld.idx.msk [tilespmem:v7+s7+$0x0], $0xffff;
	_ =	sdelay $0x4  }
0x182: {  	v10 =	vmax.f32 v10, v9  }
0x183: {  	[tilespmem:v7+s7+$0x0] =	vst.idx.msk vm1, v10  }
0x184: {  	v10 =	vld.idx.msk [tilespmem:v7+s7+$0x0], $0xffff;
	_ =	sdelay $0x4  }
0x185: {  	vm2 =	vlt.f32 v10, v9  }
0x186: {  	vm1 =	vmand vm1, vm2  }
0x187: {  	v10 =	vmpcnt.ones.xlane vm1;
	_ =	sdelay $0x1  }
0x188: {  	(v2sf) =	vpush v10, $0x0;
	_ =	sdelay $0xe  }
0x189: {  	s22 =	spop (v2sf)  }
0x18a: {  	p1 =	sgt.s32 s22, $0x0  }
.Ltmp21:
0x18b: {  	_ = 	snop;
	(pc) =	sbr.rel @p1 .LBB2_30-.Ltmp21, $1  }
0x18c: {  	_ =	sdelay $0x3  }
0x18d: {  	vm1 =	vmmov vm0  }
.LBB2_32:
0x18e: {  	v10 =	vld.idx.msk [tilespmem:v7+s8+$0x0], $0xffff;
	_ =	sdelay $0x4  }
0x18f: {  	v10 =	vmin.f32 v10, v9  }
0x190: {  	[tilespmem:v7+s8+$0x0] =	vst.idx.msk vm1, v10  }
0x191: {  	v10 =	vld.idx.msk [tilespmem:v7+s8+$0x0], $0xffff;
	_ =	sdelay $0x4  }
0x192: {  	vm2 =	vgt.f32 v10, v9  }
0x193: {  	vm1 =	vmand vm1, vm2  }
0x194: {  	v10 =	vmpcnt.ones.xlane vm1;
	_ =	sdelay $0x1  }
0x195: {  	(v2sf) =	vpush v10, $0x0;
	_ =	sdelay $0xe  }
0x196: {  	s22 =	spop (v2sf)  }
0x197: {  	p1 =	sgt.s32 s22, $0x0  }
.Ltmp22:
0x198: {  	_ = 	snop;
	(pc) =	sbr.rel @p1 .LBB2_32-.Ltmp22, $1  }
0x199: {  	_ =	sdelay $0x3  }
0x19a: {  	vm1 =	vmmov vm0  }
.LBB2_34:
0x19b: {  	v9 =	vld.idx.msk [tilespmem:v7+s9+$0x0], $0xffff;
	_ =	sdelay $0x4  }
0x19c: {  	v9 =	vmax.f32 v9, v8  }
0x19d: {  	[tilespmem:v7+s9+$0x0] =	vst.idx.msk vm1, v9  }
0x19e: {  	v9 =	vld.idx.msk [tilespmem:v7+s9+$0x0], $0xffff;
	_ =	sdelay $0x4  }
0x19f: {  	vm2 =	vlt.f32 v9, v8  }
0x1a0: {  	vm1 =	vmand vm1, vm2  }
0x1a1: {  	v9 =	vmpcnt.ones.xlane vm1;
	_ =	sdelay $0x1  }
0x1a2: {  	(v2sf) =	vpush v9, $0x0;
	_ =	sdelay $0xe  }
0x1a3: {  	s22 =	spop (v2sf)  }
0x1a4: {  	p1 =	sgt.s32 s22, $0x0  }
.Ltmp23:
0x1a5: {  	_ = 	snop;
	(pc) =	sbr.rel @p1 .LBB2_34-.Ltmp23, $1  }
0x1a6: {  	_ =	sdelay $0x3  }
0x1a7: {  	vm1 =	vmmov vm0  }
.LBB2_36:
0x1a8: {  	v9 =	vld.idx.msk [tilespmem:v7+s10+$0x0], $0xffff;
	_ =	sdelay $0x4  }
0x1a9: {  	v9 =	vmin.f32 v9, v8  }
0x1aa: {  	[tilespmem:v7+s10+$0x0] =	vst.idx.msk vm1, v9  }
0x1ab: {  	v9 =	vld.idx.msk [tilespmem:v7+s10+$0x0], $0xffff;
	_ =	sdelay $0x4  }
0x1ac: {  	vm2 =	vgt.f32 v9, v8  }
0x1ad: {  	vm1 =	vmand vm1, vm2  }
0x1ae: {  	v9 =	vmpcnt.ones.xlane vm1;
	_ =	sdelay $0x1  }
0x1af: {  	(v2sf) =	vpush v9, $0x0;
	_ =	sdelay $0xe  }
0x1b0: {  	s22 =	spop (v2sf)  }
0x1b1: {  	p1 =	sgt.s32 s22, $0x0  }
.Ltmp24:
0x1b2: {  	_ = 	snop;
	(pc) =	sbr.rel @p1 .LBB2_36-.Ltmp24, $1  }
0x1b3: {  	_ =	sdelay $0x3  }
0x1b4: {  	vm1 =	vmmov vm0  }
.LBB2_38:
0x1b5: {  	v7 =	vld.idx.msk [tilespmem:v4+s7+$0x0], $0xffff;
	_ =	sdelay $0x4  }
0x1b6: {  	v7 =	vmax.f32 v7, v6  }
0x1b7: {  	[tilespmem:v4+s7+$0x0] =	vst.idx.msk vm1, v7  }
0x1b8: {  	v7 =	vld.idx.msk [tilespmem:v4+s7+$0x0], $0xffff;
	_ =	sdelay $0x4  }
0x1b9: {  	vm2 =	vlt.f32 v7, v6  }
0x1ba: {  	vm1 =	vmand vm1, vm2  }
0x1bb: {  	v7 =	vmpcnt.ones.xlane vm1;
	_ =	sdelay $0x1  }
0x1bc: {  	(v2sf) =	vpush v7, $0x0;
	_ =	sdelay $0xe  }
0x1bd: {  	s22 =	spop (v2sf)  }
0x1be: {  	p1 =	sgt.s32 s22, $0x0  }
.Ltmp25:
0x1bf: {  	_ = 	snop;
	(pc) =	sbr.rel @p1 .LBB2_38-.Ltmp25, $1  }
0x1c0: {  	_ =	sdelay $0x3  }
0x1c1: {  	vm1 =	vmmov vm0  }
.LBB2_40:
0x1c2: {  	v7 =	vld.idx.msk [tilespmem:v4+s8+$0x0], $0xffff;
	_ =	sdelay $0x4  }
0x1c3: {  	v7 =	vmin.f32 v7, v6  }
0x1c4: {  	[tilespmem:v4+s8+$0x0] =	vst.idx.msk vm1, v7  }
0x1c5: {  	v7 =	vld.idx.msk [tilespmem:v4+s8+$0x0], $0xffff;
	_ =	sdelay $0x4  }
0x1c6: {  	vm2 =	vgt.f32 v7, v6  }
0x1c7: {  	vm1 =	vmand vm1, vm2  }
0x1c8: {  	v7 =	vmpcnt.ones.xlane vm1;
	_ =	sdelay $0x1  }
0x1c9: {  	(v2sf) =	vpush v7, $0x0;
	_ =	sdelay $0xe  }
0x1ca: {  	s22 =	spop (v2sf)  }
0x1cb: {  	p1 =	sgt.s32 s22, $0x0  }
.Ltmp26:
0x1cc: {  	_ = 	snop;
	(pc) =	sbr.rel @p1 .LBB2_40-.Ltmp26, $1  }
0x1cd: {  	_ =	sdelay $0x3  }
0x1ce: {  	vm1 =	vmmov vm0  }
.LBB2_42:
0x1cf: {  	v6 =	vld.idx.msk [tilespmem:v4+s9+$0x0], $0xffff;
	_ =	sdelay $0x4  }
0x1d0: {  	v6 =	vmax.f32 v6, v5  }
0x1d1: {  	[tilespmem:v4+s9+$0x0] =	vst.idx.msk vm1, v6  }
0x1d2: {  	v6 =	vld.idx.msk [tilespmem:v4+s9+$0x0], $0xffff;
	_ =	sdelay $0x4  }
0x1d3: {  	vm2 =	vlt.f32 v6, v5  }
0x1d4: {  	vm1 =	vmand vm1, vm2  }
0x1d5: {  	v6 =	vmpcnt.ones.xlane vm1;
	_ =	sdelay $0x1  }
0x1d6: {  	(v2sf) =	vpush v6, $0x0;
	_ =	sdelay $0xe  }
0x1d7: {  	s22 =	spop (v2sf)  }
0x1d8: {  	p1 =	sgt.s32 s22, $0x0  }
.Ltmp27:
0x1d9: {  	_ = 	snop;
	(pc) =	sbr.rel @p1 .LBB2_42-.Ltmp27, $1  }
0x1da: {  	_ =	sdelay $0x3  }
0x1db: {  	vm1 =	vmmov vm0  }
.LBB2_44:
0x1dc: {  	v6 =	vld.idx.msk [tilespmem:v4+s10+$0x0], $0xffff;
	_ =	sdelay $0x4  }
0x1dd: {  	v6 =	vmin.f32 v6, v5  }
0x1de: {  	[tilespmem:v4+s10+$0x0] =	vst.idx.msk vm1, v6  }
0x1df: {  	v6 =	vld.idx.msk [tilespmem:v4+s10+$0x0], $0xffff;
	_ =	sdelay $0x4  }
0x1e0: {  	vm2 =	vgt.f32 v6, v5  }
0x1e1: {  	vm1 =	vmand vm1, vm2  }
0x1e2: {  	v6 =	vmpcnt.ones.xlane vm1;
	_ =	sdelay $0x1  }
0x1e3: {  	(v2sf) =	vpush v6, $0x0;
	_ =	sdelay $0xe  }
0x1e4: {  	s22 =	spop (v2sf)  }
0x1e5: {  	p1 =	sgt.s32 s22, $0x0  }
.Ltmp28:
0x1e6: {  	_ = 	snop;
	(pc) =	sbr.rel @p1 .LBB2_44-.Ltmp28, $1  }
0x1e7: {  	_ =	sdelay $0x3  }
.Ltmp29:
0x1e8: {  	_ = 	snop;
	(pc) =	sbr.rel .LBB2_45-.Ltmp29, $1  }
0x1e9: {  	_ =	sdelay $0x3  }
.LBB2_46:
.Ltmp30:
0x1ea: {  	(pc) =	sbr.rel @p0 .LBB2_50-.Ltmp30, $1  }
0x1eb: {  	_ =	sdelay $0x3  }
0x1ec: {  	s19 =	simm.s32 $0x0  }
0x1ed: {  	v5 =	vld [tilespmem:s19+$0x1BA80]  }
0x1ee: {  	v6 =	vld [tilespmem:s19+$0x1BA90]  }
0x1ef: {  	v7 =	vld [tilespmem:s19+$0x1BAA0]  }
0x1f0: {  	v8 =	vld [tilespmem:s19+$0x1BAB0];
	_ =	sdelay $0x1  }
0x1f1: {  	v4 =	vld [tilespmem:s19+$0x1BAC0];
	_ =	sdelay $0x2  }
0x1f2: {  	[tilespmem:v5+s14+$0x0] =	vst.idx.add.f32.msk $0xffff, v3  }
0x1f3: {  	[tilespmem:v6+s14+$0x0] =	vst.idx.add.f32.msk $0xffff, v3  }
0x1f4: {  	[tilespmem:v7+s14+$0x0] =	vst.idx.add.f32.msk $0xffff, v3  }
0x1f5: {  	s22 =	simm.s32 $0x280;
	s19 =	simm.s32 $0x140;
	[tilespmem:v8+s14+$0x0] =	vst.idx.add.f32.msk $0xffff, v3  }
.LBB2_48:
0x1f6: {  	p1 =	sne.s32 s22, $0x1E00  }
0x1f7: {  	s23 =	sshra.s32 s19, $0x2;
	[tilespmem:v4+s14+$0x0] =	vst.idx.add.f32.msk $0xffff, v3;
	s19 =	smov.u32 s22;
	s22 =	sadd.s32 $0x140, s22  }
0x1f8: {  	v5 =	vld [tilespmem:s23+$0x1BA80]  }
0x1f9: {  	v6 =	vld [tilespmem:s23+$0x1BA90]  }
0x1fa: {  	v7 =	vld [tilespmem:s23+$0x1BAA0]  }
0x1fb: {  	v8 =	vld [tilespmem:s23+$0x1BAB0]  }
0x1fc: {  	v4 =	vld [tilespmem:s23+$0x1BAC0];
	_ =	sdelay $0x2  }
.Ltmp31:
0x1fd: {  	(pc) =	sbr.rel @p1 .LBB2_48-.Ltmp31, $4  }
0x1fe: {  	[tilespmem:v5+s14+$0x0] =	vst.idx.add.f32.msk $0xffff, v3  }
0x1ff: {  	[tilespmem:v6+s14+$0x0] =	vst.idx.add.f32.msk $0xffff, v3  }
0x200: {  	[tilespmem:v7+s14+$0x0] =	vst.idx.add.f32.msk $0xffff, v3  }
0x201: {  	[tilespmem:v8+s14+$0x0] =	vst.idx.add.f32.msk $0xffff, v3  }
0x202: {  	_ =	sdelay $0x3  }
0x203: {  	s19 =	sshra.s32 s19, $0x2;
	[tilespmem:v4+s14+$0x0] =	vst.idx.add.f32.msk $0xffff, v3  }
0x204: {  	v4 =	vld [tilespmem:s19+$0x1BA80]  }
0x205: {  	v5 =	vld [tilespmem:s19+$0x1BA90]  }
0x206: {  	v6 =	vld [tilespmem:s19+$0x1BAA0]  }
0x207: {  	v7 =	vld [tilespmem:s19+$0x1BAB0]  }
0x208: {  	v8 =	vld [tilespmem:s19+$0x1BAC0];
	_ =	sdelay $0x3  }
0x209: {  	[tilespmem:v4+s14+$0x0] =	vst.idx.add.f32.msk $0xffff, v3  }
0x20a: {  	[tilespmem:v5+s14+$0x0] =	vst.idx.add.f32.msk $0xffff, v3  }
0x20b: {  	[tilespmem:v6+s14+$0x0] =	vst.idx.add.f32.msk $0xffff, v3  }
0x20c: {  	[tilespmem:v7+s14+$0x0] =	vst.idx.add.f32.msk $0xffff, v3  }
0x20d: {  	[tilespmem:v8+s14+$0x0] =	vst.idx.add.f32.msk $0xffff, v3  }
.LBB2_50:
0x20e: {  	p1 =	seq.s32 s17, $0x4F  }
0x20f: {  	s18 =	sshrl.u32 @!p1 s18, $0x3  }
0x210: {  	s18 =	sadd.s32 @!p1 $0x1F4, s18  }
0x211: {  	s22 =	simm.s32 @!p1 $0x0;
	s23 =	simm.s32 @!p1 $0x1B280;
	s19 =	sadd.s32 @!p1 s24, s18  }
0x212: {  	[tilespmem:s23], [sflag:$0x1] =	stream.linear.gather @!p1 [hbm4b:s19+s22], $0x7D0, $0x38;
	[tilespmem:$0x1D280] =	vst v63  }
0x213: {  	s18 =	sadd.s32 @!p1 s21, s18;
	s19 =	simm.s32 @!p1 $0x1BA80  }
0x214: {  	[tilespmem:s19], [sflag:$0x2] =	stream.linear.gather @!p1 [hbm4b:s18+s22], $0x7D0, $0x38;
	[tilespmem:$0x1D280] =	vst v63  }
0x215: {  	_ =	swait.ge [sflag:s0], $0x7D0  }
.Ltmp32:
0x216: {  	[sflag:s0] =	ssyncset.done $0x0;
	(pc) =	sbr.rel .LBB2_51-.Ltmp32, $4  }
0x217: {  	[sflag:s0] =	ssyncadd.s32 $0xFFFFF830  }
0x218: {  	_ =	swait.ge [sflag:s2], $0x7D0  }
0x219: {  	[sflag:s2] =	ssyncset.done $0x0  }
0x21a: {  	s18 =	simm.s32 $0x0;
	[sflag:s2] =	ssyncadd.s32 $0xFFFFF830  }
.LBB2_90:
0x21b: {  	s18 =	sadd.s32 $0x1, s18  }
0x21c: {  	p1 =	sne.s32 s18, $0x19  }
.Ltmp33:
0x21d: {  	_ = 	snop;
	(pc) =	sbr.rel @!p1 .LBB2_91-.Ltmp33, $1  }
0x21e: {  	_ =	sdelay $0x3  }
.LBB2_51:
0x21f: {  	s19 =	smul.u32 $0x50, s18;
	_ =	sdelay $0x1  }
0x220: {  	v5 =	vld [tilespmem:s19+$0x1C280]  }
0x221: {  	v16 =	vld [tilespmem:s19+$0x1CA80]  }
0x222: {  	v6 =	vld [tilespmem:s19+$0x1C290]  }
0x223: {  	v13 =	vld [tilespmem:s19+$0x1CA90]  }
0x224: {  	v8 =	vld [tilespmem:s19+$0x1C2A0]  }
0x225: {  	v10 =	vld [tilespmem:s19+$0x1CAA0]  }
0x226: {  	v19 =	vld [tilespmem:s19+$0x1C2B0]  }
0x227: {  	v7 =	vld [tilespmem:s19+$0x1CAB0]  }
0x228: {  	v20 =	vld [tilespmem:s19+$0x1C2C0]  }
0x229: {  	v4 =	vld [tilespmem:s19+$0x1CAC0]  }
0x22a: {  	v18 =	vld.idx.msk [tilespmem:v5+s30+$0x0], $0xffff  }
0x22b: {  	v17 =	vld.idx.msk [tilespmem:v5+s20+$0x0], $0xffff  }
0x22c: {  	v15 =	vld.idx.msk [tilespmem:v6+s30+$0x0], $0xffff  }
0x22d: {  	v14 =	vld.idx.msk [tilespmem:v6+s20+$0x0], $0xffff  }
0x22e: {  	v12 =	vld.idx.msk [tilespmem:v8+s30+$0x0], $0xffff  }
0x22f: {  	v11 =	vld.idx.msk [tilespmem:v8+s20+$0x0], $0xffff  }
0x230: {  	v9 =	vld.idx.msk [tilespmem:v19+s30+$0x0], $0xffff  }
0x231: {  	v5 =	vld.idx.msk [tilespmem:v16+s7+$0x0], $0xffff  }
0x232: {  	v21 =	vld.idx.msk [tilespmem:v16+s8+$0x0], $0xffff  }
0x233: {  	v22 =	vld.idx.msk [tilespmem:v16+s9+$0x0], $0xffff  }
0x234: {  	v23 =	vld.idx.msk [tilespmem:v16+s10+$0x0], $0xffff  }
0x235: {  	v8 =	vld.idx.msk [tilespmem:v19+s20+$0x0], $0xffff  }
0x236: {  	v6 =	vld.idx.msk [tilespmem:v20+s30+$0x0], $0xffff;
	vm1 =	vgt.f32 v18, v5  }
0x237: {  	v5 =	vld.idx.msk [tilespmem:v20+s20+$0x0], $0xffff;
	v19 =	vmul.f32 v18, v18;
	vm2 =	vlt.f32 v18, v21  }
0x238: {  	(xrf1) =	vunique.msk.u32 $0xffff, v16;
	[tilespmem:v16+s1+$0x0] =	vst.idx.add.f32.msk $0xffff, v18;
	vm3 =	vgt.f32 v17, v22  }
0x239: {  	(xrf1) =	vunique.msk.u32 $0xffff, v13;
	vm4 =	vlt.f32 v17, v23;
	[tilespmem:v16+s11+$0x0] =	vst.idx.add.f32.msk $0xffff, v19;
	v19 =	vmul.f32 v17, v17  }
0x23a: {  	[tilespmem:v16+s12+$0x0] =	vst.idx.add.f32.msk $0xffff, v17  }
0x23b: {  	[tilespmem:v16+s13+$0x0] =	vst.idx.add.f32.msk $0xffff, v19  }
0x23c: {  	[tilespmem:v16+s7+$0x0] =	vst.idx.msk vm1, v18  }
0x23d: {  	(xrf1) =	vunique.msk.u32 $0xffff, v10;
	[tilespmem:v16+s8+$0x0] =	vst.idx.msk vm2, v18  }
0x23e: {  	[tilespmem:v16+s9+$0x0] =	vst.idx.msk vm3, v17  }
0x23f: {  	(xrf1) =	vunique.msk.u32 $0xffff, v7;
	[tilespmem:v16+s10+$0x0] =	vst.idx.msk vm4, v17  }
0x240: {  	v19 =	vld.idx.msk [tilespmem:v13+s7+$0x0], $0xffff  }
0x241: {  	(xrf1) =	vunique.msk.u32 $0xffff, v4;
	v20 =	vld.idx.msk [tilespmem:v13+s8+$0x0], $0xffff;
	_ =	sdelay $0x1  }
0x242: {  	v55 =	vld.idx.msk [tilespmem:v13+s9+$0x0], $0xffff  }
0x243: {  	v56 =	vld.idx.msk [tilespmem:v13+s10+$0x0], $0xffff  }
0x244: {  	vm1 =	vgt.f32 v15, v19;
	v19 =	vmul.f32 v15, v15  }
0x245: {  	[tilespmem:v13+s1+$0x0] =	vst.idx.add.f32.msk $0xffff, v15;
	vm2 =	vlt.f32 v15, v20;
	_, v20, vm5 =	vpop (xrf1)  }
0x246: {  	_, v20, vm10 =	vpop (xrf1);
	[tilespmem:v13+s11+$0x0] =	vst.idx.add.f32.msk $0xffff, v19;
	v19 =	vmul.f32 v14, v14  }
0x247: {  	vm3 =	vgt.f32 v14, v55;
	v20 =	vmpcnt.ones.xlane vm10;
	[tilespmem:v13+s12+$0x0] =	vst.idx.add.f32.msk $0xffff, v14  }
0x248: {  	vm9 =	vlt.f32 v14, v56;
	[tilespmem:v13+s13+$0x0] =	vst.idx.add.f32.msk $0xffff, v19;
	v19 =	vmpcnt.ones.xlane vm5;
	_ =	sdelay $0x1  }
0x249: {  	[tilespmem:v13+s7+$0x0] =	vst.idx.msk vm1, v15;
	_, v57, vm1 =	vpop (xrf1);
	(v2sf) =	vpush v19, $0x0  }
0x24a: {  	(v2sf) =	vpush v20, $0x0;
	v19 =	vmpcnt.ones.xlane vm1  }
0x24b: {  	[tilespmem:v13+s8+$0x0] =	vst.idx.msk vm2, v15;
	_, v20, vm1 =	vpop (xrf1)  }
0x24c: {  	[tilespmem:v13+s9+$0x0] =	vst.idx.msk vm3, v14;
	(v2sf) =	vpush v19, $0x0;
	v19 =	vmpcnt.ones.xlane vm1  }
0x24d: {  	[tilespmem:v13+s10+$0x0] =	vst.idx.msk vm9, v14;
	_, v59, vm1 =	vpop (xrf1)  }
0x24e: {  	v20 =	vld.idx.msk [tilespmem:v10+s7+$0x0], $0xffff;
	(v2sf) =	vpush v19, $0x0;
	v19 =	vmpcnt.ones.xlane vm1  }
0x24f: {  	v21 =	vld.idx.msk [tilespmem:v10+s8+$0x0], $0xffff  }
0x250: {  	v58 =	vld.idx.msk [tilespmem:v10+s9+$0x0], $0xffff;
	(v2sf) =	vpush v19, $0x0  }
0x251: {  	v23 =	vld.idx.msk [tilespmem:v10+s10+$0x0], $0xffff;
	_ =	sdelay $0x1  }
0x252: {  	vm1 =	vgt.f32 v12, v20  }
0x253: {  	v19 =	vmul.f32 v12, v12;
	vm2 =	vlt.f32 v12, v21  }
0x254: {  	[tilespmem:v10+s1+$0x0] =	vst.idx.add.f32.msk $0xffff, v12;
	vm3 =	vgt.f32 v11, v58  }
0x255: {  	[tilespmem:v10+s11+$0x0] =	vst.idx.add.f32.msk $0xffff, v19;
	v19 =	vmul.f32 v11, v11;
	vm11 =	vlt.f32 v11, v23  }
0x256: {  	[tilespmem:v10+s12+$0x0] =	vst.idx.add.f32.msk $0xffff, v11  }
0x257: {  	[tilespmem:v10+s13+$0x0] =	vst.idx.add.f32.msk $0xffff, v19;
	s23 =	spop (v2sf)  }
0x258: {  	[tilespmem:v10+s7+$0x0] =	vst.idx.msk vm1, v12;
	s22 =	spop (v2sf);
	p1 =	slt.s32 s23, $0x10  }
0x259: {  	[tilespmem:v10+s8+$0x0] =	vst.idx.msk vm2, v12;
	p2 =	slt.s32 @!p1 s22, $0x10  }
0x25a: {  	[tilespmem:v10+s9+$0x0] =	vst.idx.msk vm3, v11;
	s19 =	spop (v2sf);
	p1 =	por p1, p2  }
0x25b: {  	[tilespmem:v10+s10+$0x0] =	vst.idx.msk vm11, v11;
	p2 =	slt.s32 @!p1 s19, $0x10  }
0x25c: {  	v19 =	vld.idx.msk [tilespmem:v7+s7+$0x0], $0xffff;
	s19 =	spop (v2sf);
	p1 =	por p1, p2  }
0x25d: {  	v20 =	vld.idx.msk [tilespmem:v7+s8+$0x0], $0xffff;
	p2 =	slt.s32 @!p1 s19, $0x10  }
0x25e: {  	s19 =	spop (v2sf);
	p1 =	por p1, p2  }
0x25f: {  	v60 =	vld.idx.msk [tilespmem:v7+s9+$0x0], $0xffff;
	p2 =	sgt.s32 @!p1 s19, $0xF  }
0x260: {  	v61 =	vld.idx.msk [tilespmem:v7+s10+$0x0], $0xffff;
	p1 =	por p1, !p2  }
0x261: {  	vm2 =	vmmov @p1 $0xffff  }
0x262: {  	vm1 =	vgt.f32 v9, v19;
	vm3 =	vlt.f32 v9, v20;
	v20 =	vmpcnt.ones.xlane @p1 vm2  }
0x263: {  	v19 =	vmul.f32 v9, v9  }
0x264: {  	[tilespmem:v7+s1+$0x0] =	vst.idx.add.f32.msk $0xffff, v9;
	vm12 =	vgt.f32 v8, v60;
	(v2sf) =	vpush @p1 v20, $0x0  }
0x265: {  	vm13 =	vlt.f32 v8, v61;
	[tilespmem:v7+s11+$0x0] =	vst.idx.add.f32.msk $0xffff, v19;
	v19 =	vmul.f32 v8, v8  }
0x266: {  	[tilespmem:v7+s12+$0x0] =	vst.idx.add.f32.msk $0xffff, v8  }
0x267: {  	[tilespmem:v7+s13+$0x0] =	vst.idx.add.f32.msk $0xffff, v19  }
0x268: {  	[tilespmem:v7+s7+$0x0] =	vst.idx.msk vm1, v9  }
0x269: {  	[tilespmem:v7+s8+$0x0] =	vst.idx.msk vm3, v9  }
0x26a: {  	[tilespmem:v7+s9+$0x0] =	vst.idx.msk vm12, v8  }
0x26b: {  	[tilespmem:v7+s10+$0x0] =	vst.idx.msk vm13, v8  }
0x26c: {  	v19 =	vld.idx.msk [tilespmem:v4+s7+$0x0], $0xffff  }
0x26d: {  	v20 =	vld.idx.msk [tilespmem:v4+s8+$0x0], $0xffff  }
0x26e: {  	v62 =	vld.idx.msk [tilespmem:v4+s9+$0x0], $0xffff  }
0x26f: {  	v63 =	vld.idx.msk [tilespmem:v4+s10+$0x0], $0xffff;
	_ =	sdelay $0x1  }
0x270: {  	vm1 =	vgt.f32 v6, v19  }
0x271: {  	v19 =	vmul.f32 v6, v6;
	vm3 =	vlt.f32 v6, v20  }
0x272: {  	[tilespmem:v4+s1+$0x0] =	vst.idx.add.f32.msk $0xffff, v6;
	vm14 =	vgt.f32 v5, v62;
	s19 =	spop @p1 (v2sf)  }
0x273: {  	vm15 =	vlt.f32 v5, v63;
	[tilespmem:v4+s11+$0x0] =	vst.idx.add.f32.msk $0xffff, v19;
	v19 =	vmul.f32 v5, v5;
	p2 =	slt.s32 @p1 s19, $0x1  }
0x274: {  	[tilespmem:v4+s12+$0x0] =	vst.idx.add.f32.msk $0xffff, v5;
	p1 =	por !p1, p2  }
.Ltmp34:
0x275: {  	[tilespmem:v4+s13+$0x0] =	vst.idx.add.f32.msk $0xffff, v19;
	(pc) =	sbr.rel @p1 .LBB2_90-.Ltmp34, $4  }
0x276: {  	[tilespmem:v4+s7+$0x0] =	vst.idx.msk vm1, v6  }
0x277: {  	[tilespmem:v4+s8+$0x0] =	vst.idx.msk vm3, v6  }
0x278: {  	[tilespmem:v4+s9+$0x0] =	vst.idx.msk vm14, v5  }
0x279: {  	[tilespmem:v4+s10+$0x0] =	vst.idx.msk vm15, v5  }
.LBB2_52:
0x27a: {  	v19 =	vld.idx.msk [tilespmem:v16+s7+$0x0], $0xffff;
	_ =	sdelay $0x4  }
0x27b: {  	v19 =	vmax.f32 v19, v18  }
0x27c: {  	[tilespmem:v16+s7+$0x0] =	vst.idx.msk vm2, v19  }
0x27d: {  	v19 =	vld.idx.msk [tilespmem:v16+s7+$0x0], $0xffff;
	_ =	sdelay $0x4  }
0x27e: {  	vm1 =	vlt.f32 v19, v18  }
0x27f: {  	vm2 =	vmand vm2, vm1  }
0x280: {  	v19 =	vmpcnt.ones.xlane vm2;
	_ =	sdelay $0x1  }
0x281: {  	(v2sf) =	vpush v19, $0x0;
	_ =	sdelay $0xe  }
0x282: {  	s19 =	spop (v2sf)  }
0x283: {  	p1 =	sgt.s32 s19, $0x0  }
.Ltmp35:
0x284: {  	_ = 	snop;
	(pc) =	sbr.rel @p1 .LBB2_52-.Ltmp35, $2  }
0x285: {  	_ =	sdelay $0x2  }
0x286: {  	vm1 =	vmmov $0xffff  }
0x287: {  	vm2 =	vmmov vm1  }
.LBB2_54:
0x288: {  	v19 =	vld.idx.msk [tilespmem:v16+s8+$0x0], $0xffff;
	_ =	sdelay $0x4  }
0x289: {  	v19 =	vmin.f32 v19, v18  }
0x28a: {  	[tilespmem:v16+s8+$0x0] =	vst.idx.msk vm2, v19  }
0x28b: {  	v19 =	vld.idx.msk [tilespmem:v16+s8+$0x0], $0xffff;
	_ =	sdelay $0x4  }
0x28c: {  	vm3 =	vgt.f32 v19, v18  }
0x28d: {  	vm2 =	vmand vm2, vm3  }
0x28e: {  	v19 =	vmpcnt.ones.xlane vm2;
	_ =	sdelay $0x1  }
0x28f: {  	(v2sf) =	vpush v19, $0x0;
	_ =	sdelay $0xe  }
0x290: {  	s19 =	spop (v2sf)  }
0x291: {  	p1 =	sgt.s32 s19, $0x0  }
.Ltmp36:
0x292: {  	_ = 	snop;
	(pc) =	sbr.rel @p1 .LBB2_54-.Ltmp36, $1  }
0x293: {  	_ =	sdelay $0x3  }
0x294: {  	vm2 =	vmmov vm1  }
.LBB2_56:
0x295: {  	v18 =	vld.idx.msk [tilespmem:v16+s9+$0x0], $0xffff;
	_ =	sdelay $0x4  }
0x296: {  	v18 =	vmax.f32 v18, v17  }
0x297: {  	[tilespmem:v16+s9+$0x0] =	vst.idx.msk vm2, v18  }
0x298: {  	v18 =	vld.idx.msk [tilespmem:v16+s9+$0x0], $0xffff;
	_ =	sdelay $0x4  }
0x299: {  	vm3 =	vlt.f32 v18, v17  }
0x29a: {  	vm2 =	vmand vm2, vm3  }
0x29b: {  	v18 =	vmpcnt.ones.xlane vm2;
	_ =	sdelay $0x1  }
0x29c: {  	(v2sf) =	vpush v18, $0x0;
	_ =	sdelay $0xe  }
0x29d: {  	s19 =	spop (v2sf)  }
0x29e: {  	p1 =	sgt.s32 s19, $0x0  }
.Ltmp37:
0x29f: {  	_ = 	snop;
	(pc) =	sbr.rel @p1 .LBB2_56-.Ltmp37, $1  }
0x2a0: {  	_ =	sdelay $0x3  }
0x2a1: {  	vm2 =	vmmov vm1  }
.LBB2_58:
0x2a2: {  	v18 =	vld.idx.msk [tilespmem:v16+s10+$0x0], $0xffff;
	_ =	sdelay $0x4  }
0x2a3: {  	v18 =	vmin.f32 v18, v17  }
0x2a4: {  	[tilespmem:v16+s10+$0x0] =	vst.idx.msk vm2, v18  }
0x2a5: {  	v18 =	vld.idx.msk [tilespmem:v16+s10+$0x0], $0xffff;
	_ =	sdelay $0x4  }
0x2a6: {  	vm3 =	vgt.f32 v18, v17  }
0x2a7: {  	vm2 =	vmand vm2, vm3  }
0x2a8: {  	v18 =	vmpcnt.ones.xlane vm2;
	_ =	sdelay $0x1  }
0x2a9: {  	(v2sf) =	vpush v18, $0x0;
	_ =	sdelay $0xe  }
0x2aa: {  	s19 =	spop (v2sf)  }
0x2ab: {  	p1 =	sgt.s32 s19, $0x0  }
.Ltmp38:
0x2ac: {  	_ = 	snop;
	(pc) =	sbr.rel @p1 .LBB2_58-.Ltmp38, $1  }
0x2ad: {  	_ =	sdelay $0x3  }
0x2ae: {  	vm2 =	vmmov vm1  }
.LBB2_60:
0x2af: {  	v16 =	vld.idx.msk [tilespmem:v13+s7+$0x0], $0xffff;
	_ =	sdelay $0x4  }
0x2b0: {  	v16 =	vmax.f32 v16, v15  }
0x2b1: {  	[tilespmem:v13+s7+$0x0] =	vst.idx.msk vm2, v16  }
0x2b2: {  	v16 =	vld.idx.msk [tilespmem:v13+s7+$0x0], $0xffff;
	_ =	sdelay $0x4  }
0x2b3: {  	vm3 =	vlt.f32 v16, v15  }
0x2b4: {  	vm2 =	vmand vm2, vm3  }
0x2b5: {  	v16 =	vmpcnt.ones.xlane vm2;
	_ =	sdelay $0x1  }
0x2b6: {  	(v2sf) =	vpush v16, $0x0;
	_ =	sdelay $0xe  }
0x2b7: {  	s19 =	spop (v2sf)  }
0x2b8: {  	p1 =	sgt.s32 s19, $0x0  }
.Ltmp39:
0x2b9: {  	_ = 	snop;
	(pc) =	sbr.rel @p1 .LBB2_60-.Ltmp39, $1  }
0x2ba: {  	_ =	sdelay $0x3  }
0x2bb: {  	vm2 =	vmmov vm1  }
.LBB2_62:
0x2bc: {  	v16 =	vld.idx.msk [tilespmem:v13+s8+$0x0], $0xffff;
	_ =	sdelay $0x4  }
0x2bd: {  	v16 =	vmin.f32 v16, v15  }
0x2be: {  	[tilespmem:v13+s8+$0x0] =	vst.idx.msk vm2, v16  }
0x2bf: {  	v16 =	vld.idx.msk [tilespmem:v13+s8+$0x0], $0xffff;
	_ =	sdelay $0x4  }
0x2c0: {  	vm3 =	vgt.f32 v16, v15  }
0x2c1: {  	vm2 =	vmand vm2, vm3  }
0x2c2: {  	v16 =	vmpcnt.ones.xlane vm2;
	_ =	sdelay $0x1  }
0x2c3: {  	(v2sf) =	vpush v16, $0x0;
	_ =	sdelay $0xe  }
0x2c4: {  	s19 =	spop (v2sf)  }
0x2c5: {  	p1 =	sgt.s32 s19, $0x0  }
.Ltmp40:
0x2c6: {  	_ = 	snop;
	(pc) =	sbr.rel @p1 .LBB2_62-.Ltmp40, $1  }
0x2c7: {  	_ =	sdelay $0x3  }
0x2c8: {  	vm2 =	vmmov vm1  }
.LBB2_64:
0x2c9: {  	v15 =	vld.idx.msk [tilespmem:v13+s9+$0x0], $0xffff;
	_ =	sdelay $0x4  }
0x2ca: {  	v15 =	vmax.f32 v15, v14  }
0x2cb: {  	[tilespmem:v13+s9+$0x0] =	vst.idx.msk vm2, v15  }
0x2cc: {  	v15 =	vld.idx.msk [tilespmem:v13+s9+$0x0], $0xffff;
	_ =	sdelay $0x4  }
0x2cd: {  	vm3 =	vlt.f32 v15, v14  }
0x2ce: {  	vm2 =	vmand vm2, vm3  }
0x2cf: {  	v15 =	vmpcnt.ones.xlane vm2;
	_ =	sdelay $0x1  }
0x2d0: {  	(v2sf) =	vpush v15, $0x0;
	_ =	sdelay $0xe  }
0x2d1: {  	s19 =	spop (v2sf)  }
0x2d2: {  	p1 =	sgt.s32 s19, $0x0  }
.Ltmp41:
0x2d3: {  	_ = 	snop;
	(pc) =	sbr.rel @p1 .LBB2_64-.Ltmp41, $1  }
0x2d4: {  	_ =	sdelay $0x3  }
0x2d5: {  	vm2 =	vmmov vm1  }
.LBB2_66:
0x2d6: {  	v15 =	vld.idx.msk [tilespmem:v13+s10+$0x0], $0xffff;
	_ =	sdelay $0x4  }
0x2d7: {  	v15 =	vmin.f32 v15, v14  }
0x2d8: {  	[tilespmem:v13+s10+$0x0] =	vst.idx.msk vm2, v15  }
0x2d9: {  	v15 =	vld.idx.msk [tilespmem:v13+s10+$0x0], $0xffff;
	_ =	sdelay $0x4  }
0x2da: {  	vm3 =	vgt.f32 v15, v14  }
0x2db: {  	vm2 =	vmand vm2, vm3  }
0x2dc: {  	v15 =	vmpcnt.ones.xlane vm2;
	_ =	sdelay $0x1  }
0x2dd: {  	(v2sf) =	vpush v15, $0x0;
	_ =	sdelay $0xe  }
0x2de: {  	s19 =	spop (v2sf)  }
0x2df: {  	p1 =	sgt.s32 s19, $0x0  }
.Ltmp42:
0x2e0: {  	_ = 	snop;
	(pc) =	sbr.rel @p1 .LBB2_66-.Ltmp42, $1  }
0x2e1: {  	_ =	sdelay $0x3  }
0x2e2: {  	vm2 =	vmmov vm1  }
.LBB2_68:
0x2e3: {  	v13 =	vld.idx.msk [tilespmem:v10+s7+$0x0], $0xffff;
	_ =	sdelay $0x4  }
0x2e4: {  	v13 =	vmax.f32 v13, v12  }
0x2e5: {  	[tilespmem:v10+s7+$0x0] =	vst.idx.msk vm2, v13  }
0x2e6: {  	v13 =	vld.idx.msk [tilespmem:v10+s7+$0x0], $0xffff;
	_ =	sdelay $0x4  }
0x2e7: {  	vm3 =	vlt.f32 v13, v12  }
0x2e8: {  	vm2 =	vmand vm2, vm3  }
0x2e9: {  	v13 =	vmpcnt.ones.xlane vm2;
	_ =	sdelay $0x1  }
0x2ea: {  	(v2sf) =	vpush v13, $0x0;
	_ =	sdelay $0xe  }
0x2eb: {  	s19 =	spop (v2sf)  }
0x2ec: {  	p1 =	sgt.s32 s19, $0x0  }
.Ltmp43:
0x2ed: {  	_ = 	snop;
	(pc) =	sbr.rel @p1 .LBB2_68-.Ltmp43, $1  }
0x2ee: {  	_ =	sdelay $0x3  }
0x2ef: {  	vm2 =	vmmov vm1  }
.LBB2_70:
0x2f0: {  	v13 =	vld.idx.msk [tilespmem:v10+s8+$0x0], $0xffff;
	_ =	sdelay $0x4  }
0x2f1: {  	v13 =	vmin.f32 v13, v12  }
0x2f2: {  	[tilespmem:v10+s8+$0x0] =	vst.idx.msk vm2, v13  }
0x2f3: {  	v13 =	vld.idx.msk [tilespmem:v10+s8+$0x0], $0xffff;
	_ =	sdelay $0x4  }
0x2f4: {  	vm3 =	vgt.f32 v13, v12  }
0x2f5: {  	vm2 =	vmand vm2, vm3  }
0x2f6: {  	v13 =	vmpcnt.ones.xlane vm2;
	_ =	sdelay $0x1  }
0x2f7: {  	(v2sf) =	vpush v13, $0x0;
	_ =	sdelay $0xe  }
0x2f8: {  	s19 =	spop (v2sf)  }
0x2f9: {  	p1 =	sgt.s32 s19, $0x0  }
.Ltmp44:
0x2fa: {  	_ = 	snop;
	(pc) =	sbr.rel @p1 .LBB2_70-.Ltmp44, $1  }
0x2fb: {  	_ =	sdelay $0x3  }
0x2fc: {  	vm2 =	vmmov vm1  }
.LBB2_72:
0x2fd: {  	v12 =	vld.idx.msk [tilespmem:v10+s9+$0x0], $0xffff;
	_ =	sdelay $0x4  }
0x2fe: {  	v12 =	vmax.f32 v12, v11  }
0x2ff: {  	[tilespmem:v10+s9+$0x0] =	vst.idx.msk vm2, v12  }
0x300: {  	v12 =	vld.idx.msk [tilespmem:v10+s9+$0x0], $0xffff;
	_ =	sdelay $0x4  }
0x301: {  	vm3 =	vlt.f32 v12, v11  }
0x302: {  	vm2 =	vmand vm2, vm3  }
0x303: {  	v63 =	vmpcnt.ones.xlane vm2;
	_ =	sdelay $0x1  }
0x304: {  	(v2sf) =	vpush v63, $0x0;
	_ =	sdelay $0xe  }
0x305: {  	s19 =	spop (v2sf)  }
0x306: {  	p1 =	sgt.s32 s19, $0x0  }
.Ltmp45:
0x307: {  	_ = 	snop;
	(pc) =	sbr.rel @p1 .LBB2_72-.Ltmp45, $1  }
0x308: {  	_ =	sdelay $0x3  }
0x309: {  	vm2 =	vmmov vm1  }
.LBB2_74:
0x30a: {  	v12 =	vld.idx.msk [tilespmem:v10+s10+$0x0], $0xffff;
	_ =	sdelay $0x4  }
0x30b: {  	v12 =	vmin.f32 v12, v11  }
0x30c: {  	[tilespmem:v10+s10+$0x0] =	vst.idx.msk vm2, v12  }
0x30d: {  	v12 =	vld.idx.msk [tilespmem:v10+s10+$0x0], $0xffff;
	_ =	sdelay $0x4  }
0x30e: {  	vm3 =	vgt.f32 v12, v11  }
0x30f: {  	vm2 =	vmand vm2, vm3  }
0x310: {  	v63 =	vmpcnt.ones.xlane vm2;
	_ =	sdelay $0x1  }
0x311: {  	(v2sf) =	vpush v63, $0x0;
	_ =	sdelay $0xe  }
0x312: {  	s19 =	spop (v2sf)  }
0x313: {  	p1 =	sgt.s32 s19, $0x0  }
.Ltmp46:
0x314: {  	_ = 	snop;
	(pc) =	sbr.rel @p1 .LBB2_74-.Ltmp46, $1  }
0x315: {  	_ =	sdelay $0x3  }
0x316: {  	vm2 =	vmmov vm1  }
.LBB2_76:
0x317: {  	v10 =	vld.idx.msk [tilespmem:v7+s7+$0x0], $0xffff;
	_ =	sdelay $0x4  }
0x318: {  	v10 =	vmax.f32 v10, v9  }
0x319: {  	[tilespmem:v7+s7+$0x0] =	vst.idx.msk vm2, v10  }
0x31a: {  	v10 =	vld.idx.msk [tilespmem:v7+s7+$0x0], $0xffff;
	_ =	sdelay $0x4  }
0x31b: {  	vm3 =	vlt.f32 v10, v9  }
0x31c: {  	vm2 =	vmand vm2, vm3  }
0x31d: {  	v10 =	vmpcnt.ones.xlane vm2;
	_ =	sdelay $0x1  }
0x31e: {  	(v2sf) =	vpush v10, $0x0;
	_ =	sdelay $0xe  }
0x31f: {  	s19 =	spop (v2sf)  }
0x320: {  	p1 =	sgt.s32 s19, $0x0  }
.Ltmp47:
0x321: {  	_ = 	snop;
	(pc) =	sbr.rel @p1 .LBB2_76-.Ltmp47, $1  }
0x322: {  	_ =	sdelay $0x3  }
0x323: {  	vm2 =	vmmov vm1  }
.LBB2_78:
0x324: {  	v10 =	vld.idx.msk [tilespmem:v7+s8+$0x0], $0xffff;
	_ =	sdelay $0x4  }
0x325: {  	v10 =	vmin.f32 v10, v9  }
0x326: {  	[tilespmem:v7+s8+$0x0] =	vst.idx.msk vm2, v10  }
0x327: {  	v10 =	vld.idx.msk [tilespmem:v7+s8+$0x0], $0xffff;
	_ =	sdelay $0x4  }
0x328: {  	vm3 =	vgt.f32 v10, v9  }
0x329: {  	vm2 =	vmand vm2, vm3  }
0x32a: {  	v10 =	vmpcnt.ones.xlane vm2;
	_ =	sdelay $0x1  }
0x32b: {  	(v2sf) =	vpush v10, $0x0;
	_ =	sdelay $0xe  }
0x32c: {  	s19 =	spop (v2sf)  }
0x32d: {  	p1 =	sgt.s32 s19, $0x0  }
.Ltmp48:
0x32e: {  	_ = 	snop;
	(pc) =	sbr.rel @p1 .LBB2_78-.Ltmp48, $1  }
0x32f: {  	_ =	sdelay $0x3  }
0x330: {  	vm2 =	vmmov vm1  }
.LBB2_80:
0x331: {  	v9 =	vld.idx.msk [tilespmem:v7+s9+$0x0], $0xffff;
	_ =	sdelay $0x4  }
0x332: {  	v9 =	vmax.f32 v9, v8  }
0x333: {  	[tilespmem:v7+s9+$0x0] =	vst.idx.msk vm2, v9  }
0x334: {  	v9 =	vld.idx.msk [tilespmem:v7+s9+$0x0], $0xffff;
	_ =	sdelay $0x4  }
0x335: {  	vm3 =	vlt.f32 v9, v8  }
0x336: {  	vm2 =	vmand vm2, vm3  }
0x337: {  	v9 =	vmpcnt.ones.xlane vm2;
	_ =	sdelay $0x1  }
0x338: {  	(v2sf) =	vpush v9, $0x0;
	_ =	sdelay $0xe  }
0x339: {  	s19 =	spop (v2sf)  }
0x33a: {  	p1 =	sgt.s32 s19, $0x0  }
.Ltmp49:
0x33b: {  	_ = 	snop;
	(pc) =	sbr.rel @p1 .LBB2_80-.Ltmp49, $1  }
0x33c: {  	_ =	sdelay $0x3  }
0x33d: {  	vm2 =	vmmov vm1  }
.LBB2_82:
0x33e: {  	v9 =	vld.idx.msk [tilespmem:v7+s10+$0x0], $0xffff;
	_ =	sdelay $0x4  }
0x33f: {  	v9 =	vmin.f32 v9, v8  }
0x340: {  	[tilespmem:v7+s10+$0x0] =	vst.idx.msk vm2, v9  }
0x341: {  	v9 =	vld.idx.msk [tilespmem:v7+s10+$0x0], $0xffff;
	_ =	sdelay $0x4  }
0x342: {  	vm3 =	vgt.f32 v9, v8  }
0x343: {  	vm2 =	vmand vm2, vm3  }
0x344: {  	v9 =	vmpcnt.ones.xlane vm2;
	_ =	sdelay $0x1  }
0x345: {  	(v2sf) =	vpush v9, $0x0;
	_ =	sdelay $0xe  }
0x346: {  	s19 =	spop (v2sf)  }
0x347: {  	p1 =	sgt.s32 s19, $0x0  }
.Ltmp50:
0x348: {  	_ = 	snop;
	(pc) =	sbr.rel @p1 .LBB2_82-.Ltmp50, $1  }
0x349: {  	_ =	sdelay $0x3  }
0x34a: {  	vm2 =	vmmov vm1  }
.LBB2_84:
0x34b: {  	v7 =	vld.idx.msk [tilespmem:v4+s7+$0x0], $0xffff;
	_ =	sdelay $0x4  }
0x34c: {  	v7 =	vmax.f32 v7, v6  }
0x34d: {  	[tilespmem:v4+s7+$0x0] =	vst.idx.msk vm2, v7  }
0x34e: {  	v7 =	vld.idx.msk [tilespmem:v4+s7+$0x0], $0xffff;
	_ =	sdelay $0x4  }
0x34f: {  	vm3 =	vlt.f32 v7, v6  }
0x350: {  	vm2 =	vmand vm2, vm3  }
0x351: {  	v7 =	vmpcnt.ones.xlane vm2;
	_ =	sdelay $0x1  }
0x352: {  	(v2sf) =	vpush v7, $0x0;
	_ =	sdelay $0xe  }
0x353: {  	s19 =	spop (v2sf)  }
0x354: {  	p1 =	sgt.s32 s19, $0x0  }
.Ltmp51:
0x355: {  	_ = 	snop;
	(pc) =	sbr.rel @p1 .LBB2_84-.Ltmp51, $1  }
0x356: {  	_ =	sdelay $0x3  }
0x357: {  	vm2 =	vmmov vm1  }
.LBB2_86:
0x358: {  	v7 =	vld.idx.msk [tilespmem:v4+s8+$0x0], $0xffff;
	_ =	sdelay $0x4  }
0x359: {  	v7 =	vmin.f32 v7, v6  }
0x35a: {  	[tilespmem:v4+s8+$0x0] =	vst.idx.msk vm2, v7  }
0x35b: {  	v7 =	vld.idx.msk [tilespmem:v4+s8+$0x0], $0xffff;
	_ =	sdelay $0x4  }
0x35c: {  	vm3 =	vgt.f32 v7, v6  }
0x35d: {  	vm2 =	vmand vm2, vm3  }
0x35e: {  	v7 =	vmpcnt.ones.xlane vm2;
	_ =	sdelay $0x1  }
0x35f: {  	(v2sf) =	vpush v7, $0x0;
	_ =	sdelay $0xe  }
0x360: {  	s19 =	spop (v2sf)  }
0x361: {  	p1 =	sgt.s32 s19, $0x0  }
.Ltmp52:
0x362: {  	_ = 	snop;
	(pc) =	sbr.rel @p1 .LBB2_86-.Ltmp52, $1  }
0x363: {  	_ =	sdelay $0x3  }
0x364: {  	vm2 =	vmmov vm1  }
.LBB2_88:
0x365: {  	v6 =	vld.idx.msk [tilespmem:v4+s9+$0x0], $0xffff;
	_ =	sdelay $0x4  }
0x366: {  	v6 =	vmax.f32 v6, v5  }
0x367: {  	[tilespmem:v4+s9+$0x0] =	vst.idx.msk vm2, v6  }
0x368: {  	v6 =	vld.idx.msk [tilespmem:v4+s9+$0x0], $0xffff;
	_ =	sdelay $0x4  }
0x369: {  	vm3 =	vlt.f32 v6, v5  }
0x36a: {  	vm2 =	vmand vm2, vm3  }
0x36b: {  	v6 =	vmpcnt.ones.xlane vm2;
	_ =	sdelay $0x1  }
0x36c: {  	(v2sf) =	vpush v6, $0x0;
	_ =	sdelay $0xe  }
0x36d: {  	s19 =	spop (v2sf)  }
0x36e: {  	p1 =	sgt.s32 s19, $0x0  }
.Ltmp53:
0x36f: {  	_ = 	snop;
	(pc) =	sbr.rel @p1 .LBB2_88-.Ltmp53, $1  }
0x370: {  	_ =	sdelay $0x3  }
.LBB2_89:
0x371: {  	v6 =	vld.idx.msk [tilespmem:v4+s10+$0x0], $0xffff;
	_ =	sdelay $0x4  }
0x372: {  	v6 =	vmin.f32 v6, v5  }
0x373: {  	[tilespmem:v4+s10+$0x0] =	vst.idx.msk vm1, v6  }
0x374: {  	v6 =	vld.idx.msk [tilespmem:v4+s10+$0x0], $0xffff;
	_ =	sdelay $0x4  }
0x375: {  	vm2 =	vgt.f32 v6, v5  }
0x376: {  	vm1 =	vmand vm1, vm2  }
0x377: {  	v6 =	vmpcnt.ones.xlane vm1;
	_ =	sdelay $0x1  }
0x378: {  	(v2sf) =	vpush v6, $0x0;
	_ =	sdelay $0xe  }
0x379: {  	s19 =	spop (v2sf)  }
0x37a: {  	p1 =	sgt.s32 s19, $0x0  }
.Ltmp54:
0x37b: {  	_ = 	snop;
	(pc) =	sbr.rel @p1 .LBB2_89-.Ltmp54, $1  }
0x37c: {  	_ =	sdelay $0x3  }
.Ltmp55:
0x37d: {  	_ = 	snop;
	(pc) =	sbr.rel .LBB2_90-.Ltmp55, $1  }
0x37e: {  	_ =	sdelay $0x3  }
.LBB2_92:
0x37f: {  	s18 =	simm.s32 $0x0  }
0x380: {  	v5 =	vld [tilespmem:s18+$0x1CA80]  }
0x381: {  	v6 =	vld [tilespmem:s18+$0x1CA90]  }
0x382: {  	v7 =	vld [tilespmem:s18+$0x1CAA0]  }
0x383: {  	v8 =	vld [tilespmem:s18+$0x1CAB0];
	_ =	sdelay $0x1  }
0x384: {  	v4 =	vld [tilespmem:s18+$0x1CAC0];
	_ =	sdelay $0x2  }
0x385: {  	[tilespmem:v5+s14+$0x0] =	vst.idx.add.f32.msk $0xffff, v3  }
0x386: {  	[tilespmem:v6+s14+$0x0] =	vst.idx.add.f32.msk $0xffff, v3  }
0x387: {  	[tilespmem:v7+s14+$0x0] =	vst.idx.add.f32.msk $0xffff, v3  }
0x388: {  	s19 =	simm.s32 $0x280;
	s18 =	simm.s32 $0x140;
	[tilespmem:v8+s14+$0x0] =	vst.idx.add.f32.msk $0xffff, v3  }
.LBB2_93:
0x389: {  	p1 =	sne.s32 s19, $0x1E00  }
0x38a: {  	s22 =	sshra.s32 s18, $0x2;
	[tilespmem:v4+s14+$0x0] =	vst.idx.add.f32.msk $0xffff, v3;
	s18 =	smov.u32 s19;
	s19 =	sadd.s32 $0x140, s19  }
0x38b: {  	v5 =	vld [tilespmem:s22+$0x1CA80]  }
0x38c: {  	v6 =	vld [tilespmem:s22+$0x1CA90]  }
0x38d: {  	v7 =	vld [tilespmem:s22+$0x1CAA0]  }
0x38e: {  	v8 =	vld [tilespmem:s22+$0x1CAB0]  }
0x38f: {  	v4 =	vld [tilespmem:s22+$0x1CAC0];
	_ =	sdelay $0x2  }
.Ltmp56:
0x390: {  	(pc) =	sbr.rel @p1 .LBB2_93-.Ltmp56, $4  }
0x391: {  	[tilespmem:v5+s14+$0x0] =	vst.idx.add.f32.msk $0xffff, v3  }
0x392: {  	[tilespmem:v6+s14+$0x0] =	vst.idx.add.f32.msk $0xffff, v3  }
0x393: {  	[tilespmem:v7+s14+$0x0] =	vst.idx.add.f32.msk $0xffff, v3  }
0x394: {  	[tilespmem:v8+s14+$0x0] =	vst.idx.add.f32.msk $0xffff, v3  }
0x395: {  	_ =	sdelay $0x3  }
0x396: {  	s18 =	sshra.s32 s18, $0x2;
	[tilespmem:v4+s14+$0x0] =	vst.idx.add.f32.msk $0xffff, v3  }
0x397: {  	v4 =	vld [tilespmem:s18+$0x1CA80]  }
0x398: {  	v5 =	vld [tilespmem:s18+$0x1CA90]  }
0x399: {  	v6 =	vld [tilespmem:s18+$0x1CAA0]  }
0x39a: {  	v7 =	vld [tilespmem:s18+$0x1CAB0]  }
0x39b: {  	v8 =	vld [tilespmem:s18+$0x1CAC0];
	_ =	sdelay $0x3  }
.Ltmp57:
0x39c: {  	[tilespmem:v4+s14+$0x0] =	vst.idx.add.f32.msk $0xffff, v3;
	(pc) =	sbr.rel .LBB2_95-.Ltmp57, $4  }
0x39d: {  	[tilespmem:v5+s14+$0x0] =	vst.idx.add.f32.msk $0xffff, v3  }
0x39e: {  	[tilespmem:v6+s14+$0x0] =	vst.idx.add.f32.msk $0xffff, v3  }
0x39f: {  	[tilespmem:v7+s14+$0x0] =	vst.idx.add.f32.msk $0xffff, v3  }
0x3a0: {  	[tilespmem:v8+s14+$0x0] =	vst.idx.add.f32.msk $0xffff, v3  }
.LBB2_96:
0x3a1: {  	s16 =	rddreg [dreg:$0x5]  }
0x3a2: {  	[hbm4b:s16+s28] =	stream.strided.scatter [tilespmem:s1], [sflag:$0x5], $0x2780, s29, s28, $0x38;
	[tilespmem:$0x1D280] =	vst v63  }
0x3a3: {  	_ =	swait.ge [sflag:s31], $0x2780  }
0x3a4: {  	[sflag:s31] =	ssyncset.done $0x0  }
0x3a5: {  	s18 =	rddreg [dreg:$0x6];
	[sflag:s31] =	ssyncadd.s32 $0xFFFFD880  }
0x3a6: {  	[hbm4b:s18+s28] =	stream.strided.scatter [tilespmem:s12], [sflag:$0x5], $0x2780, s29, s28, $0x38;
	[tilespmem:$0x1D280] =	vst v63  }
0x3a7: {  	_ =	swait.ge [sflag:s31], $0x2780  }
0x3a8: {  	[sflag:s31] =	ssyncset.done $0x0  }
0x3a9: {  	s19 =	rddreg [dreg:$0x7];
	[sflag:s31] =	ssyncadd.s32 $0xFFFFD880  }
0x3aa: {  	[hbm4b:s19+s28] =	stream.strided.scatter [tilespmem:s11], [sflag:$0x5], $0x2780, s29, s28, $0x38;
	[tilespmem:$0x1D280] =	vst v63  }
0x3ab: {  	_ =	swait.ge [sflag:s31], $0x2780  }
0x3ac: {  	[sflag:s31] =	ssyncset.done $0x0  }
0x3ad: {  	s22 =	rddreg [dreg:$0x8];
	[sflag:s31] =	ssyncadd.s32 $0xFFFFD880  }
0x3ae: {  	[hbm4b:s22+s28] =	stream.strided.scatter [tilespmem:s13], [sflag:$0x5], $0x2780, s29, s28, $0x38;
	[tilespmem:$0x1D280] =	vst v63  }
0x3af: {  	_ =	swait.ge [sflag:s31], $0x2780  }
0x3b0: {  	[sflag:s31] =	ssyncset.done $0x0  }
0x3b1: {  	s23 =	rddreg [dreg:$0x9];
	[sflag:s31] =	ssyncadd.s32 $0xFFFFD880  }
0x3b2: {  	[hbm4b:s23+s28] =	stream.strided.scatter [tilespmem:s7], [sflag:$0x5], $0x2780, s29, s28, $0x38;
	[tilespmem:$0x1D280] =	vst v63  }
0x3b3: {  	_ =	swait.ge [sflag:s31], $0x2780  }
0x3b4: {  	[sflag:s31] =	ssyncset.done $0x0  }
0x3b5: {  	s17 =	rddreg [dreg:$0xa];
	[sflag:s31] =	ssyncadd.s32 $0xFFFFD880  }
0x3b6: {  	[hbm4b:s17+s28] =	stream.strided.scatter [tilespmem:s9], [sflag:$0x5], $0x2780, s29, s28, $0x38;
	[tilespmem:$0x1D280] =	vst v63  }
0x3b7: {  	_ =	swait.ge [sflag:s31], $0x2780  }
0x3b8: {  	[sflag:s31] =	ssyncset.done $0x0  }
0x3b9: {  	s18 =	rddreg [dreg:$0xb];
	[sflag:s31] =	ssyncadd.s32 $0xFFFFD880  }
0x3ba: {  	[hbm4b:s18+s28] =	stream.strided.scatter [tilespmem:s8], [sflag:$0x5], $0x2780, s29, s28, $0x38;
	[tilespmem:$0x1D280] =	vst v63  }
0x3bb: {  	_ =	swait.ge [sflag:s31], $0x2780  }
0x3bc: {  	[sflag:s31] =	ssyncset.done $0x0  }
0x3bd: {  	s19 =	rddreg [dreg:$0xc];
	[sflag:s31] =	ssyncadd.s32 $0xFFFFD880  }
0x3be: {  	[hbm4b:s19+s28] =	stream.strided.scatter [tilespmem:s10], [sflag:$0x5], $0x2780, s29, s28, $0x38;
	[tilespmem:$0x1D280] =	vst v63  }
0x3bf: {  	_ =	swait.ge [sflag:s31], $0x2780  }
0x3c0: {  	[sflag:s31] =	ssyncset.done $0x0  }
0x3c1: {  	s16 =	simm.s32 @!p0 $0x0;
	s17 =	simm.s32 @!p0 $0x18B00;
	[sflag:s31] =	ssyncadd.s32 $0xFFFFD880  }
0x3c2: {  	[hbm4b:s25+s16] =	stream.linear.scatter @!p0 [tilespmem:s17], [sflag:$0x5], $0x2780, $0x38;
	[tilespmem:$0x1D280] =	vst v63  }
0x3c3: {  	s16 =	simm.s32 @!p0 $0x5  }
0x3c4: {  	_ =	swait.ge @!p0 [sflag:s16], $0x2780  }
0x3c5: {  	[sflag:s16] =	ssyncset.done @!p0 $0x0  }
0x3c6: {  	s22 =	rddreg [dreg:$0xd];
	[sflag:s16] =	ssyncadd.s32 @!p0 $0xFFFFD880  }
0x3c7: {  	[tilespmem:s30], [sflag:$0x5] =	stream.strided.gather [hbm4b:s22+s28], $0x2780, s29, s28, $0x38;
	[tilespmem:$0x1D280] =	vst v63  }
0x3c8: {  	_ =	swait.ge [sflag:s31], $0x2780  }
0x3c9: {  	[sflag:s31] =	ssyncset.done $0x0  }
0x3ca: {  	s23 =	rddreg [dreg:$0xe];
	[sflag:s31] =	ssyncadd.s32 $0xFFFFD880  }
0x3cb: {  	[tilespmem:s20], [sflag:$0x5] =	stream.strided.gather [hbm4b:s23+s28], $0x2780, s29, s28, $0x38;
	[tilespmem:$0x1D280] =	vst v63  }
0x3cc: {  	_ =	swait.ge [sflag:s31], $0x2780  }
0x3cd: {  	[sflag:s31] =	ssyncset.done $0x0  }
0x3ce: {  	s17 =	simm.s32 $0x40;
	s16 =	simm.s32 $0x0;
	[sflag:s31] =	ssyncadd.s32 $0xFFFFD880  }
.LBB2_97:
0x3cf: {  	p1 =	sne.s32 s17, $0x9C00;
	[tilespmem:s16+$0x11480] =	vst v2  }
0x3d0: {  	[tilespmem:s16+$0x0] =	vst v0  }
0x3d1: {  	[tilespmem:s16+$0x2780] =	vst v0  }
.Ltmp58:
0x3d2: {  	[tilespmem:s16+$0x4F00] =	vst v0;
	(pc) =	sbr.rel @p1 .LBB2_97-.Ltmp58, $4  }
0x3d3: {  	[tilespmem:s16+$0x7680] =	vst v0  }
0x3d4: {  	[tilespmem:s16+$0x9E00] =	vst v1  }
0x3d5: {  	[tilespmem:s16+$0xC580] =	vst v1  }
0x3d6: {  	[tilespmem:s16+$0xED00] =	vst v2;
	s16 =	sshra.s32 s17, $0x2;
	s17 =	sadd.s32 $0x40, s17  }
0x3d7: {  	[tilespmem:s16+$0x11480] =	vst v2  }
0x3d8: {  	[tilespmem:s16+$0x0] =	vst v0  }
0x3d9: {  	[tilespmem:s16+$0x2780] =	vst v0  }
0x3da: {  	[tilespmem:s16+$0x4F00] =	vst v0  }
0x3db: {  	[tilespmem:s16+$0x7680] =	vst v0  }
0x3dc: {  	[tilespmem:s16+$0x9E00] =	vst v1  }
.Ltmp59:
0x3dd: {  	[tilespmem:s16+$0xC580] =	vst v1;
	(pc) =	sbr.rel .LBB2_99-.Ltmp59, $4  }
0x3de: {  	[tilespmem:s16+$0xED00] =	vst v2;
	s16 =	simm.s32 $0x0;
	s17 =	simm.s32 $0x1B280  }
0x3df: {  	[tilespmem:s17], [sflag:$0x1] =	stream.linear.gather [hbm4b:s24+s16], $0x7D0, $0x38;
	[tilespmem:$0x1D280] =	vst v63  }
0x3e0: {  	s23 =	simm.s32 $0x1BA80;
	s17 =	simm.s32 $0x0  }
0x3e1: {  	[tilespmem:s23], [sflag:$0x2] =	stream.linear.gather [hbm4b:s21+s16], $0x7D0, $0x38;
	[tilespmem:$0x1D280] =	vst v63  }
.LBB2_181:
0x3e2: {  	s17 =	sadd.s32 $0x1, s17  }
0x3e3: {  	p1 =	sne.s32 s17, $0x50  }
.Ltmp60:
0x3e4: {  	_ = 	snop;
	(pc) =	sbr.rel @!p1 .LBB2_182-.Ltmp60, $1  }
0x3e5: {  	_ =	sdelay $0x3  }
.LBB2_99:
0x3e6: {  	s18 =	smul.u32 $0xFA0, s17;
	_ =	sdelay $0x1  }
0x3e7: {  	s19 =	sshrl.u32 s18, $0x3  }
0x3e8: {  	s19 =	sadd.s32 $0xFA, s19  }
0x3e9: {  	s22 =	sadd.s32 s24, s19  }
0x3ea: {  	[tilespmem:s3], [sflag:$0x3] =	stream.linear.gather [hbm4b:s22+s16], $0x7D0, $0x38;
	[tilespmem:$0x1D280] =	vst v63  }
0x3eb: {  	s19 =	sadd.s32 s21, s19  }
0x3ec: {  	[tilespmem:s4], [sflag:$0x4] =	stream.linear.gather [hbm4b:s19+s16], $0x7D0, $0x38;
	[tilespmem:$0x1D280] =	vst v63  }
0x3ed: {  	_ =	swait.ge [sflag:s5], $0x7D0  }
.Ltmp61:
0x3ee: {  	[sflag:s5] =	ssyncset.done $0x0;
	(pc) =	sbr.rel .LBB2_100-.Ltmp61, $4  }
0x3ef: {  	[sflag:s5] =	ssyncadd.s32 $0xFFFFF830  }
0x3f0: {  	_ =	swait.ge [sflag:s6], $0x7D0  }
0x3f1: {  	[sflag:s6] =	ssyncset.done $0x0  }
0x3f2: {  	s19 =	simm.s32 $0x0;
	[sflag:s6] =	ssyncadd.s32 $0xFFFFF830  }
.LBB2_139:
0x3f3: {  	s19 =	sadd.s32 $0x1, s19  }
0x3f4: {  	p1 =	sne.s32 s19, $0x19  }
.Ltmp62:
0x3f5: {  	_ = 	snop;
	(pc) =	sbr.rel @!p1 .LBB2_140-.Ltmp62, $1  }
0x3f6: {  	_ =	sdelay $0x3  }
.LBB2_100:
0x3f7: {  	s22 =	smul.u32 $0x50, s19;
	_ =	sdelay $0x1  }
0x3f8: {  	v5 =	vld [tilespmem:s22+$0x1B280]  }
0x3f9: {  	v16 =	vld [tilespmem:s22+$0x1BA80]  }
0x3fa: {  	v6 =	vld [tilespmem:s22+$0x1B290]  }
0x3fb: {  	v13 =	vld [tilespmem:s22+$0x1BA90]  }
0x3fc: {  	v8 =	vld [tilespmem:s22+$0x1B2A0]  }
0x3fd: {  	v10 =	vld [tilespmem:s22+$0x1BAA0]  }
0x3fe: {  	v19 =	vld [tilespmem:s22+$0x1B2B0]  }
0x3ff: {  	v7 =	vld [tilespmem:s22+$0x1BAB0]  }
0x400: {  	v20 =	vld [tilespmem:s22+$0x1B2C0]  }
0x401: {  	v4 =	vld [tilespmem:s22+$0x1BAC0]  }
0x402: {  	v18 =	vld.idx.msk [tilespmem:v5+s30+$0x0], $0xffff  }
0x403: {  	v17 =	vld.idx.msk [tilespmem:v5+s20+$0x0], $0xffff  }
0x404: {  	v15 =	vld.idx.msk [tilespmem:v6+s30+$0x0], $0xffff  }
0x405: {  	v14 =	vld.idx.msk [tilespmem:v6+s20+$0x0], $0xffff  }
0x406: {  	v12 =	vld.idx.msk [tilespmem:v8+s30+$0x0], $0xffff  }
0x407: {  	v11 =	vld.idx.msk [tilespmem:v8+s20+$0x0], $0xffff  }
0x408: {  	v9 =	vld.idx.msk [tilespmem:v19+s30+$0x0], $0xffff  }
0x409: {  	v5 =	vld.idx.msk [tilespmem:v16+s7+$0x0], $0xffff  }
0x40a: {  	v21 =	vld.idx.msk [tilespmem:v16+s8+$0x0], $0xffff  }
0x40b: {  	v22 =	vld.idx.msk [tilespmem:v16+s9+$0x0], $0xffff  }
0x40c: {  	v23 =	vld.idx.msk [tilespmem:v16+s10+$0x0], $0xffff  }
0x40d: {  	v8 =	vld.idx.msk [tilespmem:v19+s20+$0x0], $0xffff  }
0x40e: {  	v6 =	vld.idx.msk [tilespmem:v20+s30+$0x0], $0xffff;
	vm1 =	vgt.f32 v18, v5  }
0x40f: {  	v5 =	vld.idx.msk [tilespmem:v20+s20+$0x0], $0xffff;
	v19 =	vmul.f32 v18, v18;
	vm2 =	vlt.f32 v18, v21  }
0x410: {  	(xrf1) =	vunique.msk.u32 $0xffff, v16;
	[tilespmem:v16+s1+$0x0] =	vst.idx.add.f32.msk $0xffff, v18;
	vm3 =	vgt.f32 v17, v22  }
0x411: {  	(xrf1) =	vunique.msk.u32 $0xffff, v13;
	vm4 =	vlt.f32 v17, v23;
	[tilespmem:v16+s11+$0x0] =	vst.idx.add.f32.msk $0xffff, v19;
	v19 =	vmul.f32 v17, v17  }
0x412: {  	[tilespmem:v16+s12+$0x0] =	vst.idx.add.f32.msk $0xffff, v17  }
0x413: {  	[tilespmem:v16+s13+$0x0] =	vst.idx.add.f32.msk $0xffff, v19  }
0x414: {  	[tilespmem:v16+s7+$0x0] =	vst.idx.msk vm1, v18  }
0x415: {  	(xrf1) =	vunique.msk.u32 $0xffff, v10;
	[tilespmem:v16+s8+$0x0] =	vst.idx.msk vm2, v18  }
0x416: {  	[tilespmem:v16+s9+$0x0] =	vst.idx.msk vm3, v17  }
0x417: {  	(xrf1) =	vunique.msk.u32 $0xffff, v7;
	[tilespmem:v16+s10+$0x0] =	vst.idx.msk vm4, v17  }
0x418: {  	v19 =	vld.idx.msk [tilespmem:v13+s7+$0x0], $0xffff  }
0x419: {  	(xrf1) =	vunique.msk.u32 $0xffff, v4;
	v20 =	vld.idx.msk [tilespmem:v13+s8+$0x0], $0xffff;
	_ =	sdelay $0x1  }
0x41a: {  	v55 =	vld.idx.msk [tilespmem:v13+s9+$0x0], $0xffff  }
0x41b: {  	v56 =	vld.idx.msk [tilespmem:v13+s10+$0x0], $0xffff  }
0x41c: {  	vm1 =	vgt.f32 v15, v19;
	v19 =	vmul.f32 v15, v15  }
0x41d: {  	[tilespmem:v13+s1+$0x0] =	vst.idx.add.f32.msk $0xffff, v15;
	vm2 =	vlt.f32 v15, v20;
	_, v20, vm5 =	vpop (xrf1)  }
0x41e: {  	_, v20, vm10 =	vpop (xrf1);
	[tilespmem:v13+s11+$0x0] =	vst.idx.add.f32.msk $0xffff, v19;
	v19 =	vmul.f32 v14, v14  }
0x41f: {  	vm3 =	vgt.f32 v14, v55;
	v20 =	vmpcnt.ones.xlane vm10;
	[tilespmem:v13+s12+$0x0] =	vst.idx.add.f32.msk $0xffff, v14  }
0x420: {  	vm9 =	vlt.f32 v14, v56;
	[tilespmem:v13+s13+$0x0] =	vst.idx.add.f32.msk $0xffff, v19;
	v19 =	vmpcnt.ones.xlane vm5;
	_ =	sdelay $0x1  }
0x421: {  	[tilespmem:v13+s7+$0x0] =	vst.idx.msk vm1, v15;
	_, v57, vm1 =	vpop (xrf1);
	(v2sf) =	vpush v19, $0x0  }
0x422: {  	(v2sf) =	vpush v20, $0x0;
	v19 =	vmpcnt.ones.xlane vm1  }
0x423: {  	[tilespmem:v13+s8+$0x0] =	vst.idx.msk vm2, v15;
	_, v20, vm1 =	vpop (xrf1)  }
0x424: {  	[tilespmem:v13+s9+$0x0] =	vst.idx.msk vm3, v14;
	(v2sf) =	vpush v19, $0x0;
	v19 =	vmpcnt.ones.xlane vm1  }
0x425: {  	[tilespmem:v13+s10+$0x0] =	vst.idx.msk vm9, v14;
	_, v59, vm1 =	vpop (xrf1)  }
0x426: {  	v20 =	vld.idx.msk [tilespmem:v10+s7+$0x0], $0xffff;
	(v2sf) =	vpush v19, $0x0;
	v19 =	vmpcnt.ones.xlane vm1  }
0x427: {  	v21 =	vld.idx.msk [tilespmem:v10+s8+$0x0], $0xffff  }
0x428: {  	v58 =	vld.idx.msk [tilespmem:v10+s9+$0x0], $0xffff;
	(v2sf) =	vpush v19, $0x0  }
0x429: {  	v23 =	vld.idx.msk [tilespmem:v10+s10+$0x0], $0xffff;
	_ =	sdelay $0x1  }
0x42a: {  	vm1 =	vgt.f32 v12, v20  }
0x42b: {  	v19 =	vmul.f32 v12, v12;
	vm2 =	vlt.f32 v12, v21  }
0x42c: {  	[tilespmem:v10+s1+$0x0] =	vst.idx.add.f32.msk $0xffff, v12;
	vm3 =	vgt.f32 v11, v58  }
0x42d: {  	[tilespmem:v10+s11+$0x0] =	vst.idx.add.f32.msk $0xffff, v19;
	v19 =	vmul.f32 v11, v11;
	vm11 =	vlt.f32 v11, v23  }
0x42e: {  	[tilespmem:v10+s12+$0x0] =	vst.idx.add.f32.msk $0xffff, v11  }
0x42f: {  	[tilespmem:v10+s13+$0x0] =	vst.idx.add.f32.msk $0xffff, v19;
	s22 =	spop (v2sf)  }
0x430: {  	[tilespmem:v10+s7+$0x0] =	vst.idx.msk vm1, v12;
	s23 =	spop (v2sf);
	p1 =	slt.s32 s22, $0x10  }
0x431: {  	[tilespmem:v10+s8+$0x0] =	vst.idx.msk vm2, v12;
	p2 =	slt.s32 @!p1 s23, $0x10  }
0x432: {  	[tilespmem:v10+s9+$0x0] =	vst.idx.msk vm3, v11;
	s22 =	spop (v2sf);
	p1 =	por p1, p2  }
0x433: {  	[tilespmem:v10+s10+$0x0] =	vst.idx.msk vm11, v11;
	p2 =	slt.s32 @!p1 s22, $0x10  }
0x434: {  	v19 =	vld.idx.msk [tilespmem:v7+s7+$0x0], $0xffff;
	s22 =	spop (v2sf);
	p1 =	por p1, p2  }
0x435: {  	v20 =	vld.idx.msk [tilespmem:v7+s8+$0x0], $0xffff;
	p2 =	slt.s32 @!p1 s22, $0x10  }
0x436: {  	s22 =	spop (v2sf);
	p1 =	por p1, p2  }
0x437: {  	v60 =	vld.idx.msk [tilespmem:v7+s9+$0x0], $0xffff;
	p2 =	sgt.s32 @!p1 s22, $0xF  }
0x438: {  	v61 =	vld.idx.msk [tilespmem:v7+s10+$0x0], $0xffff;
	p1 =	por p1, !p2  }
0x439: {  	vm2 =	vmmov @p1 $0xffff  }
0x43a: {  	vm1 =	vgt.f32 v9, v19;
	vm3 =	vlt.f32 v9, v20;
	v20 =	vmpcnt.ones.xlane @p1 vm2  }
0x43b: {  	v19 =	vmul.f32 v9, v9  }
0x43c: {  	[tilespmem:v7+s1+$0x0] =	vst.idx.add.f32.msk $0xffff, v9;
	vm12 =	vgt.f32 v8, v60;
	(v2sf) =	vpush @p1 v20, $0x0  }
0x43d: {  	vm13 =	vlt.f32 v8, v61;
	[tilespmem:v7+s11+$0x0] =	vst.idx.add.f32.msk $0xffff, v19;
	v19 =	vmul.f32 v8, v8  }
0x43e: {  	[tilespmem:v7+s12+$0x0] =	vst.idx.add.f32.msk $0xffff, v8  }
0x43f: {  	[tilespmem:v7+s13+$0x0] =	vst.idx.add.f32.msk $0xffff, v19  }
0x440: {  	[tilespmem:v7+s7+$0x0] =	vst.idx.msk vm1, v9  }
0x441: {  	[tilespmem:v7+s8+$0x0] =	vst.idx.msk vm3, v9  }
0x442: {  	[tilespmem:v7+s9+$0x0] =	vst.idx.msk vm12, v8  }
0x443: {  	[tilespmem:v7+s10+$0x0] =	vst.idx.msk vm13, v8  }
0x444: {  	v19 =	vld.idx.msk [tilespmem:v4+s7+$0x0], $0xffff  }
0x445: {  	v20 =	vld.idx.msk [tilespmem:v4+s8+$0x0], $0xffff  }
0x446: {  	v62 =	vld.idx.msk [tilespmem:v4+s9+$0x0], $0xffff  }
0x447: {  	v63 =	vld.idx.msk [tilespmem:v4+s10+$0x0], $0xffff;
	_ =	sdelay $0x1  }
0x448: {  	vm1 =	vgt.f32 v6, v19  }
0x449: {  	v19 =	vmul.f32 v6, v6;
	vm3 =	vlt.f32 v6, v20  }
0x44a: {  	[tilespmem:v4+s1+$0x0] =	vst.idx.add.f32.msk $0xffff, v6;
	vm14 =	vgt.f32 v5, v62;
	s22 =	spop @p1 (v2sf)  }
0x44b: {  	vm15 =	vlt.f32 v5, v63;
	[tilespmem:v4+s11+$0x0] =	vst.idx.add.f32.msk $0xffff, v19;
	v19 =	vmul.f32 v5, v5;
	p2 =	slt.s32 @p1 s22, $0x1  }
0x44c: {  	[tilespmem:v4+s12+$0x0] =	vst.idx.add.f32.msk $0xffff, v5;
	p1 =	por !p1, p2  }
.Ltmp63:
0x44d: {  	[tilespmem:v4+s13+$0x0] =	vst.idx.add.f32.msk $0xffff, v19;
	(pc) =	sbr.rel @p1 .LBB2_139-.Ltmp63, $4  }
0x44e: {  	[tilespmem:v4+s7+$0x0] =	vst.idx.msk vm1, v6  }
0x44f: {  	[tilespmem:v4+s8+$0x0] =	vst.idx.msk vm3, v6  }
0x450: {  	[tilespmem:v4+s9+$0x0] =	vst.idx.msk vm14, v5  }
0x451: {  	[tilespmem:v4+s10+$0x0] =	vst.idx.msk vm15, v5  }
.LBB2_101:
0x452: {  	v19 =	vld.idx.msk [tilespmem:v16+s7+$0x0], $0xffff;
	_ =	sdelay $0x4  }
0x453: {  	v19 =	vmax.f32 v19, v18  }
0x454: {  	[tilespmem:v16+s7+$0x0] =	vst.idx.msk vm2, v19  }
0x455: {  	v19 =	vld.idx.msk [tilespmem:v16+s7+$0x0], $0xffff;
	_ =	sdelay $0x4  }
0x456: {  	vm1 =	vlt.f32 v19, v18  }
0x457: {  	vm2 =	vmand vm2, vm1  }
0x458: {  	v19 =	vmpcnt.ones.xlane vm2;
	_ =	sdelay $0x1  }
0x459: {  	(v2sf) =	vpush v19, $0x0;
	_ =	sdelay $0xe  }
0x45a: {  	s22 =	spop (v2sf)  }
0x45b: {  	p1 =	sgt.s32 s22, $0x0  }
.Ltmp64:
0x45c: {  	_ = 	snop;
	(pc) =	sbr.rel @p1 .LBB2_101-.Ltmp64, $2  }
0x45d: {  	_ =	sdelay $0x2  }
0x45e: {  	vm1 =	vmmov $0xffff  }
0x45f: {  	vm2 =	vmmov vm1  }
.LBB2_103:
0x460: {  	v19 =	vld.idx.msk [tilespmem:v16+s8+$0x0], $0xffff;
	_ =	sdelay $0x4  }
0x461: {  	v19 =	vmin.f32 v19, v18  }
0x462: {  	[tilespmem:v16+s8+$0x0] =	vst.idx.msk vm2, v19  }
0x463: {  	v19 =	vld.idx.msk [tilespmem:v16+s8+$0x0], $0xffff;
	_ =	sdelay $0x4  }
0x464: {  	vm3 =	vgt.f32 v19, v18  }
0x465: {  	vm2 =	vmand vm2, vm3  }
0x466: {  	v19 =	vmpcnt.ones.xlane vm2;
	_ =	sdelay $0x1  }
0x467: {  	(v2sf) =	vpush v19, $0x0;
	_ =	sdelay $0xe  }
0x468: {  	s22 =	spop (v2sf)  }
0x469: {  	p1 =	sgt.s32 s22, $0x0  }
.Ltmp65:
0x46a: {  	_ = 	snop;
	(pc) =	sbr.rel @p1 .LBB2_103-.Ltmp65, $1  }
0x46b: {  	_ =	sdelay $0x3  }
0x46c: {  	vm2 =	vmmov vm1  }
.LBB2_105:
0x46d: {  	v18 =	vld.idx.msk [tilespmem:v16+s9+$0x0], $0xffff;
	_ =	sdelay $0x4  }
0x46e: {  	v18 =	vmax.f32 v18, v17  }
0x46f: {  	[tilespmem:v16+s9+$0x0] =	vst.idx.msk vm2, v18  }
0x470: {  	v18 =	vld.idx.msk [tilespmem:v16+s9+$0x0], $0xffff;
	_ =	sdelay $0x4  }
0x471: {  	vm3 =	vlt.f32 v18, v17  }
0x472: {  	vm2 =	vmand vm2, vm3  }
0x473: {  	v18 =	vmpcnt.ones.xlane vm2;
	_ =	sdelay $0x1  }
0x474: {  	(v2sf) =	vpush v18, $0x0;
	_ =	sdelay $0xe  }
0x475: {  	s22 =	spop (v2sf)  }
0x476: {  	p1 =	sgt.s32 s22, $0x0  }
.Ltmp66:
0x477: {  	_ = 	snop;
	(pc) =	sbr.rel @p1 .LBB2_105-.Ltmp66, $1  }
0x478: {  	_ =	sdelay $0x3  }
0x479: {  	vm2 =	vmmov vm1  }
.LBB2_107:
0x47a: {  	v18 =	vld.idx.msk [tilespmem:v16+s10+$0x0], $0xffff;
	_ =	sdelay $0x4  }
0x47b: {  	v18 =	vmin.f32 v18, v17  }
0x47c: {  	[tilespmem:v16+s10+$0x0] =	vst.idx.msk vm2, v18  }
0x47d: {  	v18 =	vld.idx.msk [tilespmem:v16+s10+$0x0], $0xffff;
	_ =	sdelay $0x4  }
0x47e: {  	vm3 =	vgt.f32 v18, v17  }
0x47f: {  	vm2 =	vmand vm2, vm3  }
0x480: {  	v18 =	vmpcnt.ones.xlane vm2;
	_ =	sdelay $0x1  }
0x481: {  	(v2sf) =	vpush v18, $0x0;
	_ =	sdelay $0xe  }
0x482: {  	s22 =	spop (v2sf)  }
0x483: {  	p1 =	sgt.s32 s22, $0x0  }
.Ltmp67:
0x484: {  	_ = 	snop;
	(pc) =	sbr.rel @p1 .LBB2_107-.Ltmp67, $1  }
0x485: {  	_ =	sdelay $0x3  }
0x486: {  	vm2 =	vmmov vm1  }
.LBB2_109:
0x487: {  	v16 =	vld.idx.msk [tilespmem:v13+s7+$0x0], $0xffff;
	_ =	sdelay $0x4  }
0x488: {  	v16 =	vmax.f32 v16, v15  }
0x489: {  	[tilespmem:v13+s7+$0x0] =	vst.idx.msk vm2, v16  }
0x48a: {  	v16 =	vld.idx.msk [tilespmem:v13+s7+$0x0], $0xffff;
	_ =	sdelay $0x4  }
0x48b: {  	vm3 =	vlt.f32 v16, v15  }
0x48c: {  	vm2 =	vmand vm2, vm3  }
0x48d: {  	v16 =	vmpcnt.ones.xlane vm2;
	_ =	sdelay $0x1  }
0x48e: {  	(v2sf) =	vpush v16, $0x0;
	_ =	sdelay $0xe  }
0x48f: {  	s22 =	spop (v2sf)  }
0x490: {  	p1 =	sgt.s32 s22, $0x0  }
.Ltmp68:
0x491: {  	_ = 	snop;
	(pc) =	sbr.rel @p1 .LBB2_109-.Ltmp68, $1  }
0x492: {  	_ =	sdelay $0x3  }
0x493: {  	vm2 =	vmmov vm1  }
.LBB2_111:
0x494: {  	v16 =	vld.idx.msk [tilespmem:v13+s8+$0x0], $0xffff;
	_ =	sdelay $0x4  }
0x495: {  	v16 =	vmin.f32 v16, v15  }
0x496: {  	[tilespmem:v13+s8+$0x0] =	vst.idx.msk vm2, v16  }
0x497: {  	v16 =	vld.idx.msk [tilespmem:v13+s8+$0x0], $0xffff;
	_ =	sdelay $0x4  }
0x498: {  	vm3 =	vgt.f32 v16, v15  }
0x499: {  	vm2 =	vmand vm2, vm3  }
0x49a: {  	v16 =	vmpcnt.ones.xlane vm2;
	_ =	sdelay $0x1  }
0x49b: {  	(v2sf) =	vpush v16, $0x0;
	_ =	sdelay $0xe  }
0x49c: {  	s22 =	spop (v2sf)  }
0x49d: {  	p1 =	sgt.s32 s22, $0x0  }
.Ltmp69:
0x49e: {  	_ = 	snop;
	(pc) =	sbr.rel @p1 .LBB2_111-.Ltmp69, $1  }
0x49f: {  	_ =	sdelay $0x3  }
0x4a0: {  	vm2 =	vmmov vm1  }
.LBB2_113:
0x4a1: {  	v15 =	vld.idx.msk [tilespmem:v13+s9+$0x0], $0xffff;
	_ =	sdelay $0x4  }
0x4a2: {  	v15 =	vmax.f32 v15, v14  }
0x4a3: {  	[tilespmem:v13+s9+$0x0] =	vst.idx.msk vm2, v15  }
0x4a4: {  	v15 =	vld.idx.msk [tilespmem:v13+s9+$0x0], $0xffff;
	_ =	sdelay $0x4  }
0x4a5: {  	vm3 =	vlt.f32 v15, v14  }
0x4a6: {  	vm2 =	vmand vm2, vm3  }
0x4a7: {  	v15 =	vmpcnt.ones.xlane vm2;
	_ =	sdelay $0x1  }
0x4a8: {  	(v2sf) =	vpush v15, $0x0;
	_ =	sdelay $0xe  }
0x4a9: {  	s22 =	spop (v2sf)  }
0x4aa: {  	p1 =	sgt.s32 s22, $0x0  }
.Ltmp70:
0x4ab: {  	_ = 	snop;
	(pc) =	sbr.rel @p1 .LBB2_113-.Ltmp70, $1  }
0x4ac: {  	_ =	sdelay $0x3  }
0x4ad: {  	vm2 =	vmmov vm1  }
.LBB2_115:
0x4ae: {  	v15 =	vld.idx.msk [tilespmem:v13+s10+$0x0], $0xffff;
	_ =	sdelay $0x4  }
0x4af: {  	v15 =	vmin.f32 v15, v14  }
0x4b0: {  	[tilespmem:v13+s10+$0x0] =	vst.idx.msk vm2, v15  }
0x4b1: {  	v15 =	vld.idx.msk [tilespmem:v13+s10+$0x0], $0xffff;
	_ =	sdelay $0x4  }
0x4b2: {  	vm3 =	vgt.f32 v15, v14  }
0x4b3: {  	vm2 =	vmand vm2, vm3  }
0x4b4: {  	v15 =	vmpcnt.ones.xlane vm2;
	_ =	sdelay $0x1  }
0x4b5: {  	(v2sf) =	vpush v15, $0x0;
	_ =	sdelay $0xe  }
0x4b6: {  	s22 =	spop (v2sf)  }
0x4b7: {  	p1 =	sgt.s32 s22, $0x0  }
.Ltmp71:
0x4b8: {  	_ = 	snop;
	(pc) =	sbr.rel @p1 .LBB2_115-.Ltmp71, $1  }
0x4b9: {  	_ =	sdelay $0x3  }
0x4ba: {  	vm2 =	vmmov vm1  }
.LBB2_117:
0x4bb: {  	v13 =	vld.idx.msk [tilespmem:v10+s7+$0x0], $0xffff;
	_ =	sdelay $0x4  }
0x4bc: {  	v13 =	vmax.f32 v13, v12  }
0x4bd: {  	[tilespmem:v10+s7+$0x0] =	vst.idx.msk vm2, v13  }
0x4be: {  	v13 =	vld.idx.msk [tilespmem:v10+s7+$0x0], $0xffff;
	_ =	sdelay $0x4  }
0x4bf: {  	vm3 =	vlt.f32 v13, v12  }
0x4c0: {  	vm2 =	vmand vm2, vm3  }
0x4c1: {  	v13 =	vmpcnt.ones.xlane vm2;
	_ =	sdelay $0x1  }
0x4c2: {  	(v2sf) =	vpush v13, $0x0;
	_ =	sdelay $0xe  }
0x4c3: {  	s22 =	spop (v2sf)  }
0x4c4: {  	p1 =	sgt.s32 s22, $0x0  }
.Ltmp72:
0x4c5: {  	_ = 	snop;
	(pc) =	sbr.rel @p1 .LBB2_117-.Ltmp72, $1  }
0x4c6: {  	_ =	sdelay $0x3  }
0x4c7: {  	vm2 =	vmmov vm1  }
.LBB2_119:
0x4c8: {  	v13 =	vld.idx.msk [tilespmem:v10+s8+$0x0], $0xffff;
	_ =	sdelay $0x4  }
0x4c9: {  	v13 =	vmin.f32 v13, v12  }
0x4ca: {  	[tilespmem:v10+s8+$0x0] =	vst.idx.msk vm2, v13  }
0x4cb: {  	v13 =	vld.idx.msk [tilespmem:v10+s8+$0x0], $0xffff;
	_ =	sdelay $0x4  }
0x4cc: {  	vm3 =	vgt.f32 v13, v12  }
0x4cd: {  	vm2 =	vmand vm2, vm3  }
0x4ce: {  	v13 =	vmpcnt.ones.xlane vm2;
	_ =	sdelay $0x1  }
0x4cf: {  	(v2sf) =	vpush v13, $0x0;
	_ =	sdelay $0xe  }
0x4d0: {  	s22 =	spop (v2sf)  }
0x4d1: {  	p1 =	sgt.s32 s22, $0x0  }
.Ltmp73:
0x4d2: {  	_ = 	snop;
	(pc) =	sbr.rel @p1 .LBB2_119-.Ltmp73, $1  }
0x4d3: {  	_ =	sdelay $0x3  }
0x4d4: {  	vm2 =	vmmov vm1  }
.LBB2_121:
0x4d5: {  	v12 =	vld.idx.msk [tilespmem:v10+s9+$0x0], $0xffff;
	_ =	sdelay $0x4  }
0x4d6: {  	v12 =	vmax.f32 v12, v11  }
0x4d7: {  	[tilespmem:v10+s9+$0x0] =	vst.idx.msk vm2, v12  }
0x4d8: {  	v12 =	vld.idx.msk [tilespmem:v10+s9+$0x0], $0xffff;
	_ =	sdelay $0x4  }
0x4d9: {  	vm3 =	vlt.f32 v12, v11  }
0x4da: {  	vm2 =	vmand vm2, vm3  }
0x4db: {  	v63 =	vmpcnt.ones.xlane vm2;
	_ =	sdelay $0x1  }
0x4dc: {  	(v2sf) =	vpush v63, $0x0;
	_ =	sdelay $0xe  }
0x4dd: {  	s22 =	spop (v2sf)  }
0x4de: {  	p1 =	sgt.s32 s22, $0x0  }
.Ltmp74:
0x4df: {  	_ = 	snop;
	(pc) =	sbr.rel @p1 .LBB2_121-.Ltmp74, $1  }
0x4e0: {  	_ =	sdelay $0x3  }
0x4e1: {  	vm2 =	vmmov vm1  }
.LBB2_123:
0x4e2: {  	v12 =	vld.idx.msk [tilespmem:v10+s10+$0x0], $0xffff;
	_ =	sdelay $0x4  }
0x4e3: {  	v12 =	vmin.f32 v12, v11  }
0x4e4: {  	[tilespmem:v10+s10+$0x0] =	vst.idx.msk vm2, v12  }
0x4e5: {  	v12 =	vld.idx.msk [tilespmem:v10+s10+$0x0], $0xffff;
	_ =	sdelay $0x4  }
0x4e6: {  	vm3 =	vgt.f32 v12, v11  }
0x4e7: {  	vm2 =	vmand vm2, vm3  }
0x4e8: {  	v63 =	vmpcnt.ones.xlane vm2;
	_ =	sdelay $0x1  }
0x4e9: {  	(v2sf) =	vpush v63, $0x0;
	_ =	sdelay $0xe  }
0x4ea: {  	s22 =	spop (v2sf)  }
0x4eb: {  	p1 =	sgt.s32 s22, $0x0  }
.Ltmp75:
0x4ec: {  	_ = 	snop;
	(pc) =	sbr.rel @p1 .LBB2_123-.Ltmp75, $1  }
0x4ed: {  	_ =	sdelay $0x3  }
0x4ee: {  	vm2 =	vmmov vm1  }
.LBB2_125:
0x4ef: {  	v10 =	vld.idx.msk [tilespmem:v7+s7+$0x0], $0xffff;
	_ =	sdelay $0x4  }
0x4f0: {  	v10 =	vmax.f32 v10, v9  }
0x4f1: {  	[tilespmem:v7+s7+$0x0] =	vst.idx.msk vm2, v10  }
0x4f2: {  	v10 =	vld.idx.msk [tilespmem:v7+s7+$0x0], $0xffff;
	_ =	sdelay $0x4  }
0x4f3: {  	vm3 =	vlt.f32 v10, v9  }
0x4f4: {  	vm2 =	vmand vm2, vm3  }
0x4f5: {  	v10 =	vmpcnt.ones.xlane vm2;
	_ =	sdelay $0x1  }
0x4f6: {  	(v2sf) =	vpush v10, $0x0;
	_ =	sdelay $0xe  }
0x4f7: {  	s22 =	spop (v2sf)  }
0x4f8: {  	p1 =	sgt.s32 s22, $0x0  }
.Ltmp76:
0x4f9: {  	_ = 	snop;
	(pc) =	sbr.rel @p1 .LBB2_125-.Ltmp76, $1  }
0x4fa: {  	_ =	sdelay $0x3  }
0x4fb: {  	vm2 =	vmmov vm1  }
.LBB2_127:
0x4fc: {  	v10 =	vld.idx.msk [tilespmem:v7+s8+$0x0], $0xffff;
	_ =	sdelay $0x4  }
0x4fd: {  	v10 =	vmin.f32 v10, v9  }
0x4fe: {  	[tilespmem:v7+s8+$0x0] =	vst.idx.msk vm2, v10  }
0x4ff: {  	v10 =	vld.idx.msk [tilespmem:v7+s8+$0x0], $0xffff;
	_ =	sdelay $0x4  }
0x500: {  	vm3 =	vgt.f32 v10, v9  }
0x501: {  	vm2 =	vmand vm2, vm3  }
0x502: {  	v10 =	vmpcnt.ones.xlane vm2;
	_ =	sdelay $0x1  }
0x503: {  	(v2sf) =	vpush v10, $0x0;
	_ =	sdelay $0xe  }
0x504: {  	s22 =	spop (v2sf)  }
0x505: {  	p1 =	sgt.s32 s22, $0x0  }
.Ltmp77:
0x506: {  	_ = 	snop;
	(pc) =	sbr.rel @p1 .LBB2_127-.Ltmp77, $1  }
0x507: {  	_ =	sdelay $0x3  }
0x508: {  	vm2 =	vmmov vm1  }
.LBB2_129:
0x509: {  	v9 =	vld.idx.msk [tilespmem:v7+s9+$0x0], $0xffff;
	_ =	sdelay $0x4  }
0x50a: {  	v9 =	vmax.f32 v9, v8  }
0x50b: {  	[tilespmem:v7+s9+$0x0] =	vst.idx.msk vm2, v9  }
0x50c: {  	v9 =	vld.idx.msk [tilespmem:v7+s9+$0x0], $0xffff;
	_ =	sdelay $0x4  }
0x50d: {  	vm3 =	vlt.f32 v9, v8  }
0x50e: {  	vm2 =	vmand vm2, vm3  }
0x50f: {  	v9 =	vmpcnt.ones.xlane vm2;
	_ =	sdelay $0x1  }
0x510: {  	(v2sf) =	vpush v9, $0x0;
	_ =	sdelay $0xe  }
0x511: {  	s22 =	spop (v2sf)  }
0x512: {  	p1 =	sgt.s32 s22, $0x0  }
.Ltmp78:
0x513: {  	_ = 	snop;
	(pc) =	sbr.rel @p1 .LBB2_129-.Ltmp78, $1  }
0x514: {  	_ =	sdelay $0x3  }
0x515: {  	vm2 =	vmmov vm1  }
.LBB2_131:
0x516: {  	v9 =	vld.idx.msk [tilespmem:v7+s10+$0x0], $0xffff;
	_ =	sdelay $0x4  }
0x517: {  	v9 =	vmin.f32 v9, v8  }
0x518: {  	[tilespmem:v7+s10+$0x0] =	vst.idx.msk vm2, v9  }
0x519: {  	v9 =	vld.idx.msk [tilespmem:v7+s10+$0x0], $0xffff;
	_ =	sdelay $0x4  }
0x51a: {  	vm3 =	vgt.f32 v9, v8  }
0x51b: {  	vm2 =	vmand vm2, vm3  }
0x51c: {  	v9 =	vmpcnt.ones.xlane vm2;
	_ =	sdelay $0x1  }
0x51d: {  	(v2sf) =	vpush v9, $0x0;
	_ =	sdelay $0xe  }
0x51e: {  	s22 =	spop (v2sf)  }
0x51f: {  	p1 =	sgt.s32 s22, $0x0  }
.Ltmp79:
0x520: {  	_ = 	snop;
	(pc) =	sbr.rel @p1 .LBB2_131-.Ltmp79, $1  }
0x521: {  	_ =	sdelay $0x3  }
0x522: {  	vm2 =	vmmov vm1  }
.LBB2_133:
0x523: {  	v7 =	vld.idx.msk [tilespmem:v4+s7+$0x0], $0xffff;
	_ =	sdelay $0x4  }
0x524: {  	v7 =	vmax.f32 v7, v6  }
0x525: {  	[tilespmem:v4+s7+$0x0] =	vst.idx.msk vm2, v7  }
0x526: {  	v7 =	vld.idx.msk [tilespmem:v4+s7+$0x0], $0xffff;
	_ =	sdelay $0x4  }
0x527: {  	vm3 =	vlt.f32 v7, v6  }
0x528: {  	vm2 =	vmand vm2, vm3  }
0x529: {  	v7 =	vmpcnt.ones.xlane vm2;
	_ =	sdelay $0x1  }
0x52a: {  	(v2sf) =	vpush v7, $0x0;
	_ =	sdelay $0xe  }
0x52b: {  	s22 =	spop (v2sf)  }
0x52c: {  	p1 =	sgt.s32 s22, $0x0  }
.Ltmp80:
0x52d: {  	_ = 	snop;
	(pc) =	sbr.rel @p1 .LBB2_133-.Ltmp80, $1  }
0x52e: {  	_ =	sdelay $0x3  }
0x52f: {  	vm2 =	vmmov vm1  }
.LBB2_135:
0x530: {  	v7 =	vld.idx.msk [tilespmem:v4+s8+$0x0], $0xffff;
	_ =	sdelay $0x4  }
0x531: {  	v7 =	vmin.f32 v7, v6  }
0x532: {  	[tilespmem:v4+s8+$0x0] =	vst.idx.msk vm2, v7  }
0x533: {  	v7 =	vld.idx.msk [tilespmem:v4+s8+$0x0], $0xffff;
	_ =	sdelay $0x4  }
0x534: {  	vm3 =	vgt.f32 v7, v6  }
0x535: {  	vm2 =	vmand vm2, vm3  }
0x536: {  	v7 =	vmpcnt.ones.xlane vm2;
	_ =	sdelay $0x1  }
0x537: {  	(v2sf) =	vpush v7, $0x0;
	_ =	sdelay $0xe  }
0x538: {  	s22 =	spop (v2sf)  }
0x539: {  	p1 =	sgt.s32 s22, $0x0  }
.Ltmp81:
0x53a: {  	_ = 	snop;
	(pc) =	sbr.rel @p1 .LBB2_135-.Ltmp81, $1  }
0x53b: {  	_ =	sdelay $0x3  }
0x53c: {  	vm2 =	vmmov vm1  }
.LBB2_137:
0x53d: {  	v6 =	vld.idx.msk [tilespmem:v4+s9+$0x0], $0xffff;
	_ =	sdelay $0x4  }
0x53e: {  	v6 =	vmax.f32 v6, v5  }
0x53f: {  	[tilespmem:v4+s9+$0x0] =	vst.idx.msk vm2, v6  }
0x540: {  	v6 =	vld.idx.msk [tilespmem:v4+s9+$0x0], $0xffff;
	_ =	sdelay $0x4  }
0x541: {  	vm3 =	vlt.f32 v6, v5  }
0x542: {  	vm2 =	vmand vm2, vm3  }
0x543: {  	v6 =	vmpcnt.ones.xlane vm2;
	_ =	sdelay $0x1  }
0x544: {  	(v2sf) =	vpush v6, $0x0;
	_ =	sdelay $0xe  }
0x545: {  	s22 =	spop (v2sf)  }
0x546: {  	p1 =	sgt.s32 s22, $0x0  }
.Ltmp82:
0x547: {  	_ = 	snop;
	(pc) =	sbr.rel @p1 .LBB2_137-.Ltmp82, $1  }
0x548: {  	_ =	sdelay $0x3  }
.LBB2_138:
0x549: {  	v6 =	vld.idx.msk [tilespmem:v4+s10+$0x0], $0xffff;
	_ =	sdelay $0x4  }
0x54a: {  	v6 =	vmin.f32 v6, v5  }
0x54b: {  	[tilespmem:v4+s10+$0x0] =	vst.idx.msk vm1, v6  }
0x54c: {  	v6 =	vld.idx.msk [tilespmem:v4+s10+$0x0], $0xffff;
	_ =	sdelay $0x4  }
0x54d: {  	vm2 =	vgt.f32 v6, v5  }
0x54e: {  	vm1 =	vmand vm1, vm2  }
0x54f: {  	v6 =	vmpcnt.ones.xlane vm1;
	_ =	sdelay $0x1  }
0x550: {  	(v2sf) =	vpush v6, $0x0;
	_ =	sdelay $0xe  }
0x551: {  	s22 =	spop (v2sf)  }
0x552: {  	p1 =	sgt.s32 s22, $0x0  }
.Ltmp83:
0x553: {  	_ = 	snop;
	(pc) =	sbr.rel @p1 .LBB2_138-.Ltmp83, $1  }
0x554: {  	_ =	sdelay $0x3  }
.Ltmp84:
0x555: {  	_ = 	snop;
	(pc) =	sbr.rel .LBB2_139-.Ltmp84, $1  }
0x556: {  	_ =	sdelay $0x3  }
.LBB2_140:
0x557: {  	p1 =	seq.s32 s17, $0x4F  }
0x558: {  	s18 =	sshrl.u32 @!p1 s18, $0x3  }
0x559: {  	s18 =	sadd.s32 @!p1 $0x1F4, s18  }
0x55a: {  	s22 =	simm.s32 @!p1 $0x0;
	s23 =	simm.s32 @!p1 $0x1B280;
	s19 =	sadd.s32 @!p1 s24, s18  }
0x55b: {  	[tilespmem:s23], [sflag:$0x1] =	stream.linear.gather @!p1 [hbm4b:s19+s22], $0x7D0, $0x38;
	[tilespmem:$0x1D280] =	vst v63  }
0x55c: {  	s18 =	sadd.s32 @!p1 s21, s18;
	s19 =	simm.s32 @!p1 $0x1BA80  }
0x55d: {  	[tilespmem:s19], [sflag:$0x2] =	stream.linear.gather @!p1 [hbm4b:s18+s22], $0x7D0, $0x38;
	[tilespmem:$0x1D280] =	vst v63  }
0x55e: {  	_ =	swait.ge [sflag:s0], $0x7D0  }
.Ltmp85:
0x55f: {  	[sflag:s0] =	ssyncset.done $0x0;
	(pc) =	sbr.rel .LBB2_141-.Ltmp85, $4  }
0x560: {  	[sflag:s0] =	ssyncadd.s32 $0xFFFFF830  }
0x561: {  	_ =	swait.ge [sflag:s2], $0x7D0  }
0x562: {  	[sflag:s2] =	ssyncset.done $0x0  }
0x563: {  	s18 =	simm.s32 $0x0;
	[sflag:s2] =	ssyncadd.s32 $0xFFFFF830  }
.LBB2_180:
0x564: {  	s18 =	sadd.s32 $0x1, s18  }
0x565: {  	p1 =	sne.s32 s18, $0x19  }
.Ltmp86:
0x566: {  	_ = 	snop;
	(pc) =	sbr.rel @!p1 .LBB2_181-.Ltmp86, $1  }
0x567: {  	_ =	sdelay $0x3  }
.LBB2_141:
0x568: {  	s19 =	smul.u32 $0x50, s18;
	_ =	sdelay $0x1  }
0x569: {  	v5 =	vld [tilespmem:s19+$0x1C280]  }
0x56a: {  	v16 =	vld [tilespmem:s19+$0x1CA80]  }
0x56b: {  	v6 =	vld [tilespmem:s19+$0x1C290]  }
0x56c: {  	v13 =	vld [tilespmem:s19+$0x1CA90]  }
0x56d: {  	v8 =	vld [tilespmem:s19+$0x1C2A0]  }
0x56e: {  	v10 =	vld [tilespmem:s19+$0x1CAA0]  }
0x56f: {  	v19 =	vld [tilespmem:s19+$0x1C2B0]  }
0x570: {  	v7 =	vld [tilespmem:s19+$0x1CAB0]  }
0x571: {  	v20 =	vld [tilespmem:s19+$0x1C2C0]  }
0x572: {  	v4 =	vld [tilespmem:s19+$0x1CAC0]  }
0x573: {  	v18 =	vld.idx.msk [tilespmem:v5+s30+$0x0], $0xffff  }
0x574: {  	v17 =	vld.idx.msk [tilespmem:v5+s20+$0x0], $0xffff  }
0x575: {  	v15 =	vld.idx.msk [tilespmem:v6+s30+$0x0], $0xffff  }
0x576: {  	v14 =	vld.idx.msk [tilespmem:v6+s20+$0x0], $0xffff  }
0x577: {  	v12 =	vld.idx.msk [tilespmem:v8+s30+$0x0], $0xffff  }
0x578: {  	v11 =	vld.idx.msk [tilespmem:v8+s20+$0x0], $0xffff  }
0x579: {  	v9 =	vld.idx.msk [tilespmem:v19+s30+$0x0], $0xffff  }
0x57a: {  	v5 =	vld.idx.msk [tilespmem:v16+s7+$0x0], $0xffff  }
0x57b: {  	v21 =	vld.idx.msk [tilespmem:v16+s8+$0x0], $0xffff  }
0x57c: {  	v22 =	vld.idx.msk [tilespmem:v16+s9+$0x0], $0xffff  }
0x57d: {  	v23 =	vld.idx.msk [tilespmem:v16+s10+$0x0], $0xffff  }
0x57e: {  	v8 =	vld.idx.msk [tilespmem:v19+s20+$0x0], $0xffff  }
0x57f: {  	v6 =	vld.idx.msk [tilespmem:v20+s30+$0x0], $0xffff;
	vm1 =	vgt.f32 v18, v5  }
0x580: {  	v5 =	vld.idx.msk [tilespmem:v20+s20+$0x0], $0xffff;
	v19 =	vmul.f32 v18, v18;
	vm2 =	vlt.f32 v18, v21  }
0x581: {  	(xrf1) =	vunique.msk.u32 $0xffff, v16;
	[tilespmem:v16+s1+$0x0] =	vst.idx.add.f32.msk $0xffff, v18;
	vm3 =	vgt.f32 v17, v22  }
0x582: {  	(xrf1) =	vunique.msk.u32 $0xffff, v13;
	vm4 =	vlt.f32 v17, v23;
	[tilespmem:v16+s11+$0x0] =	vst.idx.add.f32.msk $0xffff, v19;
	v19 =	vmul.f32 v17, v17  }
0x583: {  	[tilespmem:v16+s12+$0x0] =	vst.idx.add.f32.msk $0xffff, v17  }
0x584: {  	[tilespmem:v16+s13+$0x0] =	vst.idx.add.f32.msk $0xffff, v19  }
0x585: {  	[tilespmem:v16+s7+$0x0] =	vst.idx.msk vm1, v18  }
0x586: {  	(xrf1) =	vunique.msk.u32 $0xffff, v10;
	[tilespmem:v16+s8+$0x0] =	vst.idx.msk vm2, v18  }
0x587: {  	[tilespmem:v16+s9+$0x0] =	vst.idx.msk vm3, v17  }
0x588: {  	(xrf1) =	vunique.msk.u32 $0xffff, v7;
	[tilespmem:v16+s10+$0x0] =	vst.idx.msk vm4, v17  }
0x589: {  	v19 =	vld.idx.msk [tilespmem:v13+s7+$0x0], $0xffff  }
0x58a: {  	(xrf1) =	vunique.msk.u32 $0xffff, v4;
	v20 =	vld.idx.msk [tilespmem:v13+s8+$0x0], $0xffff;
	_ =	sdelay $0x1  }
0x58b: {  	v55 =	vld.idx.msk [tilespmem:v13+s9+$0x0], $0xffff  }
0x58c: {  	v56 =	vld.idx.msk [tilespmem:v13+s10+$0x0], $0xffff  }
0x58d: {  	vm1 =	vgt.f32 v15, v19;
	v19 =	vmul.f32 v15, v15  }
0x58e: {  	[tilespmem:v13+s1+$0x0] =	vst.idx.add.f32.msk $0xffff, v15;
	vm2 =	vlt.f32 v15, v20;
	_, v20, vm5 =	vpop (xrf1)  }
0x58f: {  	_, v20, vm10 =	vpop (xrf1);
	[tilespmem:v13+s11+$0x0] =	vst.idx.add.f32.msk $0xffff, v19;
	v19 =	vmul.f32 v14, v14  }
0x590: {  	vm3 =	vgt.f32 v14, v55;
	v20 =	vmpcnt.ones.xlane vm10;
	[tilespmem:v13+s12+$0x0] =	vst.idx.add.f32.msk $0xffff, v14  }
0x591: {  	vm9 =	vlt.f32 v14, v56;
	[tilespmem:v13+s13+$0x0] =	vst.idx.add.f32.msk $0xffff, v19;
	v19 =	vmpcnt.ones.xlane vm5;
	_ =	sdelay $0x1  }
0x592: {  	[tilespmem:v13+s7+$0x0] =	vst.idx.msk vm1, v15;
	_, v57, vm1 =	vpop (xrf1);
	(v2sf) =	vpush v19, $0x0  }
0x593: {  	(v2sf) =	vpush v20, $0x0;
	v19 =	vmpcnt.ones.xlane vm1  }
0x594: {  	[tilespmem:v13+s8+$0x0] =	vst.idx.msk vm2, v15;
	_, v20, vm1 =	vpop (xrf1)  }
0x595: {  	[tilespmem:v13+s9+$0x0] =	vst.idx.msk vm3, v14;
	(v2sf) =	vpush v19, $0x0;
	v19 =	vmpcnt.ones.xlane vm1  }
0x596: {  	[tilespmem:v13+s10+$0x0] =	vst.idx.msk vm9, v14;
	_, v59, vm1 =	vpop (xrf1)  }
0x597: {  	v20 =	vld.idx.msk [tilespmem:v10+s7+$0x0], $0xffff;
	(v2sf) =	vpush v19, $0x0;
	v19 =	vmpcnt.ones.xlane vm1  }
0x598: {  	v21 =	vld.idx.msk [tilespmem:v10+s8+$0x0], $0xffff  }
0x599: {  	v58 =	vld.idx.msk [tilespmem:v10+s9+$0x0], $0xffff;
	(v2sf) =	vpush v19, $0x0  }
0x59a: {  	v23 =	vld.idx.msk [tilespmem:v10+s10+$0x0], $0xffff;
	_ =	sdelay $0x1  }
0x59b: {  	vm1 =	vgt.f32 v12, v20  }
0x59c: {  	v19 =	vmul.f32 v12, v12;
	vm2 =	vlt.f32 v12, v21  }
0x59d: {  	[tilespmem:v10+s1+$0x0] =	vst.idx.add.f32.msk $0xffff, v12;
	vm3 =	vgt.f32 v11, v58  }
0x59e: {  	[tilespmem:v10+s11+$0x0] =	vst.idx.add.f32.msk $0xffff, v19;
	v19 =	vmul.f32 v11, v11;
	vm11 =	vlt.f32 v11, v23  }
0x59f: {  	[tilespmem:v10+s12+$0x0] =	vst.idx.add.f32.msk $0xffff, v11  }
0x5a0: {  	[tilespmem:v10+s13+$0x0] =	vst.idx.add.f32.msk $0xffff, v19;
	s23 =	spop (v2sf)  }
0x5a1: {  	[tilespmem:v10+s7+$0x0] =	vst.idx.msk vm1, v12;
	s22 =	spop (v2sf);
	p1 =	slt.s32 s23, $0x10  }
0x5a2: {  	[tilespmem:v10+s8+$0x0] =	vst.idx.msk vm2, v12;
	p2 =	slt.s32 @!p1 s22, $0x10  }
0x5a3: {  	[tilespmem:v10+s9+$0x0] =	vst.idx.msk vm3, v11;
	s19 =	spop (v2sf);
	p1 =	por p1, p2  }
0x5a4: {  	[tilespmem:v10+s10+$0x0] =	vst.idx.msk vm11, v11;
	p2 =	slt.s32 @!p1 s19, $0x10  }
0x5a5: {  	v19 =	vld.idx.msk [tilespmem:v7+s7+$0x0], $0xffff;
	s19 =	spop (v2sf);
	p1 =	por p1, p2  }
0x5a6: {  	v20 =	vld.idx.msk [tilespmem:v7+s8+$0x0], $0xffff;
	p2 =	slt.s32 @!p1 s19, $0x10  }
0x5a7: {  	s19 =	spop (v2sf);
	p1 =	por p1, p2  }
0x5a8: {  	v60 =	vld.idx.msk [tilespmem:v7+s9+$0x0], $0xffff;
	p2 =	sgt.s32 @!p1 s19, $0xF  }
0x5a9: {  	v61 =	vld.idx.msk [tilespmem:v7+s10+$0x0], $0xffff;
	p1 =	por p1, !p2  }
0x5aa: {  	vm2 =	vmmov @p1 $0xffff  }
0x5ab: {  	vm1 =	vgt.f32 v9, v19;
	vm3 =	vlt.f32 v9, v20;
	v20 =	vmpcnt.ones.xlane @p1 vm2  }
0x5ac: {  	v19 =	vmul.f32 v9, v9  }
0x5ad: {  	[tilespmem:v7+s1+$0x0] =	vst.idx.add.f32.msk $0xffff, v9;
	vm12 =	vgt.f32 v8, v60;
	(v2sf) =	vpush @p1 v20, $0x0  }
0x5ae: {  	vm13 =	vlt.f32 v8, v61;
	[tilespmem:v7+s11+$0x0] =	vst.idx.add.f32.msk $0xffff, v19;
	v19 =	vmul.f32 v8, v8  }
0x5af: {  	[tilespmem:v7+s12+$0x0] =	vst.idx.add.f32.msk $0xffff, v8  }
0x5b0: {  	[tilespmem:v7+s13+$0x0] =	vst.idx.add.f32.msk $0xffff, v19  }
0x5b1: {  	[tilespmem:v7+s7+$0x0] =	vst.idx.msk vm1, v9  }
0x5b2: {  	[tilespmem:v7+s8+$0x0] =	vst.idx.msk vm3, v9  }
0x5b3: {  	[tilespmem:v7+s9+$0x0] =	vst.idx.msk vm12, v8  }
0x5b4: {  	[tilespmem:v7+s10+$0x0] =	vst.idx.msk vm13, v8  }
0x5b5: {  	v19 =	vld.idx.msk [tilespmem:v4+s7+$0x0], $0xffff  }
0x5b6: {  	v20 =	vld.idx.msk [tilespmem:v4+s8+$0x0], $0xffff  }
0x5b7: {  	v62 =	vld.idx.msk [tilespmem:v4+s9+$0x0], $0xffff  }
0x5b8: {  	v63 =	vld.idx.msk [tilespmem:v4+s10+$0x0], $0xffff;
	_ =	sdelay $0x1  }
0x5b9: {  	vm1 =	vgt.f32 v6, v19  }
0x5ba: {  	v19 =	vmul.f32 v6, v6;
	vm3 =	vlt.f32 v6, v20  }
0x5bb: {  	[tilespmem:v4+s1+$0x0] =	vst.idx.add.f32.msk $0xffff, v6;
	vm14 =	vgt.f32 v5, v62;
	s19 =	spop @p1 (v2sf)  }
0x5bc: {  	vm15 =	vlt.f32 v5, v63;
	[tilespmem:v4+s11+$0x0] =	vst.idx.add.f32.msk $0xffff, v19;
	v19 =	vmul.f32 v5, v5;
	p2 =	slt.s32 @p1 s19, $0x1  }
0x5bd: {  	[tilespmem:v4+s12+$0x0] =	vst.idx.add.f32.msk $0xffff, v5;
	p1 =	por !p1, p2  }
.Ltmp87:
0x5be: {  	[tilespmem:v4+s13+$0x0] =	vst.idx.add.f32.msk $0xffff, v19;
	(pc) =	sbr.rel @p1 .LBB2_180-.Ltmp87, $4  }
0x5bf: {  	[tilespmem:v4+s7+$0x0] =	vst.idx.msk vm1, v6  }
0x5c0: {  	[tilespmem:v4+s8+$0x0] =	vst.idx.msk vm3, v6  }
0x5c1: {  	[tilespmem:v4+s9+$0x0] =	vst.idx.msk vm14, v5  }
0x5c2: {  	[tilespmem:v4+s10+$0x0] =	vst.idx.msk vm15, v5  }
.LBB2_142:
0x5c3: {  	v19 =	vld.idx.msk [tilespmem:v16+s7+$0x0], $0xffff;
	_ =	sdelay $0x4  }
0x5c4: {  	v19 =	vmax.f32 v19, v18  }
0x5c5: {  	[tilespmem:v16+s7+$0x0] =	vst.idx.msk vm2, v19  }
0x5c6: {  	v19 =	vld.idx.msk [tilespmem:v16+s7+$0x0], $0xffff;
	_ =	sdelay $0x4  }
0x5c7: {  	vm1 =	vlt.f32 v19, v18  }
0x5c8: {  	vm2 =	vmand vm2, vm1  }
0x5c9: {  	v19 =	vmpcnt.ones.xlane vm2;
	_ =	sdelay $0x1  }
0x5ca: {  	(v2sf) =	vpush v19, $0x0;
	_ =	sdelay $0xe  }
0x5cb: {  	s19 =	spop (v2sf)  }
0x5cc: {  	p1 =	sgt.s32 s19, $0x0  }
.Ltmp88:
0x5cd: {  	_ = 	snop;
	(pc) =	sbr.rel @p1 .LBB2_142-.Ltmp88, $2  }
0x5ce: {  	_ =	sdelay $0x2  }
0x5cf: {  	vm1 =	vmmov $0xffff  }
0x5d0: {  	vm2 =	vmmov vm1  }
.LBB2_144:
0x5d1: {  	v19 =	vld.idx.msk [tilespmem:v16+s8+$0x0], $0xffff;
	_ =	sdelay $0x4  }
0x5d2: {  	v19 =	vmin.f32 v19, v18  }
0x5d3: {  	[tilespmem:v16+s8+$0x0] =	vst.idx.msk vm2, v19  }
0x5d4: {  	v19 =	vld.idx.msk [tilespmem:v16+s8+$0x0], $0xffff;
	_ =	sdelay $0x4  }
0x5d5: {  	vm3 =	vgt.f32 v19, v18  }
0x5d6: {  	vm2 =	vmand vm2, vm3  }
0x5d7: {  	v19 =	vmpcnt.ones.xlane vm2;
	_ =	sdelay $0x1  }
0x5d8: {  	(v2sf) =	vpush v19, $0x0;
	_ =	sdelay $0xe  }
0x5d9: {  	s19 =	spop (v2sf)  }
0x5da: {  	p1 =	sgt.s32 s19, $0x0  }
.Ltmp89:
0x5db: {  	_ = 	snop;
	(pc) =	sbr.rel @p1 .LBB2_144-.Ltmp89, $1  }
0x5dc: {  	_ =	sdelay $0x3  }
0x5dd: {  	vm2 =	vmmov vm1  }
.LBB2_146:
0x5de: {  	v18 =	vld.idx.msk [tilespmem:v16+s9+$0x0], $0xffff;
	_ =	sdelay $0x4  }
0x5df: {  	v18 =	vmax.f32 v18, v17  }
0x5e0: {  	[tilespmem:v16+s9+$0x0] =	vst.idx.msk vm2, v18  }
0x5e1: {  	v18 =	vld.idx.msk [tilespmem:v16+s9+$0x0], $0xffff;
	_ =	sdelay $0x4  }
0x5e2: {  	vm3 =	vlt.f32 v18, v17  }
0x5e3: {  	vm2 =	vmand vm2, vm3  }
0x5e4: {  	v18 =	vmpcnt.ones.xlane vm2;
	_ =	sdelay $0x1  }
0x5e5: {  	(v2sf) =	vpush v18, $0x0;
	_ =	sdelay $0xe  }
0x5e6: {  	s19 =	spop (v2sf)  }
0x5e7: {  	p1 =	sgt.s32 s19, $0x0  }
.Ltmp90:
0x5e8: {  	_ = 	snop;
	(pc) =	sbr.rel @p1 .LBB2_146-.Ltmp90, $1  }
0x5e9: {  	_ =	sdelay $0x3  }
0x5ea: {  	vm2 =	vmmov vm1  }
.LBB2_148:
0x5eb: {  	v18 =	vld.idx.msk [tilespmem:v16+s10+$0x0], $0xffff;
	_ =	sdelay $0x4  }
0x5ec: {  	v18 =	vmin.f32 v18, v17  }
0x5ed: {  	[tilespmem:v16+s10+$0x0] =	vst.idx.msk vm2, v18  }
0x5ee: {  	v18 =	vld.idx.msk [tilespmem:v16+s10+$0x0], $0xffff;
	_ =	sdelay $0x4  }
0x5ef: {  	vm3 =	vgt.f32 v18, v17  }
0x5f0: {  	vm2 =	vmand vm2, vm3  }
0x5f1: {  	v18 =	vmpcnt.ones.xlane vm2;
	_ =	sdelay $0x1  }
0x5f2: {  	(v2sf) =	vpush v18, $0x0;
	_ =	sdelay $0xe  }
0x5f3: {  	s19 =	spop (v2sf)  }
0x5f4: {  	p1 =	sgt.s32 s19, $0x0  }
.Ltmp91:
0x5f5: {  	_ = 	snop;
	(pc) =	sbr.rel @p1 .LBB2_148-.Ltmp91, $1  }
0x5f6: {  	_ =	sdelay $0x3  }
0x5f7: {  	vm2 =	vmmov vm1  }
.LBB2_150:
0x5f8: {  	v16 =	vld.idx.msk [tilespmem:v13+s7+$0x0], $0xffff;
	_ =	sdelay $0x4  }
0x5f9: {  	v16 =	vmax.f32 v16, v15  }
0x5fa: {  	[tilespmem:v13+s7+$0x0] =	vst.idx.msk vm2, v16  }
0x5fb: {  	v16 =	vld.idx.msk [tilespmem:v13+s7+$0x0], $0xffff;
	_ =	sdelay $0x4  }
0x5fc: {  	vm3 =	vlt.f32 v16, v15  }
0x5fd: {  	vm2 =	vmand vm2, vm3  }
0x5fe: {  	v16 =	vmpcnt.ones.xlane vm2;
	_ =	sdelay $0x1  }
0x5ff: {  	(v2sf) =	vpush v16, $0x0;
	_ =	sdelay $0xe  }
0x600: {  	s19 =	spop (v2sf)  }
0x601: {  	p1 =	sgt.s32 s19, $0x0  }
.Ltmp92:
0x602: {  	_ = 	snop;
	(pc) =	sbr.rel @p1 .LBB2_150-.Ltmp92, $1  }
0x603: {  	_ =	sdelay $0x3  }
0x604: {  	vm2 =	vmmov vm1  }
.LBB2_152:
0x605: {  	v16 =	vld.idx.msk [tilespmem:v13+s8+$0x0], $0xffff;
	_ =	sdelay $0x4  }
0x606: {  	v16 =	vmin.f32 v16, v15  }
0x607: {  	[tilespmem:v13+s8+$0x0] =	vst.idx.msk vm2, v16  }
0x608: {  	v16 =	vld.idx.msk [tilespmem:v13+s8+$0x0], $0xffff;
	_ =	sdelay $0x4  }
0x609: {  	vm3 =	vgt.f32 v16, v15  }
0x60a: {  	vm2 =	vmand vm2, vm3  }
0x60b: {  	v16 =	vmpcnt.ones.xlane vm2;
	_ =	sdelay $0x1  }
0x60c: {  	(v2sf) =	vpush v16, $0x0;
	_ =	sdelay $0xe  }
0x60d: {  	s19 =	spop (v2sf)  }
0x60e: {  	p1 =	sgt.s32 s19, $0x0  }
.Ltmp93:
0x60f: {  	_ = 	snop;
	(pc) =	sbr.rel @p1 .LBB2_152-.Ltmp93, $1  }
0x610: {  	_ =	sdelay $0x3  }
0x611: {  	vm2 =	vmmov vm1  }
.LBB2_154:
0x612: {  	v15 =	vld.idx.msk [tilespmem:v13+s9+$0x0], $0xffff;
	_ =	sdelay $0x4  }
0x613: {  	v15 =	vmax.f32 v15, v14  }
0x614: {  	[tilespmem:v13+s9+$0x0] =	vst.idx.msk vm2, v15  }
0x615: {  	v15 =	vld.idx.msk [tilespmem:v13+s9+$0x0], $0xffff;
	_ =	sdelay $0x4  }
0x616: {  	vm3 =	vlt.f32 v15, v14  }
0x617: {  	vm2 =	vmand vm2, vm3  }
0x618: {  	v15 =	vmpcnt.ones.xlane vm2;
	_ =	sdelay $0x1  }
0x619: {  	(v2sf) =	vpush v15, $0x0;
	_ =	sdelay $0xe  }
0x61a: {  	s19 =	spop (v2sf)  }
0x61b: {  	p1 =	sgt.s32 s19, $0x0  }
.Ltmp94:
0x61c: {  	_ = 	snop;
	(pc) =	sbr.rel @p1 .LBB2_154-.Ltmp94, $1  }
0x61d: {  	_ =	sdelay $0x3  }
0x61e: {  	vm2 =	vmmov vm1  }
.LBB2_156:
0x61f: {  	v15 =	vld.idx.msk [tilespmem:v13+s10+$0x0], $0xffff;
	_ =	sdelay $0x4  }
0x620: {  	v15 =	vmin.f32 v15, v14  }
0x621: {  	[tilespmem:v13+s10+$0x0] =	vst.idx.msk vm2, v15  }
0x622: {  	v15 =	vld.idx.msk [tilespmem:v13+s10+$0x0], $0xffff;
	_ =	sdelay $0x4  }
0x623: {  	vm3 =	vgt.f32 v15, v14  }
0x624: {  	vm2 =	vmand vm2, vm3  }
0x625: {  	v15 =	vmpcnt.ones.xlane vm2;
	_ =	sdelay $0x1  }
0x626: {  	(v2sf) =	vpush v15, $0x0;
	_ =	sdelay $0xe  }
0x627: {  	s19 =	spop (v2sf)  }
0x628: {  	p1 =	sgt.s32 s19, $0x0  }
.Ltmp95:
0x629: {  	_ = 	snop;
	(pc) =	sbr.rel @p1 .LBB2_156-.Ltmp95, $1  }
0x62a: {  	_ =	sdelay $0x3  }
0x62b: {  	vm2 =	vmmov vm1  }
.LBB2_158:
0x62c: {  	v13 =	vld.idx.msk [tilespmem:v10+s7+$0x0], $0xffff;
	_ =	sdelay $0x4  }
0x62d: {  	v13 =	vmax.f32 v13, v12  }
0x62e: {  	[tilespmem:v10+s7+$0x0] =	vst.idx.msk vm2, v13  }
0x62f: {  	v13 =	vld.idx.msk [tilespmem:v10+s7+$0x0], $0xffff;
	_ =	sdelay $0x4  }
0x630: {  	vm3 =	vlt.f32 v13, v12  }
0x631: {  	vm2 =	vmand vm2, vm3  }
0x632: {  	v13 =	vmpcnt.ones.xlane vm2;
	_ =	sdelay $0x1  }
0x633: {  	(v2sf) =	vpush v13, $0x0;
	_ =	sdelay $0xe  }
0x634: {  	s19 =	spop (v2sf)  }
0x635: {  	p1 =	sgt.s32 s19, $0x0  }
.Ltmp96:
0x636: {  	_ = 	snop;
	(pc) =	sbr.rel @p1 .LBB2_158-.Ltmp96, $1  }
0x637: {  	_ =	sdelay $0x3  }
0x638: {  	vm2 =	vmmov vm1  }
.LBB2_160:
0x639: {  	v13 =	vld.idx.msk [tilespmem:v10+s8+$0x0], $0xffff;
	_ =	sdelay $0x4  }
0x63a: {  	v13 =	vmin.f32 v13, v12  }
0x63b: {  	[tilespmem:v10+s8+$0x0] =	vst.idx.msk vm2, v13  }
0x63c: {  	v13 =	vld.idx.msk [tilespmem:v10+s8+$0x0], $0xffff;
	_ =	sdelay $0x4  }
0x63d: {  	vm3 =	vgt.f32 v13, v12  }
0x63e: {  	vm2 =	vmand vm2, vm3  }
0x63f: {  	v13 =	vmpcnt.ones.xlane vm2;
	_ =	sdelay $0x1  }
0x640: {  	(v2sf) =	vpush v13, $0x0;
	_ =	sdelay $0xe  }
0x641: {  	s19 =	spop (v2sf)  }
0x642: {  	p1 =	sgt.s32 s19, $0x0  }
.Ltmp97:
0x643: {  	_ = 	snop;
	(pc) =	sbr.rel @p1 .LBB2_160-.Ltmp97, $1  }
0x644: {  	_ =	sdelay $0x3  }
0x645: {  	vm2 =	vmmov vm1  }
.LBB2_162:
0x646: {  	v12 =	vld.idx.msk [tilespmem:v10+s9+$0x0], $0xffff;
	_ =	sdelay $0x4  }
0x647: {  	v12 =	vmax.f32 v12, v11  }
0x648: {  	[tilespmem:v10+s9+$0x0] =	vst.idx.msk vm2, v12  }
0x649: {  	v12 =	vld.idx.msk [tilespmem:v10+s9+$0x0], $0xffff;
	_ =	sdelay $0x4  }
0x64a: {  	vm3 =	vlt.f32 v12, v11  }
0x64b: {  	vm2 =	vmand vm2, vm3  }
0x64c: {  	v63 =	vmpcnt.ones.xlane vm2;
	_ =	sdelay $0x1  }
0x64d: {  	(v2sf) =	vpush v63, $0x0;
	_ =	sdelay $0xe  }
0x64e: {  	s19 =	spop (v2sf)  }
0x64f: {  	p1 =	sgt.s32 s19, $0x0  }
.Ltmp98:
0x650: {  	_ = 	snop;
	(pc) =	sbr.rel @p1 .LBB2_162-.Ltmp98, $1  }
0x651: {  	_ =	sdelay $0x3  }
0x652: {  	vm2 =	vmmov vm1  }
.LBB2_164:
0x653: {  	v12 =	vld.idx.msk [tilespmem:v10+s10+$0x0], $0xffff;
	_ =	sdelay $0x4  }
0x654: {  	v12 =	vmin.f32 v12, v11  }
0x655: {  	[tilespmem:v10+s10+$0x0] =	vst.idx.msk vm2, v12  }
0x656: {  	v12 =	vld.idx.msk [tilespmem:v10+s10+$0x0], $0xffff;
	_ =	sdelay $0x4  }
0x657: {  	vm3 =	vgt.f32 v12, v11  }
0x658: {  	vm2 =	vmand vm2, vm3  }
0x659: {  	v63 =	vmpcnt.ones.xlane vm2;
	_ =	sdelay $0x1  }
0x65a: {  	(v2sf) =	vpush v63, $0x0;
	_ =	sdelay $0xe  }
0x65b: {  	s19 =	spop (v2sf)  }
0x65c: {  	p1 =	sgt.s32 s19, $0x0  }
.Ltmp99:
0x65d: {  	_ = 	snop;
	(pc) =	sbr.rel @p1 .LBB2_164-.Ltmp99, $1  }
0x65e: {  	_ =	sdelay $0x3  }
0x65f: {  	vm2 =	vmmov vm1  }
.LBB2_166:
0x660: {  	v10 =	vld.idx.msk [tilespmem:v7+s7+$0x0], $0xffff;
	_ =	sdelay $0x4  }
0x661: {  	v10 =	vmax.f32 v10, v9  }
0x662: {  	[tilespmem:v7+s7+$0x0] =	vst.idx.msk vm2, v10  }
0x663: {  	v10 =	vld.idx.msk [tilespmem:v7+s7+$0x0], $0xffff;
	_ =	sdelay $0x4  }
0x664: {  	vm3 =	vlt.f32 v10, v9  }
0x665: {  	vm2 =	vmand vm2, vm3  }
0x666: {  	v10 =	vmpcnt.ones.xlane vm2;
	_ =	sdelay $0x1  }
0x667: {  	(v2sf) =	vpush v10, $0x0;
	_ =	sdelay $0xe  }
0x668: {  	s19 =	spop (v2sf)  }
0x669: {  	p1 =	sgt.s32 s19, $0x0  }
.Ltmp100:
0x66a: {  	_ = 	snop;
	(pc) =	sbr.rel @p1 .LBB2_166-.Ltmp100, $1  }
0x66b: {  	_ =	sdelay $0x3  }
0x66c: {  	vm2 =	vmmov vm1  }
.LBB2_168:
0x66d: {  	v10 =	vld.idx.msk [tilespmem:v7+s8+$0x0], $0xffff;
	_ =	sdelay $0x4  }
0x66e: {  	v10 =	vmin.f32 v10, v9  }
0x66f: {  	[tilespmem:v7+s8+$0x0] =	vst.idx.msk vm2, v10  }
0x670: {  	v10 =	vld.idx.msk [tilespmem:v7+s8+$0x0], $0xffff;
	_ =	sdelay $0x4  }
0x671: {  	vm3 =	vgt.f32 v10, v9  }
0x672: {  	vm2 =	vmand vm2, vm3  }
0x673: {  	v10 =	vmpcnt.ones.xlane vm2;
	_ =	sdelay $0x1  }
0x674: {  	(v2sf) =	vpush v10, $0x0;
	_ =	sdelay $0xe  }
0x675: {  	s19 =	spop (v2sf)  }
0x676: {  	p1 =	sgt.s32 s19, $0x0  }
.Ltmp101:
0x677: {  	_ = 	snop;
	(pc) =	sbr.rel @p1 .LBB2_168-.Ltmp101, $1  }
0x678: {  	_ =	sdelay $0x3  }
0x679: {  	vm2 =	vmmov vm1  }
.LBB2_170:
0x67a: {  	v9 =	vld.idx.msk [tilespmem:v7+s9+$0x0], $0xffff;
	_ =	sdelay $0x4  }
0x67b: {  	v9 =	vmax.f32 v9, v8  }
0x67c: {  	[tilespmem:v7+s9+$0x0] =	vst.idx.msk vm2, v9  }
0x67d: {  	v9 =	vld.idx.msk [tilespmem:v7+s9+$0x0], $0xffff;
	_ =	sdelay $0x4  }
0x67e: {  	vm3 =	vlt.f32 v9, v8  }
0x67f: {  	vm2 =	vmand vm2, vm3  }
0x680: {  	v9 =	vmpcnt.ones.xlane vm2;
	_ =	sdelay $0x1  }
0x681: {  	(v2sf) =	vpush v9, $0x0;
	_ =	sdelay $0xe  }
0x682: {  	s19 =	spop (v2sf)  }
0x683: {  	p1 =	sgt.s32 s19, $0x0  }
.Ltmp102:
0x684: {  	_ = 	snop;
	(pc) =	sbr.rel @p1 .LBB2_170-.Ltmp102, $1  }
0x685: {  	_ =	sdelay $0x3  }
0x686: {  	vm2 =	vmmov vm1  }
.LBB2_172:
0x687: {  	v9 =	vld.idx.msk [tilespmem:v7+s10+$0x0], $0xffff;
	_ =	sdelay $0x4  }
0x688: {  	v9 =	vmin.f32 v9, v8  }
0x689: {  	[tilespmem:v7+s10+$0x0] =	vst.idx.msk vm2, v9  }
0x68a: {  	v9 =	vld.idx.msk [tilespmem:v7+s10+$0x0], $0xffff;
	_ =	sdelay $0x4  }
0x68b: {  	vm3 =	vgt.f32 v9, v8  }
0x68c: {  	vm2 =	vmand vm2, vm3  }
0x68d: {  	v9 =	vmpcnt.ones.xlane vm2;
	_ =	sdelay $0x1  }
0x68e: {  	(v2sf) =	vpush v9, $0x0;
	_ =	sdelay $0xe  }
0x68f: {  	s19 =	spop (v2sf)  }
0x690: {  	p1 =	sgt.s32 s19, $0x0  }
.Ltmp103:
0x691: {  	_ = 	snop;
	(pc) =	sbr.rel @p1 .LBB2_172-.Ltmp103, $1  }
0x692: {  	_ =	sdelay $0x3  }
0x693: {  	vm2 =	vmmov vm1  }
.LBB2_174:
0x694: {  	v7 =	vld.idx.msk [tilespmem:v4+s7+$0x0], $0xffff;
	_ =	sdelay $0x4  }
0x695: {  	v7 =	vmax.f32 v7, v6  }
0x696: {  	[tilespmem:v4+s7+$0x0] =	vst.idx.msk vm2, v7  }
0x697: {  	v7 =	vld.idx.msk [tilespmem:v4+s7+$0x0], $0xffff;
	_ =	sdelay $0x4  }
0x698: {  	vm3 =	vlt.f32 v7, v6  }
0x699: {  	vm2 =	vmand vm2, vm3  }
0x69a: {  	v7 =	vmpcnt.ones.xlane vm2;
	_ =	sdelay $0x1  }
0x69b: {  	(v2sf) =	vpush v7, $0x0;
	_ =	sdelay $0xe  }
0x69c: {  	s19 =	spop (v2sf)  }
0x69d: {  	p1 =	sgt.s32 s19, $0x0  }
.Ltmp104:
0x69e: {  	_ = 	snop;
	(pc) =	sbr.rel @p1 .LBB2_174-.Ltmp104, $1  }
0x69f: {  	_ =	sdelay $0x3  }
0x6a0: {  	vm2 =	vmmov vm1  }
.LBB2_176:
0x6a1: {  	v7 =	vld.idx.msk [tilespmem:v4+s8+$0x0], $0xffff;
	_ =	sdelay $0x4  }
0x6a2: {  	v7 =	vmin.f32 v7, v6  }
0x6a3: {  	[tilespmem:v4+s8+$0x0] =	vst.idx.msk vm2, v7  }
0x6a4: {  	v7 =	vld.idx.msk [tilespmem:v4+s8+$0x0], $0xffff;
	_ =	sdelay $0x4  }
0x6a5: {  	vm3 =	vgt.f32 v7, v6  }
0x6a6: {  	vm2 =	vmand vm2, vm3  }
0x6a7: {  	v7 =	vmpcnt.ones.xlane vm2;
	_ =	sdelay $0x1  }
0x6a8: {  	(v2sf) =	vpush v7, $0x0;
	_ =	sdelay $0xe  }
0x6a9: {  	s19 =	spop (v2sf)  }
0x6aa: {  	p1 =	sgt.s32 s19, $0x0  }
.Ltmp105:
0x6ab: {  	_ = 	snop;
	(pc) =	sbr.rel @p1 .LBB2_176-.Ltmp105, $1  }
0x6ac: {  	_ =	sdelay $0x3  }
0x6ad: {  	vm2 =	vmmov vm1  }
.LBB2_178:
0x6ae: {  	v6 =	vld.idx.msk [tilespmem:v4+s9+$0x0], $0xffff;
	_ =	sdelay $0x4  }
0x6af: {  	v6 =	vmax.f32 v6, v5  }
0x6b0: {  	[tilespmem:v4+s9+$0x0] =	vst.idx.msk vm2, v6  }
0x6b1: {  	v6 =	vld.idx.msk [tilespmem:v4+s9+$0x0], $0xffff;
	_ =	sdelay $0x4  }
0x6b2: {  	vm3 =	vlt.f32 v6, v5  }
0x6b3: {  	vm2 =	vmand vm2, vm3  }
0x6b4: {  	v6 =	vmpcnt.ones.xlane vm2;
	_ =	sdelay $0x1  }
0x6b5: {  	(v2sf) =	vpush v6, $0x0;
	_ =	sdelay $0xe  }
0x6b6: {  	s19 =	spop (v2sf)  }
0x6b7: {  	p1 =	sgt.s32 s19, $0x0  }
.Ltmp106:
0x6b8: {  	_ = 	snop;
	(pc) =	sbr.rel @p1 .LBB2_178-.Ltmp106, $1  }
0x6b9: {  	_ =	sdelay $0x3  }
.LBB2_179:
0x6ba: {  	v6 =	vld.idx.msk [tilespmem:v4+s10+$0x0], $0xffff;
	_ =	sdelay $0x4  }
0x6bb: {  	v6 =	vmin.f32 v6, v5  }
0x6bc: {  	[tilespmem:v4+s10+$0x0] =	vst.idx.msk vm1, v6  }
0x6bd: {  	v6 =	vld.idx.msk [tilespmem:v4+s10+$0x0], $0xffff;
	_ =	sdelay $0x4  }
0x6be: {  	vm2 =	vgt.f32 v6, v5  }
0x6bf: {  	vm1 =	vmand vm1, vm2  }
0x6c0: {  	v6 =	vmpcnt.ones.xlane vm1;
	_ =	sdelay $0x1  }
0x6c1: {  	(v2sf) =	vpush v6, $0x0;
	_ =	sdelay $0xe  }
0x6c2: {  	s19 =	spop (v2sf)  }
0x6c3: {  	p1 =	sgt.s32 s19, $0x0  }
.Ltmp107:
0x6c4: {  	_ = 	snop;
	(pc) =	sbr.rel @p1 .LBB2_179-.Ltmp107, $1  }
0x6c5: {  	_ =	sdelay $0x3  }
.Ltmp108:
0x6c6: {  	_ = 	snop;
	(pc) =	sbr.rel .LBB2_180-.Ltmp108, $1  }
0x6c7: {  	_ =	sdelay $0x3  }
.LBB2_183:
0x6c8: {  	_ =	sfence.sel $0x180000  }
0x6c9: {  	[bflag:$0x0] =	sbarrier.arrive $0xFFFF  }
0x6ca: {  	_ =	strace $0x90000047  }
0x6cb: {  	s0 =	stileid.u32;
	[bflag:$0x2] =	sbarrier.arrive $0xFFFF  }
0x6cc: {  	p0 =	sne.s32 s0, $0x0;
	s0 =	rddreg [dreg:$0x2]  }
0x6cd: {  	s0 =	sadd.s32 @!p0 $0x100000, s0  }
0x6ce: {  	[sflag:s0] =	ssyncadd.tile.s32 @!p0 $0x1;
	_ =	shalt  }
.Lfunc_end2:
_tile_overlayer_lowered:
.L_overlay_start_2:
0x6cf: {  	(tag) =	ssettag $0x2  }
0x6d0: {  	s0 =	rddreg [dreg:$0x0];
	s2 =	stileid.u32  }
0x6d1: {  	s1 =	rddreg [dreg:$0x1];
	p0 =	sne.s32 s2, $0x0  }
0x6d2: {  	s3 =	rddreg [dreg:$0x2];
	[bflag:$0x3] =	sbarrier.arrive $0xFFFF;
	s2 =	simm.s32 @!p0 $0x1C05  }
0x6d3: {  	[timem:s3], [sflag:s2] =	dma.local @!p0 [hbm:s0], s1  }
0x6d4: {  	s0 =	simm.s32 @!p0 $0x5  }
0x6d5: {  	_ =	swait.ge @!p0 [sflag:s0], s1  }
0x6d6: {  	s1 =	ssub.s32 @!p0 $0x0, s1;
	[sflag:s0] =	ssyncset.done @!p0 $0x0  }
0x6d7: {  	[sflag:s0] =	ssyncadd.s32 @!p0 s1  }
0x6d8: {  	[bflag:$0x3] =	sbarrier.arrive $0xFFFF  }
0x6d9: {  	_ =	shalt  }

</sc_bundles>
